<compile_context>
chip_gen: v7x
topology: tpu7x:2x2x1
jax: 0.10.2.dev20260603
libtpu: 0.0.44.dev20260713+nightly
codegen_flags: <defaults>
</compile_context>

<pallas_src>
import functools

import jax
import jax.numpy as jnp
from jax import lax
from jax.experimental import pallas as pl
from jax.experimental.pallas import tpu as pltpu
from jax.experimental.pallas import tpu_sc as plsc

N = 10000
D = 256
HALF = 128
E = 160000
NC = 2
NS = 16

C = 125
G = 8
NSTG = E // (C * G)
CA = 50
GA = 20
NSTGA = E // (CA * GA)
GPT = NSTGA // NS

RSTEP = 624
RCHUNK = 640
WB = 128
WB16 = 64
assert 15 * RSTEP + RCHUNK == N and RCHUNK % WB == 0 and RCHUNK % WB16 == 0

_f32 = jnp.float32


def _sc_agg_body(x_lo, x_hi, src_g, dst_g, agg_out,
                 src_v, dst_v, b0, b1, b2, b3,
                 g0, g1, g2, g3, s0, s1, s2, s3, agg_sh):
    c = lax.axis_index("c")
    s = lax.axis_index("s")
    row0 = s * RSTEP
    z16v = jnp.zeros((16,), _f32)
    bufs = (b0, b1, b2, b3)
    gsems = (g0, g1, g2, g3)
    ssems = (s0, s1, s2, s3)

    WBR = 40
    zslc = b0.at[pl.ds(0, WBR)]

    def zrow(i, cc):
        for k in range(HALF // 16):
            b0[i, pl.ds(k * 16, 16)] = z16v
        return cc

    lax.fori_loop(0, WBR, zrow, 0)

    def zcp(k, cc):
        pltpu.async_copy(zslc, agg_sh.at[pl.ds(row0 + k * WBR, WBR)], g0)
        return cc

    lax.fori_loop(0, RCHUNK // WBR, zcp, 0)

    def zdrain(k, cc):
        pltpu.make_async_copy(zslc, agg_sh.at[pl.ds(row0, WBR)], g0).wait()
        return cc

    lax.fori_loop(0, RCHUNK // WBR, zdrain, 0)

    plsc.subcore_barrier()

    def gfire(k, buf, sem):
        idx = src_v.at[k]

        @pl.when(c == 0)
        def _():
            pltpu.async_copy(x_lo.at[idx], buf, sem)

        @pl.when(c == 1)
        def _():
            pltpu.async_copy(x_hi.at[idx], buf, sem)

    def gwait(buf, sem):
        pltpu.make_async_copy(x_lo.at[src_v.at[0]], buf, sem).wait()

    def sfire(k, buf, sem):
        pltpu.async_copy(buf, agg_sh.at[dst_v.at[k]], sem, add=True)

    def swait(buf, sem):
        pltpu.make_async_copy(buf, agg_sh.at[dst_v.at[0]], sem).wait()

    def stage(t, cc):
        g = s * GPT + t
        pltpu.sync_copy(src_g.at[g], src_v)
        pltpu.sync_copy(dst_g.at[g], dst_v)
        gfire(0, b0, g0)
        gfire(1, b1, g1)
        gfire(2, b2, g2)

        def ring(k, c2):
            for p in range(4):
                i = 4 * k + p
                pf = (p + 3) % 4

                @pl.when(i + 3 < GA)
                def _(pf=pf, i=i):
                    @pl.when(i + 3 >= 4)
                    def _():
                        swait(bufs[pf], ssems[pf])

                    gfire(i + 3, bufs[pf], gsems[pf])

                gwait(bufs[p], gsems[p])
                sfire(i, bufs[p], ssems[p])
            return c2

        lax.fori_loop(0, GA // 4, ring, 0)
        for p in range(4):
            swait(bufs[p], ssems[p])
        return cc

    lax.fori_loop(0, GPT, stage, 0)

    plsc.subcore_barrier()

    w0 = b0.at[pl.ds(0, WBR)]
    w1 = b1.at[pl.ds(0, WBR)]

    def wb_pair(j, cc):
        @pl.when(j > 0)
        def _():
            pltpu.make_async_copy(
                w0, agg_out.at[pl.ds(c * N + row0, WBR)], g0).wait()
            pltpu.make_async_copy(
                w1, agg_out.at[pl.ds(c * N + row0, WBR)], g1).wait()

        k0 = 2 * j
        pltpu.sync_copy(agg_sh.at[pl.ds(row0 + k0 * WBR, WBR)], w0)
        pltpu.async_copy(
            w0, agg_out.at[pl.ds(c * N + row0 + k0 * WBR, WBR)], g0)
        k1 = 2 * j + 1
        pltpu.sync_copy(agg_sh.at[pl.ds(row0 + k1 * WBR, WBR)], w1)
        pltpu.async_copy(
            w1, agg_out.at[pl.ds(c * N + row0 + k1 * WBR, WBR)], g1)
        return cc

    lax.fori_loop(0, RCHUNK // WBR // 2, wb_pair, 0)
    pltpu.make_async_copy(w0, agg_out.at[pl.ds(c * N + row0, WBR)], g0).wait()
    pltpu.make_async_copy(w1, agg_out.at[pl.ds(c * N + row0, WBR)], g1).wait()


_MESH = plsc.VectorSubcoreMesh(core_axis_name="c", subcore_axis_name="s")

_sc_agg = pl.kernel(
    _sc_agg_body,
    out_type=[jax.ShapeDtypeStruct((2 * N, HALF), _f32)],
    mesh=_MESH,
    scratch_types=[
        pltpu.VMEM((GA, CA), jnp.int32),
        pltpu.VMEM((GA, CA), jnp.int32),
        pltpu.VMEM((CA, HALF), _f32),
        pltpu.VMEM((CA, HALF), _f32),
        pltpu.VMEM((CA, HALF), _f32),
        pltpu.VMEM((CA, HALF), _f32),
        pltpu.SemaphoreType.DMA,
        pltpu.SemaphoreType.DMA,
        pltpu.SemaphoreType.DMA,
        pltpu.SemaphoreType.DMA,
        pltpu.SemaphoreType.DMA,
        pltpu.SemaphoreType.DMA,
        pltpu.SemaphoreType.DMA,
        pltpu.SemaphoreType.DMA,
        pltpu.VMEM_SHARED((N, HALF), _f32),
    ],
)

GPTD = NSTG // (NC * NS)


def _sc_deg_body(dst_g, deg_out, dst_v, ones_v, zb, dsem, deg_sh):
    c = lax.axis_index("c")
    s = lax.axis_index("s")
    row0 = s * RSTEP
    z16v = jnp.zeros((16,), _f32)

    def orow(i, cc):
        for k in range(HALF // 16):
            ones_v[i, pl.ds(k * 16, 16)] = z16v + 1.0
        return cc

    lax.fori_loop(0, C, orow, 0)

    def zrow(i, cc):
        for k in range(HALF // 16):
            zb[i, pl.ds(k * 16, 16)] = z16v
        return cc

    lax.fori_loop(0, WB16, zrow, 0)

    def zcp16(k, cc):
        pltpu.async_copy(zb, deg_sh.at[pl.ds(row0 + k * WB16, WB16)], dsem)
        return cc

    lax.fori_loop(0, RCHUNK // WB16, zcp16, 0)

    def zdrain16(k, cc):
        pltpu.make_async_copy(zb, deg_sh.at[pl.ds(row0, WB16)], dsem).wait()
        return cc

    lax.fori_loop(0, RCHUNK // WB16, zdrain16, 0)

    plsc.subcore_barrier()

    def stage(t, cc):
        g = (c * NS + s) * GPTD + t
        pltpu.sync_copy(dst_g.at[g], dst_v)

        def fire(k, c2):
            pltpu.async_copy(ones_v, deg_sh.at[dst_v.at[k]], dsem, add=True)
            return c2

        lax.fori_loop(0, G, fire, 0)

        def drain(k, c2):
            pltpu.make_async_copy(ones_v, deg_sh.at[dst_v.at[0]], dsem).wait()
            return c2

        lax.fori_loop(0, G, drain, 0)
        return cc

    lax.fori_loop(0, GPTD, stage, 0)

    plsc.subcore_barrier()

    o0 = ones_v.at[pl.ds(0, WB16)]

    def wb16_pair(j, cc):
        @pl.when(j > 0)
        def _():
            pltpu.make_async_copy(
                zb, deg_out.at[pl.ds(c * N + row0, WB16)], dsem).wait()
            pltpu.make_async_copy(
                o0, deg_out.at[pl.ds(c * N + row0, WB16)], dsem).wait()

        k0 = 2 * j
        pltpu.sync_copy(deg_sh.at[pl.ds(row0 + k0 * WB16, WB16)], zb)
        pltpu.async_copy(
            zb, deg_out.at[pl.ds(c * N + row0 + k0 * WB16, WB16)], dsem)
        k1 = 2 * j + 1
        pltpu.sync_copy(deg_sh.at[pl.ds(row0 + k1 * WB16, WB16)], o0)
        pltpu.async_copy(
            o0, deg_out.at[pl.ds(c * N + row0 + k1 * WB16, WB16)], dsem)
        return cc

    lax.fori_loop(0, RCHUNK // WB16 // 2, wb16_pair, 0)
    pltpu.make_async_copy(zb, deg_out.at[pl.ds(c * N + row0, WB16)],
                          dsem).wait()
    pltpu.make_async_copy(o0, deg_out.at[pl.ds(c * N + row0, WB16)],
                          dsem).wait()


_sc_deg = pl.kernel(
    _sc_deg_body,
    out_type=[jax.ShapeDtypeStruct((2 * N, HALF), _f32)],
    mesh=_MESH,
    scratch_types=[
        pltpu.VMEM((G, C), jnp.int32),
        pltpu.VMEM((C, HALF), _f32),
        pltpu.VMEM((WB16, HALF), _f32),
        pltpu.SemaphoreType.DMA,
        pltpu.VMEM_SHARED((N, HALF), _f32),
    ],
)


def _tc_pre1_body(x, ws, b, out_x, out_s):
    xv = x[...]
    out_s[...] = jnp.dot(xv, ws[...], preferred_element_type=_f32) + b[...]
    out_x[0] = xv[:, :HALF]
    out_x[1] = xv[:, HALF:]


def _tc_mid_body(s1, agg_lo, agg_hi, deg_a, deg_b, wn, ws2, b2,
                 out_h, out_s):
    deg = deg_a[...][:, :1] + deg_b[...][:, :1]
    r = 1.0 / jnp.maximum(deg, 1.0)
    acc = s1[...]
    acc += jnp.dot(agg_lo[...] * r, wn[:HALF, :], preferred_element_type=_f32)
    acc += jnp.dot(agg_hi[...] * r, wn[HALF:, :], preferred_element_type=_f32)
    h = jnp.maximum(acc, 0.0)
    out_h[0] = h[:, :HALF]
    out_h[1] = h[:, HALF:]
    out_s[...] = jnp.dot(h, ws2[...], preferred_element_type=_f32) + b2[...]


def _tc_post2_body(s2, agg_lo, agg_hi, deg_a, deg_b, wn, out):
    deg = deg_a[...][:, :1] + deg_b[...][:, :1]
    r = 1.0 / jnp.maximum(deg, 1.0)
    acc = s2[...]
    acc += jnp.dot(agg_lo[...] * r, wn[:HALF, :], preferred_element_type=_f32)
    acc += jnp.dot(agg_hi[...] * r, wn[HALF:, :], preferred_element_type=_f32)
    out[...] = acc


BN = 2000
_NB = N // BN

_W_SPEC = pl.BlockSpec((D, D), lambda i: (0, 0))
_B_SPEC = pl.BlockSpec((1, D), lambda i: (0, 0))
_ROW_SPEC = pl.BlockSpec((BN, D), lambda i: (i, 0))
_STACK_SPEC = pl.BlockSpec((2, BN, HALF), lambda i: (0, i, 0))
_NEIGH_SPECS = [
    pl.BlockSpec((BN, HALF), lambda i: (i, 0)),
    pl.BlockSpec((BN, HALF), lambda i: (i + _NB, 0)),
    pl.BlockSpec((BN, HALF), lambda i: (i, 0)),
    pl.BlockSpec((BN, HALF), lambda i: (i + _NB, 0)),
    _W_SPEC,
]

_tc_pre1 = pl.pallas_call(
    _tc_pre1_body,
    grid=(_NB,),
    in_specs=[_ROW_SPEC, _W_SPEC, _B_SPEC],
    out_specs=[_STACK_SPEC, _ROW_SPEC],
    out_shape=[jax.ShapeDtypeStruct((2, N, HALF), _f32),
               jax.ShapeDtypeStruct((N, D), _f32)],
)

_tc_mid = pl.pallas_call(
    _tc_mid_body,
    grid=(_NB,),
    in_specs=[_ROW_SPEC] + _NEIGH_SPECS + [_W_SPEC, _B_SPEC],
    out_specs=[_STACK_SPEC, _ROW_SPEC],
    out_shape=[jax.ShapeDtypeStruct((2, N, HALF), _f32),
               jax.ShapeDtypeStruct((N, D), _f32)],
)

_tc_post2 = pl.pallas_call(
    _tc_post2_body,
    grid=(_NB,),
    in_specs=[_ROW_SPEC] + _NEIGH_SPECS,
    out_specs=_ROW_SPEC,
    out_shape=jax.ShapeDtypeStruct((N, D), _f32),
)


def kernel(in_feat, edge_index, W_self1, W_neigh1, b1, W_self2, W_neigh2, b2):
    src_a = edge_index[0].reshape(NSTGA, GA, CA)
    dst_a = edge_index[1].reshape(NSTGA, GA, CA)
    dst_g = edge_index[1].reshape(NSTG, G, C)

    xst, s1 = _tc_pre1(in_feat, W_self1, b1.reshape(1, D))
    (degp,) = _sc_deg(dst_g)
    (agg1,) = _sc_agg(xst[0], xst[1], src_a, dst_a)
    h2, s2 = _tc_mid(s1, agg1, agg1, degp, degp, W_neigh1,
                     W_self2, b2.reshape(1, D))
    (agg2,) = _sc_agg(h2[0], h2[1], src_a, dst_a)
    return _tc_post2(s2, agg2, agg2, degp, degp, W_neigh2)

# --- scband reference (transcript-rebuilt; emitter-appended) ---
"""Pipeline reference for scband-graph-sage-2010044695329 (READ-ONLY COPY).

The authoritative reference and input builder live on the scoring server;
editing this copy changes nothing except your own understanding.
"""

import jax, jax.numpy as jnp
import numpy as np

N = 10000
E = 160000
D = 256
H = 256


def _glorot(key, fan_in, fan_out):
    limit = float(np.sqrt(6.0 / (fan_in + fan_out)))
    return jax.random.uniform(key, (fan_in, fan_out), dtype=jnp.float32, minval=-limit, maxval=limit)


def setup_inputs(seed: int = 0) -> dict:
    key = jax.random.key(seed)
    ks = jax.random.split(key, 9)
    in_feat = jax.random.normal(ks[0], (N, D), dtype=jnp.float32)
    edge_index = jax.random.randint(ks[1], (2, E), 0, N, dtype=jnp.int32)
    W_self1 = _glorot(ks[2], D, H)
    W_neigh1 = _glorot(ks[3], D, H)
    b1 = jnp.zeros((H,), dtype=jnp.float32)
    W_self2 = _glorot(ks[4], H, H)
    W_neigh2 = _glorot(ks[5], H, H)
    b2 = jnp.zeros((H,), dtype=jnp.float32)
    return {
        "in_feat": in_feat,
        "edge_index": edge_index,
        "W_self1": W_self1,
        "W_neigh1": W_neigh1,
        "b1": b1,
        "W_self2": W_self2,
        "W_neigh2": W_neigh2,
        "b2": b2,
    }


def _sage_conv(x, edge_index, W_self, W_neigh, b):
    # DGL SAGEConv with 'mean' aggregator:
    # h_neigh = mean over incoming edges of x[src]; out = x @ W_self + h_neigh @ W_neigh + b
    src = edge_index[0]
    dst = edge_index[1]
    msg = jnp.take(x, src, axis=0)
    agg = jax.ops.segment_sum(msg, dst, num_segments=N)
    deg = jax.ops.segment_sum(jnp.ones((edge_index.shape[1],), dtype=x.dtype), dst, num_segments=N)
    h_neigh = agg / jnp.maximum(deg, 1.0)[:, None]
    return x @ W_self + h_neigh @ W_neigh + b


def reference(in_feat, edge_index, W_self1, W_neigh1, b1, W_self2, W_neigh2, b2):
    h = _sage_conv(in_feat, edge_index, W_self1, W_neigh1, b1)
    h = jax.nn.relu(h)
    h = _sage_conv(h, edge_index, W_self2, W_neigh2, b2)
    return h

if __name__ == "__main__":
    import jax
    _d = setup_inputs()
    print(jax.jit(kernel)(*tuple(_d.values())))

</pallas_src>

<mosaic_0001>
#map = affine_map<(d0, d1) -> (0, 0, 0)>
#map1 = affine_map<(d0, d1) -> (0, 0)>
module attributes {stable_mosaic.version = 14 : i64} {
  func.func @_sc_deg_body(%arg0: i32, %arg1: i32, %arg2: memref<160x8x125xi32, #tpu.memory_space<hbm>>, %arg3: memref<20000x128xf32, #tpu.memory_space<hbm>>, %arg4: memref<8x125xi32, #tpu.memory_space<vmem>>, %arg5: memref<125x128xf32, #tpu.memory_space<vmem>>, %arg6: memref<64x128xf32, #tpu.memory_space<vmem>>, %arg7: memref<!tpu.dma_semaphore, #tpu.memory_space<semaphore_mem>>, %arg8: memref<10000x128xf32, #tpu.memory_space<vmem_shared>>) attributes {dimension_semantics = [#tpu.dimension_semantics<core_parallel>, #tpu.dimension_semantics<subcore_parallel>], iteration_bounds = array<i64: 2, 16>, scalar_prefetch = 0 : i64, scratch_operands = 5 : i64, tpu.core_type = #tpu.core_type<sc_vector_subcore>, window_params = [{transform_indices = #map}, {transform_indices = #map1}]} {
    %mul3A = arith.constant 624 : i32
    %mul3A_0 = arith.muli %arg1, %mul3A : i32
    %broadcast_in_dim3A = arith.constant 0.000000e+00 : f32
    %broadcast_in_dim3A_1 = vector.broadcast %broadcast_in_dim3A : f32 to vector<16xf32>
    %scan3A = arith.constant 0 : i32
    %scan3A_2 = arith.constant 0 : i32
    %scan3A_3 = arith.constant 125 : i32
    %scan3A_4 = arith.addi %scan3A_2, %scan3A_3 : i32
    %scan3A_5 = arith.constant 1 : i32
    scf.for %scan3A_56 = %scan3A_2 to %scan3A_4 step %scan3A_5  : i32 {
      %add3A_57 = arith.constant 1.000000e+00 : f32
      %add3A_58 = vector.broadcast %add3A_57 : f32 to vector<16xf32>
      %add3A_59 = arith.addf %broadcast_in_dim3A_1, %add3A_58 : vector<16xf32>
      %swap3A = arith.index_cast %scan3A_56 : i32 to index
      %swap3A_60 = arith.constant 0 : index
      %swap3A_61 = tpu.vector_load %arg5[%swap3A, %swap3A_60] {strides = array<i32>} : memref<125x128xf32, #tpu.memory_space<vmem>>, vector<1x16xf32>,
      %swap3A_62 = vector.shape_cast %swap3A_61 : vector<1x16xf32> to vector<16xf32>
      %swap3A_63 = vector.shape_cast %add3A_59 : vector<16xf32> to vector<1x16xf32>
      tpu.vector_store %arg5[%swap3A, %swap3A_60], %swap3A_63 {strides = array<i32>} : memref<125x128xf32, #tpu.memory_space<vmem>>, vector<1x16xf32>,
      %add3A_64 = arith.constant 1.000000e+00 : f32
      %add3A_65 = vector.broadcast %add3A_64 : f32 to vector<16xf32>
      %add3A_66 = arith.addf %broadcast_in_dim3A_1, %add3A_65 : vector<16xf32>
      %swap3A_67 = arith.index_cast %scan3A_56 : i32 to index
      %swap3A_68 = arith.constant 16 : index
      %swap3A_69 = tpu.vector_load %arg5[%swap3A_67, %swap3A_68] {strides = array<i32>} : memref<125x128xf32, #tpu.memory_space<vmem>>, vector<1x16xf32>,
      %swap3A_70 = vector.shape_cast %swap3A_69 : vector<1x16xf32> to vector<16xf32>
      %swap3A_71 = vector.shape_cast %add3A_66 : vector<16xf32> to vector<1x16xf32>
      tpu.vector_store %arg5[%swap3A_67, %swap3A_68], %swap3A_71 {strides = array<i32>} : memref<125x128xf32, #tpu.memory_space<vmem>>, vector<1x16xf32>,
      %add3A_72 = arith.constant 1.000000e+00 : f32
      %add3A_73 = vector.broadcast %add3A_72 : f32 to vector<16xf32>
      %add3A_74 = arith.addf %broadcast_in_dim3A_1, %add3A_73 : vector<16xf32>
      %swap3A_75 = arith.index_cast %scan3A_56 : i32 to index
      %swap3A_76 = arith.constant 32 : index
      %swap3A_77 = tpu.vector_load %arg5[%swap3A_75, %swap3A_76] {strides = array<i32>} : memref<125x128xf32, #tpu.memory_space<vmem>>, vector<1x16xf32>,
      %swap3A_78 = vector.shape_cast %swap3A_77 : vector<1x16xf32> to vector<16xf32>
      %swap3A_79 = vector.shape_cast %add3A_74 : vector<16xf32> to vector<1x16xf32>
      tpu.vector_store %arg5[%swap3A_75, %swap3A_76], %swap3A_79 {strides = array<i32>} : memref<125x128xf32, #tpu.memory_space<vmem>>, vector<1x16xf32>,
      %add3A_80 = arith.constant 1.000000e+00 : f32
      %add3A_81 = vector.broadcast %add3A_80 : f32 to vector<16xf32>
      %add3A_82 = arith.addf %broadcast_in_dim3A_1, %add3A_81 : vector<16xf32>
      %swap3A_83 = arith.index_cast %scan3A_56 : i32 to index
      %swap3A_84 = arith.constant 48 : index
      %swap3A_85 = tpu.vector_load %arg5[%swap3A_83, %swap3A_84] {strides = array<i32>} : memref<125x128xf32, #tpu.memory_space<vmem>>, vector<1x16xf32>,
      %swap3A_86 = vector.shape_cast %swap3A_85 : vector<1x16xf32> to vector<16xf32>
      %swap3A_87 = vector.shape_cast %add3A_82 : vector<16xf32> to vector<1x16xf32>
      tpu.vector_store %arg5[%swap3A_83, %swap3A_84], %swap3A_87 {strides = array<i32>} : memref<125x128xf32, #tpu.memory_space<vmem>>, vector<1x16xf32>,
      %add3A_88 = arith.constant 1.000000e+00 : f32
      %add3A_89 = vector.broadcast %add3A_88 : f32 to vector<16xf32>
      %add3A_90 = arith.addf %broadcast_in_dim3A_1, %add3A_89 : vector<16xf32>
      %swap3A_91 = arith.index_cast %scan3A_56 : i32 to index
      %swap3A_92 = arith.constant 64 : index
      %swap3A_93 = tpu.vector_load %arg5[%swap3A_91, %swap3A_92] {strides = array<i32>} : memref<125x128xf32, #tpu.memory_space<vmem>>, vector<1x16xf32>,
      %swap3A_94 = vector.shape_cast %swap3A_93 : vector<1x16xf32> to vector<16xf32>
      %swap3A_95 = vector.shape_cast %add3A_90 : vector<16xf32> to vector<1x16xf32>
      tpu.vector_store %arg5[%swap3A_91, %swap3A_92], %swap3A_95 {strides = array<i32>} : memref<125x128xf32, #tpu.memory_space<vmem>>, vector<1x16xf32>,
      %add3A_96 = arith.constant 1.000000e+00 : f32
      %add3A_97 = vector.broadcast %add3A_96 : f32 to vector<16xf32>
      %add3A_98 = arith.addf %broadcast_in_dim3A_1, %add3A_97 : vector<16xf32>
      %swap3A_99 = arith.index_cast %scan3A_56 : i32 to index
      %swap3A_100 = arith.constant 80 : index
      %swap3A_101 = tpu.vector_load %arg5[%swap3A_99, %swap3A_100] {strides = array<i32>} : memref<125x128xf32, #tpu.memory_space<vmem>>, vector<1x16xf32>,
      %swap3A_102 = vector.shape_cast %swap3A_101 : vector<1x16xf32> to vector<16xf32>
      %swap3A_103 = vector.shape_cast %add3A_98 : vector<16xf32> to vector<1x16xf32>
      tpu.vector_store %arg5[%swap3A_99, %swap3A_100], %swap3A_103 {strides = array<i32>} : memref<125x128xf32, #tpu.memory_space<vmem>>, vector<1x16xf32>,
      %add3A_104 = arith.constant 1.000000e+00 : f32
      %add3A_105 = vector.broadcast %add3A_104 : f32 to vector<16xf32>
      %add3A_106 = arith.addf %broadcast_in_dim3A_1, %add3A_105 : vector<16xf32>
      %swap3A_107 = arith.index_cast %scan3A_56 : i32 to index
      %swap3A_108 = arith.constant 96 : index
      %swap3A_109 = tpu.vector_load %arg5[%swap3A_107, %swap3A_108] {strides = array<i32>} : memref<125x128xf32, #tpu.memory_space<vmem>>, vector<1x16xf32>,
      %swap3A_110 = vector.shape_cast %swap3A_109 : vector<1x16xf32> to vector<16xf32>
      %swap3A_111 = vector.shape_cast %add3A_106 : vector<16xf32> to vector<1x16xf32>
      tpu.vector_store %arg5[%swap3A_107, %swap3A_108], %swap3A_111 {strides = array<i32>} : memref<125x128xf32, #tpu.memory_space<vmem>>, vector<1x16xf32>,
      %add3A_112 = arith.constant 1.000000e+00 : f32
      %add3A_113 = vector.broadcast %add3A_112 : f32 to vector<16xf32>
      %add3A_114 = arith.addf %broadcast_in_dim3A_1, %add3A_113 : vector<16xf32>
      %swap3A_115 = arith.index_cast %scan3A_56 : i32 to index
      %swap3A_116 = arith.constant 112 : index
      %swap3A_117 = tpu.vector_load %arg5[%swap3A_115, %swap3A_116] {strides = array<i32>} : memref<125x128xf32, #tpu.memory_space<vmem>>, vector<1x16xf32>,
      %swap3A_118 = vector.shape_cast %swap3A_117 : vector<1x16xf32> to vector<16xf32>
      %swap3A_119 = vector.shape_cast %add3A_114 : vector<16xf32> to vector<1x16xf32>
      tpu.vector_store %arg5[%swap3A_115, %swap3A_116], %swap3A_119 {strides = array<i32>} : memref<125x128xf32, #tpu.memory_space<vmem>>, vector<1x16xf32>,
    }
    %scan3A_6 = arith.constant 125 : i32
    %scan3A_7 = arith.constant 0 : i32
    %scan3A_8 = arith.constant 0 : i32
    %scan3A_9 = arith.constant 64 : i32
    %scan3A_10 = arith.addi %scan3A_8, %scan3A_9 : i32
    %scan3A_11 = arith.constant 1 : i32
    scf.for %scan3A_56 = %scan3A_8 to %scan3A_10 step %scan3A_11  : i32 {
      %swap3A = arith.index_cast %scan3A_56 : i32 to index
      %swap3A_57 = arith.constant 0 : index
      %swap3A_58 = tpu.vector_load %arg6[%swap3A, %swap3A_57] {strides = array<i32>} : memref<64x128xf32, #tpu.memory_space<vmem>>, vector<1x16xf32>,
      %swap3A_59 = vector.shape_cast %swap3A_58 : vector<1x16xf32> to vector<16xf32>
      %swap3A_60 = vector.shape_cast %broadcast_in_dim3A_1 : vector<16xf32> to vector<1x16xf32>
      tpu.vector_store %arg6[%swap3A, %swap3A_57], %swap3A_60 {strides = array<i32>} : memref<64x128xf32, #tpu.memory_space<vmem>>, vector<1x16xf32>,
      %swap3A_61 = arith.index_cast %scan3A_56 : i32 to index
      %swap3A_62 = arith.constant 16 : index
      %swap3A_63 = tpu.vector_load %arg6[%swap3A_61, %swap3A_62] {strides = array<i32>} : memref<64x128xf32, #tpu.memory_space<vmem>>, vector<1x16xf32>,
      %swap3A_64 = vector.shape_cast %swap3A_63 : vector<1x16xf32> to vector<16xf32>
      %swap3A_65 = vector.shape_cast %broadcast_in_dim3A_1 : vector<16xf32> to vector<1x16xf32>
      tpu.vector_store %arg6[%swap3A_61, %swap3A_62], %swap3A_65 {strides = array<i32>} : memref<64x128xf32, #tpu.memory_space<vmem>>, vector<1x16xf32>,
      %swap3A_66 = arith.index_cast %scan3A_56 : i32 to index
      %swap3A_67 = arith.constant 32 : index
      %swap3A_68 = tpu.vector_load %arg6[%swap3A_66, %swap3A_67] {strides = array<i32>} : memref<64x128xf32, #tpu.memory_space<vmem>>, vector<1x16xf32>,
      %swap3A_69 = vector.shape_cast %swap3A_68 : vector<1x16xf32> to vector<16xf32>
      %swap3A_70 = vector.shape_cast %broadcast_in_dim3A_1 : vector<16xf32> to vector<1x16xf32>
      tpu.vector_store %arg6[%swap3A_66, %swap3A_67], %swap3A_70 {strides = array<i32>} : memref<64x128xf32, #tpu.memory_space<vmem>>, vector<1x16xf32>,
      %swap3A_71 = arith.index_cast %scan3A_56 : i32 to index
      %swap3A_72 = arith.constant 48 : index
      %swap3A_73 = tpu.vector_load %arg6[%swap3A_71, %swap3A_72] {strides = array<i32>} : memref<64x128xf32, #tpu.memory_space<vmem>>, vector<1x16xf32>,
      %swap3A_74 = vector.shape_cast %swap3A_73 : vector<1x16xf32> to vector<16xf32>
      %swap3A_75 = vector.shape_cast %broadcast_in_dim3A_1 : vector<16xf32> to vector<1x16xf32>
      tpu.vector_store %arg6[%swap3A_71, %swap3A_72], %swap3A_75 {strides = array<i32>} : memref<64x128xf32, #tpu.memory_space<vmem>>, vector<1x16xf32>,
      %swap3A_76 = arith.index_cast %scan3A_56 : i32 to index
      %swap3A_77 = arith.constant 64 : index
      %swap3A_78 = tpu.vector_load %arg6[%swap3A_76, %swap3A_77] {strides = array<i32>} : memref<64x128xf32, #tpu.memory_space<vmem>>, vector<1x16xf32>,
      %swap3A_79 = vector.shape_cast %swap3A_78 : vector<1x16xf32> to vector<16xf32>
      %swap3A_80 = vector.shape_cast %broadcast_in_dim3A_1 : vector<16xf32> to vector<1x16xf32>
      tpu.vector_store %arg6[%swap3A_76, %swap3A_77], %swap3A_80 {strides = array<i32>} : memref<64x128xf32, #tpu.memory_space<vmem>>, vector<1x16xf32>,
      %swap3A_81 = arith.index_cast %scan3A_56 : i32 to index
      %swap3A_82 = arith.constant 80 : index
      %swap3A_83 = tpu.vector_load %arg6[%swap3A_81, %swap3A_82] {strides = array<i32>} : memref<64x128xf32, #tpu.memory_space<vmem>>, vector<1x16xf32>,
      %swap3A_84 = vector.shape_cast %swap3A_83 : vector<1x16xf32> to vector<16xf32>
      %swap3A_85 = vector.shape_cast %broadcast_in_dim3A_1 : vector<16xf32> to vector<1x16xf32>
      tpu.vector_store %arg6[%swap3A_81, %swap3A_82], %swap3A_85 {strides = array<i32>} : memref<64x128xf32, #tpu.memory_space<vmem>>, vector<1x16xf32>,
      %swap3A_86 = arith.index_cast %scan3A_56 : i32 to index
      %swap3A_87 = arith.constant 96 : index
      %swap3A_88 = tpu.vector_load %arg6[%swap3A_86, %swap3A_87] {strides = array<i32>} : memref<64x128xf32, #tpu.memory_space<vmem>>, vector<1x16xf32>,
      %swap3A_89 = vector.shape_cast %swap3A_88 : vector<1x16xf32> to vector<16xf32>
      %swap3A_90 = vector.shape_cast %broadcast_in_dim3A_1 : vector<16xf32> to vector<1x16xf32>
      tpu.vector_store %arg6[%swap3A_86, %swap3A_87], %swap3A_90 {strides = array<i32>} : memref<64x128xf32, #tpu.memory_space<vmem>>, vector<1x16xf32>,
      %swap3A_91 = arith.index_cast %scan3A_56 : i32 to index
      %swap3A_92 = arith.constant 112 : index
      %swap3A_93 = tpu.vector_load %arg6[%swap3A_91, %swap3A_92] {strides = array<i32>} : memref<64x128xf32, #tpu.memory_space<vmem>>, vector<1x16xf32>,
      %swap3A_94 = vector.shape_cast %swap3A_93 : vector<1x16xf32> to vector<16xf32>
      %swap3A_95 = vector.shape_cast %broadcast_in_dim3A_1 : vector<16xf32> to vector<1x16xf32>
      tpu.vector_store %arg6[%swap3A_91, %swap3A_92], %swap3A_95 {strides = array<i32>} : memref<64x128xf32, #tpu.memory_space<vmem>>, vector<1x16xf32>,
    }
    %scan3A_12 = arith.constant 64 : i32
    %scan3A_13 = arith.constant 0 : i32
    %scan3A_14 = arith.constant 0 : i32
    %scan3A_15 = arith.constant 10 : i32
    %scan3A_16 = arith.addi %scan3A_14, %scan3A_15 : i32
    %scan3A_17 = arith.constant 1 : i32
    scf.for %scan3A_56 = %scan3A_14 to %scan3A_16 step %scan3A_17  : i32 {
      %mul3A_57 = arith.constant 64 : i32
      %mul3A_58 = arith.muli %scan3A_56, %mul3A_57 : i32
      %add3A_59 = arith.addi %mul3A_0, %mul3A_58 : i32
      %dma_start3A = arith.constant 0 : i32
      %dma_start3A_60 = tpu.memref_slice %arg8[%add3A_59, %dma_start3A] : memref<10000x128xf32, #tpu.memory_space<vmem_shared>> -> memref<64x128xf32, #tpu.memory_space<vmem_shared>>
      %dma_start3A_61 = arith.constant 0 : i32
      %dma_start3A_62 = tpu.memref_slice %arg8[%add3A_59, %dma_start3A_61] : memref<10000x128xf32, #tpu.memory_space<vmem_shared>> -> memref<64x128xf32, #tpu.memory_space<vmem_shared>>
      tpu.enqueue_dma source(%arg6 : memref<64x128xf32, #tpu.memory_space<vmem>>) target(%dma_start3A_62 : memref<64x128xf32, #tpu.memory_space<vmem_shared>>) target_semaphore(%arg7 : memref<!tpu.dma_semaphore, #tpu.memory_space<semaphore_mem>>)
    }
    %scan3A_18 = arith.constant 10 : i32
    %scan3A_19 = arith.constant 0 : i32
    %scan3A_20 = arith.constant 0 : i32
    %scan3A_21 = arith.constant 10 : i32
    %scan3A_22 = arith.addi %scan3A_20, %scan3A_21 : i32
    %scan3A_23 = arith.constant 1 : i32
    scf.for %scan3A_56 = %scan3A_20 to %scan3A_22 step %scan3A_23  : i32 {
      %dma_wait3A_57 = arith.constant 0 : i32
      %dma_wait3A_58 = tpu.memref_slice %arg8[%mul3A_0, %dma_wait3A_57] : memref<10000x128xf32, #tpu.memory_space<vmem_shared>> -> memref<64x128xf32, #tpu.memory_space<vmem_shared>>
      %dma_wait3A_59 = arith.constant 0 : i32
      %dma_wait3A_60 = tpu.memref_slice %arg8[%mul3A_0, %dma_wait3A_59] : memref<10000x128xf32, #tpu.memory_space<vmem_shared>> -> memref<64x128xf32, #tpu.memory_space<vmem_shared>>
      tpu.wait_dma2 semaphore(%arg7 : memref<!tpu.dma_semaphore, #tpu.memory_space<semaphore_mem>>) src(%arg6 : memref<64x128xf32, #tpu.memory_space<vmem>>) dst(%dma_wait3A_60 : memref<64x128xf32, #tpu.memory_space<vmem_shared>>)
    }
    %scan3A_24 = arith.constant 10 : i32
    %barrier3A = arith.constant 0 : index
    tpu.barrier barrier_id(%barrier3A)
    %scan3A_25 = arith.constant 0 : i32
    %scan3A_26 = arith.constant 0 : i32
    %scan3A_27 = arith.constant 5 : i32
    %scan3A_28 = arith.addi %scan3A_26, %scan3A_27 : i32
    %scan3A_29 = arith.constant 1 : i32
    scf.for %scan3A_56 = %scan3A_26 to %scan3A_28 step %scan3A_29  : i32 {
      %mul3A_57 = arith.constant 16 : i32
      %mul3A_58 = arith.muli %arg0, %mul3A_57 : i32
      %add3A_59 = arith.addi %mul3A_58, %arg1 : i32
      %mul3A_60 = arith.constant 5 : i32
      %mul3A_61 = arith.muli %add3A_59, %mul3A_60 : i32
      %add3A_62 = arith.addi %mul3A_61, %scan3A_56 : i32
      "tpu.region"() ({
        %run_scoped3A = tpu.sem_alloc : memref<!tpu.dma_semaphore, #tpu.memory_space<semaphore_mem>>
        %dma_start3A = arith.constant 0 : i32
        %dma_start3A_75 = arith.constant 0 : i32
        %dma_start3A_76 = tpu.memref_slice %arg2[%add3A_62, %dma_start3A, %dma_start3A_75] : memref<160x8x125xi32, #tpu.memory_space<hbm>> -> memref<1x8x125xi32, #tpu.memory_space<hbm>>
        %dma_start3A_77 = tpu.memref_squeeze %dma_start3A_76 : memref<1x8x125xi32, #tpu.memory_space<hbm>> -> memref<8x125xi32, #tpu.memory_space<hbm>>
        %dma_start3A_78 = arith.constant 0 : i32
        %dma_start3A_79 = arith.constant 0 : i32
        %dma_start3A_80 = tpu.memref_slice %arg2[%add3A_62, %dma_start3A_78, %dma_start3A_79] : memref<160x8x125xi32, #tpu.memory_space<hbm>> -> memref<1x8x125xi32, #tpu.memory_space<hbm>>
        %dma_start3A_81 = tpu.memref_squeeze %dma_start3A_80 : memref<1x8x125xi32, #tpu.memory_space<hbm>> -> memref<8x125xi32, #tpu.memory_space<hbm>>
        tpu.enqueue_dma source(%dma_start3A_81 : memref<8x125xi32, #tpu.memory_space<hbm>>) target(%arg4 : memref<8x125xi32, #tpu.memory_space<vmem>>) target_semaphore(%run_scoped3A : memref<!tpu.dma_semaphore, #tpu.memory_space<semaphore_mem>>)
        %dma_wait3A_82 = arith.constant 0 : i32
        %dma_wait3A_83 = arith.constant 0 : i32
        %dma_wait3A_84 = tpu.memref_slice %arg2[%add3A_62, %dma_wait3A_82, %dma_wait3A_83] : memref<160x8x125xi32, #tpu.memory_space<hbm>> -> memref<1x8x125xi32, #tpu.memory_space<hbm>>
        %dma_wait3A_85 = tpu.memref_squeeze %dma_wait3A_84 : memref<1x8x125xi32, #tpu.memory_space<hbm>> -> memref<8x125xi32, #tpu.memory_space<hbm>>
        %dma_wait3A_86 = arith.constant 0 : i32
        %dma_wait3A_87 = arith.constant 0 : i32
        %dma_wait3A_88 = tpu.memref_slice %arg2[%add3A_62, %dma_wait3A_86, %dma_wait3A_87] : memref<160x8x125xi32, #tpu.memory_space<hbm>> -> memref<1x8x125xi32, #tpu.memory_space<hbm>>
        %dma_wait3A_89 = tpu.memref_squeeze %dma_wait3A_88 : memref<1x8x125xi32, #tpu.memory_space<hbm>> -> memref<8x125xi32, #tpu.memory_space<hbm>>
        tpu.wait_dma2 semaphore(%run_scoped3A : memref<!tpu.dma_semaphore, #tpu.memory_space<semaphore_mem>>) src(%dma_wait3A_89 : memref<8x125xi32, #tpu.memory_space<hbm>>) dst(%arg4 : memref<8x125xi32, #tpu.memory_space<vmem>>)
        tpu.yield
      }) : () -> ()
      %scan3A_63 = arith.constant 0 : i32
      %scan3A_64 = arith.constant 0 : i32
      %scan3A_65 = arith.constant 8 : i32
      %scan3A_66 = arith.addi %scan3A_64, %scan3A_65 : i32
      %scan3A_67 = arith.constant 1 : i32
      scf.for %scan3A_75 = %scan3A_64 to %scan3A_66 step %scan3A_67  : i32 {
        %dma_start3A = arith.constant 0 : i32
        %dma_start3A_76 = tpu.memref_slice %arg4[%scan3A_75, %dma_start3A] : memref<8x125xi32, #tpu.memory_space<vmem>> -> memref<1x125xi32, #tpu.memory_space<vmem>>
        %dma_start3A_77 = tpu.memref_squeeze %dma_start3A_76 : memref<1x125xi32, #tpu.memory_space<vmem>> -> memref<125xi32, #tpu.memory_space<vmem>>
        %dma_start3A_78 = arith.constant 0 : i32
        %dma_start3A_79 = arith.constant 0 : i32
        %dma_start3A_80 = tpu.memref_slice %arg8[%dma_start3A_78, %dma_start3A_79] : memref<10000x128xf32, #tpu.memory_space<vmem_shared>> -> memref<10000x128xf32, #tpu.memory_space<vmem_shared>>
        tpu.enqueue_indirect_dma source(%arg5 : memref<125x128xf32, #tpu.memory_space<vmem>>) target(%dma_start3A_80 : memref<10000x128xf32, #tpu.memory_space<vmem_shared>>) offsets(%dma_start3A_77 : memref<125xi32, #tpu.memory_space<vmem>>) semaphore(%arg7 : memref<!tpu.dma_semaphore, #tpu.memory_space<semaphore_mem>>) {add = true}
      }
      %scan3A_68 = arith.constant 8 : i32
      %scan3A_69 = arith.constant 0 : i32
      %scan3A_70 = arith.constant 0 : i32
      %scan3A_71 = arith.constant 8 : i32
      %scan3A_72 = arith.addi %scan3A_70, %scan3A_71 : i32
      %scan3A_73 = arith.constant 1 : i32
      scf.for %scan3A_75 = %scan3A_70 to %scan3A_72 step %scan3A_73  : i32 {
        %dma_wait3A_76 = arith.constant 0 : i32
        %dma_wait3A_77 = arith.constant 0 : i32
        %dma_wait3A_78 = tpu.memref_slice %arg4[%dma_wait3A_76, %dma_wait3A_77] : memref<8x125xi32, #tpu.memory_space<vmem>> -> memref<1x125xi32, #tpu.memory_space<vmem>>
        %dma_wait3A_79 = tpu.memref_squeeze %dma_wait3A_78 : memref<1x125xi32, #tpu.memory_space<vmem>> -> memref<125xi32, #tpu.memory_space<vmem>>
        %dma_wait3A_80 = arith.constant 0 : i32
        %dma_wait3A_81 = arith.constant 0 : i32
        %dma_wait3A_82 = tpu.memref_slice %arg8[%dma_wait3A_80, %dma_wait3A_81] : memref<10000x128xf32, #tpu.memory_space<vmem_shared>> -> memref<10000x128xf32, #tpu.memory_space<vmem_shared>>
        tpu.wait_indirect_dma semaphore(%arg7 : memref<!tpu.dma_semaphore, #tpu.memory_space<semaphore_mem>>) src(%arg5 : memref<125x128xf32, #tpu.memory_space<vmem>>) dst(%dma_wait3A_82 : memref<10000x128xf32, #tpu.memory_space<vmem_shared>>)
      }
      %scan3A_74 = arith.constant 8 : i32
    }
    %scan3A_30 = arith.constant 5 : i32
    %barrier3A_31 = arith.constant 0 : index
    tpu.barrier barrier_id(%barrier3A_31)
    %scan3A_32 = arith.constant 0 : i32
    %scan3A_33 = arith.constant 0 : i32
    %scan3A_34 = arith.constant 5 : i32
    %scan3A_35 = arith.addi %scan3A_33, %scan3A_34 : i32
    %scan3A_36 = arith.constant 1 : i32
    scf.for %scan3A_56 = %scan3A_33 to %scan3A_35 step %scan3A_36  : i32 {
      %gt3A = arith.constant 0 : i32
      %gt3A_57 = arith.cmpi sgt, %scan3A_56, %gt3A : i32
      %convert_element_type3A = arith.extui %gt3A_57 : i1 to i32
      %cond3A = arith.constant 0 : i32
      %cond3A_58 = arith.cmpi ne, %convert_element_type3A, %cond3A : i32
      scf.if %cond3A_58 {
        %mul3A_96 = arith.constant 10000 : i32
        %mul3A_97 = arith.muli %arg0, %mul3A_96 : i32
        %add3A_98 = arith.addi %mul3A_97, %mul3A_0 : i32
        %dma_wait3A_99 = arith.constant 0 : i32
        %dma_wait3A_100 = tpu.memref_slice %arg3[%add3A_98, %dma_wait3A_99] : memref<20000x128xf32, #tpu.memory_space<hbm>> -> memref<64x128xf32, #tpu.memory_space<hbm>>
        %dma_wait3A_101 = arith.constant 0 : i32
        %dma_wait3A_102 = tpu.memref_slice %arg3[%add3A_98, %dma_wait3A_101] : memref<20000x128xf32, #tpu.memory_space<hbm>> -> memref<64x128xf32, #tpu.memory_space<hbm>>
        tpu.wait_dma2 semaphore(%arg7 : memref<!tpu.dma_semaphore, #tpu.memory_space<semaphore_mem>>) src(%arg6 : memref<64x128xf32, #tpu.memory_space<vmem>>) dst(%dma_wait3A_102 : memref<64x128xf32, #tpu.memory_space<hbm>>)
        %mul3A_103 = arith.constant 10000 : i32
        %mul3A_104 = arith.muli %arg0, %mul3A_103 : i32
        %add3A_105 = arith.addi %mul3A_104, %mul3A_0 : i32
        %dma_wait3A_106 = arith.constant 0 : i32
        %dma_wait3A_107 = arith.constant 0 : i32
        %dma_wait3A_108 = tpu.memref_slice %arg5[%dma_wait3A_106, %dma_wait3A_107] : memref<125x128xf32, #tpu.memory_space<vmem>> -> memref<64x128xf32, #tpu.memory_space<vmem>>
        %dma_wait3A_109 = arith.constant 0 : i32
        %dma_wait3A_110 = tpu.memref_slice %arg3[%add3A_105, %dma_wait3A_109] : memref<20000x128xf32, #tpu.memory_space<hbm>> -> memref<64x128xf32, #tpu.memory_space<hbm>>
        %dma_wait3A_111 = arith.constant 0 : i32
        %dma_wait3A_112 = tpu.memref_slice %arg3[%add3A_105, %dma_wait3A_111] : memref<20000x128xf32, #tpu.memory_space<hbm>> -> memref<64x128xf32, #tpu.memory_space<hbm>>
        %dma_wait3A_113 = arith.constant 0 : i32
        %dma_wait3A_114 = arith.constant 0 : i32
        %dma_wait3A_115 = tpu.memref_slice %arg5[%dma_wait3A_113, %dma_wait3A_114] : memref<125x128xf32, #tpu.memory_space<vmem>> -> memref<64x128xf32, #tpu.memory_space<vmem>>
        tpu.wait_dma2 semaphore(%arg7 : memref<!tpu.dma_semaphore, #tpu.memory_space<semaphore_mem>>) src(%dma_wait3A_115 : memref<64x128xf32, #tpu.memory_space<vmem>>) dst(%dma_wait3A_112 : memref<64x128xf32, #tpu.memory_space<hbm>>)
      } else {
      }
      %mul3A_59 = arith.constant 2 : i32
      %mul3A_60 = arith.muli %mul3A_59, %scan3A_56 : i32
      %mul3A_61 = arith.constant 64 : i32
      %mul3A_62 = arith.muli %mul3A_60, %mul3A_61 : i32
      %add3A_63 = arith.addi %mul3A_0, %mul3A_62 : i32
      "tpu.region"() ({
        %run_scoped3A = tpu.sem_alloc : memref<!tpu.dma_semaphore, #tpu.memory_space<semaphore_mem>>
        %dma_start3A_96 = arith.constant 0 : i32
        %dma_start3A_97 = tpu.memref_slice %arg8[%add3A_63, %dma_start3A_96] : memref<10000x128xf32, #tpu.memory_space<vmem_shared>> -> memref<64x128xf32, #tpu.memory_space<vmem_shared>>
        %dma_start3A_98 = arith.constant 0 : i32
        %dma_start3A_99 = tpu.memref_slice %arg8[%add3A_63, %dma_start3A_98] : memref<10000x128xf32, #tpu.memory_space<vmem_shared>> -> memref<64x128xf32, #tpu.memory_space<vmem_shared>>
        tpu.enqueue_dma source(%dma_start3A_99 : memref<64x128xf32, #tpu.memory_space<vmem_shared>>) target(%arg6 : memref<64x128xf32, #tpu.memory_space<vmem>>) target_semaphore(%run_scoped3A : memref<!tpu.dma_semaphore, #tpu.memory_space<semaphore_mem>>)
        %dma_wait3A_100 = arith.constant 0 : i32
        %dma_wait3A_101 = tpu.memref_slice %arg8[%add3A_63, %dma_wait3A_100] : memref<10000x128xf32, #tpu.memory_space<vmem_shared>> -> memref<64x128xf32, #tpu.memory_space<vmem_shared>>
        %dma_wait3A_102 = arith.constant 0 : i32
        %dma_wait3A_103 = tpu.memref_slice %arg8[%add3A_63, %dma_wait3A_102] : memref<10000x128xf32, #tpu.memory_space<vmem_shared>> -> memref<64x128xf32, #tpu.memory_space<vmem_shared>>
        tpu.wait_dma2 semaphore(%run_scoped3A : memref<!tpu.dma_semaphore, #tpu.memory_space<semaphore_mem>>) src(%dma_wait3A_103 : memref<64x128xf32, #tpu.memory_space<vmem_shared>>) dst(%arg6 : memref<64x128xf32, #tpu.memory_space<vmem>>)
        tpu.yield
      }) : () -> ()
      %mul3A_64 = arith.constant 10000 : i32
      %mul3A_65 = arith.muli %arg0, %mul3A_64 : i32
      %add3A_66 = arith.addi %mul3A_65, %mul3A_0 : i32
      %mul3A_67 = arith.constant 64 : i32
      %mul3A_68 = arith.muli %mul3A_60, %mul3A_67 : i32
      %add3A_69 = arith.addi %add3A_66, %mul3A_68 : i32
      %dma_start3A = arith.constant 0 : i32
      %dma_start3A_70 = tpu.memref_slice %arg3[%add3A_69, %dma_start3A] : memref<20000x128xf32, #tpu.memory_space<hbm>> -> memref<64x128xf32, #tpu.memory_space<hbm>>
      %dma_start3A_71 = arith.constant 0 : i32
      %dma_start3A_72 = tpu.memref_slice %arg3[%add3A_69, %dma_start3A_71] : memref<20000x128xf32, #tpu.memory_space<hbm>> -> memref<64x128xf32, #tpu.memory_space<hbm>>
      tpu.enqueue_dma source(%arg6 : memref<64x128xf32, #tpu.memory_space<vmem>>) target(%dma_start3A_72 : memref<64x128xf32, #tpu.memory_space<hbm>>) target_semaphore(%arg7 : memref<!tpu.dma_semaphore, #tpu.memory_space<semaphore_mem>>)
      %mul3A_73 = arith.constant 2 : i32
      %mul3A_74 = arith.muli %mul3A_73, %scan3A_56 : i32
      %add3A_75 = arith.constant 1 : i32
      %add3A_76 = arith.addi %mul3A_74, %add3A_75 : i32
      %mul3A_77 = arith.constant 64 : i32
      %mul3A_78 = arith.muli %add3A_76, %mul3A_77 : i32
      %add3A_79 = arith.addi %mul3A_0, %mul3A_78 : i32
      "tpu.region"() ({
        %run_scoped3A = tpu.sem_alloc : memref<!tpu.dma_semaphore, #tpu.memory_space<semaphore_mem>>
        %dma_start3A_96 = arith.constant 0 : i32
        %dma_start3A_97 = arith.constant 0 : i32
        %dma_start3A_98 = tpu.memref_slice %arg5[%dma_start3A_96, %dma_start3A_97] : memref<125x128xf32, #tpu.memory_space<vmem>> -> memref<64x128xf32, #tpu.memory_space<vmem>>
        %dma_start3A_99 = arith.constant 0 : i32
        %dma_start3A_100 = tpu.memref_slice %arg8[%add3A_79, %dma_start3A_99] : memref<10000x128xf32, #tpu.memory_space<vmem_shared>> -> memref<64x128xf32, #tpu.memory_space<vmem_shared>>
        %dma_start3A_101 = arith.constant 0 : i32
        %dma_start3A_102 = arith.constant 0 : i32
        %dma_start3A_103 = tpu.memref_slice %arg5[%dma_start3A_101, %dma_start3A_102] : memref<125x128xf32, #tpu.memory_space<vmem>> -> memref<64x128xf32, #tpu.memory_space<vmem>>
        %dma_start3A_104 = arith.constant 0 : i32
        %dma_start3A_105 = tpu.memref_slice %arg8[%add3A_79, %dma_start3A_104] : memref<10000x128xf32, #tpu.memory_space<vmem_shared>> -> memref<64x128xf32, #tpu.memory_space<vmem_shared>>
        tpu.enqueue_dma source(%dma_start3A_105 : memref<64x128xf32, #tpu.memory_space<vmem_shared>>) target(%dma_start3A_103 : memref<64x128xf32, #tpu.memory_space<vmem>>) target_semaphore(%run_scoped3A : memref<!tpu.dma_semaphore, #tpu.memory_space<semaphore_mem>>)
        %dma_wait3A_106 = arith.constant 0 : i32
        %dma_wait3A_107 = arith.constant 0 : i32
        %dma_wait3A_108 = tpu.memref_slice %arg5[%dma_wait3A_106, %dma_wait3A_107] : memref<125x128xf32, #tpu.memory_space<vmem>> -> memref<64x128xf32, #tpu.memory_space<vmem>>
        %dma_wait3A_109 = arith.constant 0 : i32
        %dma_wait3A_110 = tpu.memref_slice %arg8[%add3A_79, %dma_wait3A_109] : memref<10000x128xf32, #tpu.memory_space<vmem_shared>> -> memref<64x128xf32, #tpu.memory_space<vmem_shared>>
        %dma_wait3A_111 = arith.constant 0 : i32
        %dma_wait3A_112 = arith.constant 0 : i32
        %dma_wait3A_113 = tpu.memref_slice %arg5[%dma_wait3A_111, %dma_wait3A_112] : memref<125x128xf32, #tpu.memory_space<vmem>> -> memref<64x128xf32, #tpu.memory_space<vmem>>
        %dma_wait3A_114 = arith.constant 0 : i32
        %dma_wait3A_115 = tpu.memref_slice %arg8[%add3A_79, %dma_wait3A_114] : memref<10000x128xf32, #tpu.memory_space<vmem_shared>> -> memref<64x128xf32, #tpu.memory_space<vmem_shared>>
        tpu.wait_dma2 semaphore(%run_scoped3A : memref<!tpu.dma_semaphore, #tpu.memory_space<semaphore_mem>>) src(%dma_wait3A_115 : memref<64x128xf32, #tpu.memory_space<vmem_shared>>) dst(%dma_wait3A_113 : memref<64x128xf32, #tpu.memory_space<vmem>>)
        tpu.yield
      }) : () -> ()
      %mul3A_80 = arith.constant 10000 : i32
      %mul3A_81 = arith.muli %arg0, %mul3A_80 : i32
      %add3A_82 = arith.addi %mul3A_81, %mul3A_0 : i32
      %mul3A_83 = arith.constant 64 : i32
      %mul3A_84 = arith.muli %add3A_76, %mul3A_83 : i32
      %add3A_85 = arith.addi %add3A_82, %mul3A_84 : i32
      %dma_start3A_86 = arith.constant 0 : i32
      %dma_start3A_87 = arith.constant 0 : i32
      %dma_start3A_88 = tpu.memref_slice %arg5[%dma_start3A_86, %dma_start3A_87] : memref<125x128xf32, #tpu.memory_space<vmem>> -> memref<64x128xf32, #tpu.memory_space<vmem>>
      %dma_start3A_89 = arith.constant 0 : i32
      %dma_start3A_90 = tpu.memref_slice %arg3[%add3A_85, %dma_start3A_89] : memref<20000x128xf32, #tpu.memory_space<hbm>> -> memref<64x128xf32, #tpu.memory_space<hbm>>
      %dma_start3A_91 = arith.constant 0 : i32
      %dma_start3A_92 = tpu.memref_slice %arg3[%add3A_85, %dma_start3A_91] : memref<20000x128xf32, #tpu.memory_space<hbm>> -> memref<64x128xf32, #tpu.memory_space<hbm>>
      %dma_start3A_93 = arith.constant 0 : i32
      %dma_start3A_94 = arith.constant 0 : i32
      %dma_start3A_95 = tpu.memref_slice %arg5[%dma_start3A_93, %dma_start3A_94] : memref<125x128xf32, #tpu.memory_space<vmem>> -> memref<64x128xf32, #tpu.memory_space<vmem>>
      tpu.enqueue_dma source(%dma_start3A_95 : memref<64x128xf32, #tpu.memory_space<vmem>>) target(%dma_start3A_92 : memref<64x128xf32, #tpu.memory_space<hbm>>) target_semaphore(%arg7 : memref<!tpu.dma_semaphore, #tpu.memory_space<semaphore_mem>>)
    }
    %scan3A_37 = arith.constant 5 : i32
    %mul3A_38 = arith.constant 10000 : i32
    %mul3A_39 = arith.muli %arg0, %mul3A_38 : i32
    %add3A = arith.addi %mul3A_39, %mul3A_0 : i32
    %dma_wait3A = arith.constant 0 : i32
    %dma_wait3A_40 = tpu.memref_slice %arg3[%add3A, %dma_wait3A] : memref<20000x128xf32, #tpu.memory_space<hbm>> -> memref<64x128xf32, #tpu.memory_space<hbm>>
    %dma_wait3A_41 = arith.constant 0 : i32
    %dma_wait3A_42 = tpu.memref_slice %arg3[%add3A, %dma_wait3A_41] : memref<20000x128xf32, #tpu.memory_space<hbm>> -> memref<64x128xf32, #tpu.memory_space<hbm>>
    tpu.wait_dma2 semaphore(%arg7 : memref<!tpu.dma_semaphore, #tpu.memory_space<semaphore_mem>>) src(%arg6 : memref<64x128xf32, #tpu.memory_space<vmem>>) dst(%dma_wait3A_42 : memref<64x128xf32, #tpu.memory_space<hbm>>)
    %mul3A_43 = arith.constant 10000 : i32
    %mul3A_44 = arith.muli %arg0, %mul3A_43 : i32
    %add3A_45 = arith.addi %mul3A_44, %mul3A_0 : i32
    %dma_wait3A_46 = arith.constant 0 : i32
    %dma_wait3A_47 = arith.constant 0 : i32
    %dma_wait3A_48 = tpu.memref_slice %arg5[%dma_wait3A_46, %dma_wait3A_47] : memref<125x128xf32, #tpu.memory_space<vmem>> -> memref<64x128xf32, #tpu.memory_space<vmem>>
    %dma_wait3A_49 = arith.constant 0 : i32
    %dma_wait3A_50 = tpu.memref_slice %arg3[%add3A_45, %dma_wait3A_49] : memref<20000x128xf32, #tpu.memory_space<hbm>> -> memref<64x128xf32, #tpu.memory_space<hbm>>
    %dma_wait3A_51 = arith.constant 0 : i32
    %dma_wait3A_52 = tpu.memref_slice %arg3[%add3A_45, %dma_wait3A_51] : memref<20000x128xf32, #tpu.memory_space<hbm>> -> memref<64x128xf32, #tpu.memory_space<hbm>>
    %dma_wait3A_53 = arith.constant 0 : i32
    %dma_wait3A_54 = arith.constant 0 : i32
    %dma_wait3A_55 = tpu.memref_slice %arg5[%dma_wait3A_53, %dma_wait3A_54] : memref<125x128xf32, #tpu.memory_space<vmem>> -> memref<64x128xf32, #tpu.memory_space<vmem>>
    tpu.wait_dma2 semaphore(%arg7 : memref<!tpu.dma_semaphore, #tpu.memory_space<semaphore_mem>>) src(%dma_wait3A_55 : memref<64x128xf32, #tpu.memory_space<vmem>>) dst(%dma_wait3A_52 : memref<64x128xf32, #tpu.memory_space<hbm>>)
    return
  }
}

#map = affine_map<(d0, d1) -> (0, 0)>
#map1 = affine_map<(d0, d1) -> (0, 0, 0)>
module attributes {stable_mosaic.version = 14 : i64} {
  func.func @_sc_agg_body(%arg0: i32, %arg1: i32, %arg2: memref<10000x128xf32, #tpu.memory_space<hbm>>, %arg3: memref<10000x128xf32, #tpu.memory_space<hbm>>, %arg4: memref<160x20x50xi32, #tpu.memory_space<hbm>>, %arg5: memref<160x20x50xi32, #tpu.memory_space<hbm>>, %arg6: memref<20000x128xf32, #tpu.memory_space<hbm>>, %arg7: memref<20x50xi32, #tpu.memory_space<vmem>>, %arg8: memref<20x50xi32, #tpu.memory_space<vmem>>, %arg9: memref<50x128xf32, #tpu.memory_space<vmem>>, %arg10: memref<50x128xf32, #tpu.memory_space<vmem>>, %arg11: memref<50x128xf32, #tpu.memory_space<vmem>>, %arg12: memref<50x128xf32, #tpu.memory_space<vmem>>, %arg13: memref<!tpu.dma_semaphore, #tpu.memory_space<semaphore_mem>>, %arg14: memref<!tpu.dma_semaphore, #tpu.memory_space<semaphore_mem>>, %arg15: memref<!tpu.dma_semaphore, #tpu.memory_space<semaphore_mem>>, %arg16: memref<!tpu.dma_semaphore, #tpu.memory_space<semaphore_mem>>, %arg17: memref<!tpu.dma_semaphore, #tpu.memory_space<semaphore_mem>>, %arg18: memref<!tpu.dma_semaphore, #tpu.memory_space<semaphore_mem>>, %arg19: memref<!tpu.dma_semaphore, #tpu.memory_space<semaphore_mem>>, %arg20: memref<!tpu.dma_semaphore, #tpu.memory_space<semaphore_mem>>, %arg21: memref<10000x128xf32, #tpu.memory_space<vmem_shared>>) attributes {dimension_semantics = [#tpu.dimension_semantics<core_parallel>, #tpu.dimension_semantics<subcore_parallel>], iteration_bounds = array<i64: 2, 16>, scalar_prefetch = 0 : i64, scratch_operands = 15 : i64, tpu.core_type = #tpu.core_type<sc_vector_subcore>, window_params = [{transform_indices = #map}, {transform_indices = #map}, {transform_indices = #map1}, {transform_indices = #map1}, {transform_indices = #map}]} {
    %mul3A = arith.constant 624 : i32
    %mul3A_0 = arith.muli %arg1, %mul3A : i32
    %broadcast_in_dim3A = arith.constant 0.000000e+00 : f32
    %broadcast_in_dim3A_1 = vector.broadcast %broadcast_in_dim3A : f32 to vector<16xf32>
    %scan3A = arith.constant 0 : i32
    %scan3A_2 = arith.constant 0 : i32
    %scan3A_3 = arith.constant 40 : i32
    %scan3A_4 = arith.addi %scan3A_2, %scan3A_3 : i32
    %scan3A_5 = arith.constant 1 : i32
    scf.for %scan3A_56 = %scan3A_2 to %scan3A_4 step %scan3A_5  : i32 {
      %swap3A = arith.index_cast %scan3A_56 : i32 to index
      %swap3A_57 = arith.constant 0 : index
      %swap3A_58 = tpu.vector_load %arg9[%swap3A, %swap3A_57] {strides = array<i32>} : memref<50x128xf32, #tpu.memory_space<vmem>>, vector<1x16xf32>,
      %swap3A_59 = vector.shape_cast %swap3A_58 : vector<1x16xf32> to vector<16xf32>
      %swap3A_60 = vector.shape_cast %broadcast_in_dim3A_1 : vector<16xf32> to vector<1x16xf32>
      tpu.vector_store %arg9[%swap3A, %swap3A_57], %swap3A_60 {strides = array<i32>} : memref<50x128xf32, #tpu.memory_space<vmem>>, vector<1x16xf32>,
      %swap3A_61 = arith.index_cast %scan3A_56 : i32 to index
      %swap3A_62 = arith.constant 16 : index
      %swap3A_63 = tpu.vector_load %arg9[%swap3A_61, %swap3A_62] {strides = array<i32>} : memref<50x128xf32, #tpu.memory_space<vmem>>, vector<1x16xf32>,
      %swap3A_64 = vector.shape_cast %swap3A_63 : vector<1x16xf32> to vector<16xf32>
      %swap3A_65 = vector.shape_cast %broadcast_in_dim3A_1 : vector<16xf32> to vector<1x16xf32>
      tpu.vector_store %arg9[%swap3A_61, %swap3A_62], %swap3A_65 {strides = array<i32>} : memref<50x128xf32, #tpu.memory_space<vmem>>, vector<1x16xf32>,
      %swap3A_66 = arith.index_cast %scan3A_56 : i32 to index
      %swap3A_67 = arith.constant 32 : index
      %swap3A_68 = tpu.vector_load %arg9[%swap3A_66, %swap3A_67] {strides = array<i32>} : memref<50x128xf32, #tpu.memory_space<vmem>>, vector<1x16xf32>,
      %swap3A_69 = vector.shape_cast %swap3A_68 : vector<1x16xf32> to vector<16xf32>
      %swap3A_70 = vector.shape_cast %broadcast_in_dim3A_1 : vector<16xf32> to vector<1x16xf32>
      tpu.vector_store %arg9[%swap3A_66, %swap3A_67], %swap3A_70 {strides = array<i32>} : memref<50x128xf32, #tpu.memory_space<vmem>>, vector<1x16xf32>,
      %swap3A_71 = arith.index_cast %scan3A_56 : i32 to index
      %swap3A_72 = arith.constant 48 : index
      %swap3A_73 = tpu.vector_load %arg9[%swap3A_71, %swap3A_72] {strides = array<i32>} : memref<50x128xf32, #tpu.memory_space<vmem>>, vector<1x16xf32>,
      %swap3A_74 = vector.shape_cast %swap3A_73 : vector<1x16xf32> to vector<16xf32>
      %swap3A_75 = vector.shape_cast %broadcast_in_dim3A_1 : vector<16xf32> to vector<1x16xf32>
      tpu.vector_store %arg9[%swap3A_71, %swap3A_72], %swap3A_75 {strides = array<i32>} : memref<50x128xf32, #tpu.memory_space<vmem>>, vector<1x16xf32>,
      %swap3A_76 = arith.index_cast %scan3A_56 : i32 to index
      %swap3A_77 = arith.constant 64 : index
      %swap3A_78 = tpu.vector_load %arg9[%swap3A_76, %swap3A_77] {strides = array<i32>} : memref<50x128xf32, #tpu.memory_space<vmem>>, vector<1x16xf32>,
      %swap3A_79 = vector.shape_cast %swap3A_78 : vector<1x16xf32> to vector<16xf32>
      %swap3A_80 = vector.shape_cast %broadcast_in_dim3A_1 : vector<16xf32> to vector<1x16xf32>
      tpu.vector_store %arg9[%swap3A_76, %swap3A_77], %swap3A_80 {strides = array<i32>} : memref<50x128xf32, #tpu.memory_space<vmem>>, vector<1x16xf32>,
      %swap3A_81 = arith.index_cast %scan3A_56 : i32 to index
      %swap3A_82 = arith.constant 80 : index
      %swap3A_83 = tpu.vector_load %arg9[%swap3A_81, %swap3A_82] {strides = array<i32>} : memref<50x128xf32, #tpu.memory_space<vmem>>, vector<1x16xf32>,
      %swap3A_84 = vector.shape_cast %swap3A_83 : vector<1x16xf32> to vector<16xf32>
      %swap3A_85 = vector.shape_cast %broadcast_in_dim3A_1 : vector<16xf32> to vector<1x16xf32>
      tpu.vector_store %arg9[%swap3A_81, %swap3A_82], %swap3A_85 {strides = array<i32>} : memref<50x128xf32, #tpu.memory_space<vmem>>, vector<1x16xf32>,
      %swap3A_86 = arith.index_cast %scan3A_56 : i32 to index
      %swap3A_87 = arith.constant 96 : index
      %swap3A_88 = tpu.vector_load %arg9[%swap3A_86, %swap3A_87] {strides = array<i32>} : memref<50x128xf32, #tpu.memory_space<vmem>>, vector<1x16xf32>,
      %swap3A_89 = vector.shape_cast %swap3A_88 : vector<1x16xf32> to vector<16xf32>
      %swap3A_90 = vector.shape_cast %broadcast_in_dim3A_1 : vector<16xf32> to vector<1x16xf32>
      tpu.vector_store %arg9[%swap3A_86, %swap3A_87], %swap3A_90 {strides = array<i32>} : memref<50x128xf32, #tpu.memory_space<vmem>>, vector<1x16xf32>,
      %swap3A_91 = arith.index_cast %scan3A_56 : i32 to index
      %swap3A_92 = arith.constant 112 : index
      %swap3A_93 = tpu.vector_load %arg9[%swap3A_91, %swap3A_92] {strides = array<i32>} : memref<50x128xf32, #tpu.memory_space<vmem>>, vector<1x16xf32>,
      %swap3A_94 = vector.shape_cast %swap3A_93 : vector<1x16xf32> to vector<16xf32>
      %swap3A_95 = vector.shape_cast %broadcast_in_dim3A_1 : vector<16xf32> to vector<1x16xf32>
      tpu.vector_store %arg9[%swap3A_91, %swap3A_92], %swap3A_95 {strides = array<i32>} : memref<50x128xf32, #tpu.memory_space<vmem>>, vector<1x16xf32>,
    }
    %scan3A_6 = arith.constant 40 : i32
    %scan3A_7 = arith.constant 0 : i32
    %scan3A_8 = arith.constant 0 : i32
    %scan3A_9 = arith.constant 16 : i32
    %scan3A_10 = arith.addi %scan3A_8, %scan3A_9 : i32
    %scan3A_11 = arith.constant 1 : i32
    scf.for %scan3A_56 = %scan3A_8 to %scan3A_10 step %scan3A_11  : i32 {
      %mul3A_57 = arith.constant 40 : i32
      %mul3A_58 = arith.muli %scan3A_56, %mul3A_57 : i32
      %add3A_59 = arith.addi %mul3A_0, %mul3A_58 : i32
      %dma_start3A = arith.constant 0 : i32
      %dma_start3A_60 = arith.constant 0 : i32
      %dma_start3A_61 = tpu.memref_slice %arg9[%dma_start3A, %dma_start3A_60] : memref<50x128xf32, #tpu.memory_space<vmem>> -> memref<40x128xf32, #tpu.memory_space<vmem>>
      %dma_start3A_62 = arith.constant 0 : i32
      %dma_start3A_63 = tpu.memref_slice %arg21[%add3A_59, %dma_start3A_62] : memref<10000x128xf32, #tpu.memory_space<vmem_shared>> -> memref<40x128xf32, #tpu.memory_space<vmem_shared>>
      %dma_start3A_64 = arith.constant 0 : i32
      %dma_start3A_65 = tpu.memref_slice %arg21[%add3A_59, %dma_start3A_64] : memref<10000x128xf32, #tpu.memory_space<vmem_shared>> -> memref<40x128xf32, #tpu.memory_space<vmem_shared>>
      %dma_start3A_66 = arith.constant 0 : i32
      %dma_start3A_67 = arith.constant 0 : i32
      %dma_start3A_68 = tpu.memref_slice %arg9[%dma_start3A_66, %dma_start3A_67] : memref<50x128xf32, #tpu.memory_space<vmem>> -> memref<40x128xf32, #tpu.memory_space<vmem>>
      tpu.enqueue_dma source(%dma_start3A_68 : memref<40x128xf32, #tpu.memory_space<vmem>>) target(%dma_start3A_65 : memref<40x128xf32, #tpu.memory_space<vmem_shared>>) target_semaphore(%arg13 : memref<!tpu.dma_semaphore, #tpu.memory_space<semaphore_mem>>)
    }
    %scan3A_12 = arith.constant 16 : i32
    %scan3A_13 = arith.constant 0 : i32
    %scan3A_14 = arith.constant 0 : i32
    %scan3A_15 = arith.constant 16 : i32
    %scan3A_16 = arith.addi %scan3A_14, %scan3A_15 : i32
    %scan3A_17 = arith.constant 1 : i32
    scf.for %scan3A_56 = %scan3A_14 to %scan3A_16 step %scan3A_17  : i32 {
      %dma_wait3A_57 = arith.constant 0 : i32
      %dma_wait3A_58 = arith.constant 0 : i32
      %dma_wait3A_59 = tpu.memref_slice %arg9[%dma_wait3A_57, %dma_wait3A_58] : memref<50x128xf32, #tpu.memory_space<vmem>> -> memref<40x128xf32, #tpu.memory_space<vmem>>
      %dma_wait3A_60 = arith.constant 0 : i32
      %dma_wait3A_61 = tpu.memref_slice %arg21[%mul3A_0, %dma_wait3A_60] : memref<10000x128xf32, #tpu.memory_space<vmem_shared>> -> memref<40x128xf32, #tpu.memory_space<vmem_shared>>
      %dma_wait3A_62 = arith.constant 0 : i32
      %dma_wait3A_63 = tpu.memref_slice %arg21[%mul3A_0, %dma_wait3A_62] : memref<10000x128xf32, #tpu.memory_space<vmem_shared>> -> memref<40x128xf32, #tpu.memory_space<vmem_shared>>
      %dma_wait3A_64 = arith.constant 0 : i32
      %dma_wait3A_65 = arith.constant 0 : i32
      %dma_wait3A_66 = tpu.memref_slice %arg9[%dma_wait3A_64, %dma_wait3A_65] : memref<50x128xf32, #tpu.memory_space<vmem>> -> memref<40x128xf32, #tpu.memory_space<vmem>>
      tpu.wait_dma2 semaphore(%arg13 : memref<!tpu.dma_semaphore, #tpu.memory_space<semaphore_mem>>) src(%dma_wait3A_66 : memref<40x128xf32, #tpu.memory_space<vmem>>) dst(%dma_wait3A_63 : memref<40x128xf32, #tpu.memory_space<vmem_shared>>)
    }
    %scan3A_18 = arith.constant 16 : i32
    %barrier3A = arith.constant 0 : index
    tpu.barrier barrier_id(%barrier3A)
    %scan3A_19 = arith.constant 0 : i32
    %scan3A_20 = arith.constant 0 : i32
    %scan3A_21 = arith.constant 10 : i32
    %scan3A_22 = arith.addi %scan3A_20, %scan3A_21 : i32
    %scan3A_23 = arith.constant 1 : i32
    scf.for %scan3A_56 = %scan3A_20 to %scan3A_22 step %scan3A_23  : i32 {
      %mul3A_57 = arith.constant 10 : i32
      %mul3A_58 = arith.muli %arg1, %mul3A_57 : i32
      %add3A_59 = arith.addi %mul3A_58, %scan3A_56 : i32
      "tpu.region"() ({
        %run_scoped3A = tpu.sem_alloc : memref<!tpu.dma_semaphore, #tpu.memory_space<semaphore_mem>>
        %dma_start3A = arith.constant 0 : i32
        %dma_start3A_127 = arith.constant 0 : i32
        %dma_start3A_128 = tpu.memref_slice %arg4[%add3A_59, %dma_start3A, %dma_start3A_127] : memref<160x20x50xi32, #tpu.memory_space<hbm>> -> memref<1x20x50xi32, #tpu.memory_space<hbm>>
        %dma_start3A_129 = tpu.memref_squeeze %dma_start3A_128 : memref<1x20x50xi32, #tpu.memory_space<hbm>> -> memref<20x50xi32, #tpu.memory_space<hbm>>
        %dma_start3A_130 = arith.constant 0 : i32
        %dma_start3A_131 = arith.constant 0 : i32
        %dma_start3A_132 = tpu.memref_slice %arg4[%add3A_59, %dma_start3A_130, %dma_start3A_131] : memref<160x20x50xi32, #tpu.memory_space<hbm>> -> memref<1x20x50xi32, #tpu.memory_space<hbm>>
        %dma_start3A_133 = tpu.memref_squeeze %dma_start3A_132 : memref<1x20x50xi32, #tpu.memory_space<hbm>> -> memref<20x50xi32, #tpu.memory_space<hbm>>
        tpu.enqueue_dma source(%dma_start3A_133 : memref<20x50xi32, #tpu.memory_space<hbm>>) target(%arg7 : memref<20x50xi32, #tpu.memory_space<vmem>>) target_semaphore(%run_scoped3A : memref<!tpu.dma_semaphore, #tpu.memory_space<semaphore_mem>>)
        %dma_wait3A_134 = arith.constant 0 : i32
        %dma_wait3A_135 = arith.constant 0 : i32
        %dma_wait3A_136 = tpu.memref_slice %arg4[%add3A_59, %dma_wait3A_134, %dma_wait3A_135] : memref<160x20x50xi32, #tpu.memory_space<hbm>> -> memref<1x20x50xi32, #tpu.memory_space<hbm>>
        %dma_wait3A_137 = tpu.memref_squeeze %dma_wait3A_136 : memref<1x20x50xi32, #tpu.memory_space<hbm>> -> memref<20x50xi32, #tpu.memory_space<hbm>>
        %dma_wait3A_138 = arith.constant 0 : i32
        %dma_wait3A_139 = arith.constant 0 : i32
        %dma_wait3A_140 = tpu.memref_slice %arg4[%add3A_59, %dma_wait3A_138, %dma_wait3A_139] : memref<160x20x50xi32, #tpu.memory_space<hbm>> -> memref<1x20x50xi32, #tpu.memory_space<hbm>>
        %dma_wait3A_141 = tpu.memref_squeeze %dma_wait3A_140 : memref<1x20x50xi32, #tpu.memory_space<hbm>> -> memref<20x50xi32, #tpu.memory_space<hbm>>
        tpu.wait_dma2 semaphore(%run_scoped3A : memref<!tpu.dma_semaphore, #tpu.memory_space<semaphore_mem>>) src(%dma_wait3A_141 : memref<20x50xi32, #tpu.memory_space<hbm>>) dst(%arg7 : memref<20x50xi32, #tpu.memory_space<vmem>>)
        tpu.yield
      }) : () -> ()
      "tpu.region"() ({
        %run_scoped3A = tpu.sem_alloc : memref<!tpu.dma_semaphore, #tpu.memory_space<semaphore_mem>>
        %dma_start3A = arith.constant 0 : i32
        %dma_start3A_127 = arith.constant 0 : i32
        %dma_start3A_128 = tpu.memref_slice %arg5[%add3A_59, %dma_start3A, %dma_start3A_127] : memref<160x20x50xi32, #tpu.memory_space<hbm>> -> memref<1x20x50xi32, #tpu.memory_space<hbm>>
        %dma_start3A_129 = tpu.memref_squeeze %dma_start3A_128 : memref<1x20x50xi32, #tpu.memory_space<hbm>> -> memref<20x50xi32, #tpu.memory_space<hbm>>
        %dma_start3A_130 = arith.constant 0 : i32
        %dma_start3A_131 = arith.constant 0 : i32
        %dma_start3A_132 = tpu.memref_slice %arg5[%add3A_59, %dma_start3A_130, %dma_start3A_131] : memref<160x20x50xi32, #tpu.memory_space<hbm>> -> memref<1x20x50xi32, #tpu.memory_space<hbm>>
        %dma_start3A_133 = tpu.memref_squeeze %dma_start3A_132 : memref<1x20x50xi32, #tpu.memory_space<hbm>> -> memref<20x50xi32, #tpu.memory_space<hbm>>
        tpu.enqueue_dma source(%dma_start3A_133 : memref<20x50xi32, #tpu.memory_space<hbm>>) target(%arg8 : memref<20x50xi32, #tpu.memory_space<vmem>>) target_semaphore(%run_scoped3A : memref<!tpu.dma_semaphore, #tpu.memory_space<semaphore_mem>>)
        %dma_wait3A_134 = arith.constant 0 : i32
        %dma_wait3A_135 = arith.constant 0 : i32
        %dma_wait3A_136 = tpu.memref_slice %arg5[%add3A_59, %dma_wait3A_134, %dma_wait3A_135] : memref<160x20x50xi32, #tpu.memory_space<hbm>> -> memref<1x20x50xi32, #tpu.memory_space<hbm>>
        %dma_wait3A_137 = tpu.memref_squeeze %dma_wait3A_136 : memref<1x20x50xi32, #tpu.memory_space<hbm>> -> memref<20x50xi32, #tpu.memory_space<hbm>>
        %dma_wait3A_138 = arith.constant 0 : i32
        %dma_wait3A_139 = arith.constant 0 : i32
        %dma_wait3A_140 = tpu.memref_slice %arg5[%add3A_59, %dma_wait3A_138, %dma_wait3A_139] : memref<160x20x50xi32, #tpu.memory_space<hbm>> -> memref<1x20x50xi32, #tpu.memory_space<hbm>>
        %dma_wait3A_141 = tpu.memref_squeeze %dma_wait3A_140 : memref<1x20x50xi32, #tpu.memory_space<hbm>> -> memref<20x50xi32, #tpu.memory_space<hbm>>
        tpu.wait_dma2 semaphore(%run_scoped3A : memref<!tpu.dma_semaphore, #tpu.memory_space<semaphore_mem>>) src(%dma_wait3A_141 : memref<20x50xi32, #tpu.memory_space<hbm>>) dst(%arg8 : memref<20x50xi32, #tpu.memory_space<vmem>>)
        tpu.yield
      }) : () -> ()
      %eq3A = arith.constant 0 : i32
      %eq3A_60 = arith.cmpi eq, %arg0, %eq3A : i32
      %convert_element_type3A = arith.extui %eq3A_60 : i1 to i32
      %cond3A = arith.constant 0 : i32
      %cond3A_61 = arith.constant 0 : i32
      %cond3A_62 = arith.cmpi ne, %convert_element_type3A, %cond3A_61 : i32
      scf.if %cond3A_62 {
        %dma_start3A = arith.constant 0 : i32
        %dma_start3A_127 = tpu.memref_slice %arg7[%cond3A, %dma_start3A] : memref<20x50xi32, #tpu.memory_space<vmem>> -> memref<1x50xi32, #tpu.memory_space<vmem>>
        %dma_start3A_128 = tpu.memref_squeeze %dma_start3A_127 : memref<1x50xi32, #tpu.memory_space<vmem>> -> memref<50xi32, #tpu.memory_space<vmem>>
        %dma_start3A_129 = arith.constant 0 : i32
        %dma_start3A_130 = arith.constant 0 : i32
        %dma_start3A_131 = tpu.memref_slice %arg2[%dma_start3A_129, %dma_start3A_130] : memref<10000x128xf32, #tpu.memory_space<hbm>> -> memref<10000x128xf32, #tpu.memory_space<hbm>>
        tpu.enqueue_indirect_dma source(%dma_start3A_131 : memref<10000x128xf32, #tpu.memory_space<hbm>>) target(%arg9 : memref<50x128xf32, #tpu.memory_space<vmem>>) offsets(%dma_start3A_128 : memref<50xi32, #tpu.memory_space<vmem>>) semaphore(%arg13 : memref<!tpu.dma_semaphore, #tpu.memory_space<semaphore_mem>>)
      } else {
      }
      %eq3A_63 = arith.constant 1 : i32
      %eq3A_64 = arith.cmpi eq, %arg0, %eq3A_63 : i32
      %convert_element_type3A_65 = arith.extui %eq3A_64 : i1 to i32
      %cond3A_66 = arith.constant 0 : i32
      %cond3A_67 = arith.constant 0 : i32
      %cond3A_68 = arith.cmpi ne, %convert_element_type3A_65, %cond3A_67 : i32
      scf.if %cond3A_68 {
        %dma_start3A = arith.constant 0 : i32
        %dma_start3A_127 = tpu.memref_slice %arg7[%cond3A_66, %dma_start3A] : memref<20x50xi32, #tpu.memory_space<vmem>> -> memref<1x50xi32, #tpu.memory_space<vmem>>
        %dma_start3A_128 = tpu.memref_squeeze %dma_start3A_127 : memref<1x50xi32, #tpu.memory_space<vmem>> -> memref<50xi32, #tpu.memory_space<vmem>>
        %dma_start3A_129 = arith.constant 0 : i32
        %dma_start3A_130 = arith.constant 0 : i32
        %dma_start3A_131 = tpu.memref_slice %arg3[%dma_start3A_129, %dma_start3A_130] : memref<10000x128xf32, #tpu.memory_space<hbm>> -> memref<10000x128xf32, #tpu.memory_space<hbm>>
        tpu.enqueue_indirect_dma source(%dma_start3A_131 : memref<10000x128xf32, #tpu.memory_space<hbm>>) target(%arg9 : memref<50x128xf32, #tpu.memory_space<vmem>>) offsets(%dma_start3A_128 : memref<50xi32, #tpu.memory_space<vmem>>) semaphore(%arg13 : memref<!tpu.dma_semaphore, #tpu.memory_space<semaphore_mem>>)
      } else {
      }
      %eq3A_69 = arith.constant 0 : i32
      %eq3A_70 = arith.cmpi eq, %arg0, %eq3A_69 : i32
      %convert_element_type3A_71 = arith.extui %eq3A_70 : i1 to i32
      %cond3A_72 = arith.constant 1 : i32
      %cond3A_73 = arith.constant 0 : i32
      %cond3A_74 = arith.cmpi ne, %convert_element_type3A_71, %cond3A_73 : i32
      scf.if %cond3A_74 {
        %dma_start3A = arith.constant 0 : i32
        %dma_start3A_127 = tpu.memref_slice %arg7[%cond3A_72, %dma_start3A] : memref<20x50xi32, #tpu.memory_space<vmem>> -> memref<1x50xi32, #tpu.memory_space<vmem>>
        %dma_start3A_128 = tpu.memref_squeeze %dma_start3A_127 : memref<1x50xi32, #tpu.memory_space<vmem>> -> memref<50xi32, #tpu.memory_space<vmem>>
        %dma_start3A_129 = arith.constant 0 : i32
        %dma_start3A_130 = arith.constant 0 : i32
        %dma_start3A_131 = tpu.memref_slice %arg2[%dma_start3A_129, %dma_start3A_130] : memref<10000x128xf32, #tpu.memory_space<hbm>> -> memref<10000x128xf32, #tpu.memory_space<hbm>>
        tpu.enqueue_indirect_dma source(%dma_start3A_131 : memref<10000x128xf32, #tpu.memory_space<hbm>>) target(%arg10 : memref<50x128xf32, #tpu.memory_space<vmem>>) offsets(%dma_start3A_128 : memref<50xi32, #tpu.memory_space<vmem>>) semaphore(%arg14 : memref<!tpu.dma_semaphore, #tpu.memory_space<semaphore_mem>>)
      } else {
      }
      %eq3A_75 = arith.constant 1 : i32
      %eq3A_76 = arith.cmpi eq, %arg0, %eq3A_75 : i32
      %convert_element_type3A_77 = arith.extui %eq3A_76 : i1 to i32
      %cond3A_78 = arith.constant 1 : i32
      %cond3A_79 = arith.constant 0 : i32
      %cond3A_80 = arith.cmpi ne, %convert_element_type3A_77, %cond3A_79 : i32
      scf.if %cond3A_80 {
        %dma_start3A = arith.constant 0 : i32
        %dma_start3A_127 = tpu.memref_slice %arg7[%cond3A_78, %dma_start3A] : memref<20x50xi32, #tpu.memory_space<vmem>> -> memref<1x50xi32, #tpu.memory_space<vmem>>
        %dma_start3A_128 = tpu.memref_squeeze %dma_start3A_127 : memref<1x50xi32, #tpu.memory_space<vmem>> -> memref<50xi32, #tpu.memory_space<vmem>>
        %dma_start3A_129 = arith.constant 0 : i32
        %dma_start3A_130 = arith.constant 0 : i32
        %dma_start3A_131 = tpu.memref_slice %arg3[%dma_start3A_129, %dma_start3A_130] : memref<10000x128xf32, #tpu.memory_space<hbm>> -> memref<10000x128xf32, #tpu.memory_space<hbm>>
        tpu.enqueue_indirect_dma source(%dma_start3A_131 : memref<10000x128xf32, #tpu.memory_space<hbm>>) target(%arg10 : memref<50x128xf32, #tpu.memory_space<vmem>>) offsets(%dma_start3A_128 : memref<50xi32, #tpu.memory_space<vmem>>) semaphore(%arg14 : memref<!tpu.dma_semaphore, #tpu.memory_space<semaphore_mem>>)
      } else {
      }
      %eq3A_81 = arith.constant 0 : i32
      %eq3A_82 = arith.cmpi eq, %arg0, %eq3A_81 : i32
      %convert_element_type3A_83 = arith.extui %eq3A_82 : i1 to i32
      %cond3A_84 = arith.constant 2 : i32
      %cond3A_85 = arith.constant 0 : i32
      %cond3A_86 = arith.cmpi ne, %convert_element_type3A_83, %cond3A_85 : i32
      scf.if %cond3A_86 {
        %dma_start3A = arith.constant 0 : i32
        %dma_start3A_127 = tpu.memref_slice %arg7[%cond3A_84, %dma_start3A] : memref<20x50xi32, #tpu.memory_space<vmem>> -> memref<1x50xi32, #tpu.memory_space<vmem>>
        %dma_start3A_128 = tpu.memref_squeeze %dma_start3A_127 : memref<1x50xi32, #tpu.memory_space<vmem>> -> memref<50xi32, #tpu.memory_space<vmem>>
        %dma_start3A_129 = arith.constant 0 : i32
        %dma_start3A_130 = arith.constant 0 : i32
        %dma_start3A_131 = tpu.memref_slice %arg2[%dma_start3A_129, %dma_start3A_130] : memref<10000x128xf32, #tpu.memory_space<hbm>> -> memref<10000x128xf32, #tpu.memory_space<hbm>>
        tpu.enqueue_indirect_dma source(%dma_start3A_131 : memref<10000x128xf32, #tpu.memory_space<hbm>>) target(%arg11 : memref<50x128xf32, #tpu.memory_space<vmem>>) offsets(%dma_start3A_128 : memref<50xi32, #tpu.memory_space<vmem>>) semaphore(%arg15 : memref<!tpu.dma_semaphore, #tpu.memory_space<semaphore_mem>>)
      } else {
      }
      %eq3A_87 = arith.constant 1 : i32
      %eq3A_88 = arith.cmpi eq, %arg0, %eq3A_87 : i32
      %convert_element_type3A_89 = arith.extui %eq3A_88 : i1 to i32
      %cond3A_90 = arith.constant 2 : i32
      %cond3A_91 = arith.constant 0 : i32
      %cond3A_92 = arith.cmpi ne, %convert_element_type3A_89, %cond3A_91 : i32
      scf.if %cond3A_92 {
        %dma_start3A = arith.constant 0 : i32
        %dma_start3A_127 = tpu.memref_slice %arg7[%cond3A_90, %dma_start3A] : memref<20x50xi32, #tpu.memory_space<vmem>> -> memref<1x50xi32, #tpu.memory_space<vmem>>
        %dma_start3A_128 = tpu.memref_squeeze %dma_start3A_127 : memref<1x50xi32, #tpu.memory_space<vmem>> -> memref<50xi32, #tpu.memory_space<vmem>>
        %dma_start3A_129 = arith.constant 0 : i32
        %dma_start3A_130 = arith.constant 0 : i32
        %dma_start3A_131 = tpu.memref_slice %arg3[%dma_start3A_129, %dma_start3A_130] : memref<10000x128xf32, #tpu.memory_space<hbm>> -> memref<10000x128xf32, #tpu.memory_space<hbm>>
        tpu.enqueue_indirect_dma source(%dma_start3A_131 : memref<10000x128xf32, #tpu.memory_space<hbm>>) target(%arg11 : memref<50x128xf32, #tpu.memory_space<vmem>>) offsets(%dma_start3A_128 : memref<50xi32, #tpu.memory_space<vmem>>) semaphore(%arg15 : memref<!tpu.dma_semaphore, #tpu.memory_space<semaphore_mem>>)
      } else {
      }
      %scan3A_93 = arith.constant 0 : i32
      %scan3A_94 = arith.constant 0 : i32
      %scan3A_95 = arith.constant 5 : i32
      %scan3A_96 = arith.addi %scan3A_94, %scan3A_95 : i32
      %scan3A_97 = arith.constant 1 : i32
      scf.for %scan3A_127 = %scan3A_94 to %scan3A_96 step %scan3A_97  : i32 {
        %mul3A_128 = arith.constant 4 : i32
        %mul3A_129 = arith.muli %mul3A_128, %scan3A_127 : i32
        %add3A_130 = arith.constant 0 : i32
        %add3A_131 = arith.addi %mul3A_129, %add3A_130 : i32
        %add3A_132 = arith.constant 3 : i32
        %add3A_133 = arith.addi %add3A_131, %add3A_132 : i32
        %lt3A = arith.constant 20 : i32
        %lt3A_134 = arith.cmpi slt, %add3A_133, %lt3A : i32
        %convert_element_type3A_135 = arith.extui %lt3A_134 : i1 to i32
        %cond3A_136 = arith.constant 0 : i32
        %cond3A_137 = arith.cmpi ne, %convert_element_type3A_135, %cond3A_136 : i32
        scf.if %cond3A_137 {
          %add3A_222 = arith.constant 3 : i32
          %add3A_223 = arith.addi %add3A_131, %add3A_222 : i32
          %ge3A = arith.constant 4 : i32
          %ge3A_224 = arith.cmpi sge, %add3A_223, %ge3A : i32
          %convert_element_type3A_225 = arith.extui %ge3A_224 : i1 to i32
          %cond3A_226 = arith.constant 0 : i32
          %cond3A_227 = arith.cmpi ne, %convert_element_type3A_225, %cond3A_226 : i32
          scf.if %cond3A_227 {
            %dma_wait3A_240 = arith.constant 0 : i32
            %dma_wait3A_241 = arith.constant 0 : i32
            %dma_wait3A_242 = tpu.memref_slice %arg8[%dma_wait3A_240, %dma_wait3A_241] : memref<20x50xi32, #tpu.memory_space<vmem>> -> memref<1x50xi32, #tpu.memory_space<vmem>>
            %dma_wait3A_243 = tpu.memref_squeeze %dma_wait3A_242 : memref<1x50xi32, #tpu.memory_space<vmem>> -> memref<50xi32, #tpu.memory_space<vmem>>
            %dma_wait3A_244 = arith.constant 0 : i32
            %dma_wait3A_245 = arith.constant 0 : i32
            %dma_wait3A_246 = tpu.memref_slice %arg21[%dma_wait3A_244, %dma_wait3A_245] : memref<10000x128xf32, #tpu.memory_space<vmem_shared>> -> memref<10000x128xf32, #tpu.memory_space<vmem_shared>>
            tpu.wait_indirect_dma semaphore(%arg20 : memref<!tpu.dma_semaphore, #tpu.memory_space<semaphore_mem>>) src(%arg12 : memref<50x128xf32, #tpu.memory_space<vmem>>) dst(%dma_wait3A_246 : memref<10000x128xf32, #tpu.memory_space<vmem_shared>>)
          } else {
          }
          %add3A_228 = arith.constant 3 : i32
          %add3A_229 = arith.addi %add3A_131, %add3A_228 : i32
          %eq3A_230 = arith.constant 0 : i32
          %eq3A_231 = arith.cmpi eq, %arg0, %eq3A_230 : i32
          %convert_element_type3A_232 = arith.extui %eq3A_231 : i1 to i32
          %cond3A_233 = arith.constant 0 : i32
          %cond3A_234 = arith.cmpi ne, %convert_element_type3A_232, %cond3A_233 : i32
          scf.if %cond3A_234 {
            %dma_start3A_240 = arith.constant 0 : i32
            %dma_start3A_241 = tpu.memref_slice %arg7[%add3A_229, %dma_start3A_240] : memref<20x50xi32, #tpu.memory_space<vmem>> -> memref<1x50xi32, #tpu.memory_space<vmem>>
            %dma_start3A_242 = tpu.memref_squeeze %dma_start3A_241 : memref<1x50xi32, #tpu.memory_space<vmem>> -> memref<50xi32, #tpu.memory_space<vmem>>
            %dma_start3A_243 = arith.constant 0 : i32
            %dma_start3A_244 = arith.constant 0 : i32
            %dma_start3A_245 = tpu.memref_slice %arg2[%dma_start3A_243, %dma_start3A_244] : memref<10000x128xf32, #tpu.memory_space<hbm>> -> memref<10000x128xf32, #tpu.memory_space<hbm>>
            tpu.enqueue_indirect_dma source(%dma_start3A_245 : memref<10000x128xf32, #tpu.memory_space<hbm>>) target(%arg12 : memref<50x128xf32, #tpu.memory_space<vmem>>) offsets(%dma_start3A_242 : memref<50xi32, #tpu.memory_space<vmem>>) semaphore(%arg16 : memref<!tpu.dma_semaphore, #tpu.memory_space<semaphore_mem>>)
          } else {
          }
          %eq3A_235 = arith.constant 1 : i32
          %eq3A_236 = arith.cmpi eq, %arg0, %eq3A_235 : i32
          %convert_element_type3A_237 = arith.extui %eq3A_236 : i1 to i32
          %cond3A_238 = arith.constant 0 : i32
          %cond3A_239 = arith.cmpi ne, %convert_element_type3A_237, %cond3A_238 : i32
          scf.if %cond3A_239 {
            %dma_start3A_240 = arith.constant 0 : i32
            %dma_start3A_241 = tpu.memref_slice %arg7[%add3A_229, %dma_start3A_240] : memref<20x50xi32, #tpu.memory_space<vmem>> -> memref<1x50xi32, #tpu.memory_space<vmem>>
            %dma_start3A_242 = tpu.memref_squeeze %dma_start3A_241 : memref<1x50xi32, #tpu.memory_space<vmem>> -> memref<50xi32, #tpu.memory_space<vmem>>
            %dma_start3A_243 = arith.constant 0 : i32
            %dma_start3A_244 = arith.constant 0 : i32
            %dma_start3A_245 = tpu.memref_slice %arg3[%dma_start3A_243, %dma_start3A_244] : memref<10000x128xf32, #tpu.memory_space<hbm>> -> memref<10000x128xf32, #tpu.memory_space<hbm>>
            tpu.enqueue_indirect_dma source(%dma_start3A_245 : memref<10000x128xf32, #tpu.memory_space<hbm>>) target(%arg12 : memref<50x128xf32, #tpu.memory_space<vmem>>) offsets(%dma_start3A_242 : memref<50xi32, #tpu.memory_space<vmem>>) semaphore(%arg16 : memref<!tpu.dma_semaphore, #tpu.memory_space<semaphore_mem>>)
          } else {
          }
        } else {
        }
        %dma_wait3A_138 = arith.constant 0 : i32
        %dma_wait3A_139 = arith.constant 0 : i32
        %dma_wait3A_140 = tpu.memref_slice %arg7[%dma_wait3A_138, %dma_wait3A_139] : memref<20x50xi32, #tpu.memory_space<vmem>> -> memref<1x50xi32, #tpu.memory_space<vmem>>
        %dma_wait3A_141 = tpu.memref_squeeze %dma_wait3A_140 : memref<1x50xi32, #tpu.memory_space<vmem>> -> memref<50xi32, #tpu.memory_space<vmem>>
        %dma_wait3A_142 = arith.constant 0 : i32
        %dma_wait3A_143 = arith.constant 0 : i32
        %dma_wait3A_144 = tpu.memref_slice %arg2[%dma_wait3A_142, %dma_wait3A_143] : memref<10000x128xf32, #tpu.memory_space<hbm>> -> memref<10000x128xf32, #tpu.memory_space<hbm>>
        tpu.wait_indirect_dma semaphore(%arg13 : memref<!tpu.dma_semaphore, #tpu.memory_space<semaphore_mem>>) src(%dma_wait3A_144 : memref<10000x128xf32, #tpu.memory_space<hbm>>) dst(%arg9 : memref<50x128xf32, #tpu.memory_space<vmem>>)
        %dma_start3A = arith.constant 0 : i32
        %dma_start3A_145 = tpu.memref_slice %arg8[%add3A_131, %dma_start3A] : memref<20x50xi32, #tpu.memory_space<vmem>> -> memref<1x50xi32, #tpu.memory_space<vmem>>
        %dma_start3A_146 = tpu.memref_squeeze %dma_start3A_145 : memref<1x50xi32, #tpu.memory_space<vmem>> -> memref<50xi32, #tpu.memory_space<vmem>>
        %dma_start3A_147 = arith.constant 0 : i32
        %dma_start3A_148 = arith.constant 0 : i32
        %dma_start3A_149 = tpu.memref_slice %arg21[%dma_start3A_147, %dma_start3A_148] : memref<10000x128xf32, #tpu.memory_space<vmem_shared>> -> memref<10000x128xf32, #tpu.memory_space<vmem_shared>>
        tpu.enqueue_indirect_dma source(%arg9 : memref<50x128xf32, #tpu.memory_space<vmem>>) target(%dma_start3A_149 : memref<10000x128xf32, #tpu.memory_space<vmem_shared>>) offsets(%dma_start3A_146 : memref<50xi32, #tpu.memory_space<vmem>>) semaphore(%arg17 : memref<!tpu.dma_semaphore, #tpu.memory_space<semaphore_mem>>) {add = true}
        %mul3A_150 = arith.constant 4 : i32
        %mul3A_151 = arith.muli %mul3A_150, %scan3A_127 : i32
        %add3A_152 = arith.constant 1 : i32
        %add3A_153 = arith.addi %mul3A_151, %add3A_152 : i32
        %add3A_154 = arith.constant 3 : i32
        %add3A_155 = arith.addi %add3A_153, %add3A_154 : i32
        %lt3A_156 = arith.constant 20 : i32
        %lt3A_157 = arith.cmpi slt, %add3A_155, %lt3A_156 : i32
        %convert_element_type3A_158 = arith.extui %lt3A_157 : i1 to i32
        %cond3A_159 = arith.constant 0 : i32
        %cond3A_160 = arith.cmpi ne, %convert_element_type3A_158, %cond3A_159 : i32
        scf.if %cond3A_160 {
          %add3A_222 = arith.constant 3 : i32
          %add3A_223 = arith.addi %add3A_153, %add3A_222 : i32
          %ge3A = arith.constant 4 : i32
          %ge3A_224 = arith.cmpi sge, %add3A_223, %ge3A : i32
          %convert_element_type3A_225 = arith.extui %ge3A_224 : i1 to i32
          %cond3A_226 = arith.constant 0 : i32
          %cond3A_227 = arith.cmpi ne, %convert_element_type3A_225, %cond3A_226 : i32
          scf.if %cond3A_227 {
            %dma_wait3A_240 = arith.constant 0 : i32
            %dma_wait3A_241 = arith.constant 0 : i32
            %dma_wait3A_242 = tpu.memref_slice %arg8[%dma_wait3A_240, %dma_wait3A_241] : memref<20x50xi32, #tpu.memory_space<vmem>> -> memref<1x50xi32, #tpu.memory_space<vmem>>
            %dma_wait3A_243 = tpu.memref_squeeze %dma_wait3A_242 : memref<1x50xi32, #tpu.memory_space<vmem>> -> memref<50xi32, #tpu.memory_space<vmem>>
            %dma_wait3A_244 = arith.constant 0 : i32
            %dma_wait3A_245 = arith.constant 0 : i32
            %dma_wait3A_246 = tpu.memref_slice %arg21[%dma_wait3A_244, %dma_wait3A_245] : memref<10000x128xf32, #tpu.memory_space<vmem_shared>> -> memref<10000x128xf32, #tpu.memory_space<vmem_shared>>
            tpu.wait_indirect_dma semaphore(%arg17 : memref<!tpu.dma_semaphore, #tpu.memory_space<semaphore_mem>>) src(%arg9 : memref<50x128xf32, #tpu.memory_space<vmem>>) dst(%dma_wait3A_246 : memref<10000x128xf32, #tpu.memory_space<vmem_shared>>)
          } else {
          }
          %add3A_228 = arith.constant 3 : i32
          %add3A_229 = arith.addi %add3A_153, %add3A_228 : i32
          %eq3A_230 = arith.constant 0 : i32
          %eq3A_231 = arith.cmpi eq, %arg0, %eq3A_230 : i32
          %convert_element_type3A_232 = arith.extui %eq3A_231 : i1 to i32
          %cond3A_233 = arith.constant 0 : i32
          %cond3A_234 = arith.cmpi ne, %convert_element_type3A_232, %cond3A_233 : i32
          scf.if %cond3A_234 {
            %dma_start3A_240 = arith.constant 0 : i32
            %dma_start3A_241 = tpu.memref_slice %arg7[%add3A_229, %dma_start3A_240] : memref<20x50xi32, #tpu.memory_space<vmem>> -> memref<1x50xi32, #tpu.memory_space<vmem>>
            %dma_start3A_242 = tpu.memref_squeeze %dma_start3A_241 : memref<1x50xi32, #tpu.memory_space<vmem>> -> memref<50xi32, #tpu.memory_space<vmem>>
            %dma_start3A_243 = arith.constant 0 : i32
            %dma_start3A_244 = arith.constant 0 : i32
            %dma_start3A_245 = tpu.memref_slice %arg2[%dma_start3A_243, %dma_start3A_244] : memref<10000x128xf32, #tpu.memory_space<hbm>> -> memref<10000x128xf32, #tpu.memory_space<hbm>>
            tpu.enqueue_indirect_dma source(%dma_start3A_245 : memref<10000x128xf32, #tpu.memory_space<hbm>>) target(%arg9 : memref<50x128xf32, #tpu.memory_space<vmem>>) offsets(%dma_start3A_242 : memref<50xi32, #tpu.memory_space<vmem>>) semaphore(%arg13 : memref<!tpu.dma_semaphore, #tpu.memory_space<semaphore_mem>>)
          } else {
          }
          %eq3A_235 = arith.constant 1 : i32
          %eq3A_236 = arith.cmpi eq, %arg0, %eq3A_235 : i32
          %convert_element_type3A_237 = arith.extui %eq3A_236 : i1 to i32
          %cond3A_238 = arith.constant 0 : i32
          %cond3A_239 = arith.cmpi ne, %convert_element_type3A_237, %cond3A_238 : i32
          scf.if %cond3A_239 {
            %dma_start3A_240 = arith.constant 0 : i32
            %dma_start3A_241 = tpu.memref_slice %arg7[%add3A_229, %dma_start3A_240] : memref<20x50xi32, #tpu.memory_space<vmem>> -> memref<1x50xi32, #tpu.memory_space<vmem>>
            %dma_start3A_242 = tpu.memref_squeeze %dma_start3A_241 : memref<1x50xi32, #tpu.memory_space<vmem>> -> memref<50xi32, #tpu.memory_space<vmem>>
            %dma_start3A_243 = arith.constant 0 : i32
            %dma_start3A_244 = arith.constant 0 : i32
            %dma_start3A_245 = tpu.memref_slice %arg3[%dma_start3A_243, %dma_start3A_244] : memref<10000x128xf32, #tpu.memory_space<hbm>> -> memref<10000x128xf32, #tpu.memory_space<hbm>>
            tpu.enqueue_indirect_dma source(%dma_start3A_245 : memref<10000x128xf32, #tpu.memory_space<hbm>>) target(%arg9 : memref<50x128xf32, #tpu.memory_space<vmem>>) offsets(%dma_start3A_242 : memref<50xi32, #tpu.memory_space<vmem>>) semaphore(%arg13 : memref<!tpu.dma_semaphore, #tpu.memory_space<semaphore_mem>>)
          } else {
          }
        } else {
        }
        %dma_wait3A_161 = arith.constant 0 : i32
        %dma_wait3A_162 = arith.constant 0 : i32
        %dma_wait3A_163 = tpu.memref_slice %arg7[%dma_wait3A_161, %dma_wait3A_162] : memref<20x50xi32, #tpu.memory_space<vmem>> -> memref<1x50xi32, #tpu.memory_space<vmem>>
        %dma_wait3A_164 = tpu.memref_squeeze %dma_wait3A_163 : memref<1x50xi32, #tpu.memory_space<vmem>> -> memref<50xi32, #tpu.memory_space<vmem>>
        %dma_wait3A_165 = arith.constant 0 : i32
        %dma_wait3A_166 = arith.constant 0 : i32
        %dma_wait3A_167 = tpu.memref_slice %arg2[%dma_wait3A_165, %dma_wait3A_166] : memref<10000x128xf32, #tpu.memory_space<hbm>> -> memref<10000x128xf32, #tpu.memory_space<hbm>>
        tpu.wait_indirect_dma semaphore(%arg14 : memref<!tpu.dma_semaphore, #tpu.memory_space<semaphore_mem>>) src(%dma_wait3A_167 : memref<10000x128xf32, #tpu.memory_space<hbm>>) dst(%arg10 : memref<50x128xf32, #tpu.memory_space<vmem>>)
        %dma_start3A_168 = arith.constant 0 : i32
        %dma_start3A_169 = tpu.memref_slice %arg8[%add3A_153, %dma_start3A_168] : memref<20x50xi32, #tpu.memory_space<vmem>> -> memref<1x50xi32, #tpu.memory_space<vmem>>
        %dma_start3A_170 = tpu.memref_squeeze %dma_start3A_169 : memref<1x50xi32, #tpu.memory_space<vmem>> -> memref<50xi32, #tpu.memory_space<vmem>>
        %dma_start3A_171 = arith.constant 0 : i32
        %dma_start3A_172 = arith.constant 0 : i32
        %dma_start3A_173 = tpu.memref_slice %arg21[%dma_start3A_171, %dma_start3A_172] : memref<10000x128xf32, #tpu.memory_space<vmem_shared>> -> memref<10000x128xf32, #tpu.memory_space<vmem_shared>>
        tpu.enqueue_indirect_dma source(%arg10 : memref<50x128xf32, #tpu.memory_space<vmem>>) target(%dma_start3A_173 : memref<10000x128xf32, #tpu.memory_space<vmem_shared>>) offsets(%dma_start3A_170 : memref<50xi32, #tpu.memory_space<vmem>>) semaphore(%arg18 : memref<!tpu.dma_semaphore, #tpu.memory_space<semaphore_mem>>) {add = true}
        %mul3A_174 = arith.constant 4 : i32
        %mul3A_175 = arith.muli %mul3A_174, %scan3A_127 : i32
        %add3A_176 = arith.constant 2 : i32
        %add3A_177 = arith.addi %mul3A_175, %add3A_176 : i32
        %add3A_178 = arith.constant 3 : i32
        %add3A_179 = arith.addi %add3A_177, %add3A_178 : i32
        %lt3A_180 = arith.constant 20 : i32
        %lt3A_181 = arith.cmpi slt, %add3A_179, %lt3A_180 : i32
        %convert_element_type3A_182 = arith.extui %lt3A_181 : i1 to i32
        %cond3A_183 = arith.constant 0 : i32
        %cond3A_184 = arith.cmpi ne, %convert_element_type3A_182, %cond3A_183 : i32
        scf.if %cond3A_184 {
          %add3A_222 = arith.constant 3 : i32
          %add3A_223 = arith.addi %add3A_177, %add3A_222 : i32
          %ge3A = arith.constant 4 : i32
          %ge3A_224 = arith.cmpi sge, %add3A_223, %ge3A : i32
          %convert_element_type3A_225 = arith.extui %ge3A_224 : i1 to i32
          %cond3A_226 = arith.constant 0 : i32
          %cond3A_227 = arith.cmpi ne, %convert_element_type3A_225, %cond3A_226 : i32
          scf.if %cond3A_227 {
            %dma_wait3A_240 = arith.constant 0 : i32
            %dma_wait3A_241 = arith.constant 0 : i32
            %dma_wait3A_242 = tpu.memref_slice %arg8[%dma_wait3A_240, %dma_wait3A_241] : memref<20x50xi32, #tpu.memory_space<vmem>> -> memref<1x50xi32, #tpu.memory_space<vmem>>
            %dma_wait3A_243 = tpu.memref_squeeze %dma_wait3A_242 : memref<1x50xi32, #tpu.memory_space<vmem>> -> memref<50xi32, #tpu.memory_space<vmem>>
            %dma_wait3A_244 = arith.constant 0 : i32
            %dma_wait3A_245 = arith.constant 0 : i32
            %dma_wait3A_246 = tpu.memref_slice %arg21[%dma_wait3A_244, %dma_wait3A_245] : memref<10000x128xf32, #tpu.memory_space<vmem_shared>> -> memref<10000x128xf32, #tpu.memory_space<vmem_shared>>
            tpu.wait_indirect_dma semaphore(%arg18 : memref<!tpu.dma_semaphore, #tpu.memory_space<semaphore_mem>>) src(%arg10 : memref<50x128xf32, #tpu.memory_space<vmem>>) dst(%dma_wait3A_246 : memref<10000x128xf32, #tpu.memory_space<vmem_shared>>)
          } else {
          }
          %add3A_228 = arith.constant 3 : i32
          %add3A_229 = arith.addi %add3A_177, %add3A_228 : i32
          %eq3A_230 = arith.constant 0 : i32
          %eq3A_231 = arith.cmpi eq, %arg0, %eq3A_230 : i32
          %convert_element_type3A_232 = arith.extui %eq3A_231 : i1 to i32
          %cond3A_233 = arith.constant 0 : i32
          %cond3A_234 = arith.cmpi ne, %convert_element_type3A_232, %cond3A_233 : i32
          scf.if %cond3A_234 {
            %dma_start3A_240 = arith.constant 0 : i32
            %dma_start3A_241 = tpu.memref_slice %arg7[%add3A_229, %dma_start3A_240] : memref<20x50xi32, #tpu.memory_space<vmem>> -> memref<1x50xi32, #tpu.memory_space<vmem>>
            %dma_start3A_242 = tpu.memref_squeeze %dma_start3A_241 : memref<1x50xi32, #tpu.memory_space<vmem>> -> memref<50xi32, #tpu.memory_space<vmem>>
            %dma_start3A_243 = arith.constant 0 : i32
            %dma_start3A_244 = arith.constant 0 : i32
            %dma_start3A_245 = tpu.memref_slice %arg2[%dma_start3A_243, %dma_start3A_244] : memref<10000x128xf32, #tpu.memory_space<hbm>> -> memref<10000x128xf32, #tpu.memory_space<hbm>>
            tpu.enqueue_indirect_dma source(%dma_start3A_245 : memref<10000x128xf32, #tpu.memory_space<hbm>>) target(%arg10 : memref<50x128xf32, #tpu.memory_space<vmem>>) offsets(%dma_start3A_242 : memref<50xi32, #tpu.memory_space<vmem>>) semaphore(%arg14 : memref<!tpu.dma_semaphore, #tpu.memory_space<semaphore_mem>>)
          } else {
          }
          %eq3A_235 = arith.constant 1 : i32
          %eq3A_236 = arith.cmpi eq, %arg0, %eq3A_235 : i32
          %convert_element_type3A_237 = arith.extui %eq3A_236 : i1 to i32
          %cond3A_238 = arith.constant 0 : i32
          %cond3A_239 = arith.cmpi ne, %convert_element_type3A_237, %cond3A_238 : i32
          scf.if %cond3A_239 {
            %dma_start3A_240 = arith.constant 0 : i32
            %dma_start3A_241 = tpu.memref_slice %arg7[%add3A_229, %dma_start3A_240] : memref<20x50xi32, #tpu.memory_space<vmem>> -> memref<1x50xi32, #tpu.memory_space<vmem>>
            %dma_start3A_242 = tpu.memref_squeeze %dma_start3A_241 : memref<1x50xi32, #tpu.memory_space<vmem>> -> memref<50xi32, #tpu.memory_space<vmem>>
            %dma_start3A_243 = arith.constant 0 : i32
            %dma_start3A_244 = arith.constant 0 : i32
            %dma_start3A_245 = tpu.memref_slice %arg3[%dma_start3A_243, %dma_start3A_244] : memref<10000x128xf32, #tpu.memory_space<hbm>> -> memref<10000x128xf32, #tpu.memory_space<hbm>>
            tpu.enqueue_indirect_dma source(%dma_start3A_245 : memref<10000x128xf32, #tpu.memory_space<hbm>>) target(%arg10 : memref<50x128xf32, #tpu.memory_space<vmem>>) offsets(%dma_start3A_242 : memref<50xi32, #tpu.memory_space<vmem>>) semaphore(%arg14 : memref<!tpu.dma_semaphore, #tpu.memory_space<semaphore_mem>>)
          } else {
          }
        } else {
        }
        %dma_wait3A_185 = arith.constant 0 : i32
        %dma_wait3A_186 = arith.constant 0 : i32
        %dma_wait3A_187 = tpu.memref_slice %arg7[%dma_wait3A_185, %dma_wait3A_186] : memref<20x50xi32, #tpu.memory_space<vmem>> -> memref<1x50xi32, #tpu.memory_space<vmem>>
        %dma_wait3A_188 = tpu.memref_squeeze %dma_wait3A_187 : memref<1x50xi32, #tpu.memory_space<vmem>> -> memref<50xi32, #tpu.memory_space<vmem>>
        %dma_wait3A_189 = arith.constant 0 : i32
        %dma_wait3A_190 = arith.constant 0 : i32
        %dma_wait3A_191 = tpu.memref_slice %arg2[%dma_wait3A_189, %dma_wait3A_190] : memref<10000x128xf32, #tpu.memory_space<hbm>> -> memref<10000x128xf32, #tpu.memory_space<hbm>>
        tpu.wait_indirect_dma semaphore(%arg15 : memref<!tpu.dma_semaphore, #tpu.memory_space<semaphore_mem>>) src(%dma_wait3A_191 : memref<10000x128xf32, #tpu.memory_space<hbm>>) dst(%arg11 : memref<50x128xf32, #tpu.memory_space<vmem>>)
        %dma_start3A_192 = arith.constant 0 : i32
        %dma_start3A_193 = tpu.memref_slice %arg8[%add3A_177, %dma_start3A_192] : memref<20x50xi32, #tpu.memory_space<vmem>> -> memref<1x50xi32, #tpu.memory_space<vmem>>
        %dma_start3A_194 = tpu.memref_squeeze %dma_start3A_193 : memref<1x50xi32, #tpu.memory_space<vmem>> -> memref<50xi32, #tpu.memory_space<vmem>>
        %dma_start3A_195 = arith.constant 0 : i32
        %dma_start3A_196 = arith.constant 0 : i32
        %dma_start3A_197 = tpu.memref_slice %arg21[%dma_start3A_195, %dma_start3A_196] : memref<10000x128xf32, #tpu.memory_space<vmem_shared>> -> memref<10000x128xf32, #tpu.memory_space<vmem_shared>>
        tpu.enqueue_indirect_dma source(%arg11 : memref<50x128xf32, #tpu.memory_space<vmem>>) target(%dma_start3A_197 : memref<10000x128xf32, #tpu.memory_space<vmem_shared>>) offsets(%dma_start3A_194 : memref<50xi32, #tpu.memory_space<vmem>>) semaphore(%arg19 : memref<!tpu.dma_semaphore, #tpu.memory_space<semaphore_mem>>) {add = true}
        %mul3A_198 = arith.constant 4 : i32
        %mul3A_199 = arith.muli %mul3A_198, %scan3A_127 : i32
        %add3A_200 = arith.constant 3 : i32
        %add3A_201 = arith.addi %mul3A_199, %add3A_200 : i32
        %add3A_202 = arith.constant 3 : i32
        %add3A_203 = arith.addi %add3A_201, %add3A_202 : i32
        %lt3A_204 = arith.constant 20 : i32
        %lt3A_205 = arith.cmpi slt, %add3A_203, %lt3A_204 : i32
        %convert_element_type3A_206 = arith.extui %lt3A_205 : i1 to i32
        %cond3A_207 = arith.constant 0 : i32
        %cond3A_208 = arith.cmpi ne, %convert_element_type3A_206, %cond3A_207 : i32
        scf.if %cond3A_208 {
          %add3A_222 = arith.constant 3 : i32
          %add3A_223 = arith.addi %add3A_201, %add3A_222 : i32
          %ge3A = arith.constant 4 : i32
          %ge3A_224 = arith.cmpi sge, %add3A_223, %ge3A : i32
          %convert_element_type3A_225 = arith.extui %ge3A_224 : i1 to i32
          %cond3A_226 = arith.constant 0 : i32
          %cond3A_227 = arith.cmpi ne, %convert_element_type3A_225, %cond3A_226 : i32
          scf.if %cond3A_227 {
            %dma_wait3A_240 = arith.constant 0 : i32
            %dma_wait3A_241 = arith.constant 0 : i32
            %dma_wait3A_242 = tpu.memref_slice %arg8[%dma_wait3A_240, %dma_wait3A_241] : memref<20x50xi32, #tpu.memory_space<vmem>> -> memref<1x50xi32, #tpu.memory_space<vmem>>
            %dma_wait3A_243 = tpu.memref_squeeze %dma_wait3A_242 : memref<1x50xi32, #tpu.memory_space<vmem>> -> memref<50xi32, #tpu.memory_space<vmem>>
            %dma_wait3A_244 = arith.constant 0 : i32
            %dma_wait3A_245 = arith.constant 0 : i32
            %dma_wait3A_246 = tpu.memref_slice %arg21[%dma_wait3A_244, %dma_wait3A_245] : memref<10000x128xf32, #tpu.memory_space<vmem_shared>> -> memref<10000x128xf32, #tpu.memory_space<vmem_shared>>
            tpu.wait_indirect_dma semaphore(%arg19 : memref<!tpu.dma_semaphore, #tpu.memory_space<semaphore_mem>>) src(%arg11 : memref<50x128xf32, #tpu.memory_space<vmem>>) dst(%dma_wait3A_246 : memref<10000x128xf32, #tpu.memory_space<vmem_shared>>)
          } else {
          }
          %add3A_228 = arith.constant 3 : i32
          %add3A_229 = arith.addi %add3A_201, %add3A_228 : i32
          %eq3A_230 = arith.constant 0 : i32
          %eq3A_231 = arith.cmpi eq, %arg0, %eq3A_230 : i32
          %convert_element_type3A_232 = arith.extui %eq3A_231 : i1 to i32
          %cond3A_233 = arith.constant 0 : i32
          %cond3A_234 = arith.cmpi ne, %convert_element_type3A_232, %cond3A_233 : i32
          scf.if %cond3A_234 {
            %dma_start3A_240 = arith.constant 0 : i32
            %dma_start3A_241 = tpu.memref_slice %arg7[%add3A_229, %dma_start3A_240] : memref<20x50xi32, #tpu.memory_space<vmem>> -> memref<1x50xi32, #tpu.memory_space<vmem>>
            %dma_start3A_242 = tpu.memref_squeeze %dma_start3A_241 : memref<1x50xi32, #tpu.memory_space<vmem>> -> memref<50xi32, #tpu.memory_space<vmem>>
            %dma_start3A_243 = arith.constant 0 : i32
            %dma_start3A_244 = arith.constant 0 : i32
            %dma_start3A_245 = tpu.memref_slice %arg2[%dma_start3A_243, %dma_start3A_244] : memref<10000x128xf32, #tpu.memory_space<hbm>> -> memref<10000x128xf32, #tpu.memory_space<hbm>>
            tpu.enqueue_indirect_dma source(%dma_start3A_245 : memref<10000x128xf32, #tpu.memory_space<hbm>>) target(%arg11 : memref<50x128xf32, #tpu.memory_space<vmem>>) offsets(%dma_start3A_242 : memref<50xi32, #tpu.memory_space<vmem>>) semaphore(%arg15 : memref<!tpu.dma_semaphore, #tpu.memory_space<semaphore_mem>>)
          } else {
          }
          %eq3A_235 = arith.constant 1 : i32
          %eq3A_236 = arith.cmpi eq, %arg0, %eq3A_235 : i32
          %convert_element_type3A_237 = arith.extui %eq3A_236 : i1 to i32
          %cond3A_238 = arith.constant 0 : i32
          %cond3A_239 = arith.cmpi ne, %convert_element_type3A_237, %cond3A_238 : i32
          scf.if %cond3A_239 {
            %dma_start3A_240 = arith.constant 0 : i32
            %dma_start3A_241 = tpu.memref_slice %arg7[%add3A_229, %dma_start3A_240] : memref<20x50xi32, #tpu.memory_space<vmem>> -> memref<1x50xi32, #tpu.memory_space<vmem>>
            %dma_start3A_242 = tpu.memref_squeeze %dma_start3A_241 : memref<1x50xi32, #tpu.memory_space<vmem>> -> memref<50xi32, #tpu.memory_space<vmem>>
            %dma_start3A_243 = arith.constant 0 : i32
            %dma_start3A_244 = arith.constant 0 : i32
            %dma_start3A_245 = tpu.memref_slice %arg3[%dma_start3A_243, %dma_start3A_244] : memref<10000x128xf32, #tpu.memory_space<hbm>> -> memref<10000x128xf32, #tpu.memory_space<hbm>>
            tpu.enqueue_indirect_dma source(%dma_start3A_245 : memref<10000x128xf32, #tpu.memory_space<hbm>>) target(%arg11 : memref<50x128xf32, #tpu.memory_space<vmem>>) offsets(%dma_start3A_242 : memref<50xi32, #tpu.memory_space<vmem>>) semaphore(%arg15 : memref<!tpu.dma_semaphore, #tpu.memory_space<semaphore_mem>>)
          } else {
          }
        } else {
        }
        %dma_wait3A_209 = arith.constant 0 : i32
        %dma_wait3A_210 = arith.constant 0 : i32
        %dma_wait3A_211 = tpu.memref_slice %arg7[%dma_wait3A_209, %dma_wait3A_210] : memref<20x50xi32, #tpu.memory_space<vmem>> -> memref<1x50xi32, #tpu.memory_space<vmem>>
        %dma_wait3A_212 = tpu.memref_squeeze %dma_wait3A_211 : memref<1x50xi32, #tpu.memory_space<vmem>> -> memref<50xi32, #tpu.memory_space<vmem>>
        %dma_wait3A_213 = arith.constant 0 : i32
        %dma_wait3A_214 = arith.constant 0 : i32
        %dma_wait3A_215 = tpu.memref_slice %arg2[%dma_wait3A_213, %dma_wait3A_214] : memref<10000x128xf32, #tpu.memory_space<hbm>> -> memref<10000x128xf32, #tpu.memory_space<hbm>>
        tpu.wait_indirect_dma semaphore(%arg16 : memref<!tpu.dma_semaphore, #tpu.memory_space<semaphore_mem>>) src(%dma_wait3A_215 : memref<10000x128xf32, #tpu.memory_space<hbm>>) dst(%arg12 : memref<50x128xf32, #tpu.memory_space<vmem>>)
        %dma_start3A_216 = arith.constant 0 : i32
        %dma_start3A_217 = tpu.memref_slice %arg8[%add3A_201, %dma_start3A_216] : memref<20x50xi32, #tpu.memory_space<vmem>> -> memref<1x50xi32, #tpu.memory_space<vmem>>
        %dma_start3A_218 = tpu.memref_squeeze %dma_start3A_217 : memref<1x50xi32, #tpu.memory_space<vmem>> -> memref<50xi32, #tpu.memory_space<vmem>>
        %dma_start3A_219 = arith.constant 0 : i32
        %dma_start3A_220 = arith.constant 0 : i32
        %dma_start3A_221 = tpu.memref_slice %arg21[%dma_start3A_219, %dma_start3A_220] : memref<10000x128xf32, #tpu.memory_space<vmem_shared>> -> memref<10000x128xf32, #tpu.memory_space<vmem_shared>>
        tpu.enqueue_indirect_dma source(%arg12 : memref<50x128xf32, #tpu.memory_space<vmem>>) target(%dma_start3A_221 : memref<10000x128xf32, #tpu.memory_space<vmem_shared>>) offsets(%dma_start3A_218 : memref<50xi32, #tpu.memory_space<vmem>>) semaphore(%arg20 : memref<!tpu.dma_semaphore, #tpu.memory_space<semaphore_mem>>) {add = true}
      }
      %scan3A_98 = arith.constant 5 : i32
      %dma_wait3A_99 = arith.constant 0 : i32
      %dma_wait3A_100 = arith.constant 0 : i32
      %dma_wait3A_101 = tpu.memref_slice %arg8[%dma_wait3A_99, %dma_wait3A_100] : memref<20x50xi32, #tpu.memory_space<vmem>> -> memref<1x50xi32, #tpu.memory_space<vmem>>
      %dma_wait3A_102 = tpu.memref_squeeze %dma_wait3A_101 : memref<1x50xi32, #tpu.memory_space<vmem>> -> memref<50xi32, #tpu.memory_space<vmem>>
      %dma_wait3A_103 = arith.constant 0 : i32
      %dma_wait3A_104 = arith.constant 0 : i32
      %dma_wait3A_105 = tpu.memref_slice %arg21[%dma_wait3A_103, %dma_wait3A_104] : memref<10000x128xf32, #tpu.memory_space<vmem_shared>> -> memref<10000x128xf32, #tpu.memory_space<vmem_shared>>
      tpu.wait_indirect_dma semaphore(%arg17 : memref<!tpu.dma_semaphore, #tpu.memory_space<semaphore_mem>>) src(%arg9 : memref<50x128xf32, #tpu.memory_space<vmem>>) dst(%dma_wait3A_105 : memref<10000x128xf32, #tpu.memory_space<vmem_shared>>)
      %dma_wait3A_106 = arith.constant 0 : i32
      %dma_wait3A_107 = arith.constant 0 : i32
      %dma_wait3A_108 = tpu.memref_slice %arg8[%dma_wait3A_106, %dma_wait3A_107] : memref<20x50xi32, #tpu.memory_space<vmem>> -> memref<1x50xi32, #tpu.memory_space<vmem>>
      %dma_wait3A_109 = tpu.memref_squeeze %dma_wait3A_108 : memref<1x50xi32, #tpu.memory_space<vmem>> -> memref<50xi32, #tpu.memory_space<vmem>>
      %dma_wait3A_110 = arith.constant 0 : i32
      %dma_wait3A_111 = arith.constant 0 : i32
      %dma_wait3A_112 = tpu.memref_slice %arg21[%dma_wait3A_110, %dma_wait3A_111] : memref<10000x128xf32, #tpu.memory_space<vmem_shared>> -> memref<10000x128xf32, #tpu.memory_space<vmem_shared>>
      tpu.wait_indirect_dma semaphore(%arg18 : memref<!tpu.dma_semaphore, #tpu.memory_space<semaphore_mem>>) src(%arg10 : memref<50x128xf32, #tpu.memory_space<vmem>>) dst(%dma_wait3A_112 : memref<10000x128xf32, #tpu.memory_space<vmem_shared>>)
      %dma_wait3A_113 = arith.constant 0 : i32
      %dma_wait3A_114 = arith.constant 0 : i32
      %dma_wait3A_115 = tpu.memref_slice %arg8[%dma_wait3A_113, %dma_wait3A_114] : memref<20x50xi32, #tpu.memory_space<vmem>> -> memref<1x50xi32, #tpu.memory_space<vmem>>
      %dma_wait3A_116 = tpu.memref_squeeze %dma_wait3A_115 : memref<1x50xi32, #tpu.memory_space<vmem>> -> memref<50xi32, #tpu.memory_space<vmem>>
      %dma_wait3A_117 = arith.constant 0 : i32
      %dma_wait3A_118 = arith.constant 0 : i32
      %dma_wait3A_119 = tpu.memref_slice %arg21[%dma_wait3A_117, %dma_wait3A_118] : memref<10000x128xf32, #tpu.memory_space<vmem_shared>> -> memref<10000x128xf32, #tpu.memory_space<vmem_shared>>
      tpu.wait_indirect_dma semaphore(%arg19 : memref<!tpu.dma_semaphore, #tpu.memory_space<semaphore_mem>>) src(%arg11 : memref<50x128xf32, #tpu.memory_space<vmem>>) dst(%dma_wait3A_119 : memref<10000x128xf32, #tpu.memory_space<vmem_shared>>)
      %dma_wait3A_120 = arith.constant 0 : i32
      %dma_wait3A_121 = arith.constant 0 : i32
      %dma_wait3A_122 = tpu.memref_slice %arg8[%dma_wait3A_120, %dma_wait3A_121] : memref<20x50xi32, #tpu.memory_space<vmem>> -> memref<1x50xi32, #tpu.memory_space<vmem>>
      %dma_wait3A_123 = tpu.memref_squeeze %dma_wait3A_122 : memref<1x50xi32, #tpu.memory_space<vmem>> -> memref<50xi32, #tpu.memory_space<vmem>>
      %dma_wait3A_124 = arith.constant 0 : i32
      %dma_wait3A_125 = arith.constant 0 : i32
      %dma_wait3A_126 = tpu.memref_slice %arg21[%dma_wait3A_124, %dma_wait3A_125] : memref<10000x128xf32, #tpu.memory_space<vmem_shared>> -> memref<10000x128xf32, #tpu.memory_space<vmem_shared>>
      tpu.wait_indirect_dma semaphore(%arg20 : memref<!tpu.dma_semaphore, #tpu.memory_space<semaphore_mem>>) src(%arg12 : memref<50x128xf32, #tpu.memory_space<vmem>>) dst(%dma_wait3A_126 : memref<10000x128xf32, #tpu.memory_space<vmem_shared>>)
    }
    %scan3A_24 = arith.constant 10 : i32
    %barrier3A_25 = arith.constant 0 : index
    tpu.barrier barrier_id(%barrier3A_25)
    %scan3A_26 = arith.constant 0 : i32
    %scan3A_27 = arith.constant 0 : i32
    %scan3A_28 = arith.constant 8 : i32
    %scan3A_29 = arith.addi %scan3A_27, %scan3A_28 : i32
    %scan3A_30 = arith.constant 1 : i32
    scf.for %scan3A_56 = %scan3A_27 to %scan3A_29 step %scan3A_30  : i32 {
      %gt3A = arith.constant 0 : i32
      %gt3A_57 = arith.cmpi sgt, %scan3A_56, %gt3A : i32
      %convert_element_type3A = arith.extui %gt3A_57 : i1 to i32
      %cond3A = arith.constant 0 : i32
      %cond3A_58 = arith.cmpi ne, %convert_element_type3A, %cond3A : i32
      scf.if %cond3A_58 {
        %mul3A_102 = arith.constant 10000 : i32
        %mul3A_103 = arith.muli %arg0, %mul3A_102 : i32
        %add3A_104 = arith.addi %mul3A_103, %mul3A_0 : i32
        %dma_wait3A_105 = arith.constant 0 : i32
        %dma_wait3A_106 = arith.constant 0 : i32
        %dma_wait3A_107 = tpu.memref_slice %arg9[%dma_wait3A_105, %dma_wait3A_106] : memref<50x128xf32, #tpu.memory_space<vmem>> -> memref<40x128xf32, #tpu.memory_space<vmem>>
        %dma_wait3A_108 = arith.constant 0 : i32
        %dma_wait3A_109 = tpu.memref_slice %arg6[%add3A_104, %dma_wait3A_108] : memref<20000x128xf32, #tpu.memory_space<hbm>> -> memref<40x128xf32, #tpu.memory_space<hbm>>
        %dma_wait3A_110 = arith.constant 0 : i32
        %dma_wait3A_111 = tpu.memref_slice %arg6[%add3A_104, %dma_wait3A_110] : memref<20000x128xf32, #tpu.memory_space<hbm>> -> memref<40x128xf32, #tpu.memory_space<hbm>>
        %dma_wait3A_112 = arith.constant 0 : i32
        %dma_wait3A_113 = arith.constant 0 : i32
        %dma_wait3A_114 = tpu.memref_slice %arg9[%dma_wait3A_112, %dma_wait3A_113] : memref<50x128xf32, #tpu.memory_space<vmem>> -> memref<40x128xf32, #tpu.memory_space<vmem>>
        tpu.wait_dma2 semaphore(%arg13 : memref<!tpu.dma_semaphore, #tpu.memory_space<semaphore_mem>>) src(%dma_wait3A_114 : memref<40x128xf32, #tpu.memory_space<vmem>>) dst(%dma_wait3A_111 : memref<40x128xf32, #tpu.memory_space<hbm>>)
        %mul3A_115 = arith.constant 10000 : i32
        %mul3A_116 = arith.muli %arg0, %mul3A_115 : i32
        %add3A_117 = arith.addi %mul3A_116, %mul3A_0 : i32
        %dma_wait3A_118 = arith.constant 0 : i32
        %dma_wait3A_119 = arith.constant 0 : i32
        %dma_wait3A_120 = tpu.memref_slice %arg10[%dma_wait3A_118, %dma_wait3A_119] : memref<50x128xf32, #tpu.memory_space<vmem>> -> memref<40x128xf32, #tpu.memory_space<vmem>>
        %dma_wait3A_121 = arith.constant 0 : i32
        %dma_wait3A_122 = tpu.memref_slice %arg6[%add3A_117, %dma_wait3A_121] : memref<20000x128xf32, #tpu.memory_space<hbm>> -> memref<40x128xf32, #tpu.memory_space<hbm>>
        %dma_wait3A_123 = arith.constant 0 : i32
        %dma_wait3A_124 = tpu.memref_slice %arg6[%add3A_117, %dma_wait3A_123] : memref<20000x128xf32, #tpu.memory_space<hbm>> -> memref<40x128xf32, #tpu.memory_space<hbm>>
        %dma_wait3A_125 = arith.constant 0 : i32
        %dma_wait3A_126 = arith.constant 0 : i32
        %dma_wait3A_127 = tpu.memref_slice %arg10[%dma_wait3A_125, %dma_wait3A_126] : memref<50x128xf32, #tpu.memory_space<vmem>> -> memref<40x128xf32, #tpu.memory_space<vmem>>
        tpu.wait_dma2 semaphore(%arg14 : memref<!tpu.dma_semaphore, #tpu.memory_space<semaphore_mem>>) src(%dma_wait3A_127 : memref<40x128xf32, #tpu.memory_space<vmem>>) dst(%dma_wait3A_124 : memref<40x128xf32, #tpu.memory_space<hbm>>)
      } else {
      }
      %mul3A_59 = arith.constant 2 : i32
      %mul3A_60 = arith.muli %mul3A_59, %scan3A_56 : i32
      %mul3A_61 = arith.constant 40 : i32
      %mul3A_62 = arith.muli %mul3A_60, %mul3A_61 : i32
      %add3A_63 = arith.addi %mul3A_0, %mul3A_62 : i32
      "tpu.region"() ({
        %run_scoped3A = tpu.sem_alloc : memref<!tpu.dma_semaphore, #tpu.memory_space<semaphore_mem>>
        %dma_start3A_102 = arith.constant 0 : i32
        %dma_start3A_103 = arith.constant 0 : i32
        %dma_start3A_104 = tpu.memref_slice %arg9[%dma_start3A_102, %dma_start3A_103] : memref<50x128xf32, #tpu.memory_space<vmem>> -> memref<40x128xf32, #tpu.memory_space<vmem>>
        %dma_start3A_105 = arith.constant 0 : i32
        %dma_start3A_106 = tpu.memref_slice %arg21[%add3A_63, %dma_start3A_105] : memref<10000x128xf32, #tpu.memory_space<vmem_shared>> -> memref<40x128xf32, #tpu.memory_space<vmem_shared>>
        %dma_start3A_107 = arith.constant 0 : i32
        %dma_start3A_108 = arith.constant 0 : i32
        %dma_start3A_109 = tpu.memref_slice %arg9[%dma_start3A_107, %dma_start3A_108] : memref<50x128xf32, #tpu.memory_space<vmem>> -> memref<40x128xf32, #tpu.memory_space<vmem>>
        %dma_start3A_110 = arith.constant 0 : i32
        %dma_start3A_111 = tpu.memref_slice %arg21[%add3A_63, %dma_start3A_110] : memref<10000x128xf32, #tpu.memory_space<vmem_shared>> -> memref<40x128xf32, #tpu.memory_space<vmem_shared>>
        tpu.enqueue_dma source(%dma_start3A_111 : memref<40x128xf32, #tpu.memory_space<vmem_shared>>) target(%dma_start3A_109 : memref<40x128xf32, #tpu.memory_space<vmem>>) target_semaphore(%run_scoped3A : memref<!tpu.dma_semaphore, #tpu.memory_space<semaphore_mem>>)
        %dma_wait3A_112 = arith.constant 0 : i32
        %dma_wait3A_113 = arith.constant 0 : i32
        %dma_wait3A_114 = tpu.memref_slice %arg9[%dma_wait3A_112, %dma_wait3A_113] : memref<50x128xf32, #tpu.memory_space<vmem>> -> memref<40x128xf32, #tpu.memory_space<vmem>>
        %dma_wait3A_115 = arith.constant 0 : i32
        %dma_wait3A_116 = tpu.memref_slice %arg21[%add3A_63, %dma_wait3A_115] : memref<10000x128xf32, #tpu.memory_space<vmem_shared>> -> memref<40x128xf32, #tpu.memory_space<vmem_shared>>
        %dma_wait3A_117 = arith.constant 0 : i32
        %dma_wait3A_118 = arith.constant 0 : i32
        %dma_wait3A_119 = tpu.memref_slice %arg9[%dma_wait3A_117, %dma_wait3A_118] : memref<50x128xf32, #tpu.memory_space<vmem>> -> memref<40x128xf32, #tpu.memory_space<vmem>>
        %dma_wait3A_120 = arith.constant 0 : i32
        %dma_wait3A_121 = tpu.memref_slice %arg21[%add3A_63, %dma_wait3A_120] : memref<10000x128xf32, #tpu.memory_space<vmem_shared>> -> memref<40x128xf32, #tpu.memory_space<vmem_shared>>
        tpu.wait_dma2 semaphore(%run_scoped3A : memref<!tpu.dma_semaphore, #tpu.memory_space<semaphore_mem>>) src(%dma_wait3A_121 : memref<40x128xf32, #tpu.memory_space<vmem_shared>>) dst(%dma_wait3A_119 : memref<40x128xf32, #tpu.memory_space<vmem>>)
        tpu.yield
      }) : () -> ()
      %mul3A_64 = arith.constant 10000 : i32
      %mul3A_65 = arith.muli %arg0, %mul3A_64 : i32
      %add3A_66 = arith.addi %mul3A_65, %mul3A_0 : i32
      %mul3A_67 = arith.constant 40 : i32
      %mul3A_68 = arith.muli %mul3A_60, %mul3A_67 : i32
      %add3A_69 = arith.addi %add3A_66, %mul3A_68 : i32
      %dma_start3A = arith.constant 0 : i32
      %dma_start3A_70 = arith.constant 0 : i32
      %dma_start3A_71 = tpu.memref_slice %arg9[%dma_start3A, %dma_start3A_70] : memref<50x128xf32, #tpu.memory_space<vmem>> -> memref<40x128xf32, #tpu.memory_space<vmem>>
      %dma_start3A_72 = arith.constant 0 : i32
      %dma_start3A_73 = tpu.memref_slice %arg6[%add3A_69, %dma_start3A_72] : memref<20000x128xf32, #tpu.memory_space<hbm>> -> memref<40x128xf32, #tpu.memory_space<hbm>>
      %dma_start3A_74 = arith.constant 0 : i32
      %dma_start3A_75 = tpu.memref_slice %arg6[%add3A_69, %dma_start3A_74] : memref<20000x128xf32, #tpu.memory_space<hbm>> -> memref<40x128xf32, #tpu.memory_space<hbm>>
      %dma_start3A_76 = arith.constant 0 : i32
      %dma_start3A_77 = arith.constant 0 : i32
      %dma_start3A_78 = tpu.memref_slice %arg9[%dma_start3A_76, %dma_start3A_77] : memref<50x128xf32, #tpu.memory_space<vmem>> -> memref<40x128xf32, #tpu.memory_space<vmem>>
      tpu.enqueue_dma source(%dma_start3A_78 : memref<40x128xf32, #tpu.memory_space<vmem>>) target(%dma_start3A_75 : memref<40x128xf32, #tpu.memory_space<hbm>>) target_semaphore(%arg13 : memref<!tpu.dma_semaphore, #tpu.memory_space<semaphore_mem>>)
      %mul3A_79 = arith.constant 2 : i32
      %mul3A_80 = arith.muli %mul3A_79, %scan3A_56 : i32
      %add3A_81 = arith.constant 1 : i32
      %add3A_82 = arith.addi %mul3A_80, %add3A_81 : i32
      %mul3A_83 = arith.constant 40 : i32
      %mul3A_84 = arith.muli %add3A_82, %mul3A_83 : i32
      %add3A_85 = arith.addi %mul3A_0, %mul3A_84 : i32
      "tpu.region"() ({
        %run_scoped3A = tpu.sem_alloc : memref<!tpu.dma_semaphore, #tpu.memory_space<semaphore_mem>>
        %dma_start3A_102 = arith.constant 0 : i32
        %dma_start3A_103 = arith.constant 0 : i32
        %dma_start3A_104 = tpu.memref_slice %arg10[%dma_start3A_102, %dma_start3A_103] : memref<50x128xf32, #tpu.memory_space<vmem>> -> memref<40x128xf32, #tpu.memory_space<vmem>>
        %dma_start3A_105 = arith.constant 0 : i32
        %dma_start3A_106 = tpu.memref_slice %arg21[%add3A_85, %dma_start3A_105] : memref<10000x128xf32, #tpu.memory_space<vmem_shared>> -> memref<40x128xf32, #tpu.memory_space<vmem_shared>>
        %dma_start3A_107 = arith.constant 0 : i32
        %dma_start3A_108 = arith.constant 0 : i32
        %dma_start3A_109 = tpu.memref_slice %arg10[%dma_start3A_107, %dma_start3A_108] : memref<50x128xf32, #tpu.memory_space<vmem>> -> memref<40x128xf32, #tpu.memory_space<vmem>>
        %dma_start3A_110 = arith.constant 0 : i32
        %dma_start3A_111 = tpu.memref_slice %arg21[%add3A_85, %dma_start3A_110] : memref<10000x128xf32, #tpu.memory_space<vmem_shared>> -> memref<40x128xf32, #tpu.memory_space<vmem_shared>>
        tpu.enqueue_dma source(%dma_start3A_111 : memref<40x128xf32, #tpu.memory_space<vmem_shared>>) target(%dma_start3A_109 : memref<40x128xf32, #tpu.memory_space<vmem>>) target_semaphore(%run_scoped3A : memref<!tpu.dma_semaphore, #tpu.memory_space<semaphore_mem>>)
        %dma_wait3A_112 = arith.constant 0 : i32
        %dma_wait3A_113 = arith.constant 0 : i32
        %dma_wait3A_114 = tpu.memref_slice %arg10[%dma_wait3A_112, %dma_wait3A_113] : memref<50x128xf32, #tpu.memory_space<vmem>> -> memref<40x128xf32, #tpu.memory_space<vmem>>
        %dma_wait3A_115 = arith.constant 0 : i32
        %dma_wait3A_116 = tpu.memref_slice %arg21[%add3A_85, %dma_wait3A_115] : memref<10000x128xf32, #tpu.memory_space<vmem_shared>> -> memref<40x128xf32, #tpu.memory_space<vmem_shared>>
        %dma_wait3A_117 = arith.constant 0 : i32
        %dma_wait3A_118 = arith.constant 0 : i32
        %dma_wait3A_119 = tpu.memref_slice %arg10[%dma_wait3A_117, %dma_wait3A_118] : memref<50x128xf32, #tpu.memory_space<vmem>> -> memref<40x128xf32, #tpu.memory_space<vmem>>
        %dma_wait3A_120 = arith.constant 0 : i32
        %dma_wait3A_121 = tpu.memref_slice %arg21[%add3A_85, %dma_wait3A_120] : memref<10000x128xf32, #tpu.memory_space<vmem_shared>> -> memref<40x128xf32, #tpu.memory_space<vmem_shared>>
        tpu.wait_dma2 semaphore(%run_scoped3A : memref<!tpu.dma_semaphore, #tpu.memory_space<semaphore_mem>>) src(%dma_wait3A_121 : memref<40x128xf32, #tpu.memory_space<vmem_shared>>) dst(%dma_wait3A_119 : memref<40x128xf32, #tpu.memory_space<vmem>>)
        tpu.yield
      }) : () -> ()
      %mul3A_86 = arith.constant 10000 : i32
      %mul3A_87 = arith.muli %arg0, %mul3A_86 : i32
      %add3A_88 = arith.addi %mul3A_87, %mul3A_0 : i32
      %mul3A_89 = arith.constant 40 : i32
      %mul3A_90 = arith.muli %add3A_82, %mul3A_89 : i32
      %add3A_91 = arith.addi %add3A_88, %mul3A_90 : i32
      %dma_start3A_92 = arith.constant 0 : i32
      %dma_start3A_93 = arith.constant 0 : i32
      %dma_start3A_94 = tpu.memref_slice %arg10[%dma_start3A_92, %dma_start3A_93] : memref<50x128xf32, #tpu.memory_space<vmem>> -> memref<40x128xf32, #tpu.memory_space<vmem>>
      %dma_start3A_95 = arith.constant 0 : i32
      %dma_start3A_96 = tpu.memref_slice %arg6[%add3A_91, %dma_start3A_95] : memref<20000x128xf32, #tpu.memory_space<hbm>> -> memref<40x128xf32, #tpu.memory_space<hbm>>
      %dma_start3A_97 = arith.constant 0 : i32
      %dma_start3A_98 = tpu.memref_slice %arg6[%add3A_91, %dma_start3A_97] : memref<20000x128xf32, #tpu.memory_space<hbm>> -> memref<40x128xf32, #tpu.memory_space<hbm>>
      %dma_start3A_99 = arith.constant 0 : i32
      %dma_start3A_100 = arith.constant 0 : i32
      %dma_start3A_101 = tpu.memref_slice %arg10[%dma_start3A_99, %dma_start3A_100] : memref<50x128xf32, #tpu.memory_space<vmem>> -> memref<40x128xf32, #tpu.memory_space<vmem>>
      tpu.enqueue_dma source(%dma_start3A_101 : memref<40x128xf32, #tpu.memory_space<vmem>>) target(%dma_start3A_98 : memref<40x128xf32, #tpu.memory_space<hbm>>) target_semaphore(%arg14 : memref<!tpu.dma_semaphore, #tpu.memory_space<semaphore_mem>>)
    }
    %scan3A_31 = arith.constant 8 : i32
    %mul3A_32 = arith.constant 10000 : i32
    %mul3A_33 = arith.muli %arg0, %mul3A_32 : i32
    %add3A = arith.addi %mul3A_33, %mul3A_0 : i32
    %dma_wait3A = arith.constant 0 : i32
    %dma_wait3A_34 = arith.constant 0 : i32
    %dma_wait3A_35 = tpu.memref_slice %arg9[%dma_wait3A, %dma_wait3A_34] : memref<50x128xf32, #tpu.memory_space<vmem>> -> memref<40x128xf32, #tpu.memory_space<vmem>>
    %dma_wait3A_36 = arith.constant 0 : i32
    %dma_wait3A_37 = tpu.memref_slice %arg6[%add3A, %dma_wait3A_36] : memref<20000x128xf32, #tpu.memory_space<hbm>> -> memref<40x128xf32, #tpu.memory_space<hbm>>
    %dma_wait3A_38 = arith.constant 0 : i32
    %dma_wait3A_39 = tpu.memref_slice %arg6[%add3A, %dma_wait3A_38] : memref<20000x128xf32, #tpu.memory_space<hbm>> -> memref<40x128xf32, #tpu.memory_space<hbm>>
    %dma_wait3A_40 = arith.constant 0 : i32
    %dma_wait3A_41 = arith.constant 0 : i32
    %dma_wait3A_42 = tpu.memref_slice %arg9[%dma_wait3A_40, %dma_wait3A_41] : memref<50x128xf32, #tpu.memory_space<vmem>> -> memref<40x128xf32, #tpu.memory_space<vmem>>
    tpu.wait_dma2 semaphore(%arg13 : memref<!tpu.dma_semaphore, #tpu.memory_space<semaphore_mem>>) src(%dma_wait3A_42 : memref<40x128xf32, #tpu.memory_space<vmem>>) dst(%dma_wait3A_39 : memref<40x128xf32, #tpu.memory_space<hbm>>)
    %mul3A_43 = arith.constant 10000 : i32
    %mul3A_44 = arith.muli %arg0, %mul3A_43 : i32
    %add3A_45 = arith.addi %mul3A_44, %mul3A_0 : i32
    %dma_wait3A_46 = arith.constant 0 : i32
    %dma_wait3A_47 = arith.constant 0 : i32
    %dma_wait3A_48 = tpu.memref_slice %arg10[%dma_wait3A_46, %dma_wait3A_47] : memref<50x128xf32, #tpu.memory_space<vmem>> -> memref<40x128xf32, #tpu.memory_space<vmem>>
    %dma_wait3A_49 = arith.constant 0 : i32
    %dma_wait3A_50 = tpu.memref_slice %arg6[%add3A_45, %dma_wait3A_49] : memref<20000x128xf32, #tpu.memory_space<hbm>> -> memref<40x128xf32, #tpu.memory_space<hbm>>
    %dma_wait3A_51 = arith.constant 0 : i32
    %dma_wait3A_52 = tpu.memref_slice %arg6[%add3A_45, %dma_wait3A_51] : memref<20000x128xf32, #tpu.memory_space<hbm>> -> memref<40x128xf32, #tpu.memory_space<hbm>>
    %dma_wait3A_53 = arith.constant 0 : i32
    %dma_wait3A_54 = arith.constant 0 : i32
    %dma_wait3A_55 = tpu.memref_slice %arg10[%dma_wait3A_53, %dma_wait3A_54] : memref<50x128xf32, #tpu.memory_space<vmem>> -> memref<40x128xf32, #tpu.memory_space<vmem>>
    tpu.wait_dma2 semaphore(%arg14 : memref<!tpu.dma_semaphore, #tpu.memory_space<semaphore_mem>>) src(%dma_wait3A_55 : memref<40x128xf32, #tpu.memory_space<vmem>>) dst(%dma_wait3A_52 : memref<40x128xf32, #tpu.memory_space<hbm>>)
    return
  }
}

#map = affine_map<(d0, d1) -> (0, 0)>
#map1 = affine_map<(d0, d1) -> (0, 0, 0)>
module attributes {stable_mosaic.version = 14 : i64} {
  func.func @_sc_agg_body(%arg0: i32, %arg1: i32, %arg2: memref<10000x128xf32, #tpu.memory_space<hbm>>, %arg3: memref<10000x128xf32, #tpu.memory_space<hbm>>, %arg4: memref<160x20x50xi32, #tpu.memory_space<hbm>>, %arg5: memref<160x20x50xi32, #tpu.memory_space<hbm>>, %arg6: memref<20000x128xf32, #tpu.memory_space<hbm>>, %arg7: memref<20x50xi32, #tpu.memory_space<vmem>>, %arg8: memref<20x50xi32, #tpu.memory_space<vmem>>, %arg9: memref<50x128xf32, #tpu.memory_space<vmem>>, %arg10: memref<50x128xf32, #tpu.memory_space<vmem>>, %arg11: memref<50x128xf32, #tpu.memory_space<vmem>>, %arg12: memref<50x128xf32, #tpu.memory_space<vmem>>, %arg13: memref<!tpu.dma_semaphore, #tpu.memory_space<semaphore_mem>>, %arg14: memref<!tpu.dma_semaphore, #tpu.memory_space<semaphore_mem>>, %arg15: memref<!tpu.dma_semaphore, #tpu.memory_space<semaphore_mem>>, %arg16: memref<!tpu.dma_semaphore, #tpu.memory_space<semaphore_mem>>, %arg17: memref<!tpu.dma_semaphore, #tpu.memory_space<semaphore_mem>>, %arg18: memref<!tpu.dma_semaphore, #tpu.memory_space<semaphore_mem>>, %arg19: memref<!tpu.dma_semaphore, #tpu.memory_space<semaphore_mem>>, %arg20: memref<!tpu.dma_semaphore, #tpu.memory_space<semaphore_mem>>, %arg21: memref<10000x128xf32, #tpu.memory_space<vmem_shared>>) attributes {dimension_semantics = [#tpu.dimension_semantics<core_parallel>, #tpu.dimension_semantics<subcore_parallel>], iteration_bounds = array<i64: 2, 16>, scalar_prefetch = 0 : i64, scratch_operands = 15 : i64, tpu.core_type = #tpu.core_type<sc_vector_subcore>, window_params = [{transform_indices = #map}, {transform_indices = #map}, {transform_indices = #map1}, {transform_indices = #map1}, {transform_indices = #map}]} {
    %mul3A = arith.constant 624 : i32
    %mul3A_0 = arith.muli %arg1, %mul3A : i32
    %broadcast_in_dim3A = arith.constant 0.000000e+00 : f32
    %broadcast_in_dim3A_1 = vector.broadcast %broadcast_in_dim3A : f32 to vector<16xf32>
    %scan3A = arith.constant 0 : i32
    %scan3A_2 = arith.constant 0 : i32
    %scan3A_3 = arith.constant 40 : i32
    %scan3A_4 = arith.addi %scan3A_2, %scan3A_3 : i32
    %scan3A_5 = arith.constant 1 : i32
    scf.for %scan3A_56 = %scan3A_2 to %scan3A_4 step %scan3A_5  : i32 {
      %swap3A = arith.index_cast %scan3A_56 : i32 to index
      %swap3A_57 = arith.constant 0 : index
      %swap3A_58 = tpu.vector_load %arg9[%swap3A, %swap3A_57] {strides = array<i32>} : memref<50x128xf32, #tpu.memory_space<vmem>>, vector<1x16xf32>,
      %swap3A_59 = vector.shape_cast %swap3A_58 : vector<1x16xf32> to vector<16xf32>
      %swap3A_60 = vector.shape_cast %broadcast_in_dim3A_1 : vector<16xf32> to vector<1x16xf32>
      tpu.vector_store %arg9[%swap3A, %swap3A_57], %swap3A_60 {strides = array<i32>} : memref<50x128xf32, #tpu.memory_space<vmem>>, vector<1x16xf32>,
      %swap3A_61 = arith.index_cast %scan3A_56 : i32 to index
      %swap3A_62 = arith.constant 16 : index
      %swap3A_63 = tpu.vector_load %arg9[%swap3A_61, %swap3A_62] {strides = array<i32>} : memref<50x128xf32, #tpu.memory_space<vmem>>, vector<1x16xf32>,
      %swap3A_64 = vector.shape_cast %swap3A_63 : vector<1x16xf32> to vector<16xf32>
      %swap3A_65 = vector.shape_cast %broadcast_in_dim3A_1 : vector<16xf32> to vector<1x16xf32>
      tpu.vector_store %arg9[%swap3A_61, %swap3A_62], %swap3A_65 {strides = array<i32>} : memref<50x128xf32, #tpu.memory_space<vmem>>, vector<1x16xf32>,
      %swap3A_66 = arith.index_cast %scan3A_56 : i32 to index
      %swap3A_67 = arith.constant 32 : index
      %swap3A_68 = tpu.vector_load %arg9[%swap3A_66, %swap3A_67] {strides = array<i32>} : memref<50x128xf32, #tpu.memory_space<vmem>>, vector<1x16xf32>,
      %swap3A_69 = vector.shape_cast %swap3A_68 : vector<1x16xf32> to vector<16xf32>
      %swap3A_70 = vector.shape_cast %broadcast_in_dim3A_1 : vector<16xf32> to vector<1x16xf32>
      tpu.vector_store %arg9[%swap3A_66, %swap3A_67], %swap3A_70 {strides = array<i32>} : memref<50x128xf32, #tpu.memory_space<vmem>>, vector<1x16xf32>,
      %swap3A_71 = arith.index_cast %scan3A_56 : i32 to index
      %swap3A_72 = arith.constant 48 : index
      %swap3A_73 = tpu.vector_load %arg9[%swap3A_71, %swap3A_72] {strides = array<i32>} : memref<50x128xf32, #tpu.memory_space<vmem>>, vector<1x16xf32>,
      %swap3A_74 = vector.shape_cast %swap3A_73 : vector<1x16xf32> to vector<16xf32>
      %swap3A_75 = vector.shape_cast %broadcast_in_dim3A_1 : vector<16xf32> to vector<1x16xf32>
      tpu.vector_store %arg9[%swap3A_71, %swap3A_72], %swap3A_75 {strides = array<i32>} : memref<50x128xf32, #tpu.memory_space<vmem>>, vector<1x16xf32>,
      %swap3A_76 = arith.index_cast %scan3A_56 : i32 to index
      %swap3A_77 = arith.constant 64 : index
      %swap3A_78 = tpu.vector_load %arg9[%swap3A_76, %swap3A_77] {strides = array<i32>} : memref<50x128xf32, #tpu.memory_space<vmem>>, vector<1x16xf32>,
      %swap3A_79 = vector.shape_cast %swap3A_78 : vector<1x16xf32> to vector<16xf32>
      %swap3A_80 = vector.shape_cast %broadcast_in_dim3A_1 : vector<16xf32> to vector<1x16xf32>
      tpu.vector_store %arg9[%swap3A_76, %swap3A_77], %swap3A_80 {strides = array<i32>} : memref<50x128xf32, #tpu.memory_space<vmem>>, vector<1x16xf32>,
      %swap3A_81 = arith.index_cast %scan3A_56 : i32 to index
      %swap3A_82 = arith.constant 80 : index
      %swap3A_83 = tpu.vector_load %arg9[%swap3A_81, %swap3A_82] {strides = array<i32>} : memref<50x128xf32, #tpu.memory_space<vmem>>, vector<1x16xf32>,
      %swap3A_84 = vector.shape_cast %swap3A_83 : vector<1x16xf32> to vector<16xf32>
      %swap3A_85 = vector.shape_cast %broadcast_in_dim3A_1 : vector<16xf32> to vector<1x16xf32>
      tpu.vector_store %arg9[%swap3A_81, %swap3A_82], %swap3A_85 {strides = array<i32>} : memref<50x128xf32, #tpu.memory_space<vmem>>, vector<1x16xf32>,
      %swap3A_86 = arith.index_cast %scan3A_56 : i32 to index
      %swap3A_87 = arith.constant 96 : index
      %swap3A_88 = tpu.vector_load %arg9[%swap3A_86, %swap3A_87] {strides = array<i32>} : memref<50x128xf32, #tpu.memory_space<vmem>>, vector<1x16xf32>,
      %swap3A_89 = vector.shape_cast %swap3A_88 : vector<1x16xf32> to vector<16xf32>
      %swap3A_90 = vector.shape_cast %broadcast_in_dim3A_1 : vector<16xf32> to vector<1x16xf32>
      tpu.vector_store %arg9[%swap3A_86, %swap3A_87], %swap3A_90 {strides = array<i32>} : memref<50x128xf32, #tpu.memory_space<vmem>>, vector<1x16xf32>,
      %swap3A_91 = arith.index_cast %scan3A_56 : i32 to index
      %swap3A_92 = arith.constant 112 : index
      %swap3A_93 = tpu.vector_load %arg9[%swap3A_91, %swap3A_92] {strides = array<i32>} : memref<50x128xf32, #tpu.memory_space<vmem>>, vector<1x16xf32>,
      %swap3A_94 = vector.shape_cast %swap3A_93 : vector<1x16xf32> to vector<16xf32>
      %swap3A_95 = vector.shape_cast %broadcast_in_dim3A_1 : vector<16xf32> to vector<1x16xf32>
      tpu.vector_store %arg9[%swap3A_91, %swap3A_92], %swap3A_95 {strides = array<i32>} : memref<50x128xf32, #tpu.memory_space<vmem>>, vector<1x16xf32>,
    }
    %scan3A_6 = arith.constant 40 : i32
    %scan3A_7 = arith.constant 0 : i32
    %scan3A_8 = arith.constant 0 : i32
    %scan3A_9 = arith.constant 16 : i32
    %scan3A_10 = arith.addi %scan3A_8, %scan3A_9 : i32
    %scan3A_11 = arith.constant 1 : i32
    scf.for %scan3A_56 = %scan3A_8 to %scan3A_10 step %scan3A_11  : i32 {
      %mul3A_57 = arith.constant 40 : i32
      %mul3A_58 = arith.muli %scan3A_56, %mul3A_57 : i32
      %add3A_59 = arith.addi %mul3A_0, %mul3A_58 : i32
      %dma_start3A = arith.constant 0 : i32
      %dma_start3A_60 = arith.constant 0 : i32
      %dma_start3A_61 = tpu.memref_slice %arg9[%dma_start3A, %dma_start3A_60] : memref<50x128xf32, #tpu.memory_space<vmem>> -> memref<40x128xf32, #tpu.memory_space<vmem>>
      %dma_start3A_62 = arith.constant 0 : i32
      %dma_start3A_63 = tpu.memref_slice %arg21[%add3A_59, %dma_start3A_62] : memref<10000x128xf32, #tpu.memory_space<vmem_shared>> -> memref<40x128xf32, #tpu.memory_space<vmem_shared>>
      %dma_start3A_64 = arith.constant 0 : i32
      %dma_start3A_65 = tpu.memref_slice %arg21[%add3A_59, %dma_start3A_64] : memref<10000x128xf32, #tpu.memory_space<vmem_shared>> -> memref<40x128xf32, #tpu.memory_space<vmem_shared>>
      %dma_start3A_66 = arith.constant 0 : i32
      %dma_start3A_67 = arith.constant 0 : i32
      %dma_start3A_68 = tpu.memref_slice %arg9[%dma_start3A_66, %dma_start3A_67] : memref<50x128xf32, #tpu.memory_space<vmem>> -> memref<40x128xf32, #tpu.memory_space<vmem>>
      tpu.enqueue_dma source(%dma_start3A_68 : memref<40x128xf32, #tpu.memory_space<vmem>>) target(%dma_start3A_65 : memref<40x128xf32, #tpu.memory_space<vmem_shared>>) target_semaphore(%arg13 : memref<!tpu.dma_semaphore, #tpu.memory_space<semaphore_mem>>)
    }
    %scan3A_12 = arith.constant 16 : i32
    %scan3A_13 = arith.constant 0 : i32
    %scan3A_14 = arith.constant 0 : i32
    %scan3A_15 = arith.constant 16 : i32
    %scan3A_16 = arith.addi %scan3A_14, %scan3A_15 : i32
    %scan3A_17 = arith.constant 1 : i32
    scf.for %scan3A_56 = %scan3A_14 to %scan3A_16 step %scan3A_17  : i32 {
      %dma_wait3A_57 = arith.constant 0 : i32
      %dma_wait3A_58 = arith.constant 0 : i32
      %dma_wait3A_59 = tpu.memref_slice %arg9[%dma_wait3A_57, %dma_wait3A_58] : memref<50x128xf32, #tpu.memory_space<vmem>> -> memref<40x128xf32, #tpu.memory_space<vmem>>
      %dma_wait3A_60 = arith.constant 0 : i32
      %dma_wait3A_61 = tpu.memref_slice %arg21[%mul3A_0, %dma_wait3A_60] : memref<10000x128xf32, #tpu.memory_space<vmem_shared>> -> memref<40x128xf32, #tpu.memory_space<vmem_shared>>
      %dma_wait3A_62 = arith.constant 0 : i32
      %dma_wait3A_63 = tpu.memref_slice %arg21[%mul3A_0, %dma_wait3A_62] : memref<10000x128xf32, #tpu.memory_space<vmem_shared>> -> memref<40x128xf32, #tpu.memory_space<vmem_shared>>
      %dma_wait3A_64 = arith.constant 0 : i32
      %dma_wait3A_65 = arith.constant 0 : i32
      %dma_wait3A_66 = tpu.memref_slice %arg9[%dma_wait3A_64, %dma_wait3A_65] : memref<50x128xf32, #tpu.memory_space<vmem>> -> memref<40x128xf32, #tpu.memory_space<vmem>>
      tpu.wait_dma2 semaphore(%arg13 : memref<!tpu.dma_semaphore, #tpu.memory_space<semaphore_mem>>) src(%dma_wait3A_66 : memref<40x128xf32, #tpu.memory_space<vmem>>) dst(%dma_wait3A_63 : memref<40x128xf32, #tpu.memory_space<vmem_shared>>)
    }
    %scan3A_18 = arith.constant 16 : i32
    %barrier3A = arith.constant 0 : index
    tpu.barrier barrier_id(%barrier3A)
    %scan3A_19 = arith.constant 0 : i32
    %scan3A_20 = arith.constant 0 : i32
    %scan3A_21 = arith.constant 10 : i32
    %scan3A_22 = arith.addi %scan3A_20, %scan3A_21 : i32
    %scan3A_23 = arith.constant 1 : i32
    scf.for %scan3A_56 = %scan3A_20 to %scan3A_22 step %scan3A_23  : i32 {
      %mul3A_57 = arith.constant 10 : i32
      %mul3A_58 = arith.muli %arg1, %mul3A_57 : i32
      %add3A_59 = arith.addi %mul3A_58, %scan3A_56 : i32
      "tpu.region"() ({
        %run_scoped3A = tpu.sem_alloc : memref<!tpu.dma_semaphore, #tpu.memory_space<semaphore_mem>>
        %dma_start3A = arith.constant 0 : i32
        %dma_start3A_127 = arith.constant 0 : i32
        %dma_start3A_128 = tpu.memref_slice %arg4[%add3A_59, %dma_start3A, %dma_start3A_127] : memref<160x20x50xi32, #tpu.memory_space<hbm>> -> memref<1x20x50xi32, #tpu.memory_space<hbm>>
        %dma_start3A_129 = tpu.memref_squeeze %dma_start3A_128 : memref<1x20x50xi32, #tpu.memory_space<hbm>> -> memref<20x50xi32, #tpu.memory_space<hbm>>
        %dma_start3A_130 = arith.constant 0 : i32
        %dma_start3A_131 = arith.constant 0 : i32
        %dma_start3A_132 = tpu.memref_slice %arg4[%add3A_59, %dma_start3A_130, %dma_start3A_131] : memref<160x20x50xi32, #tpu.memory_space<hbm>> -> memref<1x20x50xi32, #tpu.memory_space<hbm>>
        %dma_start3A_133 = tpu.memref_squeeze %dma_start3A_132 : memref<1x20x50xi32, #tpu.memory_space<hbm>> -> memref<20x50xi32, #tpu.memory_space<hbm>>
        tpu.enqueue_dma source(%dma_start3A_133 : memref<20x50xi32, #tpu.memory_space<hbm>>) target(%arg7 : memref<20x50xi32, #tpu.memory_space<vmem>>) target_semaphore(%run_scoped3A : memref<!tpu.dma_semaphore, #tpu.memory_space<semaphore_mem>>)
        %dma_wait3A_134 = arith.constant 0 : i32
        %dma_wait3A_135 = arith.constant 0 : i32
        %dma_wait3A_136 = tpu.memref_slice %arg4[%add3A_59, %dma_wait3A_134, %dma_wait3A_135] : memref<160x20x50xi32, #tpu.memory_space<hbm>> -> memref<1x20x50xi32, #tpu.memory_space<hbm>>
        %dma_wait3A_137 = tpu.memref_squeeze %dma_wait3A_136 : memref<1x20x50xi32, #tpu.memory_space<hbm>> -> memref<20x50xi32, #tpu.memory_space<hbm>>
        %dma_wait3A_138 = arith.constant 0 : i32
        %dma_wait3A_139 = arith.constant 0 : i32
        %dma_wait3A_140 = tpu.memref_slice %arg4[%add3A_59, %dma_wait3A_138, %dma_wait3A_139] : memref<160x20x50xi32, #tpu.memory_space<hbm>> -> memref<1x20x50xi32, #tpu.memory_space<hbm>>
        %dma_wait3A_141 = tpu.memref_squeeze %dma_wait3A_140 : memref<1x20x50xi32, #tpu.memory_space<hbm>> -> memref<20x50xi32, #tpu.memory_space<hbm>>
        tpu.wait_dma2 semaphore(%run_scoped3A : memref<!tpu.dma_semaphore, #tpu.memory_space<semaphore_mem>>) src(%dma_wait3A_141 : memref<20x50xi32, #tpu.memory_space<hbm>>) dst(%arg7 : memref<20x50xi32, #tpu.memory_space<vmem>>)
        tpu.yield
      }) : () -> ()
      "tpu.region"() ({
        %run_scoped3A = tpu.sem_alloc : memref<!tpu.dma_semaphore, #tpu.memory_space<semaphore_mem>>
        %dma_start3A = arith.constant 0 : i32
        %dma_start3A_127 = arith.constant 0 : i32
        %dma_start3A_128 = tpu.memref_slice %arg5[%add3A_59, %dma_start3A, %dma_start3A_127] : memref<160x20x50xi32, #tpu.memory_space<hbm>> -> memref<1x20x50xi32, #tpu.memory_space<hbm>>
        %dma_start3A_129 = tpu.memref_squeeze %dma_start3A_128 : memref<1x20x50xi32, #tpu.memory_space<hbm>> -> memref<20x50xi32, #tpu.memory_space<hbm>>
        %dma_start3A_130 = arith.constant 0 : i32
        %dma_start3A_131 = arith.constant 0 : i32
        %dma_start3A_132 = tpu.memref_slice %arg5[%add3A_59, %dma_start3A_130, %dma_start3A_131] : memref<160x20x50xi32, #tpu.memory_space<hbm>> -> memref<1x20x50xi32, #tpu.memory_space<hbm>>
        %dma_start3A_133 = tpu.memref_squeeze %dma_start3A_132 : memref<1x20x50xi32, #tpu.memory_space<hbm>> -> memref<20x50xi32, #tpu.memory_space<hbm>>
        tpu.enqueue_dma source(%dma_start3A_133 : memref<20x50xi32, #tpu.memory_space<hbm>>) target(%arg8 : memref<20x50xi32, #tpu.memory_space<vmem>>) target_semaphore(%run_scoped3A : memref<!tpu.dma_semaphore, #tpu.memory_space<semaphore_mem>>)
        %dma_wait3A_134 = arith.constant 0 : i32
        %dma_wait3A_135 = arith.constant 0 : i32
        %dma_wait3A_136 = tpu.memref_slice %arg5[%add3A_59, %dma_wait3A_134, %dma_wait3A_135] : memref<160x20x50xi32, #tpu.memory_space<hbm>> -> memref<1x20x50xi32, #tpu.memory_space<hbm>>
        %dma_wait3A_137 = tpu.memref_squeeze %dma_wait3A_136 : memref<1x20x50xi32, #tpu.memory_space<hbm>> -> memref<20x50xi32, #tpu.memory_space<hbm>>
        %dma_wait3A_138 = arith.constant 0 : i32
        %dma_wait3A_139 = arith.constant 0 : i32
        %dma_wait3A_140 = tpu.memref_slice %arg5[%add3A_59, %dma_wait3A_138, %dma_wait3A_139] : memref<160x20x50xi32, #tpu.memory_space<hbm>> -> memref<1x20x50xi32, #tpu.memory_space<hbm>>
        %dma_wait3A_141 = tpu.memref_squeeze %dma_wait3A_140 : memref<1x20x50xi32, #tpu.memory_space<hbm>> -> memref<20x50xi32, #tpu.memory_space<hbm>>
        tpu.wait_dma2 semaphore(%run_scoped3A : memref<!tpu.dma_semaphore, #tpu.memory_space<semaphore_mem>>) src(%dma_wait3A_141 : memref<20x50xi32, #tpu.memory_space<hbm>>) dst(%arg8 : memref<20x50xi32, #tpu.memory_space<vmem>>)
        tpu.yield
      }) : () -> ()
      %eq3A = arith.constant 0 : i32
      %eq3A_60 = arith.cmpi eq, %arg0, %eq3A : i32
      %convert_element_type3A = arith.extui %eq3A_60 : i1 to i32
      %cond3A = arith.constant 0 : i32
      %cond3A_61 = arith.constant 0 : i32
      %cond3A_62 = arith.cmpi ne, %convert_element_type3A, %cond3A_61 : i32
      scf.if %cond3A_62 {
        %dma_start3A = arith.constant 0 : i32
        %dma_start3A_127 = tpu.memref_slice %arg7[%cond3A, %dma_start3A] : memref<20x50xi32, #tpu.memory_space<vmem>> -> memref<1x50xi32, #tpu.memory_space<vmem>>
        %dma_start3A_128 = tpu.memref_squeeze %dma_start3A_127 : memref<1x50xi32, #tpu.memory_space<vmem>> -> memref<50xi32, #tpu.memory_space<vmem>>
        %dma_start3A_129 = arith.constant 0 : i32
        %dma_start3A_130 = arith.constant 0 : i32
        %dma_start3A_131 = tpu.memref_slice %arg2[%dma_start3A_129, %dma_start3A_130] : memref<10000x128xf32, #tpu.memory_space<hbm>> -> memref<10000x128xf32, #tpu.memory_space<hbm>>
        tpu.enqueue_indirect_dma source(%dma_start3A_131 : memref<10000x128xf32, #tpu.memory_space<hbm>>) target(%arg9 : memref<50x128xf32, #tpu.memory_space<vmem>>) offsets(%dma_start3A_128 : memref<50xi32, #tpu.memory_space<vmem>>) semaphore(%arg13 : memref<!tpu.dma_semaphore, #tpu.memory_space<semaphore_mem>>)
      } else {
      }
      %eq3A_63 = arith.constant 1 : i32
      %eq3A_64 = arith.cmpi eq, %arg0, %eq3A_63 : i32
      %convert_element_type3A_65 = arith.extui %eq3A_64 : i1 to i32
      %cond3A_66 = arith.constant 0 : i32
      %cond3A_67 = arith.constant 0 : i32
      %cond3A_68 = arith.cmpi ne, %convert_element_type3A_65, %cond3A_67 : i32
      scf.if %cond3A_68 {
        %dma_start3A = arith.constant 0 : i32
        %dma_start3A_127 = tpu.memref_slice %arg7[%cond3A_66, %dma_start3A] : memref<20x50xi32, #tpu.memory_space<vmem>> -> memref<1x50xi32, #tpu.memory_space<vmem>>
        %dma_start3A_128 = tpu.memref_squeeze %dma_start3A_127 : memref<1x50xi32, #tpu.memory_space<vmem>> -> memref<50xi32, #tpu.memory_space<vmem>>
        %dma_start3A_129 = arith.constant 0 : i32
        %dma_start3A_130 = arith.constant 0 : i32
        %dma_start3A_131 = tpu.memref_slice %arg3[%dma_start3A_129, %dma_start3A_130] : memref<10000x128xf32, #tpu.memory_space<hbm>> -> memref<10000x128xf32, #tpu.memory_space<hbm>>
        tpu.enqueue_indirect_dma source(%dma_start3A_131 : memref<10000x128xf32, #tpu.memory_space<hbm>>) target(%arg9 : memref<50x128xf32, #tpu.memory_space<vmem>>) offsets(%dma_start3A_128 : memref<50xi32, #tpu.memory_space<vmem>>) semaphore(%arg13 : memref<!tpu.dma_semaphore, #tpu.memory_space<semaphore_mem>>)
      } else {
      }
      %eq3A_69 = arith.constant 0 : i32
      %eq3A_70 = arith.cmpi eq, %arg0, %eq3A_69 : i32
      %convert_element_type3A_71 = arith.extui %eq3A_70 : i1 to i32
      %cond3A_72 = arith.constant 1 : i32
      %cond3A_73 = arith.constant 0 : i32
      %cond3A_74 = arith.cmpi ne, %convert_element_type3A_71, %cond3A_73 : i32
      scf.if %cond3A_74 {
        %dma_start3A = arith.constant 0 : i32
        %dma_start3A_127 = tpu.memref_slice %arg7[%cond3A_72, %dma_start3A] : memref<20x50xi32, #tpu.memory_space<vmem>> -> memref<1x50xi32, #tpu.memory_space<vmem>>
        %dma_start3A_128 = tpu.memref_squeeze %dma_start3A_127 : memref<1x50xi32, #tpu.memory_space<vmem>> -> memref<50xi32, #tpu.memory_space<vmem>>
        %dma_start3A_129 = arith.constant 0 : i32
        %dma_start3A_130 = arith.constant 0 : i32
        %dma_start3A_131 = tpu.memref_slice %arg2[%dma_start3A_129, %dma_start3A_130] : memref<10000x128xf32, #tpu.memory_space<hbm>> -> memref<10000x128xf32, #tpu.memory_space<hbm>>
        tpu.enqueue_indirect_dma source(%dma_start3A_131 : memref<10000x128xf32, #tpu.memory_space<hbm>>) target(%arg10 : memref<50x128xf32, #tpu.memory_space<vmem>>) offsets(%dma_start3A_128 : memref<50xi32, #tpu.memory_space<vmem>>) semaphore(%arg14 : memref<!tpu.dma_semaphore, #tpu.memory_space<semaphore_mem>>)
      } else {
      }
      %eq3A_75 = arith.constant 1 : i32
      %eq3A_76 = arith.cmpi eq, %arg0, %eq3A_75 : i32
      %convert_element_type3A_77 = arith.extui %eq3A_76 : i1 to i32
      %cond3A_78 = arith.constant 1 : i32
      %cond3A_79 = arith.constant 0 : i32
      %cond3A_80 = arith.cmpi ne, %convert_element_type3A_77, %cond3A_79 : i32
      scf.if %cond3A_80 {
        %dma_start3A = arith.constant 0 : i32
        %dma_start3A_127 = tpu.memref_slice %arg7[%cond3A_78, %dma_start3A] : memref<20x50xi32, #tpu.memory_space<vmem>> -> memref<1x50xi32, #tpu.memory_space<vmem>>
        %dma_start3A_128 = tpu.memref_squeeze %dma_start3A_127 : memref<1x50xi32, #tpu.memory_space<vmem>> -> memref<50xi32, #tpu.memory_space<vmem>>
        %dma_start3A_129 = arith.constant 0 : i32
        %dma_start3A_130 = arith.constant 0 : i32
        %dma_start3A_131 = tpu.memref_slice %arg3[%dma_start3A_129, %dma_start3A_130] : memref<10000x128xf32, #tpu.memory_space<hbm>> -> memref<10000x128xf32, #tpu.memory_space<hbm>>
        tpu.enqueue_indirect_dma source(%dma_start3A_131 : memref<10000x128xf32, #tpu.memory_space<hbm>>) target(%arg10 : memref<50x128xf32, #tpu.memory_space<vmem>>) offsets(%dma_start3A_128 : memref<50xi32, #tpu.memory_space<vmem>>) semaphore(%arg14 : memref<!tpu.dma_semaphore, #tpu.memory_space<semaphore_mem>>)
      } else {
      }
      %eq3A_81 = arith.constant 0 : i32
      %eq3A_82 = arith.cmpi eq, %arg0, %eq3A_81 : i32
      %convert_element_type3A_83 = arith.extui %eq3A_82 : i1 to i32
      %cond3A_84 = arith.constant 2 : i32
      %cond3A_85 = arith.constant 0 : i32
      %cond3A_86 = arith.cmpi ne, %convert_element_type3A_83, %cond3A_85 : i32
      scf.if %cond3A_86 {
        %dma_start3A = arith.constant 0 : i32
        %dma_start3A_127 = tpu.memref_slice %arg7[%cond3A_84, %dma_start3A] : memref<20x50xi32, #tpu.memory_space<vmem>> -> memref<1x50xi32, #tpu.memory_space<vmem>>
        %dma_start3A_128 = tpu.memref_squeeze %dma_start3A_127 : memref<1x50xi32, #tpu.memory_space<vmem>> -> memref<50xi32, #tpu.memory_space<vmem>>
        %dma_start3A_129 = arith.constant 0 : i32
        %dma_start3A_130 = arith.constant 0 : i32
        %dma_start3A_131 = tpu.memref_slice %arg2[%dma_start3A_129, %dma_start3A_130] : memref<10000x128xf32, #tpu.memory_space<hbm>> -> memref<10000x128xf32, #tpu.memory_space<hbm>>
        tpu.enqueue_indirect_dma source(%dma_start3A_131 : memref<10000x128xf32, #tpu.memory_space<hbm>>) target(%arg11 : memref<50x128xf32, #tpu.memory_space<vmem>>) offsets(%dma_start3A_128 : memref<50xi32, #tpu.memory_space<vmem>>) semaphore(%arg15 : memref<!tpu.dma_semaphore, #tpu.memory_space<semaphore_mem>>)
      } else {
      }
      %eq3A_87 = arith.constant 1 : i32
      %eq3A_88 = arith.cmpi eq, %arg0, %eq3A_87 : i32
      %convert_element_type3A_89 = arith.extui %eq3A_88 : i1 to i32
      %cond3A_90 = arith.constant 2 : i32
      %cond3A_91 = arith.constant 0 : i32
      %cond3A_92 = arith.cmpi ne, %convert_element_type3A_89, %cond3A_91 : i32
      scf.if %cond3A_92 {
        %dma_start3A = arith.constant 0 : i32
        %dma_start3A_127 = tpu.memref_slice %arg7[%cond3A_90, %dma_start3A] : memref<20x50xi32, #tpu.memory_space<vmem>> -> memref<1x50xi32, #tpu.memory_space<vmem>>
        %dma_start3A_128 = tpu.memref_squeeze %dma_start3A_127 : memref<1x50xi32, #tpu.memory_space<vmem>> -> memref<50xi32, #tpu.memory_space<vmem>>
        %dma_start3A_129 = arith.constant 0 : i32
        %dma_start3A_130 = arith.constant 0 : i32
        %dma_start3A_131 = tpu.memref_slice %arg3[%dma_start3A_129, %dma_start3A_130] : memref<10000x128xf32, #tpu.memory_space<hbm>> -> memref<10000x128xf32, #tpu.memory_space<hbm>>
        tpu.enqueue_indirect_dma source(%dma_start3A_131 : memref<10000x128xf32, #tpu.memory_space<hbm>>) target(%arg11 : memref<50x128xf32, #tpu.memory_space<vmem>>) offsets(%dma_start3A_128 : memref<50xi32, #tpu.memory_space<vmem>>) semaphore(%arg15 : memref<!tpu.dma_semaphore, #tpu.memory_space<semaphore_mem>>)
      } else {
      }
      %scan3A_93 = arith.constant 0 : i32
      %scan3A_94 = arith.constant 0 : i32
      %scan3A_95 = arith.constant 5 : i32
      %scan3A_96 = arith.addi %scan3A_94, %scan3A_95 : i32
      %scan3A_97 = arith.constant 1 : i32
      scf.for %scan3A_127 = %scan3A_94 to %scan3A_96 step %scan3A_97  : i32 {
        %mul3A_128 = arith.constant 4 : i32
        %mul3A_129 = arith.muli %mul3A_128, %scan3A_127 : i32
        %add3A_130 = arith.constant 0 : i32
        %add3A_131 = arith.addi %mul3A_129, %add3A_130 : i32
        %add3A_132 = arith.constant 3 : i32
        %add3A_133 = arith.addi %add3A_131, %add3A_132 : i32
        %lt3A = arith.constant 20 : i32
        %lt3A_134 = arith.cmpi slt, %add3A_133, %lt3A : i32
        %convert_element_type3A_135 = arith.extui %lt3A_134 : i1 to i32
        %cond3A_136 = arith.constant 0 : i32
        %cond3A_137 = arith.cmpi ne, %convert_element_type3A_135, %cond3A_136 : i32
        scf.if %cond3A_137 {
          %add3A_222 = arith.constant 3 : i32
          %add3A_223 = arith.addi %add3A_131, %add3A_222 : i32
          %ge3A = arith.constant 4 : i32
          %ge3A_224 = arith.cmpi sge, %add3A_223, %ge3A : i32
          %convert_element_type3A_225 = arith.extui %ge3A_224 : i1 to i32
          %cond3A_226 = arith.constant 0 : i32
          %cond3A_227 = arith.cmpi ne, %convert_element_type3A_225, %cond3A_226 : i32
          scf.if %cond3A_227 {
            %dma_wait3A_240 = arith.constant 0 : i32
            %dma_wait3A_241 = arith.constant 0 : i32
            %dma_wait3A_242 = tpu.memref_slice %arg8[%dma_wait3A_240, %dma_wait3A_241] : memref<20x50xi32, #tpu.memory_space<vmem>> -> memref<1x50xi32, #tpu.memory_space<vmem>>
            %dma_wait3A_243 = tpu.memref_squeeze %dma_wait3A_242 : memref<1x50xi32, #tpu.memory_space<vmem>> -> memref<50xi32, #tpu.memory_space<vmem>>
            %dma_wait3A_244 = arith.constant 0 : i32
            %dma_wait3A_245 = arith.constant 0 : i32
            %dma_wait3A_246 = tpu.memref_slice %arg21[%dma_wait3A_244, %dma_wait3A_245] : memref<10000x128xf32, #tpu.memory_space<vmem_shared>> -> memref<10000x128xf32, #tpu.memory_space<vmem_shared>>
            tpu.wait_indirect_dma semaphore(%arg20 : memref<!tpu.dma_semaphore, #tpu.memory_space<semaphore_mem>>) src(%arg12 : memref<50x128xf32, #tpu.memory_space<vmem>>) dst(%dma_wait3A_246 : memref<10000x128xf32, #tpu.memory_space<vmem_shared>>)
          } else {
          }
          %add3A_228 = arith.constant 3 : i32
          %add3A_229 = arith.addi %add3A_131, %add3A_228 : i32
          %eq3A_230 = arith.constant 0 : i32
          %eq3A_231 = arith.cmpi eq, %arg0, %eq3A_230 : i32
          %convert_element_type3A_232 = arith.extui %eq3A_231 : i1 to i32
          %cond3A_233 = arith.constant 0 : i32
          %cond3A_234 = arith.cmpi ne, %convert_element_type3A_232, %cond3A_233 : i32
          scf.if %cond3A_234 {
            %dma_start3A_240 = arith.constant 0 : i32
            %dma_start3A_241 = tpu.memref_slice %arg7[%add3A_229, %dma_start3A_240] : memref<20x50xi32, #tpu.memory_space<vmem>> -> memref<1x50xi32, #tpu.memory_space<vmem>>
            %dma_start3A_242 = tpu.memref_squeeze %dma_start3A_241 : memref<1x50xi32, #tpu.memory_space<vmem>> -> memref<50xi32, #tpu.memory_space<vmem>>
            %dma_start3A_243 = arith.constant 0 : i32
            %dma_start3A_244 = arith.constant 0 : i32
            %dma_start3A_245 = tpu.memref_slice %arg2[%dma_start3A_243, %dma_start3A_244] : memref<10000x128xf32, #tpu.memory_space<hbm>> -> memref<10000x128xf32, #tpu.memory_space<hbm>>
            tpu.enqueue_indirect_dma source(%dma_start3A_245 : memref<10000x128xf32, #tpu.memory_space<hbm>>) target(%arg12 : memref<50x128xf32, #tpu.memory_space<vmem>>) offsets(%dma_start3A_242 : memref<50xi32, #tpu.memory_space<vmem>>) semaphore(%arg16 : memref<!tpu.dma_semaphore, #tpu.memory_space<semaphore_mem>>)
          } else {
          }
          %eq3A_235 = arith.constant 1 : i32
          %eq3A_236 = arith.cmpi eq, %arg0, %eq3A_235 : i32
          %convert_element_type3A_237 = arith.extui %eq3A_236 : i1 to i32
          %cond3A_238 = arith.constant 0 : i32
          %cond3A_239 = arith.cmpi ne, %convert_element_type3A_237, %cond3A_238 : i32
          scf.if %cond3A_239 {
            %dma_start3A_240 = arith.constant 0 : i32
            %dma_start3A_241 = tpu.memref_slice %arg7[%add3A_229, %dma_start3A_240] : memref<20x50xi32, #tpu.memory_space<vmem>> -> memref<1x50xi32, #tpu.memory_space<vmem>>
            %dma_start3A_242 = tpu.memref_squeeze %dma_start3A_241 : memref<1x50xi32, #tpu.memory_space<vmem>> -> memref<50xi32, #tpu.memory_space<vmem>>
            %dma_start3A_243 = arith.constant 0 : i32
            %dma_start3A_244 = arith.constant 0 : i32
            %dma_start3A_245 = tpu.memref_slice %arg3[%dma_start3A_243, %dma_start3A_244] : memref<10000x128xf32, #tpu.memory_space<hbm>> -> memref<10000x128xf32, #tpu.memory_space<hbm>>
            tpu.enqueue_indirect_dma source(%dma_start3A_245 : memref<10000x128xf32, #tpu.memory_space<hbm>>) target(%arg12 : memref<50x128xf32, #tpu.memory_space<vmem>>) offsets(%dma_start3A_242 : memref<50xi32, #tpu.memory_space<vmem>>) semaphore(%arg16 : memref<!tpu.dma_semaphore, #tpu.memory_space<semaphore_mem>>)
          } else {
          }
        } else {
        }
        %dma_wait3A_138 = arith.constant 0 : i32
        %dma_wait3A_139 = arith.constant 0 : i32
        %dma_wait3A_140 = tpu.memref_slice %arg7[%dma_wait3A_138, %dma_wait3A_139] : memref<20x50xi32, #tpu.memory_space<vmem>> -> memref<1x50xi32, #tpu.memory_space<vmem>>
        %dma_wait3A_141 = tpu.memref_squeeze %dma_wait3A_140 : memref<1x50xi32, #tpu.memory_space<vmem>> -> memref<50xi32, #tpu.memory_space<vmem>>
        %dma_wait3A_142 = arith.constant 0 : i32
        %dma_wait3A_143 = arith.constant 0 : i32
        %dma_wait3A_144 = tpu.memref_slice %arg2[%dma_wait3A_142, %dma_wait3A_143] : memref<10000x128xf32, #tpu.memory_space<hbm>> -> memref<10000x128xf32, #tpu.memory_space<hbm>>
        tpu.wait_indirect_dma semaphore(%arg13 : memref<!tpu.dma_semaphore, #tpu.memory_space<semaphore_mem>>) src(%dma_wait3A_144 : memref<10000x128xf32, #tpu.memory_space<hbm>>) dst(%arg9 : memref<50x128xf32, #tpu.memory_space<vmem>>)
        %dma_start3A = arith.constant 0 : i32
        %dma_start3A_145 = tpu.memref_slice %arg8[%add3A_131, %dma_start3A] : memref<20x50xi32, #tpu.memory_space<vmem>> -> memref<1x50xi32, #tpu.memory_space<vmem>>
        %dma_start3A_146 = tpu.memref_squeeze %dma_start3A_145 : memref<1x50xi32, #tpu.memory_space<vmem>> -> memref<50xi32, #tpu.memory_space<vmem>>
        %dma_start3A_147 = arith.constant 0 : i32
        %dma_start3A_148 = arith.constant 0 : i32
        %dma_start3A_149 = tpu.memref_slice %arg21[%dma_start3A_147, %dma_start3A_148] : memref<10000x128xf32, #tpu.memory_space<vmem_shared>> -> memref<10000x128xf32, #tpu.memory_space<vmem_shared>>
        tpu.enqueue_indirect_dma source(%arg9 : memref<50x128xf32, #tpu.memory_space<vmem>>) target(%dma_start3A_149 : memref<10000x128xf32, #tpu.memory_space<vmem_shared>>) offsets(%dma_start3A_146 : memref<50xi32, #tpu.memory_space<vmem>>) semaphore(%arg17 : memref<!tpu.dma_semaphore, #tpu.memory_space<semaphore_mem>>) {add = true}
        %mul3A_150 = arith.constant 4 : i32
        %mul3A_151 = arith.muli %mul3A_150, %scan3A_127 : i32
        %add3A_152 = arith.constant 1 : i32
        %add3A_153 = arith.addi %mul3A_151, %add3A_152 : i32
        %add3A_154 = arith.constant 3 : i32
        %add3A_155 = arith.addi %add3A_153, %add3A_154 : i32
        %lt3A_156 = arith.constant 20 : i32
        %lt3A_157 = arith.cmpi slt, %add3A_155, %lt3A_156 : i32
        %convert_element_type3A_158 = arith.extui %lt3A_157 : i1 to i32
        %cond3A_159 = arith.constant 0 : i32
        %cond3A_160 = arith.cmpi ne, %convert_element_type3A_158, %cond3A_159 : i32
        scf.if %cond3A_160 {
          %add3A_222 = arith.constant 3 : i32
          %add3A_223 = arith.addi %add3A_153, %add3A_222 : i32
          %ge3A = arith.constant 4 : i32
          %ge3A_224 = arith.cmpi sge, %add3A_223, %ge3A : i32
          %convert_element_type3A_225 = arith.extui %ge3A_224 : i1 to i32
          %cond3A_226 = arith.constant 0 : i32
          %cond3A_227 = arith.cmpi ne, %convert_element_type3A_225, %cond3A_226 : i32
          scf.if %cond3A_227 {
            %dma_wait3A_240 = arith.constant 0 : i32
            %dma_wait3A_241 = arith.constant 0 : i32
            %dma_wait3A_242 = tpu.memref_slice %arg8[%dma_wait3A_240, %dma_wait3A_241] : memref<20x50xi32, #tpu.memory_space<vmem>> -> memref<1x50xi32, #tpu.memory_space<vmem>>
            %dma_wait3A_243 = tpu.memref_squeeze %dma_wait3A_242 : memref<1x50xi32, #tpu.memory_space<vmem>> -> memref<50xi32, #tpu.memory_space<vmem>>
            %dma_wait3A_244 = arith.constant 0 : i32
            %dma_wait3A_245 = arith.constant 0 : i32
            %dma_wait3A_246 = tpu.memref_slice %arg21[%dma_wait3A_244, %dma_wait3A_245] : memref<10000x128xf32, #tpu.memory_space<vmem_shared>> -> memref<10000x128xf32, #tpu.memory_space<vmem_shared>>
            tpu.wait_indirect_dma semaphore(%arg17 : memref<!tpu.dma_semaphore, #tpu.memory_space<semaphore_mem>>) src(%arg9 : memref<50x128xf32, #tpu.memory_space<vmem>>) dst(%dma_wait3A_246 : memref<10000x128xf32, #tpu.memory_space<vmem_shared>>)
          } else {
          }
          %add3A_228 = arith.constant 3 : i32
          %add3A_229 = arith.addi %add3A_153, %add3A_228 : i32
          %eq3A_230 = arith.constant 0 : i32
          %eq3A_231 = arith.cmpi eq, %arg0, %eq3A_230 : i32
          %convert_element_type3A_232 = arith.extui %eq3A_231 : i1 to i32
          %cond3A_233 = arith.constant 0 : i32
          %cond3A_234 = arith.cmpi ne, %convert_element_type3A_232, %cond3A_233 : i32
          scf.if %cond3A_234 {
            %dma_start3A_240 = arith.constant 0 : i32
            %dma_start3A_241 = tpu.memref_slice %arg7[%add3A_229, %dma_start3A_240] : memref<20x50xi32, #tpu.memory_space<vmem>> -> memref<1x50xi32, #tpu.memory_space<vmem>>
            %dma_start3A_242 = tpu.memref_squeeze %dma_start3A_241 : memref<1x50xi32, #tpu.memory_space<vmem>> -> memref<50xi32, #tpu.memory_space<vmem>>
            %dma_start3A_243 = arith.constant 0 : i32
            %dma_start3A_244 = arith.constant 0 : i32
            %dma_start3A_245 = tpu.memref_slice %arg2[%dma_start3A_243, %dma_start3A_244] : memref<10000x128xf32, #tpu.memory_space<hbm>> -> memref<10000x128xf32, #tpu.memory_space<hbm>>
            tpu.enqueue_indirect_dma source(%dma_start3A_245 : memref<10000x128xf32, #tpu.memory_space<hbm>>) target(%arg9 : memref<50x128xf32, #tpu.memory_space<vmem>>) offsets(%dma_start3A_242 : memref<50xi32, #tpu.memory_space<vmem>>) semaphore(%arg13 : memref<!tpu.dma_semaphore, #tpu.memory_space<semaphore_mem>>)
          } else {
          }
          %eq3A_235 = arith.constant 1 : i32
          %eq3A_236 = arith.cmpi eq, %arg0, %eq3A_235 : i32
          %convert_element_type3A_237 = arith.extui %eq3A_236 : i1 to i32
          %cond3A_238 = arith.constant 0 : i32
          %cond3A_239 = arith.cmpi ne, %convert_element_type3A_237, %cond3A_238 : i32
          scf.if %cond3A_239 {
            %dma_start3A_240 = arith.constant 0 : i32
            %dma_start3A_241 = tpu.memref_slice %arg7[%add3A_229, %dma_start3A_240] : memref<20x50xi32, #tpu.memory_space<vmem>> -> memref<1x50xi32, #tpu.memory_space<vmem>>
            %dma_start3A_242 = tpu.memref_squeeze %dma_start3A_241 : memref<1x50xi32, #tpu.memory_space<vmem>> -> memref<50xi32, #tpu.memory_space<vmem>>
            %dma_start3A_243 = arith.constant 0 : i32
            %dma_start3A_244 = arith.constant 0 : i32
            %dma_start3A_245 = tpu.memref_slice %arg3[%dma_start3A_243, %dma_start3A_244] : memref<10000x128xf32, #tpu.memory_space<hbm>> -> memref<10000x128xf32, #tpu.memory_space<hbm>>
            tpu.enqueue_indirect_dma source(%dma_start3A_245 : memref<10000x128xf32, #tpu.memory_space<hbm>>) target(%arg9 : memref<50x128xf32, #tpu.memory_space<vmem>>) offsets(%dma_start3A_242 : memref<50xi32, #tpu.memory_space<vmem>>) semaphore(%arg13 : memref<!tpu.dma_semaphore, #tpu.memory_space<semaphore_mem>>)
          } else {
          }
        } else {
        }
        %dma_wait3A_161 = arith.constant 0 : i32
        %dma_wait3A_162 = arith.constant 0 : i32
        %dma_wait3A_163 = tpu.memref_slice %arg7[%dma_wait3A_161, %dma_wait3A_162] : memref<20x50xi32, #tpu.memory_space<vmem>> -> memref<1x50xi32, #tpu.memory_space<vmem>>
        %dma_wait3A_164 = tpu.memref_squeeze %dma_wait3A_163 : memref<1x50xi32, #tpu.memory_space<vmem>> -> memref<50xi32, #tpu.memory_space<vmem>>
        %dma_wait3A_165 = arith.constant 0 : i32
        %dma_wait3A_166 = arith.constant 0 : i32
        %dma_wait3A_167 = tpu.memref_slice %arg2[%dma_wait3A_165, %dma_wait3A_166] : memref<10000x128xf32, #tpu.memory_space<hbm>> -> memref<10000x128xf32, #tpu.memory_space<hbm>>
        tpu.wait_indirect_dma semaphore(%arg14 : memref<!tpu.dma_semaphore, #tpu.memory_space<semaphore_mem>>) src(%dma_wait3A_167 : memref<10000x128xf32, #tpu.memory_space<hbm>>) dst(%arg10 : memref<50x128xf32, #tpu.memory_space<vmem>>)
        %dma_start3A_168 = arith.constant 0 : i32
        %dma_start3A_169 = tpu.memref_slice %arg8[%add3A_153, %dma_start3A_168] : memref<20x50xi32, #tpu.memory_space<vmem>> -> memref<1x50xi32, #tpu.memory_space<vmem>>
        %dma_start3A_170 = tpu.memref_squeeze %dma_start3A_169 : memref<1x50xi32, #tpu.memory_space<vmem>> -> memref<50xi32, #tpu.memory_space<vmem>>
        %dma_start3A_171 = arith.constant 0 : i32
        %dma_start3A_172 = arith.constant 0 : i32
        %dma_start3A_173 = tpu.memref_slice %arg21[%dma_start3A_171, %dma_start3A_172] : memref<10000x128xf32, #tpu.memory_space<vmem_shared>> -> memref<10000x128xf32, #tpu.memory_space<vmem_shared>>
        tpu.enqueue_indirect_dma source(%arg10 : memref<50x128xf32, #tpu.memory_space<vmem>>) target(%dma_start3A_173 : memref<10000x128xf32, #tpu.memory_space<vmem_shared>>) offsets(%dma_start3A_170 : memref<50xi32, #tpu.memory_space<vmem>>) semaphore(%arg18 : memref<!tpu.dma_semaphore, #tpu.memory_space<semaphore_mem>>) {add = true}
        %mul3A_174 = arith.constant 4 : i32
        %mul3A_175 = arith.muli %mul3A_174, %scan3A_127 : i32
        %add3A_176 = arith.constant 2 : i32
        %add3A_177 = arith.addi %mul3A_175, %add3A_176 : i32
        %add3A_178 = arith.constant 3 : i32
        %add3A_179 = arith.addi %add3A_177, %add3A_178 : i32
        %lt3A_180 = arith.constant 20 : i32
        %lt3A_181 = arith.cmpi slt, %add3A_179, %lt3A_180 : i32
        %convert_element_type3A_182 = arith.extui %lt3A_181 : i1 to i32
        %cond3A_183 = arith.constant 0 : i32
        %cond3A_184 = arith.cmpi ne, %convert_element_type3A_182, %cond3A_183 : i32
        scf.if %cond3A_184 {
          %add3A_222 = arith.constant 3 : i32
          %add3A_223 = arith.addi %add3A_177, %add3A_222 : i32
          %ge3A = arith.constant 4 : i32
          %ge3A_224 = arith.cmpi sge, %add3A_223, %ge3A : i32
          %convert_element_type3A_225 = arith.extui %ge3A_224 : i1 to i32
          %cond3A_226 = arith.constant 0 : i32
          %cond3A_227 = arith.cmpi ne, %convert_element_type3A_225, %cond3A_226 : i32
          scf.if %cond3A_227 {
            %dma_wait3A_240 = arith.constant 0 : i32
            %dma_wait3A_241 = arith.constant 0 : i32
            %dma_wait3A_242 = tpu.memref_slice %arg8[%dma_wait3A_240, %dma_wait3A_241] : memref<20x50xi32, #tpu.memory_space<vmem>> -> memref<1x50xi32, #tpu.memory_space<vmem>>
            %dma_wait3A_243 = tpu.memref_squeeze %dma_wait3A_242 : memref<1x50xi32, #tpu.memory_space<vmem>> -> memref<50xi32, #tpu.memory_space<vmem>>
            %dma_wait3A_244 = arith.constant 0 : i32
            %dma_wait3A_245 = arith.constant 0 : i32
            %dma_wait3A_246 = tpu.memref_slice %arg21[%dma_wait3A_244, %dma_wait3A_245] : memref<10000x128xf32, #tpu.memory_space<vmem_shared>> -> memref<10000x128xf32, #tpu.memory_space<vmem_shared>>
            tpu.wait_indirect_dma semaphore(%arg18 : memref<!tpu.dma_semaphore, #tpu.memory_space<semaphore_mem>>) src(%arg10 : memref<50x128xf32, #tpu.memory_space<vmem>>) dst(%dma_wait3A_246 : memref<10000x128xf32, #tpu.memory_space<vmem_shared>>)
          } else {
          }
          %add3A_228 = arith.constant 3 : i32
          %add3A_229 = arith.addi %add3A_177, %add3A_228 : i32
          %eq3A_230 = arith.constant 0 : i32
          %eq3A_231 = arith.cmpi eq, %arg0, %eq3A_230 : i32
          %convert_element_type3A_232 = arith.extui %eq3A_231 : i1 to i32
          %cond3A_233 = arith.constant 0 : i32
          %cond3A_234 = arith.cmpi ne, %convert_element_type3A_232, %cond3A_233 : i32
          scf.if %cond3A_234 {
            %dma_start3A_240 = arith.constant 0 : i32
            %dma_start3A_241 = tpu.memref_slice %arg7[%add3A_229, %dma_start3A_240] : memref<20x50xi32, #tpu.memory_space<vmem>> -> memref<1x50xi32, #tpu.memory_space<vmem>>
            %dma_start3A_242 = tpu.memref_squeeze %dma_start3A_241 : memref<1x50xi32, #tpu.memory_space<vmem>> -> memref<50xi32, #tpu.memory_space<vmem>>
            %dma_start3A_243 = arith.constant 0 : i32
            %dma_start3A_244 = arith.constant 0 : i32
            %dma_start3A_245 = tpu.memref_slice %arg2[%dma_start3A_243, %dma_start3A_244] : memref<10000x128xf32, #tpu.memory_space<hbm>> -> memref<10000x128xf32, #tpu.memory_space<hbm>>
            tpu.enqueue_indirect_dma source(%dma_start3A_245 : memref<10000x128xf32, #tpu.memory_space<hbm>>) target(%arg10 : memref<50x128xf32, #tpu.memory_space<vmem>>) offsets(%dma_start3A_242 : memref<50xi32, #tpu.memory_space<vmem>>) semaphore(%arg14 : memref<!tpu.dma_semaphore, #tpu.memory_space<semaphore_mem>>)
          } else {
          }
          %eq3A_235 = arith.constant 1 : i32
          %eq3A_236 = arith.cmpi eq, %arg0, %eq3A_235 : i32
          %convert_element_type3A_237 = arith.extui %eq3A_236 : i1 to i32
          %cond3A_238 = arith.constant 0 : i32
          %cond3A_239 = arith.cmpi ne, %convert_element_type3A_237, %cond3A_238 : i32
          scf.if %cond3A_239 {
            %dma_start3A_240 = arith.constant 0 : i32
            %dma_start3A_241 = tpu.memref_slice %arg7[%add3A_229, %dma_start3A_240] : memref<20x50xi32, #tpu.memory_space<vmem>> -> memref<1x50xi32, #tpu.memory_space<vmem>>
            %dma_start3A_242 = tpu.memref_squeeze %dma_start3A_241 : memref<1x50xi32, #tpu.memory_space<vmem>> -> memref<50xi32, #tpu.memory_space<vmem>>
            %dma_start3A_243 = arith.constant 0 : i32
            %dma_start3A_244 = arith.constant 0 : i32
            %dma_start3A_245 = tpu.memref_slice %arg3[%dma_start3A_243, %dma_start3A_244] : memref<10000x128xf32, #tpu.memory_space<hbm>> -> memref<10000x128xf32, #tpu.memory_space<hbm>>
            tpu.enqueue_indirect_dma source(%dma_start3A_245 : memref<10000x128xf32, #tpu.memory_space<hbm>>) target(%arg10 : memref<50x128xf32, #tpu.memory_space<vmem>>) offsets(%dma_start3A_242 : memref<50xi32, #tpu.memory_space<vmem>>) semaphore(%arg14 : memref<!tpu.dma_semaphore, #tpu.memory_space<semaphore_mem>>)
          } else {
          }
        } else {
        }
        %dma_wait3A_185 = arith.constant 0 : i32
        %dma_wait3A_186 = arith.constant 0 : i32
        %dma_wait3A_187 = tpu.memref_slice %arg7[%dma_wait3A_185, %dma_wait3A_186] : memref<20x50xi32, #tpu.memory_space<vmem>> -> memref<1x50xi32, #tpu.memory_space<vmem>>
        %dma_wait3A_188 = tpu.memref_squeeze %dma_wait3A_187 : memref<1x50xi32, #tpu.memory_space<vmem>> -> memref<50xi32, #tpu.memory_space<vmem>>
        %dma_wait3A_189 = arith.constant 0 : i32
        %dma_wait3A_190 = arith.constant 0 : i32
        %dma_wait3A_191 = tpu.memref_slice %arg2[%dma_wait3A_189, %dma_wait3A_190] : memref<10000x128xf32, #tpu.memory_space<hbm>> -> memref<10000x128xf32, #tpu.memory_space<hbm>>
        tpu.wait_indirect_dma semaphore(%arg15 : memref<!tpu.dma_semaphore, #tpu.memory_space<semaphore_mem>>) src(%dma_wait3A_191 : memref<10000x128xf32, #tpu.memory_space<hbm>>) dst(%arg11 : memref<50x128xf32, #tpu.memory_space<vmem>>)
        %dma_start3A_192 = arith.constant 0 : i32
        %dma_start3A_193 = tpu.memref_slice %arg8[%add3A_177, %dma_start3A_192] : memref<20x50xi32, #tpu.memory_space<vmem>> -> memref<1x50xi32, #tpu.memory_space<vmem>>
        %dma_start3A_194 = tpu.memref_squeeze %dma_start3A_193 : memref<1x50xi32, #tpu.memory_space<vmem>> -> memref<50xi32, #tpu.memory_space<vmem>>
        %dma_start3A_195 = arith.constant 0 : i32
        %dma_start3A_196 = arith.constant 0 : i32
        %dma_start3A_197 = tpu.memref_slice %arg21[%dma_start3A_195, %dma_start3A_196] : memref<10000x128xf32, #tpu.memory_space<vmem_shared>> -> memref<10000x128xf32, #tpu.memory_space<vmem_shared>>
        tpu.enqueue_indirect_dma source(%arg11 : memref<50x128xf32, #tpu.memory_space<vmem>>) target(%dma_start3A_197 : memref<10000x128xf32, #tpu.memory_space<vmem_shared>>) offsets(%dma_start3A_194 : memref<50xi32, #tpu.memory_space<vmem>>) semaphore(%arg19 : memref<!tpu.dma_semaphore, #tpu.memory_space<semaphore_mem>>) {add = true}
        %mul3A_198 = arith.constant 4 : i32
        %mul3A_199 = arith.muli %mul3A_198, %scan3A_127 : i32
        %add3A_200 = arith.constant 3 : i32
        %add3A_201 = arith.addi %mul3A_199, %add3A_200 : i32
        %add3A_202 = arith.constant 3 : i32
        %add3A_203 = arith.addi %add3A_201, %add3A_202 : i32
        %lt3A_204 = arith.constant 20 : i32
        %lt3A_205 = arith.cmpi slt, %add3A_203, %lt3A_204 : i32
        %convert_element_type3A_206 = arith.extui %lt3A_205 : i1 to i32
        %cond3A_207 = arith.constant 0 : i32
        %cond3A_208 = arith.cmpi ne, %convert_element_type3A_206, %cond3A_207 : i32
        scf.if %cond3A_208 {
          %add3A_222 = arith.constant 3 : i32
          %add3A_223 = arith.addi %add3A_201, %add3A_222 : i32
          %ge3A = arith.constant 4 : i32
          %ge3A_224 = arith.cmpi sge, %add3A_223, %ge3A : i32
          %convert_element_type3A_225 = arith.extui %ge3A_224 : i1 to i32
          %cond3A_226 = arith.constant 0 : i32
          %cond3A_227 = arith.cmpi ne, %convert_element_type3A_225, %cond3A_226 : i32
          scf.if %cond3A_227 {
            %dma_wait3A_240 = arith.constant 0 : i32
            %dma_wait3A_241 = arith.constant 0 : i32
            %dma_wait3A_242 = tpu.memref_slice %arg8[%dma_wait3A_240, %dma_wait3A_241] : memref<20x50xi32, #tpu.memory_space<vmem>> -> memref<1x50xi32, #tpu.memory_space<vmem>>
            %dma_wait3A_243 = tpu.memref_squeeze %dma_wait3A_242 : memref<1x50xi32, #tpu.memory_space<vmem>> -> memref<50xi32, #tpu.memory_space<vmem>>
            %dma_wait3A_244 = arith.constant 0 : i32
            %dma_wait3A_245 = arith.constant 0 : i32
            %dma_wait3A_246 = tpu.memref_slice %arg21[%dma_wait3A_244, %dma_wait3A_245] : memref<10000x128xf32, #tpu.memory_space<vmem_shared>> -> memref<10000x128xf32, #tpu.memory_space<vmem_shared>>
            tpu.wait_indirect_dma semaphore(%arg19 : memref<!tpu.dma_semaphore, #tpu.memory_space<semaphore_mem>>) src(%arg11 : memref<50x128xf32, #tpu.memory_space<vmem>>) dst(%dma_wait3A_246 : memref<10000x128xf32, #tpu.memory_space<vmem_shared>>)
          } else {
          }
          %add3A_228 = arith.constant 3 : i32
          %add3A_229 = arith.addi %add3A_201, %add3A_228 : i32
          %eq3A_230 = arith.constant 0 : i32
          %eq3A_231 = arith.cmpi eq, %arg0, %eq3A_230 : i32
          %convert_element_type3A_232 = arith.extui %eq3A_231 : i1 to i32
          %cond3A_233 = arith.constant 0 : i32
          %cond3A_234 = arith.cmpi ne, %convert_element_type3A_232, %cond3A_233 : i32
          scf.if %cond3A_234 {
            %dma_start3A_240 = arith.constant 0 : i32
            %dma_start3A_241 = tpu.memref_slice %arg7[%add3A_229, %dma_start3A_240] : memref<20x50xi32, #tpu.memory_space<vmem>> -> memref<1x50xi32, #tpu.memory_space<vmem>>
            %dma_start3A_242 = tpu.memref_squeeze %dma_start3A_241 : memref<1x50xi32, #tpu.memory_space<vmem>> -> memref<50xi32, #tpu.memory_space<vmem>>
            %dma_start3A_243 = arith.constant 0 : i32
            %dma_start3A_244 = arith.constant 0 : i32
            %dma_start3A_245 = tpu.memref_slice %arg2[%dma_start3A_243, %dma_start3A_244] : memref<10000x128xf32, #tpu.memory_space<hbm>> -> memref<10000x128xf32, #tpu.memory_space<hbm>>
            tpu.enqueue_indirect_dma source(%dma_start3A_245 : memref<10000x128xf32, #tpu.memory_space<hbm>>) target(%arg11 : memref<50x128xf32, #tpu.memory_space<vmem>>) offsets(%dma_start3A_242 : memref<50xi32, #tpu.memory_space<vmem>>) semaphore(%arg15 : memref<!tpu.dma_semaphore, #tpu.memory_space<semaphore_mem>>)
          } else {
          }
          %eq3A_235 = arith.constant 1 : i32
          %eq3A_236 = arith.cmpi eq, %arg0, %eq3A_235 : i32
          %convert_element_type3A_237 = arith.extui %eq3A_236 : i1 to i32
          %cond3A_238 = arith.constant 0 : i32
          %cond3A_239 = arith.cmpi ne, %convert_element_type3A_237, %cond3A_238 : i32
          scf.if %cond3A_239 {
            %dma_start3A_240 = arith.constant 0 : i32
            %dma_start3A_241 = tpu.memref_slice %arg7[%add3A_229, %dma_start3A_240] : memref<20x50xi32, #tpu.memory_space<vmem>> -> memref<1x50xi32, #tpu.memory_space<vmem>>
            %dma_start3A_242 = tpu.memref_squeeze %dma_start3A_241 : memref<1x50xi32, #tpu.memory_space<vmem>> -> memref<50xi32, #tpu.memory_space<vmem>>
            %dma_start3A_243 = arith.constant 0 : i32
            %dma_start3A_244 = arith.constant 0 : i32
            %dma_start3A_245 = tpu.memref_slice %arg3[%dma_start3A_243, %dma_start3A_244] : memref<10000x128xf32, #tpu.memory_space<hbm>> -> memref<10000x128xf32, #tpu.memory_space<hbm>>
            tpu.enqueue_indirect_dma source(%dma_start3A_245 : memref<10000x128xf32, #tpu.memory_space<hbm>>) target(%arg11 : memref<50x128xf32, #tpu.memory_space<vmem>>) offsets(%dma_start3A_242 : memref<50xi32, #tpu.memory_space<vmem>>) semaphore(%arg15 : memref<!tpu.dma_semaphore, #tpu.memory_space<semaphore_mem>>)
          } else {
          }
        } else {
        }
        %dma_wait3A_209 = arith.constant 0 : i32
        %dma_wait3A_210 = arith.constant 0 : i32
        %dma_wait3A_211 = tpu.memref_slice %arg7[%dma_wait3A_209, %dma_wait3A_210] : memref<20x50xi32, #tpu.memory_space<vmem>> -> memref<1x50xi32, #tpu.memory_space<vmem>>
        %dma_wait3A_212 = tpu.memref_squeeze %dma_wait3A_211 : memref<1x50xi32, #tpu.memory_space<vmem>> -> memref<50xi32, #tpu.memory_space<vmem>>
        %dma_wait3A_213 = arith.constant 0 : i32
        %dma_wait3A_214 = arith.constant 0 : i32
        %dma_wait3A_215 = tpu.memref_slice %arg2[%dma_wait3A_213, %dma_wait3A_214] : memref<10000x128xf32, #tpu.memory_space<hbm>> -> memref<10000x128xf32, #tpu.memory_space<hbm>>
        tpu.wait_indirect_dma semaphore(%arg16 : memref<!tpu.dma_semaphore, #tpu.memory_space<semaphore_mem>>) src(%dma_wait3A_215 : memref<10000x128xf32, #tpu.memory_space<hbm>>) dst(%arg12 : memref<50x128xf32, #tpu.memory_space<vmem>>)
        %dma_start3A_216 = arith.constant 0 : i32
        %dma_start3A_217 = tpu.memref_slice %arg8[%add3A_201, %dma_start3A_216] : memref<20x50xi32, #tpu.memory_space<vmem>> -> memref<1x50xi32, #tpu.memory_space<vmem>>
        %dma_start3A_218 = tpu.memref_squeeze %dma_start3A_217 : memref<1x50xi32, #tpu.memory_space<vmem>> -> memref<50xi32, #tpu.memory_space<vmem>>
        %dma_start3A_219 = arith.constant 0 : i32
        %dma_start3A_220 = arith.constant 0 : i32
        %dma_start3A_221 = tpu.memref_slice %arg21[%dma_start3A_219, %dma_start3A_220] : memref<10000x128xf32, #tpu.memory_space<vmem_shared>> -> memref<10000x128xf32, #tpu.memory_space<vmem_shared>>
        tpu.enqueue_indirect_dma source(%arg12 : memref<50x128xf32, #tpu.memory_space<vmem>>) target(%dma_start3A_221 : memref<10000x128xf32, #tpu.memory_space<vmem_shared>>) offsets(%dma_start3A_218 : memref<50xi32, #tpu.memory_space<vmem>>) semaphore(%arg20 : memref<!tpu.dma_semaphore, #tpu.memory_space<semaphore_mem>>) {add = true}
      }
      %scan3A_98 = arith.constant 5 : i32
      %dma_wait3A_99 = arith.constant 0 : i32
      %dma_wait3A_100 = arith.constant 0 : i32
      %dma_wait3A_101 = tpu.memref_slice %arg8[%dma_wait3A_99, %dma_wait3A_100] : memref<20x50xi32, #tpu.memory_space<vmem>> -> memref<1x50xi32, #tpu.memory_space<vmem>>
      %dma_wait3A_102 = tpu.memref_squeeze %dma_wait3A_101 : memref<1x50xi32, #tpu.memory_space<vmem>> -> memref<50xi32, #tpu.memory_space<vmem>>
      %dma_wait3A_103 = arith.constant 0 : i32
      %dma_wait3A_104 = arith.constant 0 : i32
      %dma_wait3A_105 = tpu.memref_slice %arg21[%dma_wait3A_103, %dma_wait3A_104] : memref<10000x128xf32, #tpu.memory_space<vmem_shared>> -> memref<10000x128xf32, #tpu.memory_space<vmem_shared>>
      tpu.wait_indirect_dma semaphore(%arg17 : memref<!tpu.dma_semaphore, #tpu.memory_space<semaphore_mem>>) src(%arg9 : memref<50x128xf32, #tpu.memory_space<vmem>>) dst(%dma_wait3A_105 : memref<10000x128xf32, #tpu.memory_space<vmem_shared>>)
      %dma_wait3A_106 = arith.constant 0 : i32
      %dma_wait3A_107 = arith.constant 0 : i32
      %dma_wait3A_108 = tpu.memref_slice %arg8[%dma_wait3A_106, %dma_wait3A_107] : memref<20x50xi32, #tpu.memory_space<vmem>> -> memref<1x50xi32, #tpu.memory_space<vmem>>
      %dma_wait3A_109 = tpu.memref_squeeze %dma_wait3A_108 : memref<1x50xi32, #tpu.memory_space<vmem>> -> memref<50xi32, #tpu.memory_space<vmem>>
      %dma_wait3A_110 = arith.constant 0 : i32
      %dma_wait3A_111 = arith.constant 0 : i32
      %dma_wait3A_112 = tpu.memref_slice %arg21[%dma_wait3A_110, %dma_wait3A_111] : memref<10000x128xf32, #tpu.memory_space<vmem_shared>> -> memref<10000x128xf32, #tpu.memory_space<vmem_shared>>
      tpu.wait_indirect_dma semaphore(%arg18 : memref<!tpu.dma_semaphore, #tpu.memory_space<semaphore_mem>>) src(%arg10 : memref<50x128xf32, #tpu.memory_space<vmem>>) dst(%dma_wait3A_112 : memref<10000x128xf32, #tpu.memory_space<vmem_shared>>)
      %dma_wait3A_113 = arith.constant 0 : i32
      %dma_wait3A_114 = arith.constant 0 : i32
      %dma_wait3A_115 = tpu.memref_slice %arg8[%dma_wait3A_113, %dma_wait3A_114] : memref<20x50xi32, #tpu.memory_space<vmem>> -> memref<1x50xi32, #tpu.memory_space<vmem>>
      %dma_wait3A_116 = tpu.memref_squeeze %dma_wait3A_115 : memref<1x50xi32, #tpu.memory_space<vmem>> -> memref<50xi32, #tpu.memory_space<vmem>>
      %dma_wait3A_117 = arith.constant 0 : i32
      %dma_wait3A_118 = arith.constant 0 : i32
      %dma_wait3A_119 = tpu.memref_slice %arg21[%dma_wait3A_117, %dma_wait3A_118] : memref<10000x128xf32, #tpu.memory_space<vmem_shared>> -> memref<10000x128xf32, #tpu.memory_space<vmem_shared>>
      tpu.wait_indirect_dma semaphore(%arg19 : memref<!tpu.dma_semaphore, #tpu.memory_space<semaphore_mem>>) src(%arg11 : memref<50x128xf32, #tpu.memory_space<vmem>>) dst(%dma_wait3A_119 : memref<10000x128xf32, #tpu.memory_space<vmem_shared>>)
      %dma_wait3A_120 = arith.constant 0 : i32
      %dma_wait3A_121 = arith.constant 0 : i32
      %dma_wait3A_122 = tpu.memref_slice %arg8[%dma_wait3A_120, %dma_wait3A_121] : memref<20x50xi32, #tpu.memory_space<vmem>> -> memref<1x50xi32, #tpu.memory_space<vmem>>
      %dma_wait3A_123 = tpu.memref_squeeze %dma_wait3A_122 : memref<1x50xi32, #tpu.memory_space<vmem>> -> memref<50xi32, #tpu.memory_space<vmem>>
      %dma_wait3A_124 = arith.constant 0 : i32
      %dma_wait3A_125 = arith.constant 0 : i32
      %dma_wait3A_126 = tpu.memref_slice %arg21[%dma_wait3A_124, %dma_wait3A_125] : memref<10000x128xf32, #tpu.memory_space<vmem_shared>> -> memref<10000x128xf32, #tpu.memory_space<vmem_shared>>
      tpu.wait_indirect_dma semaphore(%arg20 : memref<!tpu.dma_semaphore, #tpu.memory_space<semaphore_mem>>) src(%arg12 : memref<50x128xf32, #tpu.memory_space<vmem>>) dst(%dma_wait3A_126 : memref<10000x128xf32, #tpu.memory_space<vmem_shared>>)
    }
    %scan3A_24 = arith.constant 10 : i32
    %barrier3A_25 = arith.constant 0 : index
    tpu.barrier barrier_id(%barrier3A_25)
    %scan3A_26 = arith.constant 0 : i32
    %scan3A_27 = arith.constant 0 : i32
    %scan3A_28 = arith.constant 8 : i32
    %scan3A_29 = arith.addi %scan3A_27, %scan3A_28 : i32
    %scan3A_30 = arith.constant 1 : i32
    scf.for %scan3A_56 = %scan3A_27 to %scan3A_29 step %scan3A_30  : i32 {
      %gt3A = arith.constant 0 : i32
      %gt3A_57 = arith.cmpi sgt, %scan3A_56, %gt3A : i32
      %convert_element_type3A = arith.extui %gt3A_57 : i1 to i32
      %cond3A = arith.constant 0 : i32
      %cond3A_58 = arith.cmpi ne, %convert_element_type3A, %cond3A : i32
      scf.if %cond3A_58 {
        %mul3A_102 = arith.constant 10000 : i32
        %mul3A_103 = arith.muli %arg0, %mul3A_102 : i32
        %add3A_104 = arith.addi %mul3A_103, %mul3A_0 : i32
        %dma_wait3A_105 = arith.constant 0 : i32
        %dma_wait3A_106 = arith.constant 0 : i32
        %dma_wait3A_107 = tpu.memref_slice %arg9[%dma_wait3A_105, %dma_wait3A_106] : memref<50x128xf32, #tpu.memory_space<vmem>> -> memref<40x128xf32, #tpu.memory_space<vmem>>
        %dma_wait3A_108 = arith.constant 0 : i32
        %dma_wait3A_109 = tpu.memref_slice %arg6[%add3A_104, %dma_wait3A_108] : memref<20000x128xf32, #tpu.memory_space<hbm>> -> memref<40x128xf32, #tpu.memory_space<hbm>>
        %dma_wait3A_110 = arith.constant 0 : i32
        %dma_wait3A_111 = tpu.memref_slice %arg6[%add3A_104, %dma_wait3A_110] : memref<20000x128xf32, #tpu.memory_space<hbm>> -> memref<40x128xf32, #tpu.memory_space<hbm>>
        %dma_wait3A_112 = arith.constant 0 : i32
        %dma_wait3A_113 = arith.constant 0 : i32
        %dma_wait3A_114 = tpu.memref_slice %arg9[%dma_wait3A_112, %dma_wait3A_113] : memref<50x128xf32, #tpu.memory_space<vmem>> -> memref<40x128xf32, #tpu.memory_space<vmem>>
        tpu.wait_dma2 semaphore(%arg13 : memref<!tpu.dma_semaphore, #tpu.memory_space<semaphore_mem>>) src(%dma_wait3A_114 : memref<40x128xf32, #tpu.memory_space<vmem>>) dst(%dma_wait3A_111 : memref<40x128xf32, #tpu.memory_space<hbm>>)
        %mul3A_115 = arith.constant 10000 : i32
        %mul3A_116 = arith.muli %arg0, %mul3A_115 : i32
        %add3A_117 = arith.addi %mul3A_116, %mul3A_0 : i32
        %dma_wait3A_118 = arith.constant 0 : i32
        %dma_wait3A_119 = arith.constant 0 : i32
        %dma_wait3A_120 = tpu.memref_slice %arg10[%dma_wait3A_118, %dma_wait3A_119] : memref<50x128xf32, #tpu.memory_space<vmem>> -> memref<40x128xf32, #tpu.memory_space<vmem>>
        %dma_wait3A_121 = arith.constant 0 : i32
        %dma_wait3A_122 = tpu.memref_slice %arg6[%add3A_117, %dma_wait3A_121] : memref<20000x128xf32, #tpu.memory_space<hbm>> -> memref<40x128xf32, #tpu.memory_space<hbm>>
        %dma_wait3A_123 = arith.constant 0 : i32
        %dma_wait3A_124 = tpu.memref_slice %arg6[%add3A_117, %dma_wait3A_123] : memref<20000x128xf32, #tpu.memory_space<hbm>> -> memref<40x128xf32, #tpu.memory_space<hbm>>
        %dma_wait3A_125 = arith.constant 0 : i32
        %dma_wait3A_126 = arith.constant 0 : i32
        %dma_wait3A_127 = tpu.memref_slice %arg10[%dma_wait3A_125, %dma_wait3A_126] : memref<50x128xf32, #tpu.memory_space<vmem>> -> memref<40x128xf32, #tpu.memory_space<vmem>>
        tpu.wait_dma2 semaphore(%arg14 : memref<!tpu.dma_semaphore, #tpu.memory_space<semaphore_mem>>) src(%dma_wait3A_127 : memref<40x128xf32, #tpu.memory_space<vmem>>) dst(%dma_wait3A_124 : memref<40x128xf32, #tpu.memory_space<hbm>>)
      } else {
      }
      %mul3A_59 = arith.constant 2 : i32
      %mul3A_60 = arith.muli %mul3A_59, %scan3A_56 : i32
      %mul3A_61 = arith.constant 40 : i32
      %mul3A_62 = arith.muli %mul3A_60, %mul3A_61 : i32
      %add3A_63 = arith.addi %mul3A_0, %mul3A_62 : i32
      "tpu.region"() ({
        %run_scoped3A = tpu.sem_alloc : memref<!tpu.dma_semaphore, #tpu.memory_space<semaphore_mem>>
        %dma_start3A_102 = arith.constant 0 : i32
        %dma_start3A_103 = arith.constant 0 : i32
        %dma_start3A_104 = tpu.memref_slice %arg9[%dma_start3A_102, %dma_start3A_103] : memref<50x128xf32, #tpu.memory_space<vmem>> -> memref<40x128xf32, #tpu.memory_space<vmem>>
        %dma_start3A_105 = arith.constant 0 : i32
        %dma_start3A_106 = tpu.memref_slice %arg21[%add3A_63, %dma_start3A_105] : memref<10000x128xf32, #tpu.memory_space<vmem_shared>> -> memref<40x128xf32, #tpu.memory_space<vmem_shared>>
        %dma_start3A_107 = arith.constant 0 : i32
        %dma_start3A_108 = arith.constant 0 : i32
        %dma_start3A_109 = tpu.memref_slice %arg9[%dma_start3A_107, %dma_start3A_108] : memref<50x128xf32, #tpu.memory_space<vmem>> -> memref<40x128xf32, #tpu.memory_space<vmem>>
        %dma_start3A_110 = arith.constant 0 : i32
        %dma_start3A_111 = tpu.memref_slice %arg21[%add3A_63, %dma_start3A_110] : memref<10000x128xf32, #tpu.memory_space<vmem_shared>> -> memref<40x128xf32, #tpu.memory_space<vmem_shared>>
        tpu.enqueue_dma source(%dma_start3A_111 : memref<40x128xf32, #tpu.memory_space<vmem_shared>>) target(%dma_start3A_109 : memref<40x128xf32, #tpu.memory_space<vmem>>) target_semaphore(%run_scoped3A : memref<!tpu.dma_semaphore, #tpu.memory_space<semaphore_mem>>)
        %dma_wait3A_112 = arith.constant 0 : i32
        %dma_wait3A_113 = arith.constant 0 : i32
        %dma_wait3A_114 = tpu.memref_slice %arg9[%dma_wait3A_112, %dma_wait3A_113] : memref<50x128xf32, #tpu.memory_space<vmem>> -> memref<40x128xf32, #tpu.memory_space<vmem>>
        %dma_wait3A_115 = arith.constant 0 : i32
        %dma_wait3A_116 = tpu.memref_slice %arg21[%add3A_63, %dma_wait3A_115] : memref<10000x128xf32, #tpu.memory_space<vmem_shared>> -> memref<40x128xf32, #tpu.memory_space<vmem_shared>>
        %dma_wait3A_117 = arith.constant 0 : i32
        %dma_wait3A_118 = arith.constant 0 : i32
        %dma_wait3A_119 = tpu.memref_slice %arg9[%dma_wait3A_117, %dma_wait3A_118] : memref<50x128xf32, #tpu.memory_space<vmem>> -> memref<40x128xf32, #tpu.memory_space<vmem>>
        %dma_wait3A_120 = arith.constant 0 : i32
        %dma_wait3A_121 = tpu.memref_slice %arg21[%add3A_63, %dma_wait3A_120] : memref<10000x128xf32, #tpu.memory_space<vmem_shared>> -> memref<40x128xf32, #tpu.memory_space<vmem_shared>>
        tpu.wait_dma2 semaphore(%run_scoped3A : memref<!tpu.dma_semaphore, #tpu.memory_space<semaphore_mem>>) src(%dma_wait3A_121 : memref<40x128xf32, #tpu.memory_space<vmem_shared>>) dst(%dma_wait3A_119 : memref<40x128xf32, #tpu.memory_space<vmem>>)
        tpu.yield
      }) : () -> ()
      %mul3A_64 = arith.constant 10000 : i32
      %mul3A_65 = arith.muli %arg0, %mul3A_64 : i32
      %add3A_66 = arith.addi %mul3A_65, %mul3A_0 : i32
      %mul3A_67 = arith.constant 40 : i32
      %mul3A_68 = arith.muli %mul3A_60, %mul3A_67 : i32
      %add3A_69 = arith.addi %add3A_66, %mul3A_68 : i32
      %dma_start3A = arith.constant 0 : i32
      %dma_start3A_70 = arith.constant 0 : i32
      %dma_start3A_71 = tpu.memref_slice %arg9[%dma_start3A, %dma_start3A_70] : memref<50x128xf32, #tpu.memory_space<vmem>> -> memref<40x128xf32, #tpu.memory_space<vmem>>
      %dma_start3A_72 = arith.constant 0 : i32
      %dma_start3A_73 = tpu.memref_slice %arg6[%add3A_69, %dma_start3A_72] : memref<20000x128xf32, #tpu.memory_space<hbm>> -> memref<40x128xf32, #tpu.memory_space<hbm>>
      %dma_start3A_74 = arith.constant 0 : i32
      %dma_start3A_75 = tpu.memref_slice %arg6[%add3A_69, %dma_start3A_74] : memref<20000x128xf32, #tpu.memory_space<hbm>> -> memref<40x128xf32, #tpu.memory_space<hbm>>
      %dma_start3A_76 = arith.constant 0 : i32
      %dma_start3A_77 = arith.constant 0 : i32
      %dma_start3A_78 = tpu.memref_slice %arg9[%dma_start3A_76, %dma_start3A_77] : memref<50x128xf32, #tpu.memory_space<vmem>> -> memref<40x128xf32, #tpu.memory_space<vmem>>
      tpu.enqueue_dma source(%dma_start3A_78 : memref<40x128xf32, #tpu.memory_space<vmem>>) target(%dma_start3A_75 : memref<40x128xf32, #tpu.memory_space<hbm>>) target_semaphore(%arg13 : memref<!tpu.dma_semaphore, #tpu.memory_space<semaphore_mem>>)
      %mul3A_79 = arith.constant 2 : i32
      %mul3A_80 = arith.muli %mul3A_79, %scan3A_56 : i32
      %add3A_81 = arith.constant 1 : i32
      %add3A_82 = arith.addi %mul3A_80, %add3A_81 : i32
      %mul3A_83 = arith.constant 40 : i32
      %mul3A_84 = arith.muli %add3A_82, %mul3A_83 : i32
      %add3A_85 = arith.addi %mul3A_0, %mul3A_84 : i32
      "tpu.region"() ({
        %run_scoped3A = tpu.sem_alloc : memref<!tpu.dma_semaphore, #tpu.memory_space<semaphore_mem>>
        %dma_start3A_102 = arith.constant 0 : i32
        %dma_start3A_103 = arith.constant 0 : i32
        %dma_start3A_104 = tpu.memref_slice %arg10[%dma_start3A_102, %dma_start3A_103] : memref<50x128xf32, #tpu.memory_space<vmem>> -> memref<40x128xf32, #tpu.memory_space<vmem>>
        %dma_start3A_105 = arith.constant 0 : i32
        %dma_start3A_106 = tpu.memref_slice %arg21[%add3A_85, %dma_start3A_105] : memref<10000x128xf32, #tpu.memory_space<vmem_shared>> -> memref<40x128xf32, #tpu.memory_space<vmem_shared>>
        %dma_start3A_107 = arith.constant 0 : i32
        %dma_start3A_108 = arith.constant 0 : i32
        %dma_start3A_109 = tpu.memref_slice %arg10[%dma_start3A_107, %dma_start3A_108] : memref<50x128xf32, #tpu.memory_space<vmem>> -> memref<40x128xf32, #tpu.memory_space<vmem>>
        %dma_start3A_110 = arith.constant 0 : i32
        %dma_start3A_111 = tpu.memref_slice %arg21[%add3A_85, %dma_start3A_110] : memref<10000x128xf32, #tpu.memory_space<vmem_shared>> -> memref<40x128xf32, #tpu.memory_space<vmem_shared>>
        tpu.enqueue_dma source(%dma_start3A_111 : memref<40x128xf32, #tpu.memory_space<vmem_shared>>) target(%dma_start3A_109 : memref<40x128xf32, #tpu.memory_space<vmem>>) target_semaphore(%run_scoped3A : memref<!tpu.dma_semaphore, #tpu.memory_space<semaphore_mem>>)
        %dma_wait3A_112 = arith.constant 0 : i32
        %dma_wait3A_113 = arith.constant 0 : i32
        %dma_wait3A_114 = tpu.memref_slice %arg10[%dma_wait3A_112, %dma_wait3A_113] : memref<50x128xf32, #tpu.memory_space<vmem>> -> memref<40x128xf32, #tpu.memory_space<vmem>>
        %dma_wait3A_115 = arith.constant 0 : i32
        %dma_wait3A_116 = tpu.memref_slice %arg21[%add3A_85, %dma_wait3A_115] : memref<10000x128xf32, #tpu.memory_space<vmem_shared>> -> memref<40x128xf32, #tpu.memory_space<vmem_shared>>
        %dma_wait3A_117 = arith.constant 0 : i32
        %dma_wait3A_118 = arith.constant 0 : i32
        %dma_wait3A_119 = tpu.memref_slice %arg10[%dma_wait3A_117, %dma_wait3A_118] : memref<50x128xf32, #tpu.memory_space<vmem>> -> memref<40x128xf32, #tpu.memory_space<vmem>>
        %dma_wait3A_120 = arith.constant 0 : i32
        %dma_wait3A_121 = tpu.memref_slice %arg21[%add3A_85, %dma_wait3A_120] : memref<10000x128xf32, #tpu.memory_space<vmem_shared>> -> memref<40x128xf32, #tpu.memory_space<vmem_shared>>
        tpu.wait_dma2 semaphore(%run_scoped3A : memref<!tpu.dma_semaphore, #tpu.memory_space<semaphore_mem>>) src(%dma_wait3A_121 : memref<40x128xf32, #tpu.memory_space<vmem_shared>>) dst(%dma_wait3A_119 : memref<40x128xf32, #tpu.memory_space<vmem>>)
        tpu.yield
      }) : () -> ()
      %mul3A_86 = arith.constant 10000 : i32
      %mul3A_87 = arith.muli %arg0, %mul3A_86 : i32
      %add3A_88 = arith.addi %mul3A_87, %mul3A_0 : i32
      %mul3A_89 = arith.constant 40 : i32
      %mul3A_90 = arith.muli %add3A_82, %mul3A_89 : i32
      %add3A_91 = arith.addi %add3A_88, %mul3A_90 : i32
      %dma_start3A_92 = arith.constant 0 : i32
      %dma_start3A_93 = arith.constant 0 : i32
      %dma_start3A_94 = tpu.memref_slice %arg10[%dma_start3A_92, %dma_start3A_93] : memref<50x128xf32, #tpu.memory_space<vmem>> -> memref<40x128xf32, #tpu.memory_space<vmem>>
      %dma_start3A_95 = arith.constant 0 : i32
      %dma_start3A_96 = tpu.memref_slice %arg6[%add3A_91, %dma_start3A_95] : memref<20000x128xf32, #tpu.memory_space<hbm>> -> memref<40x128xf32, #tpu.memory_space<hbm>>
      %dma_start3A_97 = arith.constant 0 : i32
      %dma_start3A_98 = tpu.memref_slice %arg6[%add3A_91, %dma_start3A_97] : memref<20000x128xf32, #tpu.memory_space<hbm>> -> memref<40x128xf32, #tpu.memory_space<hbm>>
      %dma_start3A_99 = arith.constant 0 : i32
      %dma_start3A_100 = arith.constant 0 : i32
      %dma_start3A_101 = tpu.memref_slice %arg10[%dma_start3A_99, %dma_start3A_100] : memref<50x128xf32, #tpu.memory_space<vmem>> -> memref<40x128xf32, #tpu.memory_space<vmem>>
      tpu.enqueue_dma source(%dma_start3A_101 : memref<40x128xf32, #tpu.memory_space<vmem>>) target(%dma_start3A_98 : memref<40x128xf32, #tpu.memory_space<hbm>>) target_semaphore(%arg14 : memref<!tpu.dma_semaphore, #tpu.memory_space<semaphore_mem>>)
    }
    %scan3A_31 = arith.constant 8 : i32
    %mul3A_32 = arith.constant 10000 : i32
    %mul3A_33 = arith.muli %arg0, %mul3A_32 : i32
    %add3A = arith.addi %mul3A_33, %mul3A_0 : i32
    %dma_wait3A = arith.constant 0 : i32
    %dma_wait3A_34 = arith.constant 0 : i32
    %dma_wait3A_35 = tpu.memref_slice %arg9[%dma_wait3A, %dma_wait3A_34] : memref<50x128xf32, #tpu.memory_space<vmem>> -> memref<40x128xf32, #tpu.memory_space<vmem>>
    %dma_wait3A_36 = arith.constant 0 : i32
    %dma_wait3A_37 = tpu.memref_slice %arg6[%add3A, %dma_wait3A_36] : memref<20000x128xf32, #tpu.memory_space<hbm>> -> memref<40x128xf32, #tpu.memory_space<hbm>>
    %dma_wait3A_38 = arith.constant 0 : i32
    %dma_wait3A_39 = tpu.memref_slice %arg6[%add3A, %dma_wait3A_38] : memref<20000x128xf32, #tpu.memory_space<hbm>> -> memref<40x128xf32, #tpu.memory_space<hbm>>
    %dma_wait3A_40 = arith.constant 0 : i32
    %dma_wait3A_41 = arith.constant 0 : i32
    %dma_wait3A_42 = tpu.memref_slice %arg9[%dma_wait3A_40, %dma_wait3A_41] : memref<50x128xf32, #tpu.memory_space<vmem>> -> memref<40x128xf32, #tpu.memory_space<vmem>>
    tpu.wait_dma2 semaphore(%arg13 : memref<!tpu.dma_semaphore, #tpu.memory_space<semaphore_mem>>) src(%dma_wait3A_42 : memref<40x128xf32, #tpu.memory_space<vmem>>) dst(%dma_wait3A_39 : memref<40x128xf32, #tpu.memory_space<hbm>>)
    %mul3A_43 = arith.constant 10000 : i32
    %mul3A_44 = arith.muli %arg0, %mul3A_43 : i32
    %add3A_45 = arith.addi %mul3A_44, %mul3A_0 : i32
    %dma_wait3A_46 = arith.constant 0 : i32
    %dma_wait3A_47 = arith.constant 0 : i32
    %dma_wait3A_48 = tpu.memref_slice %arg10[%dma_wait3A_46, %dma_wait3A_47] : memref<50x128xf32, #tpu.memory_space<vmem>> -> memref<40x128xf32, #tpu.memory_space<vmem>>
    %dma_wait3A_49 = arith.constant 0 : i32
    %dma_wait3A_50 = tpu.memref_slice %arg6[%add3A_45, %dma_wait3A_49] : memref<20000x128xf32, #tpu.memory_space<hbm>> -> memref<40x128xf32, #tpu.memory_space<hbm>>
    %dma_wait3A_51 = arith.constant 0 : i32
    %dma_wait3A_52 = tpu.memref_slice %arg6[%add3A_45, %dma_wait3A_51] : memref<20000x128xf32, #tpu.memory_space<hbm>> -> memref<40x128xf32, #tpu.memory_space<hbm>>
    %dma_wait3A_53 = arith.constant 0 : i32
    %dma_wait3A_54 = arith.constant 0 : i32
    %dma_wait3A_55 = tpu.memref_slice %arg10[%dma_wait3A_53, %dma_wait3A_54] : memref<50x128xf32, #tpu.memory_space<vmem>> -> memref<40x128xf32, #tpu.memory_space<vmem>>
    tpu.wait_dma2 semaphore(%arg14 : memref<!tpu.dma_semaphore, #tpu.memory_space<semaphore_mem>>) src(%dma_wait3A_55 : memref<40x128xf32, #tpu.memory_space<vmem>>) dst(%dma_wait3A_52 : memref<40x128xf32, #tpu.memory_space<hbm>>)
    return
  }
}

module attributes {stable_mosaic.version = 14 : i64} {
  func.func @_tc_pre1_body(%arg0: i32, %arg1: memref<2000x256xf32, #tpu.memory_space<vmem>>, %arg2: memref<256x256xf32, #tpu.memory_space<vmem>>, %arg3: memref<1x256xf32, #tpu.memory_space<vmem>>, %arg4: memref<2x2000x128xf32, #tpu.memory_space<vmem>>, %arg5: memref<2000x256xf32, #tpu.memory_space<vmem>>) attributes {dimension_semantics = [#tpu.dimension_semantics<arbitrary>], iteration_bounds = array<i64: 5>, scalar_prefetch = 0 : i64, scratch_operands = 0 : i64, tpu.core_type = #tpu.core_type<tc>, window_params = [{transform_indices = @transform_0, window_bounds = array<i64: 2000, 256>}, {pipeline_mode = #tpu.pipeline_mode<synchronous>, transform_indices = @transform_1, window_bounds = array<i64: 256, 256>}, {pipeline_mode = #tpu.pipeline_mode<synchronous>, transform_indices = @transform_2, window_bounds = array<i64: 1, 256>}, {transform_indices = @transform_3, window_bounds = array<i64: 2, 2000, 128>}, {transform_indices = @transform_4, window_bounds = array<i64: 2000, 256>}]} {
    %get3A = arith.constant 0 : index
    %get3A_0 = arith.constant 0 : index
    %get3A_1 = vector.load %arg1[%get3A, %get3A_0] : memref<2000x256xf32, #tpu.memory_space<vmem>>, vector<2000x256xf32>
    %get3A_2 = arith.constant 0 : index
    %get3A_3 = arith.constant 0 : index
    %get3A_4 = vector.load %arg2[%get3A_2, %get3A_3] : memref<256x256xf32, #tpu.memory_space<vmem>>, vector<256x256xf32>
    %dot_general3A = arith.constant dense<0.000000e+00> : vector<2000x256xf32>
    %dot_general3A_5 = tpu.matmul %get3A_1, %get3A_4, %dot_general3A {dimension_numbers = #tpu.dot_dimension_numbers<[1], [0], [0], [1], [0, 0, 1, 1], [], []>, transpose_lhs_hint = false} : vector<2000x256xf32>, vector<256x256xf32>, vector<2000x256xf32> -> vector<2000x256xf32>
    %get3A_6 = arith.constant 0 : index
    %get3A_7 = arith.constant 0 : index
    %get3A_8 = vector.load %arg3[%get3A_6, %get3A_7] : memref<1x256xf32, #tpu.memory_space<vmem>>, vector<1x256xf32>
    %add3A = vector.broadcast %get3A_8 : vector<1x256xf32> to vector<2000x256xf32>
    %add3A_9 = arith.addf %dot_general3A_5, %add3A : vector<2000x256xf32>
    %swap3A = arith.constant 0 : index
    %swap3A_10 = arith.constant 0 : index
    %swap3A_11 = vector.load %arg5[%swap3A, %swap3A_10] : memref<2000x256xf32, #tpu.memory_space<vmem>>, vector<2000x256xf32>
    tpu.vector_store %arg5[%swap3A, %swap3A_10], %add3A_9 {strides = array<i32>} : memref<2000x256xf32, #tpu.memory_space<vmem>>, vector<2000x256xf32>,
    %slice3A = vector.extract_strided_slice %get3A_1 {offsets = [0, 0], sizes = [2000, 128], strides = [1, 1]} : vector<2000x256xf32> to vector<2000x128xf32>
    %swap3A_12 = arith.constant 0 : index
    %swap3A_13 = arith.constant 0 : index
    %swap3A_14 = arith.constant 0 : index
    %swap3A_15 = vector.load %arg4[%swap3A_12, %swap3A_13, %swap3A_14] : memref<2x2000x128xf32, #tpu.memory_space<vmem>>, vector<1x2000x128xf32>
    %swap3A_16 = vector.shape_cast %swap3A_15 : vector<1x2000x128xf32> to vector<2000x128xf32>
    %swap3A_17 = vector.shape_cast %slice3A : vector<2000x128xf32> to vector<1x2000x128xf32>
    tpu.vector_store %arg4[%swap3A_12, %swap3A_13, %swap3A_14], %swap3A_17 {strides = array<i32>} : memref<2x2000x128xf32, #tpu.memory_space<vmem>>, vector<1x2000x128xf32>,
    %slice3A_18 = vector.extract_strided_slice %get3A_1 {offsets = [0, 128], sizes = [2000, 128], strides = [1, 1]} : vector<2000x256xf32> to vector<2000x128xf32>
    %swap3A_19 = arith.constant 1 : index
    %swap3A_20 = arith.constant 0 : index
    %swap3A_21 = arith.constant 0 : index
    %swap3A_22 = vector.load %arg4[%swap3A_19, %swap3A_20, %swap3A_21] : memref<2x2000x128xf32, #tpu.memory_space<vmem>>, vector<1x2000x128xf32>
    %swap3A_23 = vector.shape_cast %swap3A_22 : vector<1x2000x128xf32> to vector<2000x128xf32>
    %swap3A_24 = vector.shape_cast %slice3A_18 : vector<2000x128xf32> to vector<1x2000x128xf32>
    tpu.vector_store %arg4[%swap3A_19, %swap3A_20, %swap3A_21], %swap3A_24 {strides = array<i32>} : memref<2x2000x128xf32, #tpu.memory_space<vmem>>, vector<1x2000x128xf32>,
    return
  }
  func.func @transform_0(%arg0: i32) -> (i32, i32) {
    %c0_i32 = arith.constant 0 : i32
    %c0_i32_0 = arith.constant 0 : i32
    return %arg0, %c0_i32 : i32, i32
  }
  func.func @transform_1(%arg0: i32) -> (i32, i32) {
    %c0_i32 = arith.constant 0 : i32
    %c0_i32_0 = arith.constant 0 : i32
    %c0_i32_1 = arith.constant 0 : i32
    return %c0_i32, %c0_i32_0 : i32, i32
  }
  func.func @transform_2(%arg0: i32) -> (i32, i32) {
    %c0_i32 = arith.constant 0 : i32
    %c0_i32_0 = arith.constant 0 : i32
    %c0_i32_1 = arith.constant 0 : i32
    return %c0_i32, %c0_i32_0 : i32, i32
  }
  func.func @transform_3(%arg0: i32) -> (i32, i32, i32) {
    %c0_i32 = arith.constant 0 : i32
    %c0_i32_0 = arith.constant 0 : i32
    %c0_i32_1 = arith.constant 0 : i32
    return %c0_i32, %arg0, %c0_i32_0 : i32, i32, i32
  }
  func.func @transform_4(%arg0: i32) -> (i32, i32) {
    %c0_i32 = arith.constant 0 : i32
    %c0_i32_0 = arith.constant 0 : i32
    return %arg0, %c0_i32 : i32, i32
  }
}

module attributes {stable_mosaic.version = 14 : i64} {
  func.func @_tc_mid_body(%arg0: i32, %arg1: memref<2000x256xf32, #tpu.memory_space<vmem>>, %arg2: memref<2000x128xf32, #tpu.memory_space<vmem>>, %arg3: memref<2000x128xf32, #tpu.memory_space<vmem>>, %arg4: memref<2000x128xf32, #tpu.memory_space<vmem>>, %arg5: memref<2000x128xf32, #tpu.memory_space<vmem>>, %arg6: memref<256x256xf32, #tpu.memory_space<vmem>>, %arg7: memref<256x256xf32, #tpu.memory_space<vmem>>, %arg8: memref<1x256xf32, #tpu.memory_space<vmem>>, %arg9: memref<2x2000x128xf32, #tpu.memory_space<vmem>>, %arg10: memref<2000x256xf32, #tpu.memory_space<vmem>>) attributes {dimension_semantics = [#tpu.dimension_semantics<arbitrary>], iteration_bounds = array<i64: 5>, scalar_prefetch = 0 : i64, scratch_operands = 0 : i64, tpu.core_type = #tpu.core_type<tc>, window_params = [{transform_indices = @transform_0, window_bounds = array<i64: 2000, 256>}, {transform_indices = @transform_1, window_bounds = array<i64: 2000, 128>}, {transform_indices = @transform_2, window_bounds = array<i64: 2000, 128>}, {transform_indices = @transform_3, window_bounds = array<i64: 2000, 128>}, {transform_indices = @transform_4, window_bounds = array<i64: 2000, 128>}, {pipeline_mode = #tpu.pipeline_mode<synchronous>, transform_indices = @transform_5, window_bounds = array<i64: 256, 256>}, {pipeline_mode = #tpu.pipeline_mode<synchronous>, transform_indices = @transform_6, window_bounds = array<i64: 256, 256>}, {pipeline_mode = #tpu.pipeline_mode<synchronous>, transform_indices = @transform_7, window_bounds = array<i64: 1, 256>}, {transform_indices = @transform_8, window_bounds = array<i64: 2, 2000, 128>}, {transform_indices = @transform_9, window_bounds = array<i64: 2000, 256>}]} {
    %get3A = arith.constant 0 : index
    %get3A_0 = arith.constant 0 : index
    %get3A_1 = vector.load %arg4[%get3A, %get3A_0] : memref<2000x128xf32, #tpu.memory_space<vmem>>, vector<2000x128xf32>
    %slice3A = vector.extract_strided_slice %get3A_1 {offsets = [0, 0], sizes = [2000, 1], strides = [1, 1]} : vector<2000x128xf32> to vector<2000x1xf32>
    %get3A_2 = arith.constant 0 : index
    %get3A_3 = arith.constant 0 : index
    %get3A_4 = vector.load %arg5[%get3A_2, %get3A_3] : memref<2000x128xf32, #tpu.memory_space<vmem>>, vector<2000x128xf32>
    %slice3A_5 = vector.extract_strided_slice %get3A_4 {offsets = [0, 0], sizes = [2000, 1], strides = [1, 1]} : vector<2000x128xf32> to vector<2000x1xf32>
    %add3A = arith.addf %slice3A, %slice3A_5 : vector<2000x1xf32>
    %max3A = arith.constant 1.000000e+00 : f32
    %max3A_6 = vector.broadcast %max3A : f32 to vector<2000x1xf32>
    %max3A_7 = arith.maximumf %add3A, %max3A_6 : vector<2000x1xf32>
    %div3A = arith.constant 1.000000e+00 : f32
    %div3A_8 = vector.broadcast %div3A : f32 to vector<2000x1xf32>
    %div3A_9 = arith.divf %div3A_8, %max3A_7 : vector<2000x1xf32>
    %get3A_10 = arith.constant 0 : index
    %get3A_11 = arith.constant 0 : index
    %get3A_12 = vector.load %arg1[%get3A_10, %get3A_11] : memref<2000x256xf32, #tpu.memory_space<vmem>>, vector<2000x256xf32>
    %get3A_13 = arith.constant 0 : index
    %get3A_14 = arith.constant 0 : index
    %get3A_15 = vector.load %arg2[%get3A_13, %get3A_14] : memref<2000x128xf32, #tpu.memory_space<vmem>>, vector<2000x128xf32>
    %mul3A = vector.broadcast %div3A_9 : vector<2000x1xf32> to vector<2000x128xf32>
    %mul3A_16 = arith.mulf %get3A_15, %mul3A : vector<2000x128xf32>
    %get3A_17 = arith.constant 0 : index
    %get3A_18 = arith.constant 0 : index
    %get3A_19 = vector.load %arg6[%get3A_17, %get3A_18] : memref<256x256xf32, #tpu.memory_space<vmem>>, vector<128x256xf32>
    %dot_general3A = arith.constant dense<0.000000e+00> : vector<2000x256xf32>
    %dot_general3A_20 = tpu.matmul %mul3A_16, %get3A_19, %dot_general3A {dimension_numbers = #tpu.dot_dimension_numbers<[1], [0], [0], [1], [0, 0, 1, 1], [], []>, transpose_lhs_hint = false} : vector<2000x128xf32>, vector<128x256xf32>, vector<2000x256xf32> -> vector<2000x256xf32>
    %add3A_21 = arith.addf %get3A_12, %dot_general3A_20 : vector<2000x256xf32>
    %get3A_22 = arith.constant 0 : index
    %get3A_23 = arith.constant 0 : index
    %get3A_24 = vector.load %arg3[%get3A_22, %get3A_23] : memref<2000x128xf32, #tpu.memory_space<vmem>>, vector<2000x128xf32>
    %mul3A_25 = vector.broadcast %div3A_9 : vector<2000x1xf32> to vector<2000x128xf32>
    %mul3A_26 = arith.mulf %get3A_24, %mul3A_25 : vector<2000x128xf32>
    %get3A_27 = arith.constant 128 : index
    %get3A_28 = arith.constant 0 : index
    %get3A_29 = vector.load %arg6[%get3A_27, %get3A_28] : memref<256x256xf32, #tpu.memory_space<vmem>>, vector<128x256xf32>
    %dot_general3A_30 = arith.constant dense<0.000000e+00> : vector<2000x256xf32>
    %dot_general3A_31 = tpu.matmul %mul3A_26, %get3A_29, %dot_general3A_30 {dimension_numbers = #tpu.dot_dimension_numbers<[1], [0], [0], [1], [0, 0, 1, 1], [], []>, transpose_lhs_hint = false} : vector<2000x128xf32>, vector<128x256xf32>, vector<2000x256xf32> -> vector<2000x256xf32>
    %add3A_32 = arith.addf %add3A_21, %dot_general3A_31 : vector<2000x256xf32>
    %max3A_33 = arith.constant 0.000000e+00 : f32
    %max3A_34 = vector.broadcast %max3A_33 : f32 to vector<2000x256xf32>
    %max3A_35 = arith.maximumf %add3A_32, %max3A_34 : vector<2000x256xf32>
    %slice3A_36 = vector.extract_strided_slice %max3A_35 {offsets = [0, 0], sizes = [2000, 128], strides = [1, 1]} : vector<2000x256xf32> to vector<2000x128xf32>
    %swap3A = arith.constant 0 : index
    %swap3A_37 = arith.constant 0 : index
    %swap3A_38 = arith.constant 0 : index
    %swap3A_39 = vector.load %arg9[%swap3A, %swap3A_37, %swap3A_38] : memref<2x2000x128xf32, #tpu.memory_space<vmem>>, vector<1x2000x128xf32>
    %swap3A_40 = vector.shape_cast %swap3A_39 : vector<1x2000x128xf32> to vector<2000x128xf32>
    %swap3A_41 = vector.shape_cast %slice3A_36 : vector<2000x128xf32> to vector<1x2000x128xf32>
    tpu.vector_store %arg9[%swap3A, %swap3A_37, %swap3A_38], %swap3A_41 {strides = array<i32>} : memref<2x2000x128xf32, #tpu.memory_space<vmem>>, vector<1x2000x128xf32>,
    %slice3A_42 = vector.extract_strided_slice %max3A_35 {offsets = [0, 128], sizes = [2000, 128], strides = [1, 1]} : vector<2000x256xf32> to vector<2000x128xf32>
    %swap3A_43 = arith.constant 1 : index
    %swap3A_44 = arith.constant 0 : index
    %swap3A_45 = arith.constant 0 : index
    %swap3A_46 = vector.load %arg9[%swap3A_43, %swap3A_44, %swap3A_45] : memref<2x2000x128xf32, #tpu.memory_space<vmem>>, vector<1x2000x128xf32>
    %swap3A_47 = vector.shape_cast %swap3A_46 : vector<1x2000x128xf32> to vector<2000x128xf32>
    %swap3A_48 = vector.shape_cast %slice3A_42 : vector<2000x128xf32> to vector<1x2000x128xf32>
    tpu.vector_store %arg9[%swap3A_43, %swap3A_44, %swap3A_45], %swap3A_48 {strides = array<i32>} : memref<2x2000x128xf32, #tpu.memory_space<vmem>>, vector<1x2000x128xf32>,
    %get3A_49 = arith.constant 0 : index
    %get3A_50 = arith.constant 0 : index
    %get3A_51 = vector.load %arg7[%get3A_49, %get3A_50] : memref<256x256xf32, #tpu.memory_space<vmem>>, vector<256x256xf32>
    %dot_general3A_52 = arith.constant dense<0.000000e+00> : vector<2000x256xf32>
    %dot_general3A_53 = tpu.matmul %max3A_35, %get3A_51, %dot_general3A_52 {dimension_numbers = #tpu.dot_dimension_numbers<[1], [0], [0], [1], [0, 0, 1, 1], [], []>, transpose_lhs_hint = false} : vector<2000x256xf32>, vector<256x256xf32>, vector<2000x256xf32> -> vector<2000x256xf32>
    %get3A_54 = arith.constant 0 : index
    %get3A_55 = arith.constant 0 : index
    %get3A_56 = vector.load %arg8[%get3A_54, %get3A_55] : memref<1x256xf32, #tpu.memory_space<vmem>>, vector<1x256xf32>
    %add3A_57 = vector.broadcast %get3A_56 : vector<1x256xf32> to vector<2000x256xf32>
    %add3A_58 = arith.addf %dot_general3A_53, %add3A_57 : vector<2000x256xf32>
    %swap3A_59 = arith.constant 0 : index
    %swap3A_60 = arith.constant 0 : index
    %swap3A_61 = vector.load %arg10[%swap3A_59, %swap3A_60] : memref<2000x256xf32, #tpu.memory_space<vmem>>, vector<2000x256xf32>
    tpu.vector_store %arg10[%swap3A_59, %swap3A_60], %add3A_58 {strides = array<i32>} : memref<2000x256xf32, #tpu.memory_space<vmem>>, vector<2000x256xf32>,
    return
  }
  func.func @transform_0(%arg0: i32) -> (i32, i32) {
    %c0_i32 = arith.constant 0 : i32
    %c0_i32_0 = arith.constant 0 : i32
    return %arg0, %c0_i32 : i32, i32
  }
  func.func @transform_1(%arg0: i32) -> (i32, i32) {
    %c0_i32 = arith.constant 0 : i32
    %c0_i32_0 = arith.constant 0 : i32
    return %arg0, %c0_i32 : i32, i32
  }
  func.func @transform_2(%arg0: i32) -> (i32, i32) {
    %add3A = arith.constant 5 : i32
    %add3A_0 = arith.addi %arg0, %add3A : i32
    %c0_i32 = arith.constant 0 : i32
    %c0_i32_1 = arith.constant 0 : i32
    return %add3A_0, %c0_i32 : i32, i32
  }
  func.func @transform_3(%arg0: i32) -> (i32, i32) {
    %c0_i32 = arith.constant 0 : i32
    %c0_i32_0 = arith.constant 0 : i32
    return %arg0, %c0_i32 : i32, i32
  }
  func.func @transform_4(%arg0: i32) -> (i32, i32) {
    %add3A = arith.constant 5 : i32
    %add3A_0 = arith.addi %arg0, %add3A : i32
    %c0_i32 = arith.constant 0 : i32
    %c0_i32_1 = arith.constant 0 : i32
    return %add3A_0, %c0_i32 : i32, i32
  }
  func.func @transform_5(%arg0: i32) -> (i32, i32) {
    %c0_i32 = arith.constant 0 : i32
    %c0_i32_0 = arith.constant 0 : i32
    %c0_i32_1 = arith.constant 0 : i32
    return %c0_i32, %c0_i32_0 : i32, i32
  }
  func.func @transform_6(%arg0: i32) -> (i32, i32) {
    %c0_i32 = arith.constant 0 : i32
    %c0_i32_0 = arith.constant 0 : i32
    %c0_i32_1 = arith.constant 0 : i32
    return %c0_i32, %c0_i32_0 : i32, i32
  }
  func.func @transform_7(%arg0: i32) -> (i32, i32) {
    %c0_i32 = arith.constant 0 : i32
    %c0_i32_0 = arith.constant 0 : i32
    %c0_i32_1 = arith.constant 0 : i32
    return %c0_i32, %c0_i32_0 : i32, i32
  }
  func.func @transform_8(%arg0: i32) -> (i32, i32, i32) {
    %c0_i32 = arith.constant 0 : i32
    %c0_i32_0 = arith.constant 0 : i32
    %c0_i32_1 = arith.constant 0 : i32
    return %c0_i32, %arg0, %c0_i32_0 : i32, i32, i32
  }
  func.func @transform_9(%arg0: i32) -> (i32, i32) {
    %c0_i32 = arith.constant 0 : i32
    %c0_i32_0 = arith.constant 0 : i32
    return %arg0, %c0_i32 : i32, i32
  }
}

module attributes {stable_mosaic.version = 14 : i64} {
  func.func @_tc_post2_body(%arg0: i32, %arg1: memref<2000x256xf32, #tpu.memory_space<vmem>>, %arg2: memref<2000x128xf32, #tpu.memory_space<vmem>>, %arg3: memref<2000x128xf32, #tpu.memory_space<vmem>>, %arg4: memref<2000x128xf32, #tpu.memory_space<vmem>>, %arg5: memref<2000x128xf32, #tpu.memory_space<vmem>>, %arg6: memref<256x256xf32, #tpu.memory_space<vmem>>, %arg7: memref<2000x256xf32, #tpu.memory_space<vmem>>) attributes {dimension_semantics = [#tpu.dimension_semantics<arbitrary>], iteration_bounds = array<i64: 5>, scalar_prefetch = 0 : i64, scratch_operands = 0 : i64, tpu.core_type = #tpu.core_type<tc>, window_params = [{transform_indices = @transform_0, window_bounds = array<i64: 2000, 256>}, {transform_indices = @transform_1, window_bounds = array<i64: 2000, 128>}, {transform_indices = @transform_2, window_bounds = array<i64: 2000, 128>}, {transform_indices = @transform_3, window_bounds = array<i64: 2000, 128>}, {transform_indices = @transform_4, window_bounds = array<i64: 2000, 128>}, {pipeline_mode = #tpu.pipeline_mode<synchronous>, transform_indices = @transform_5, window_bounds = array<i64: 256, 256>}, {transform_indices = @transform_6, window_bounds = array<i64: 2000, 256>}]} {
    %get3A = arith.constant 0 : index
    %get3A_0 = arith.constant 0 : index
    %get3A_1 = vector.load %arg4[%get3A, %get3A_0] : memref<2000x128xf32, #tpu.memory_space<vmem>>, vector<2000x128xf32>
    %slice3A = vector.extract_strided_slice %get3A_1 {offsets = [0, 0], sizes = [2000, 1], strides = [1, 1]} : vector<2000x128xf32> to vector<2000x1xf32>
    %get3A_2 = arith.constant 0 : index
    %get3A_3 = arith.constant 0 : index
    %get3A_4 = vector.load %arg5[%get3A_2, %get3A_3] : memref<2000x128xf32, #tpu.memory_space<vmem>>, vector<2000x128xf32>
    %slice3A_5 = vector.extract_strided_slice %get3A_4 {offsets = [0, 0], sizes = [2000, 1], strides = [1, 1]} : vector<2000x128xf32> to vector<2000x1xf32>
    %add3A = arith.addf %slice3A, %slice3A_5 : vector<2000x1xf32>
    %max3A = arith.constant 1.000000e+00 : f32
    %max3A_6 = vector.broadcast %max3A : f32 to vector<2000x1xf32>
    %max3A_7 = arith.maximumf %add3A, %max3A_6 : vector<2000x1xf32>
    %div3A = arith.constant 1.000000e+00 : f32
    %div3A_8 = vector.broadcast %div3A : f32 to vector<2000x1xf32>
    %div3A_9 = arith.divf %div3A_8, %max3A_7 : vector<2000x1xf32>
    %get3A_10 = arith.constant 0 : index
    %get3A_11 = arith.constant 0 : index
    %get3A_12 = vector.load %arg1[%get3A_10, %get3A_11] : memref<2000x256xf32, #tpu.memory_space<vmem>>, vector<2000x256xf32>
    %get3A_13 = arith.constant 0 : index
    %get3A_14 = arith.constant 0 : index
    %get3A_15 = vector.load %arg2[%get3A_13, %get3A_14] : memref<2000x128xf32, #tpu.memory_space<vmem>>, vector<2000x128xf32>
    %mul3A = vector.broadcast %div3A_9 : vector<2000x1xf32> to vector<2000x128xf32>
    %mul3A_16 = arith.mulf %get3A_15, %mul3A : vector<2000x128xf32>
    %get3A_17 = arith.constant 0 : index
    %get3A_18 = arith.constant 0 : index
    %get3A_19 = vector.load %arg6[%get3A_17, %get3A_18] : memref<256x256xf32, #tpu.memory_space<vmem>>, vector<128x256xf32>
    %dot_general3A = arith.constant dense<0.000000e+00> : vector<2000x256xf32>
    %dot_general3A_20 = tpu.matmul %mul3A_16, %get3A_19, %dot_general3A {dimension_numbers = #tpu.dot_dimension_numbers<[1], [0], [0], [1], [0, 0, 1, 1], [], []>, transpose_lhs_hint = false} : vector<2000x128xf32>, vector<128x256xf32>, vector<2000x256xf32> -> vector<2000x256xf32>
    %add3A_21 = arith.addf %get3A_12, %dot_general3A_20 : vector<2000x256xf32>
    %get3A_22 = arith.constant 0 : index
    %get3A_23 = arith.constant 0 : index
    %get3A_24 = vector.load %arg3[%get3A_22, %get3A_23] : memref<2000x128xf32, #tpu.memory_space<vmem>>, vector<2000x128xf32>
    %mul3A_25 = vector.broadcast %div3A_9 : vector<2000x1xf32> to vector<2000x128xf32>
    %mul3A_26 = arith.mulf %get3A_24, %mul3A_25 : vector<2000x128xf32>
    %get3A_27 = arith.constant 128 : index
    %get3A_28 = arith.constant 0 : index
    %get3A_29 = vector.load %arg6[%get3A_27, %get3A_28] : memref<256x256xf32, #tpu.memory_space<vmem>>, vector<128x256xf32>
    %dot_general3A_30 = arith.constant dense<0.000000e+00> : vector<2000x256xf32>
    %dot_general3A_31 = tpu.matmul %mul3A_26, %get3A_29, %dot_general3A_30 {dimension_numbers = #tpu.dot_dimension_numbers<[1], [0], [0], [1], [0, 0, 1, 1], [], []>, transpose_lhs_hint = false} : vector<2000x128xf32>, vector<128x256xf32>, vector<2000x256xf32> -> vector<2000x256xf32>
    %add3A_32 = arith.addf %add3A_21, %dot_general3A_31 : vector<2000x256xf32>
    %swap3A = arith.constant 0 : index
    %swap3A_33 = arith.constant 0 : index
    %swap3A_34 = vector.load %arg7[%swap3A, %swap3A_33] : memref<2000x256xf32, #tpu.memory_space<vmem>>, vector<2000x256xf32>
    tpu.vector_store %arg7[%swap3A, %swap3A_33], %add3A_32 {strides = array<i32>} : memref<2000x256xf32, #tpu.memory_space<vmem>>, vector<2000x256xf32>,
    return
  }
  func.func @transform_0(%arg0: i32) -> (i32, i32) {
    %c0_i32 = arith.constant 0 : i32
    %c0_i32_0 = arith.constant 0 : i32
    return %arg0, %c0_i32 : i32, i32
  }
  func.func @transform_1(%arg0: i32) -> (i32, i32) {
    %c0_i32 = arith.constant 0 : i32
    %c0_i32_0 = arith.constant 0 : i32
    return %arg0, %c0_i32 : i32, i32
  }
  func.func @transform_2(%arg0: i32) -> (i32, i32) {
    %add3A = arith.constant 5 : i32
    %add3A_0 = arith.addi %arg0, %add3A : i32
    %c0_i32 = arith.constant 0 : i32
    %c0_i32_1 = arith.constant 0 : i32
    return %add3A_0, %c0_i32 : i32, i32
  }
  func.func @transform_3(%arg0: i32) -> (i32, i32) {
    %c0_i32 = arith.constant 0 : i32
    %c0_i32_0 = arith.constant 0 : i32
    return %arg0, %c0_i32 : i32, i32
  }
  func.func @transform_4(%arg0: i32) -> (i32, i32) {
    %add3A = arith.constant 5 : i32
    %add3A_0 = arith.addi %arg0, %add3A : i32
    %c0_i32 = arith.constant 0 : i32
    %c0_i32_1 = arith.constant 0 : i32
    return %add3A_0, %c0_i32 : i32, i32
  }
  func.func @transform_5(%arg0: i32) -> (i32, i32) {
    %c0_i32 = arith.constant 0 : i32
    %c0_i32_0 = arith.constant 0 : i32
    %c0_i32_1 = arith.constant 0 : i32
    return %c0_i32, %c0_i32_0 : i32, i32
  }
  func.func @transform_6(%arg0: i32) -> (i32, i32) {
    %c0_i32 = arith.constant 0 : i32
    %c0_i32_0 = arith.constant 0 : i32
    return %arg0, %c0_i32 : i32, i32
  }
}

</mosaic_0001>

<sc_bundles>
// kernel: kernel.11.cloned.1.call-start
scs
__scs_entry_jumppad:
0x0: {  	(pc) =	sbr.rel $0x88, $3  }
0x1: {  	(tag) =	ssettag $0x0;
	lr =	simm.s32 $0x1  }
0x2: {  	[smem:$0x3F99] =	sst lr;
	_ =	strace $0xD0000000  }
0x3: {  	_ = 	snop  }
0x4: {  	_ = 	snop  }
0x5: {  	_ = 	snop  }
0x6: {  	_ = 	snop  }
0x7: {  	_ = 	snop  }
__scs_overlays_trampoline_lowered:
0x8: {  	[smem:$0x3FA8] =	sst s0  }
0x9: {  	[smem:$0x3FA9] =	sst s1  }
0xa: {  	[smem:$0x3FAA] =	sst s2  }
0xb: {  	[smem:$0x3FAB] =	sst s3  }
0xc: {  	[smem:$0x3FAC] =	sst s4  }
0xd: {  	[smem:$0x3FAD] =	sst s5  }
0xe: {  	[smem:$0x3FAE] =	sst s6  }
0xf: {  	[smem:$0x3FAF] =	sst s7  }
0x10: {  	[smem:$0x3FB0] =	sst s8  }
0x11: {  	[smem:$0x3FB1] =	sst s9;
	s0 =	simm.s32 @!p0 $0x0  }
0x12: {  	s1 =	sld [smem:$0x3F97];
	s0 =	simm.s32 @p0 $0x1  }
0x13: {  	[smem:$0x3FB2] =	sst s0;
	s0 =	simm.s32 @!p1 $0x0  }
0x14: {  	s2 =	sld [smem:$0x3F96];
	s0 =	simm.s32 @p1 $0x1  }
0x15: {  	[smem:$0x3FB3] =	sst s0;
	s0 =	simm.s32 @!p2 $0x0  }
0x16: {  	s3 =	sld [smem:$0x3FDB];
	s0 =	simm.s32 @p2 $0x1  }
0x17: {  	s4 =	simm.s32 $0x1BF5;
	[smem:$0x3FB5] =	sst s0  }
0x18: {  	s0 =	sld [smem:$0x3F98];
	_ =	swait.ge [sflag:s4], $0x0  }
0x19: {  	s7 =	sld [smem:$0x3F99]  }
0x1a: {  	s8 =	sadd.s32 $0xFFFFE003, lr  }
0x1b: {  	s9 =	sadd.s32 $0xFFFFFEF7, lr;
	s5 =	simm.s32 $0xFFFFFFFF;
	p2 =	slt.u32 s8, $0xFFFFF086  }
0x1c: {  	p1 =	slt.u32 s9, $0xF7A;
	s5 =	simm.s32 @!p2 $0x0  }
0x1d: {  	s5 =	simm.s32 @p1 $0x1;
	p0 =	seq.s32 s7, s2  }
0x1e: {  	s7 =	smul.u32 @!p0 $0xF7A, s2;
	p2 =	seq.s32 @!p0 s5, $0x0  }
0x1f: {  	s9 =	smul.u32 $0xF7A, s1;
	s8 =	simm.s32 @!p0 $0x1BF5;
	p2 =	por !p2, p0  }
0x20: {  	[sflag:s8] =	ssyncset.s32 @!p0 $0xFFFFF086;
	s6 =	sadd.s32 @!p0 s3, s7;
	s7 =	simm.s32 @!p0 $0x108  }
0x21: {  	s3 =	sadd.s32 s3, s9;
	s6 =	sadd.s32 @!p0 $0x88, s6;
	s7 =	simm.s32 @p2 $0x1082  }
0x22: {  	[simem:s7], [sflag:s8] =	dma.local @!p0 [hbm:s6], $0xF7A  }
0x23: {  	s9 =	sor.u32 $0xD0000000, s2;
	s6 =	simm.s32 $0x108;
	_ =	swait.ge @!p0 [sflag:s8], $0x0  }
0x24: {  	s3 =	sadd.s32 $0x88, s3;
	s6 =	simm.s32 @!p1 $0x1082;
	[sflag:s4] =	ssyncset.s32 $0xFFFFF086  }
0x25: {  	[simem:s6], [sflag:s4] =	dma.local [hbm:s3], $0xF7A  }
0x26: {  	[smem:$0x3F99] =	sst s1;
	(tag) =	ssettag s2;
	_ =	strace s9  }
0x27: {  	s1 =	sld [smem:$0x3FA9]  }
0x28: {  	s2 =	sld [smem:$0x3FAA]  }
0x29: {  	s4 =	sld [smem:$0x3FAC]  }
0x2a: {  	p0 =	seq.s32 s5, $0x0;
	s5 =	sld [smem:$0x3FAD]  }
0x2b: {  	s6 =	sld [smem:$0x3FAE]  }
0x2c: {  	s7 =	sld [smem:$0x3FAF]  }
0x2d: {  	s3 =	simm.s32 $0x108;
	s8 =	sld [smem:$0x3FB0]  }
0x2e: {  	s3 =	simm.s32 @!p0 $0x1082;
	s9 =	sld [smem:$0x3FB1]  }
0x2f: {  	lr =	sadd.s32 s0, s3;
	s0 =	sld [smem:$0x3FA8]  }
0x30: {  	s3 =	sld [smem:$0x3FAB]  }
0x31: {  	[smem:$0x3FB4] =	sst s10  }
0x32: {  	s10 =	sld [smem:$0x3FB2];
	_ =	sdelay $0x3  }
0x33: {  	p0 =	seq.s32 s10, $0x1;
	s10 =	sld [smem:$0x3FB4];
	_ =	sdelay $0x3  }
0x34: {  	[smem:$0x3FB4] =	sst s10  }
0x35: {  	s10 =	sld [smem:$0x3FB3];
	_ =	sdelay $0x3  }
0x36: {  	p1 =	seq.s32 s10, $0x1;
	s10 =	sld [smem:$0x3FB4];
	_ =	sdelay $0x3  }
0x37: {  	[smem:$0x3FB4] =	sst s10  }
0x38: {  	s10 =	sld [smem:$0x3FB5]  }
0x39: {  	_ = 	snop;
	(pc) =	sbr.ind lr, $3  }
0x3a: {  	_ = 	snop  }
0x3b: {  	_ = 	snop  }
0x3c: {  	p2 =	seq.s32 s10, $0x1;
	s10 =	sld [smem:$0x3FB4]  }
0x3d: {  	_ =	shalt  }
0x3e: {  	_ =	shalt  }
0x3f: {  	_ =	shalt  }
0x40: {  	_ =	shalt  }
0x41: {  	_ =	shalt  }
0x42: {  	_ =	shalt  }
0x43: {  	_ =	shalt  }
0x44: {  	_ =	shalt  }
0x45: {  	_ =	shalt  }
0x46: {  	_ =	shalt  }
0x47: {  	_ =	shalt  }
0x48: {  	_ =	shalt  }
0x49: {  	_ =	shalt  }
0x4a: {  	_ =	shalt  }
0x4b: {  	_ =	shalt  }
0x4c: {  	_ =	shalt  }
0x4d: {  	_ =	shalt  }
0x4e: {  	_ =	shalt  }
0x4f: {  	_ =	shalt  }
0x50: {  	_ =	shalt  }
0x51: {  	_ =	shalt  }
0x52: {  	_ =	shalt  }
0x53: {  	_ =	shalt  }
0x54: {  	_ =	shalt  }
0x55: {  	_ =	shalt  }
0x56: {  	_ =	shalt  }
0x57: {  	_ =	shalt  }
0x58: {  	_ =	shalt  }
0x59: {  	_ =	shalt  }
0x5a: {  	_ =	shalt  }
0x5b: {  	_ =	shalt  }
0x5c: {  	_ =	shalt  }
0x5d: {  	_ =	shalt  }
0x5e: {  	_ =	shalt  }
0x5f: {  	_ =	shalt  }
0x60: {  	_ =	shalt  }
0x61: {  	_ =	shalt  }
0x62: {  	_ =	shalt  }
0x63: {  	_ =	shalt  }
0x64: {  	_ =	shalt  }
0x65: {  	_ =	shalt  }
0x66: {  	_ =	shalt  }
0x67: {  	_ =	shalt  }
0x68: {  	_ =	shalt  }
0x69: {  	_ =	shalt  }
0x6a: {  	_ =	shalt  }
0x6b: {  	_ =	shalt  }
0x6c: {  	_ =	shalt  }
0x6d: {  	_ =	shalt  }
0x6e: {  	_ =	shalt  }
0x6f: {  	_ =	shalt  }
0x70: {  	_ =	shalt  }
0x71: {  	_ =	shalt  }
0x72: {  	_ =	shalt  }
0x73: {  	_ =	shalt  }
0x74: {  	_ =	shalt  }
0x75: {  	_ =	shalt  }
0x76: {  	_ =	shalt  }
0x77: {  	_ =	shalt  }
0x78: {  	_ =	shalt  }
0x79: {  	_ =	shalt  }
0x7a: {  	_ =	shalt  }
0x7b: {  	_ =	shalt  }
0x7c: {  	_ =	shalt  }
0x7d: {  	_ =	shalt  }
0x7e: {  	_ =	shalt  }
0x7f: {  	_ =	shalt  }
0x80: {  	_ =	shalt  }
0x81: {  	_ =	shalt  }
0x82: {  	_ =	shalt  }
0x83: {  	_ =	shalt  }
0x84: {  	_ =	shalt  }
0x85: {  	_ =	shalt  }
0x86: {  	_ =	shalt  }
0x87: {  	_ =	shalt  }
.Lfunc_end0:
.L_simem_size_0:
called_computation.1_lowered:
.L_overlay_start_0:
0x88: {  	s2 =	sld [smem:$0x3FD9]  }
0x89: {  	s3 =	sld [smem:$0x3FFE];
	_ =	sdelay $0x1  }
0x8a: {  	s1 =	srdreg.scid  }
0x8b: {  	s0 =	sand.u32 $0x1, s1  }
0x8c: {  	s17 =	sshll.u32 s0, $0xA;
	s2 =	sadd.s32 s3, s2  }
0x8d: {  	s2 =	sadd.s32 s2, s17  }
0x8e: {  	[smem:$0x3FC0] =	sst s2  }
0x8f: {  	_ = 	snop  }
0x90: {  	(tm) =	ssettm $0x1  }
0x91: {  	s18 =	sld [smem:$0x3FFB];
	_ =	sdelay $0x3  }
0x92: {  	_ =	strace s18  }
0x93: {  	s2 =	sld [smem:$0x3FFC];
	_ =	sdelay $0x3  }
0x94: {  	_ =	strace s2  }
0x95: {  	s2 =	sld [smem:$0x3FFD];
	_ =	sdelay $0x3  }
0x96: {  	_ =	strace s2  }
0x97: {  	_ =	strace $0x8FFFFFFF  }
0x98: {  	s19 =	sld [smem:$0x3FDB];
	_ =	sdelay $0x1  }
0x99: {  	s20 =	simm.s32 $_scs_section_size  }
0x9a: {  	s4 =	simm.s32 $_size__tile_overlayer_lowered;
	s5 =	simm.s32 $_tile_overlayer_lowered  }
0x9b: {  	s6 =	simm.s32 $0x1BFF;
	s21 =	sshll.u32 s5, $0x1;
	s3 =	sadd.s32 s20, s19  }
0x9c: {  	s22 =	simm.s32 $0x0;
	s4 =	sshll.u32 s4, $0x1;
	s5 =	sadd.s32 s21, s3  }
0x9d: {  	[timem:s22], [sflag:s6] =	dma.local [hbm:s5], s4  }
0x9e: {  	_ =	swait.ge [sflag:s6], s4  }
0x9f: {  	s4 =	ssub.s32 $0x0, s4;
	[sflag:s6] =	ssyncset.done $0x0  }
0xa0: {  	[sflag:s6] =	ssyncadd.s32 s4;
	_ =	sdelay $0x1  }
0xa1: {  	s23 =	simm.s32 $0x1B8B  }
0xa2: {  	_ =	swait.ge [sflag:s23], $0x1  }
0xa3: {  	[sflag:s23] =	ssyncset.done $0x0  }
0xa4: {  	[sflag:s23] =	ssyncadd.s32 $0xFFFFFFFF  }
0xa5: {  	s4 =	sld [smem:$0x0]  }
0xa6: {  	s5 =	sand.u32 $0xFFFFFFFE, s1  }
0xa7: {  	p0 =	sne.s32 s1, s5  }
0xa8: {  	s5 =	sshll.u32 @p0 s5, $0xE  }
0xa9: {  	s5 =	sadd.s32 @p0 $0x11B8D, s5;
	s6 =	sshll.u32 @p0 s4, $0x11  }
0xaa: {  	s5 =	sor.u32 @p0 s6, s5  }
0xab: {  	[sflag:s5] =	ssyncadd.remote.s32 @p0 $0x1;
	_ =	sdelay $0x1  }
0xac: {  	s5 =	simm.s32 @p0 $0x1B8D  }
0xad: {  	_ =	swait.eq @p0 [sflag:s5], $0x1  }
0xae: {  	[sflag:s5] =	ssyncadd.s32 @p0 $0xFFFFFFFF  }
0xaf: {  	s6 =	sshll.u32 @!p0 s1, $0xE  }
0xb0: {  	s6 =	sor.u32 @!p0 $0x4000, s6;
	s5 =	simm.s32 @!p0 $0x1B8D  }
0xb1: {  	s4 =	sshll.u32 @!p0 s4, $0x11;
	s6 =	sadd.s32 @!p0 $0x11B8D, s6;
	_ =	swait.eq @!p0 [sflag:s5], $0x1  }
0xb2: {  	s4 =	sor.u32 @!p0 s4, s6;
	[sflag:s5] =	ssyncadd.s32 @!p0 $0xFFFFFFFF  }
0xb3: {  	s25 =	simm.s32 $0x1B8E;
	s24 =	sld [smem:$0x3FFE];
	[sflag:s4] =	ssyncadd.remote.s32 @!p0 $0x1  }
0xb4: {  	s26 =	simm.s32 $execute0_lowered;
	[smem:$0x3FD2] =	sst s25  }
0xb5: {  	s5 =	sshll.u32 s26, $0x1;
	_ =	strace $0x80000049;
	[dreg:$0x1] =	wrdreg $0xFFFFFFFF  }
0xb6: {  	s28 =	simm.s32 $_size_execute0_lowered;
	s3 =	sadd.s32 s3, s5;
	[dreg:$0x0] =	wrdreg $0x0  }
0xb7: {  	s5 =	sshll.u32 s28, $0x1;
	[dreg:$0x2] =	wrdreg s3  }
0xb8: {  	[dreg:$0x3] =	wrdreg s5  }
0xb9: {  	[dreg:$0x4] =	wrdreg $0xC0  }
0xba: {  	_ =	task [dreg:s22], $0x5FFFF  }
0xbb: {  	[dreg:$0x1] =	wrdreg $0xFFFFFFFF  }
0xbc: {  	[dreg:$0x0] =	wrdreg $0x60  }
0xbd: {  	[dreg:$0x2] =	wrdreg s24  }
0xbe: {  	[dreg:$0x3] =	wrdreg $0x88000  }
0xbf: {  	[dreg:$0x4] =	wrdreg $0xA  }
0xc0: {  	_ =	task.clear_ibuf [dreg:s22], $0x5FFFF;
	_ =	strace $0x90000049  }
0xc1: {  	s29 =	simm.s32 $0xA;
	_ =	strace $0x8000004B  }
0xc2: {  	_ =	swait.ge [sflag:s29], $0x1  }
0xc3: {  	[sflag:s29] =	ssyncadd.s32 $0xFFFFFFFF  }
0xc4: {  	_ =	strace $0x9000004B  }
0xc5: {  	_ =	sfence  }
0xc6: {  	s30 =	sld [smem:$0x0];
	_ =	sdelay $0x2  }
0xc7: {  	s31 =	sshll.u32 s1, $0xD;
	s1 =	sshrl.u32 s1, $0x2  }
0xc8: {  	s4 =	sand.u32 $0x4000, s31;
	s1 =	sadd.s32 s1, s30  }
0xc9: {  	s0 =	sor.u32 s4, s0;
	s1 =	sshll.u32 s1, $0x11  }
0xca: {  	s0 =	sor.u32 s1, s0  }
0xcb: {  	s0 =	sadd.s32 $0x8F2B, s0  }
0xcc: {  	[sflag:s0] =	ssyncadd.remote.s32 $0x1  }
0xcd: {  	_ =	sfence.sel $0xFFFF  }
0xce: {  	[dreg:$0x0] =	wrdreg $0xFFFFFFFF;
	(pc) =	sbr.abs _section_cstart, $3  }
0xcf: {  	[dreg:$0x1] =	wrdreg $0xFFFFFFFF  }
0xd0: {  	_ =	task.clear_ibuf [dreg:s22], $0x2FFFF;
	_ =	strace $0x9FFFFFFF  }
0xd1: {  	(tm) =	ssettm $0x7FFFFFFF  }
tec
execute0_lowered:
.L_overlay_start_1:
0x0: {  	(tag) =	ssettag $0x1  }
0x1: {  	s1 =	rddreg [dreg:$0x0]  }
0x2: {  	s2 =	rddreg [dreg:$0x1]  }
0x3: {  	s16 =	simm.s32 $0x0;
	s11 =	stileid.u32;
	s0 =	srdreg.scid  }
0x4: {  	s25 =	simm.s32 $0xC80;
	s30 =	simm.s32 $0xD00;
	[smem:$0x7FF] =	sst s16  }
0x5: {  	s12 =	simm.s32 $0xE00;
	_ =	strace $0x8000004A;
	[dreg:$0x5] =	wrdreg s25  }
0x6: {  	s14 =	simm.s32 $0xE80;
	s3 =	smul.u32 $0xF00, s11;
	[dreg:$0x6] =	wrdreg s30  }
0x7: {  	s19 =	simm.s32 $0xF00;
	s6 =	smul.u32 $0x270, s11;
	[dreg:$0x8] =	wrdreg s12  }
0x8: {  	s0 =	sand.u32 $0x1, s0;
	s7 =	smul.u32 $0x4E000, s11;
	[dreg:$0x9] =	wrdreg s14  }
0x9: {  	s8 =	ssub.s32 $0x2, s0;
	[dreg:$0xa] =	wrdreg s19;
	s25 =	simm.s32 $0x1080  }
0xa: {  	s9 =	smul.u32 $0x2710, s0;
	s30 =	simm.s32 $0x1100;
	[dreg:$0xd] =	wrdreg s25  }
0xb: {  	s12 =	simm.s32 $0x1280;
	s3 =	sadd.s32 s3, s1;
	[dreg:$0xe] =	wrdreg s30  }
0xc: {  	s10 =	sshrl.u32 s8, $0x1;
	[dreg:$0x11] =	wrdreg s12;
	s22 =	sadd.s32 $0x63E00, s3  }
0xd: {  	s7 =	sshrl.u32 s7, $0x2;
	s3 =	sadd.s32 $0x54E00, s3;
	[dreg:$0x3] =	wrdreg s22  }
0xe: {  	s6 =	sadd.s32 s6, s9;
	s9 =	simm.s32 $0xD80;
	[dreg:$0x4] =	wrdreg s3  }
0xf: {  	s17 =	sadd.s32 s7, s2;
	s7 =	simm.s32 $0x1180;
	[dreg:$0x7] =	wrdreg s9  }
0x10: {  	s8 =	ssub.s32 s8, s10;
	[dreg:$0xf] =	wrdreg s7  }
0x11: {  	s21 =	smax.u32 s8, $0x1;
	[dreg:$0x18] =	wrdreg s17  }
0x12: {  	s23 =	sadd.s32 $0x2800, s17;
	[dreg:$0x19] =	wrdreg s21  }
0x13: {  	s24 =	sadd.s32 $0x3C00, s17;
	[dreg:$0x1b] =	wrdreg s23  }
0x14: {  	s26 =	sadd.s32 $0x5000, s17;
	[dreg:$0x1c] =	wrdreg s24  }
0x15: {  	s28 =	simm.s32 $0x1;
	s8 =	sadd.s32 $0x6400, s17;
	[dreg:$0x1d] =	wrdreg s26  }
0x16: {  	s29 =	simm.s32 $0x9;
	s10 =	sadd.s32 $0x7800, s17;
	[dreg:$0x1e] =	wrdreg s8  }
0x17: {  	s31 =	simm.s32 $0x32;
	s13 =	sadd.s32 $0x8C00, s17;
	[dreg:$0x1f] =	wrdreg s10  }
0x18: {  	s4 =	sadd.s32 $0x9A000, s1;
	s15 =	sadd.s32 $0xA000, s17;
	[smem:$0x7F2] =	sst s13  }
0x19: {  	s5 =	sadd.s32 $0x72E00, s1;
	s20 =	sadd.s32 $0xB400, s17;
	[smem:$0x7F3] =	sst s15  }
0x1a: {  	s14 =	smul.u32 $0x2700, s11;
	s22 =	sadd.s32 $0xC800, s17;
	[smem:$0x7F4] =	sst s20  }
0x1b: {  	p0 =	sne.s32 s0, $0x0;
	s9 =	simm.s32 $0x1200;
	[smem:$0x7F5] =	sst s22  }
0x1c: {  	p1 =	seq.s32 s0, $0x0;
	s19 =	sadd.s32 $0x10400, s17;
	[dreg:$0x10] =	wrdreg s9  }
0x1d: {  	s1 =	sadd.s32 $0xC1200, s1;
	s25 =	sadd.s32 $0x12C00, s17;
	[smem:$0x7F8] =	sst s19  }
0x1e: {  	s12 =	simm.s32 $0x7;
	s18 =	sadd.s32 $0x1400, s17;
	[smem:$0x7FA] =	sst s25  }
0x1f: {  	s6 =	sshll.u32 s6, $0x4;
	s21 =	simm.s32 $0xF80;
	[dreg:$0x1a] =	wrdreg s18  }
0x20: {  	s7 =	simm.s32 $0x3400;
	s24 =	sadd.s32 $0xDC00, s17;
	[dreg:$0xb] =	wrdreg s21  }
0x21: {  	s23 =	simm.s32 $0x1000;
	s26 =	sadd.s32 $0xF000, s17;
	[smem:$0x7F6] =	sst s24  }
0x22: {  	s8 =	smul.u32 $0x27100, s0;
	s10 =	sadd.s32 s1, s6;
	[dreg:$0xc] =	wrdreg s23  }
0x23: {  	s13 =	simm.s32 $0x1300;
	s15 =	simm.s32 $0x1380;
	[smem:$0x7F7] =	sst s26  }
0x24: {  	s20 =	simm.s32 $0x1400;
	s22 =	sadd.s32 $0x11800, s17;
	[dreg:$0x12] =	wrdreg s13  }
0x25: {  	s19 =	simm.s32 $0xC00;
	s0 =	simm.s32 $0x5;
	[dreg:$0x13] =	wrdreg s15  }
0x26: {  	s9 =	simm.s32 $0x6;
	s6 =	simm.s32 $0x0;
	[dreg:$0x14] =	wrdreg s20  }
0x27: {  	s21 =	simm.s32 $0x1480;
	[smem:$0x7F9] =	sst s22;
	s23 =	simm.s32 $0x1500  }
0x28: {  	s24 =	simm.s32 $0x1580;
	[smem:$0x7FB] =	sst s10;
	s26 =	sadd.s32 $0x280, s10  }
0x29: {  	s10 =	simm.s32 $0x3;
	s13 =	simm.s32 $0x4;
	[dreg:$0x15] =	wrdreg s21  }
0x2a: {  	s20 =	simm.s32 $0x6C00;
	s1 =	sadd.s32 s8, s1;
	[dreg:$0x16] =	wrdreg s23  }
0x2b: {  	s15 =	simm.s32 $0x8;
	[dreg:$0x17] =	wrdreg s24;
	s1 =	sadd.s32 s14, s1  }
0x2c: {  	[smem:$0x7FC] =	sst s26;
	s26 =	simm.s32 $0x1800;
	s30 =	sadd.s32 $0x780, s1  }
0x2d: {  	v0 =	vimm.f32 $0.0e+00;
	s23 =	simm.s32 $0x5000;
	s1 =	simm.s32 $0x2;
	[smem:$0x7FD] =	sst s30  }
.LBB2_1:
0x2e: {  	[smem:$0x7F1] =	sst s6;
	s3 =	simm.s32 $0x0;
	s6 =	simm.s32 $0x200  }
.LBB2_2:
0x2f: {  	p2 =	sne.s32 s6, $0x4E00;
	[tilespmem:s3+$0x1870] =	vst v0  }
0x30: {  	[tilespmem:s3+$0x1800] =	vst v0  }
0x31: {  	[tilespmem:s3+$0x1810] =	vst v0  }
.Ltmp0:
0x32: {  	[tilespmem:s3+$0x1820] =	vst v0;
	(pc) =	sbr.rel @p2 .LBB2_2-.Ltmp0, $4  }
0x33: {  	[tilespmem:s3+$0x1830] =	vst v0  }
0x34: {  	[tilespmem:s3+$0x1840] =	vst v0  }
0x35: {  	[tilespmem:s3+$0x1850] =	vst v0  }
0x36: {  	[tilespmem:s3+$0x1860] =	vst v0;
	s3 =	sshra.s32 s6, $0x2;
	s6 =	sadd.s32 $0x200, s6  }
0x37: {  	[tilespmem:s3+$0x1870] =	vst v0  }
0x38: {  	[tilespmem:s3+$0x1800] =	vst v0  }
0x39: {  	[tilespmem:s3+$0x1810] =	vst v0  }
0x3a: {  	[tilespmem:s3+$0x1820] =	vst v0  }
0x3b: {  	[tilespmem:s3+$0x1830] =	vst v0  }
0x3c: {  	[tilespmem:s3+$0x1840] =	vst v0  }
0x3d: {  	[tilespmem:s3+$0x1850] =	vst v0  }
0x3e: {  	[tilespmem:s3+$0x1860] =	vst v0  }
0x3f: {  	[spmem:s17] =	stream.linear.scatter [tilespmem:s26], [sflag:$0x1], $0x1400, $0x38;
	[tilespmem:$0x1C080] =	vst v63  }
0x40: {  	s21 =	rddreg [dreg:$0x1b]  }
0x41: {  	[spmem:s18] =	stream.linear.scatter [tilespmem:s26], [sflag:$0x1], $0x1400, $0x38;
	[tilespmem:$0x1C080] =	vst v63  }
0x42: {  	s22 =	rddreg [dreg:$0x1c]  }
0x43: {  	[spmem:s21] =	stream.linear.scatter [tilespmem:s26], [sflag:$0x1], $0x1400, $0x38;
	[tilespmem:$0x1C080] =	vst v63  }
0x44: {  	s24 =	rddreg [dreg:$0x1d]  }
0x45: {  	[spmem:s22] =	stream.linear.scatter [tilespmem:s26], [sflag:$0x1], $0x1400, $0x38;
	[tilespmem:$0x1C080] =	vst v63  }
0x46: {  	s25 =	rddreg [dreg:$0x1e]  }
0x47: {  	[spmem:s24] =	stream.linear.scatter [tilespmem:s26], [sflag:$0x1], $0x1400, $0x38;
	[tilespmem:$0x1C080] =	vst v63  }
0x48: {  	s30 =	rddreg [dreg:$0x1f]  }
0x49: {  	[spmem:s25] =	stream.linear.scatter [tilespmem:s26], [sflag:$0x1], $0x1400, $0x38;
	[tilespmem:$0x1C080] =	vst v63  }
0x4a: {  	s6 =	sld [smem:$0x7F2]  }
0x4b: {  	[spmem:s30] =	stream.linear.scatter [tilespmem:s26], [sflag:$0x1], $0x1400, $0x38;
	[tilespmem:$0x1C080] =	vst v63  }
0x4c: {  	s8 =	sld [smem:$0x7F3]  }
0x4d: {  	[spmem:s6] =	stream.linear.scatter [tilespmem:s26], [sflag:$0x1], $0x1400, $0x38;
	[tilespmem:$0x1C080] =	vst v63  }
0x4e: {  	s11 =	sld [smem:$0x7F4]  }
0x4f: {  	[spmem:s8] =	stream.linear.scatter [tilespmem:s26], [sflag:$0x1], $0x1400, $0x38;
	[tilespmem:$0x1C080] =	vst v63  }
0x50: {  	s14 =	sld [smem:$0x7F5]  }
0x51: {  	[spmem:s11] =	stream.linear.scatter [tilespmem:s26], [sflag:$0x1], $0x1400, $0x38;
	[tilespmem:$0x1C080] =	vst v63  }
0x52: {  	s17 =	sld [smem:$0x7F6]  }
0x53: {  	[spmem:s14] =	stream.linear.scatter [tilespmem:s26], [sflag:$0x1], $0x1400, $0x38;
	[tilespmem:$0x1C080] =	vst v63  }
0x54: {  	s18 =	sld [smem:$0x7F7]  }
0x55: {  	[spmem:s17] =	stream.linear.scatter [tilespmem:s26], [sflag:$0x1], $0x1400, $0x38;
	[tilespmem:$0x1C080] =	vst v63  }
0x56: {  	s21 =	sld [smem:$0x7F8]  }
0x57: {  	[spmem:s18] =	stream.linear.scatter [tilespmem:s26], [sflag:$0x1], $0x1400, $0x38;
	[tilespmem:$0x1C080] =	vst v63  }
0x58: {  	s22 =	sld [smem:$0x7F9]  }
0x59: {  	[spmem:s21] =	stream.linear.scatter [tilespmem:s26], [sflag:$0x1], $0x1400, $0x38;
	[tilespmem:$0x1C080] =	vst v63  }
0x5a: {  	s24 =	sld [smem:$0x7FA]  }
0x5b: {  	[spmem:s22] =	stream.linear.scatter [tilespmem:s26], [sflag:$0x1], $0x1400, $0x38;
	[tilespmem:$0x1C080] =	vst v63  }
0x5c: {  	_ = 	snop  }
0x5d: {  	[spmem:s24] =	stream.linear.scatter [tilespmem:s26], [sflag:$0x1], $0x1400, $0x38;
	[tilespmem:$0x1C080] =	vst v63  }
0x5e: {  	_ =	swait.ge [sflag:s28], $0x1400  }
0x5f: {  	[sflag:s28] =	ssyncset.done $0x0  }
0x60: {  	[sflag:s28] =	ssyncadd.s32 $0xFFFFEC00  }
0x61: {  	_ =	swait.ge [sflag:s28], $0x1400  }
0x62: {  	[sflag:s28] =	ssyncset.done $0x0  }
0x63: {  	[sflag:s28] =	ssyncadd.s32 $0xFFFFEC00  }
0x64: {  	_ =	swait.ge [sflag:s28], $0x1400  }
0x65: {  	[sflag:s28] =	ssyncset.done $0x0  }
0x66: {  	[sflag:s28] =	ssyncadd.s32 $0xFFFFEC00  }
0x67: {  	_ =	swait.ge [sflag:s28], $0x1400  }
0x68: {  	[sflag:s28] =	ssyncset.done $0x0  }
0x69: {  	[sflag:s28] =	ssyncadd.s32 $0xFFFFEC00  }
0x6a: {  	_ =	swait.ge [sflag:s28], $0x1400  }
0x6b: {  	[sflag:s28] =	ssyncset.done $0x0  }
0x6c: {  	[sflag:s28] =	ssyncadd.s32 $0xFFFFEC00  }
0x6d: {  	_ =	swait.ge [sflag:s28], $0x1400  }
0x6e: {  	[sflag:s28] =	ssyncset.done $0x0  }
0x6f: {  	[sflag:s28] =	ssyncadd.s32 $0xFFFFEC00  }
0x70: {  	_ =	swait.ge [sflag:s28], $0x1400  }
0x71: {  	[sflag:s28] =	ssyncset.done $0x0  }
0x72: {  	[sflag:s28] =	ssyncadd.s32 $0xFFFFEC00  }
0x73: {  	_ =	swait.ge [sflag:s28], $0x1400  }
0x74: {  	[sflag:s28] =	ssyncset.done $0x0  }
0x75: {  	[sflag:s28] =	ssyncadd.s32 $0xFFFFEC00  }
0x76: {  	_ =	swait.ge [sflag:s28], $0x1400  }
0x77: {  	[sflag:s28] =	ssyncset.done $0x0  }
0x78: {  	[sflag:s28] =	ssyncadd.s32 $0xFFFFEC00  }
0x79: {  	_ =	swait.ge [sflag:s28], $0x1400  }
0x7a: {  	[sflag:s28] =	ssyncset.done $0x0  }
0x7b: {  	[sflag:s28] =	ssyncadd.s32 $0xFFFFEC00  }
0x7c: {  	_ =	swait.ge [sflag:s28], $0x1400  }
0x7d: {  	[sflag:s28] =	ssyncset.done $0x0  }
0x7e: {  	[sflag:s28] =	ssyncadd.s32 $0xFFFFEC00  }
0x7f: {  	_ =	swait.ge [sflag:s28], $0x1400  }
0x80: {  	[sflag:s28] =	ssyncset.done $0x0  }
0x81: {  	[sflag:s28] =	ssyncadd.s32 $0xFFFFEC00  }
0x82: {  	_ =	swait.ge [sflag:s28], $0x1400  }
0x83: {  	[sflag:s28] =	ssyncset.done $0x0  }
0x84: {  	[sflag:s28] =	ssyncadd.s32 $0xFFFFEC00  }
0x85: {  	_ =	swait.ge [sflag:s28], $0x1400  }
0x86: {  	[sflag:s28] =	ssyncset.done $0x0  }
0x87: {  	[sflag:s28] =	ssyncadd.s32 $0xFFFFEC00  }
0x88: {  	_ =	swait.ge [sflag:s28], $0x1400  }
0x89: {  	[sflag:s28] =	ssyncset.done $0x0  }
0x8a: {  	[sflag:s28] =	ssyncadd.s32 $0xFFFFEC00  }
0x8b: {  	_ =	swait.ge [sflag:s28], $0x1400  }
0x8c: {  	[sflag:s28] =	ssyncset.done $0x0  }
0x8d: {  	[sflag:s28] =	ssyncadd.s32 $0xFFFFEC00  }
0x8e: {  	[bflag:$0x0] =	sbarrier.arrive $0xFFFF  }
0x8f: {  	s25 =	rddreg [dreg:$0x3]  }
0x90: {  	s3 =	sadd.s32 $0x0, s25  }
0x91: {  	[tilespmem:s16], [sflag:$0x9] =	stream.linear.gather [hbm4b:s3+s16], $0xA00, $0x38;
	[tilespmem:$0x1C080] =	vst v63  }
0x92: {  	_ =	swait.ge [sflag:s29], $0xA00  }
0x93: {  	s30 =	rddreg [dreg:$0x4];
	[sflag:s29] =	ssyncset.done $0x0  }
0x94: {  	[sflag:s29] =	ssyncadd.s32 $0xFFFFF600;
	s3 =	sadd.s32 $0x0, s30  }
0x95: {  	[tilespmem:s19], [sflag:$0x9] =	stream.linear.gather [hbm4b:s3+s16], $0xA00, $0x38;
	[tilespmem:$0x1C080] =	vst v63  }
0x96: {  	_ =	swait.ge [sflag:s29], $0xA00  }
0x97: {  	s6 =	simm.s32 @p0 $0x0;
	[sflag:s29] =	ssyncset.done $0x0  }
0x98: {  	s18 =	simm.s32 @p0 $0x32;
	s3 =	simm.s32 @p0 $0x1800;
	[sflag:s29] =	ssyncadd.s32 $0xFFFFF600  }
0x99: {  	[tilespmem:s3], [sflag:$0x1] =	stream.indirect.gather @p0 [hbm4b:s5+s18], $0x80, s6, s18, $0xb8;
	[tilespmem:$0x1C080] =	vst v63  }
0x9a: {  	s8 =	simm.s32 @p0 $0x3400;
	s6 =	simm.s32 @p0 $0x80  }
0x9b: {  	[tilespmem:s8], [sflag:$0x2] =	stream.indirect.gather @p0 [hbm4b:s5+s18], $0x80, s6, s18, $0xb8;
	[tilespmem:$0x1C080] =	vst v63  }
0x9c: {  	s11 =	simm.s32 @p0 $0x5000;
	s6 =	simm.s32 @p0 $0x100  }
0x9d: {  	[tilespmem:s11], [sflag:$0x3] =	stream.indirect.gather @p0 [hbm4b:s5+s18], $0x80, s6, s18, $0xb8;
	[tilespmem:$0x1C080] =	vst v63  }
0x9e: {  	s14 =	simm.s32 @p0 $0x6C00;
	s6 =	simm.s32 @p0 $0x180  }
0x9f: {  	[tilespmem:s14], [sflag:$0x4] =	stream.indirect.gather @p0 [hbm4b:s5+s18], $0x80, s6, s18, $0xb8;
	[tilespmem:$0x1C080] =	vst v63  }
0xa0: {  	s25 =	simm.s32 @!p0 $0x32;
	s6 =	simm.s32 @!p0 $0x0;
	s14 =	simm.s32 @!p0 $0x1800  }
0xa1: {  	[tilespmem:s14], [sflag:$0x1] =	stream.indirect.gather @!p0 [hbm4b:s4+s25], $0x80, s6, s25, $0xb8;
	[tilespmem:$0x1C080] =	vst v63  }
0xa2: {  	s16 =	simm.s32 @!p0 $0x3400;
	s6 =	simm.s32 @!p0 $0x80  }
0xa3: {  	[tilespmem:s16], [sflag:$0x2] =	stream.indirect.gather @!p0 [hbm4b:s4+s25], $0x80, s6, s25, $0xb8;
	[tilespmem:$0x1C080] =	vst v63  }
0xa4: {  	s17 =	simm.s32 @!p0 $0x5000;
	s6 =	simm.s32 @!p0 $0x100  }
0xa5: {  	[tilespmem:s17], [sflag:$0x3] =	stream.indirect.gather @!p0 [hbm4b:s4+s25], $0x80, s6, s25, $0xb8;
	[tilespmem:$0x1C080] =	vst v63  }
0xa6: {  	s21 =	simm.s32 @!p0 $0x6C00;
	s6 =	simm.s32 @!p0 $0x180  }
0xa7: {  	[tilespmem:s21], [sflag:$0x4] =	stream.indirect.gather @!p0 [hbm4b:s4+s25], $0x80, s6, s25, $0xb8;
	[tilespmem:$0x1C080] =	vst v63  }
0xa8: {  	_ =	swait.ge [sflag:s28], $0x1900  }
0xa9: {  	[sflag:s28] =	ssyncset.done $0x0  }
0xaa: {  	[sflag:s28] =	ssyncadd.s32 $0xFFFFE700  }
0xab: {  	[spmem:s2] =	stream.indirect.scatter.add.f32 [tilespmem:s26], [sflag:$0x5], $0x80, s19, s31, $0xb8;
	[tilespmem:$0x1C080] =	vst v63  }
0xac: {  	_ =	swait.ge [sflag:s0], $0x1900  }
0xad: {  	[sflag:s0] =	ssyncset.done $0x0  }
0xae: {  	s6 =	simm.s32 @p0 $0x200;
	[sflag:s0] =	ssyncadd.s32 $0xFFFFE700  }
0xaf: {  	[tilespmem:s3], [sflag:$0x1] =	stream.indirect.gather @p0 [hbm4b:s5+s18], $0x80, s6, s18, $0xb8;
	[tilespmem:$0x1C080] =	vst v63  }
0xb0: {  	s3 =	simm.s32 @!p0 $0x200  }
0xb1: {  	[tilespmem:s14], [sflag:$0x1] =	stream.indirect.gather @!p0 [hbm4b:s4+s25], $0x80, s3, s25, $0xb8;
	[tilespmem:$0x1C080] =	vst v63  }
0xb2: {  	_ =	swait.ge [sflag:s1], $0x1900  }
0xb3: {  	[sflag:s1] =	ssyncset.done $0x0  }
0xb4: {  	s6 =	rddreg [dreg:$0x5];
	[sflag:s1] =	ssyncadd.s32 $0xFFFFE700  }
0xb5: {  	[spmem:s2] =	stream.indirect.scatter.add.f32 [tilespmem:s7], [sflag:$0x6], $0x80, s6, s31, $0xb8;
	[tilespmem:$0x1C080] =	vst v63  }
0xb6: {  	_ =	swait.ge [sflag:s9], $0x1900  }
0xb7: {  	[sflag:s9] =	ssyncset.done $0x0  }
0xb8: {  	s3 =	simm.s32 @p0 $0x280;
	[sflag:s9] =	ssyncadd.s32 $0xFFFFE700  }
0xb9: {  	[tilespmem:s8], [sflag:$0x2] =	stream.indirect.gather @p0 [hbm4b:s5+s18], $0x80, s3, s18, $0xb8;
	[tilespmem:$0x1C080] =	vst v63  }
0xba: {  	s3 =	simm.s32 @!p0 $0x280  }
0xbb: {  	[tilespmem:s16], [sflag:$0x2] =	stream.indirect.gather @!p0 [hbm4b:s4+s25], $0x80, s3, s25, $0xb8;
	[tilespmem:$0x1C080] =	vst v63  }
0xbc: {  	_ =	swait.ge [sflag:s10], $0x1900  }
0xbd: {  	[sflag:s10] =	ssyncset.done $0x0  }
0xbe: {  	s14 =	rddreg [dreg:$0x6];
	[sflag:s10] =	ssyncadd.s32 $0xFFFFE700  }
0xbf: {  	[spmem:s2] =	stream.indirect.scatter.add.f32 [tilespmem:s23], [sflag:$0x7], $0x80, s14, s31, $0xb8;
	[tilespmem:$0x1C080] =	vst v63  }
0xc0: {  	_ =	swait.ge [sflag:s12], $0x1900  }
0xc1: {  	[sflag:s12] =	ssyncset.done $0x0  }
0xc2: {  	s3 =	simm.s32 @p0 $0x300;
	[sflag:s12] =	ssyncadd.s32 $0xFFFFE700  }
0xc3: {  	[tilespmem:s11], [sflag:$0x3] =	stream.indirect.gather @p0 [hbm4b:s5+s18], $0x80, s3, s18, $0xb8;
	[tilespmem:$0x1C080] =	vst v63  }
0xc4: {  	s3 =	simm.s32 @!p0 $0x300  }
0xc5: {  	[tilespmem:s17], [sflag:$0x3] =	stream.indirect.gather @!p0 [hbm4b:s4+s25], $0x80, s3, s25, $0xb8;
	[tilespmem:$0x1C080] =	vst v63  }
0xc6: {  	_ =	swait.ge [sflag:s13], $0x1900  }
0xc7: {  	[sflag:s13] =	ssyncset.done $0x0  }
0xc8: {  	s16 =	rddreg [dreg:$0x7];
	[sflag:s13] =	ssyncadd.s32 $0xFFFFE700  }
0xc9: {  	[spmem:s2] =	stream.indirect.scatter.add.f32 [tilespmem:s20], [sflag:$0x8], $0x80, s16, s31, $0xb8;
	[tilespmem:$0x1C080] =	vst v63  }
0xca: {  	_ =	swait.ge [sflag:s15], $0x1900  }
0xcb: {  	s6 =	simm.s32 @p1 $0x6C00;
	[sflag:s15] =	ssyncset.done $0x0  }
0xcc: {  	s3 =	simm.s32 @p1 $0x380;
	s16 =	simm.s32 @p1 $0x32;
	[sflag:s15] =	ssyncadd.s32 $0xFFFFE700  }
0xcd: {  	[tilespmem:s6], [sflag:$0x4] =	stream.indirect.gather @p1 [hbm4b:s4+s16], $0x80, s3, s16, $0xb8;
	[tilespmem:$0x1C080] =	vst v63  }
0xce: {  	s21 =	simm.s32 @!p1 $0x32;
	s18 =	simm.s32 @!p1 $0x6C00;
	s3 =	simm.s32 @!p1 $0x380  }
0xcf: {  	[tilespmem:s18], [sflag:$0x4] =	stream.indirect.gather @!p1 [hbm4b:s5+s21], $0x80, s3, s21, $0xb8;
	[tilespmem:$0x1C080] =	vst v63  }
0xd0: {  	_ =	swait.ge [sflag:s28], $0x1900  }
0xd1: {  	[sflag:s28] =	ssyncset.done $0x0  }
0xd2: {  	s17 =	rddreg [dreg:$0x8];
	[sflag:s28] =	ssyncadd.s32 $0xFFFFE700  }
0xd3: {  	[spmem:s2] =	stream.indirect.scatter.add.f32 [tilespmem:s26], [sflag:$0x5], $0x80, s17, s31, $0xb8;
	[tilespmem:$0x1C080] =	vst v63  }
0xd4: {  	_ =	swait.ge [sflag:s0], $0x1900  }
0xd5: {  	[sflag:s0] =	ssyncset.done $0x0  }
0xd6: {  	s14 =	simm.s32 @p1 $0x1800;
	s3 =	simm.s32 @p1 $0x400;
	[sflag:s0] =	ssyncadd.s32 $0xFFFFE700  }
0xd7: {  	[tilespmem:s14], [sflag:$0x1] =	stream.indirect.gather @p1 [hbm4b:s4+s16], $0x80, s3, s16, $0xb8;
	[tilespmem:$0x1C080] =	vst v63  }
0xd8: {  	s17 =	simm.s32 @!p1 $0x1800;
	s3 =	simm.s32 @!p1 $0x400  }
0xd9: {  	[tilespmem:s17], [sflag:$0x1] =	stream.indirect.gather @!p1 [hbm4b:s5+s21], $0x80, s3, s21, $0xb8;
	[tilespmem:$0x1C080] =	vst v63  }
0xda: {  	_ =	swait.ge [sflag:s1], $0x1900  }
0xdb: {  	[sflag:s1] =	ssyncset.done $0x0  }
0xdc: {  	s19 =	rddreg [dreg:$0x9];
	[sflag:s1] =	ssyncadd.s32 $0xFFFFE700  }
0xdd: {  	[spmem:s2] =	stream.indirect.scatter.add.f32 [tilespmem:s7], [sflag:$0x6], $0x80, s19, s31, $0xb8;
	[tilespmem:$0x1C080] =	vst v63  }
0xde: {  	_ =	swait.ge [sflag:s9], $0x1900  }
0xdf: {  	[sflag:s9] =	ssyncset.done $0x0  }
0xe0: {  	s3 =	simm.s32 @p1 $0x480;
	s19 =	simm.s32 @p1 $0x3400;
	[sflag:s9] =	ssyncadd.s32 $0xFFFFE700  }
0xe1: {  	[tilespmem:s19], [sflag:$0x2] =	stream.indirect.gather @p1 [hbm4b:s4+s16], $0x80, s3, s16, $0xb8;
	[tilespmem:$0x1C080] =	vst v63  }
0xe2: {  	s22 =	simm.s32 @!p1 $0x3400;
	s3 =	simm.s32 @!p1 $0x480  }
0xe3: {  	[tilespmem:s22], [sflag:$0x2] =	stream.indirect.gather @!p1 [hbm4b:s5+s21], $0x80, s3, s21, $0xb8;
	[tilespmem:$0x1C080] =	vst v63  }
0xe4: {  	_ =	swait.ge [sflag:s10], $0x1900  }
0xe5: {  	[sflag:s10] =	ssyncset.done $0x0  }
0xe6: {  	s20 =	rddreg [dreg:$0xa];
	[sflag:s10] =	ssyncadd.s32 $0xFFFFE700  }
0xe7: {  	[spmem:s2] =	stream.indirect.scatter.add.f32 [tilespmem:s23], [sflag:$0x7], $0x80, s20, s31, $0xb8;
	[tilespmem:$0x1C080] =	vst v63  }
0xe8: {  	_ =	swait.ge [sflag:s12], $0x1900  }
0xe9: {  	[sflag:s12] =	ssyncset.done $0x0  }
0xea: {  	s3 =	simm.s32 @p1 $0x500;
	s23 =	simm.s32 @p1 $0x5000;
	[sflag:s12] =	ssyncadd.s32 $0xFFFFE700  }
0xeb: {  	[tilespmem:s23], [sflag:$0x3] =	stream.indirect.gather @p1 [hbm4b:s4+s16], $0x80, s3, s16, $0xb8;
	[tilespmem:$0x1C080] =	vst v63  }
0xec: {  	s7 =	simm.s32 @!p1 $0x5000;
	s3 =	simm.s32 @!p1 $0x500  }
0xed: {  	[tilespmem:s7], [sflag:$0x3] =	stream.indirect.gather @!p1 [hbm4b:s5+s21], $0x80, s3, s21, $0xb8;
	[tilespmem:$0x1C080] =	vst v63  }
0xee: {  	_ =	swait.ge [sflag:s13], $0x1900  }
0xef: {  	[sflag:s13] =	ssyncset.done $0x0  }
0xf0: {  	s8 =	simm.s32 $0x6C00;
	s24 =	rddreg [dreg:$0xb];
	[sflag:s13] =	ssyncadd.s32 $0xFFFFE700  }
0xf1: {  	[spmem:s2] =	stream.indirect.scatter.add.f32 [tilespmem:s8], [sflag:$0x8], $0x80, s24, s31, $0xb8;
	[tilespmem:$0x1C080] =	vst v63  }
0xf2: {  	_ =	swait.ge [sflag:s15], $0x1900  }
0xf3: {  	[sflag:s15] =	ssyncset.done $0x0  }
0xf4: {  	s3 =	simm.s32 @p1 $0x580;
	[sflag:s15] =	ssyncadd.s32 $0xFFFFE700  }
0xf5: {  	[tilespmem:s6], [sflag:$0x4] =	stream.indirect.gather @p1 [hbm4b:s4+s16], $0x80, s3, s16, $0xb8;
	[tilespmem:$0x1C080] =	vst v63  }
0xf6: {  	s3 =	simm.s32 @!p1 $0x580  }
0xf7: {  	[tilespmem:s18], [sflag:$0x4] =	stream.indirect.gather @!p1 [hbm4b:s5+s21], $0x80, s3, s21, $0xb8;
	[tilespmem:$0x1C080] =	vst v63  }
0xf8: {  	_ =	swait.ge [sflag:s28], $0x1900  }
0xf9: {  	[sflag:s28] =	ssyncset.done $0x0  }
0xfa: {  	s30 =	rddreg [dreg:$0xc];
	[sflag:s28] =	ssyncadd.s32 $0xFFFFE700  }
0xfb: {  	[spmem:s2] =	stream.indirect.scatter.add.f32 [tilespmem:s26], [sflag:$0x5], $0x80, s30, s31, $0xb8;
	[tilespmem:$0x1C080] =	vst v63  }
0xfc: {  	_ =	swait.ge [sflag:s0], $0x1900  }
0xfd: {  	[sflag:s0] =	ssyncset.done $0x0  }
0xfe: {  	s3 =	simm.s32 @p1 $0x600;
	[sflag:s0] =	ssyncadd.s32 $0xFFFFE700  }
0xff: {  	[tilespmem:s14], [sflag:$0x1] =	stream.indirect.gather @p1 [hbm4b:s4+s16], $0x80, s3, s16, $0xb8;
	[tilespmem:$0x1C080] =	vst v63  }
0x100: {  	s3 =	simm.s32 @!p1 $0x600  }
0x101: {  	[tilespmem:s17], [sflag:$0x1] =	stream.indirect.gather @!p1 [hbm4b:s5+s21], $0x80, s3, s21, $0xb8;
	[tilespmem:$0x1C080] =	vst v63  }
0x102: {  	_ =	swait.ge [sflag:s1], $0x1900  }
0x103: {  	[sflag:s1] =	ssyncset.done $0x0  }
0x104: {  	s20 =	simm.s32 $0x3400;
	s24 =	rddreg [dreg:$0xd];
	[sflag:s1] =	ssyncadd.s32 $0xFFFFE700  }
0x105: {  	[spmem:s2] =	stream.indirect.scatter.add.f32 [tilespmem:s20], [sflag:$0x6], $0x80, s24, s31, $0xb8;
	[tilespmem:$0x1C080] =	vst v63  }
0x106: {  	_ =	swait.ge [sflag:s9], $0x1900  }
0x107: {  	[sflag:s9] =	ssyncset.done $0x0  }
0x108: {  	s3 =	simm.s32 @p1 $0x680;
	[sflag:s9] =	ssyncadd.s32 $0xFFFFE700  }
0x109: {  	[tilespmem:s19], [sflag:$0x2] =	stream.indirect.gather @p1 [hbm4b:s4+s16], $0x80, s3, s16, $0xb8;
	[tilespmem:$0x1C080] =	vst v63  }
0x10a: {  	s3 =	simm.s32 @!p1 $0x680  }
0x10b: {  	[tilespmem:s22], [sflag:$0x2] =	stream.indirect.gather @!p1 [hbm4b:s5+s21], $0x80, s3, s21, $0xb8;
	[tilespmem:$0x1C080] =	vst v63  }
0x10c: {  	_ =	swait.ge [sflag:s10], $0x1900  }
0x10d: {  	[sflag:s10] =	ssyncset.done $0x0  }
0x10e: {  	s11 =	simm.s32 $0x5000;
	s30 =	rddreg [dreg:$0xe];
	[sflag:s10] =	ssyncadd.s32 $0xFFFFE700  }
0x10f: {  	[spmem:s2] =	stream.indirect.scatter.add.f32 [tilespmem:s11], [sflag:$0x7], $0x80, s30, s31, $0xb8;
	[tilespmem:$0x1C080] =	vst v63  }
0x110: {  	_ =	swait.ge [sflag:s12], $0x1900  }
0x111: {  	[sflag:s12] =	ssyncset.done $0x0  }
0x112: {  	s3 =	simm.s32 @p1 $0x700;
	[sflag:s12] =	ssyncadd.s32 $0xFFFFE700  }
0x113: {  	[tilespmem:s23], [sflag:$0x3] =	stream.indirect.gather @p1 [hbm4b:s4+s16], $0x80, s3, s16, $0xb8;
	[tilespmem:$0x1C080] =	vst v63  }
0x114: {  	s3 =	simm.s32 @!p1 $0x700  }
0x115: {  	[tilespmem:s7], [sflag:$0x3] =	stream.indirect.gather @!p1 [hbm4b:s5+s21], $0x80, s3, s21, $0xb8;
	[tilespmem:$0x1C080] =	vst v63  }
0x116: {  	_ =	swait.ge [sflag:s13], $0x1900  }
0x117: {  	[sflag:s13] =	ssyncset.done $0x0  }
0x118: {  	s24 =	rddreg [dreg:$0xf];
	[sflag:s13] =	ssyncadd.s32 $0xFFFFE700  }
0x119: {  	[spmem:s2] =	stream.indirect.scatter.add.f32 [tilespmem:s8], [sflag:$0x8], $0x80, s24, s31, $0xb8;
	[tilespmem:$0x1C080] =	vst v63  }
0x11a: {  	_ =	swait.ge [sflag:s15], $0x1900  }
0x11b: {  	[sflag:s15] =	ssyncset.done $0x0  }
0x11c: {  	s3 =	simm.s32 @p1 $0x780;
	[sflag:s15] =	ssyncadd.s32 $0xFFFFE700  }
0x11d: {  	[tilespmem:s6], [sflag:$0x4] =	stream.indirect.gather @p1 [hbm4b:s4+s16], $0x80, s3, s16, $0xb8;
	[tilespmem:$0x1C080] =	vst v63  }
0x11e: {  	s3 =	simm.s32 @!p1 $0x780  }
0x11f: {  	[tilespmem:s18], [sflag:$0x4] =	stream.indirect.gather @!p1 [hbm4b:s5+s21], $0x80, s3, s21, $0xb8;
	[tilespmem:$0x1C080] =	vst v63  }
0x120: {  	_ =	swait.ge [sflag:s28], $0x1900  }
0x121: {  	[sflag:s28] =	ssyncset.done $0x0  }
0x122: {  	s30 =	rddreg [dreg:$0x10];
	[sflag:s28] =	ssyncadd.s32 $0xFFFFE700  }
0x123: {  	[spmem:s2] =	stream.indirect.scatter.add.f32 [tilespmem:s26], [sflag:$0x5], $0x80, s30, s31, $0xb8;
	[tilespmem:$0x1C080] =	vst v63  }
0x124: {  	_ =	swait.ge [sflag:s0], $0x1900  }
0x125: {  	[sflag:s0] =	ssyncset.done $0x0  }
0x126: {  	s3 =	simm.s32 @p1 $0x800;
	[sflag:s0] =	ssyncadd.s32 $0xFFFFE700  }
0x127: {  	[tilespmem:s14], [sflag:$0x1] =	stream.indirect.gather @p1 [hbm4b:s4+s16], $0x80, s3, s16, $0xb8;
	[tilespmem:$0x1C080] =	vst v63  }
0x128: {  	s3 =	simm.s32 @!p1 $0x800  }
0x129: {  	[tilespmem:s17], [sflag:$0x1] =	stream.indirect.gather @!p1 [hbm4b:s5+s21], $0x80, s3, s21, $0xb8;
	[tilespmem:$0x1C080] =	vst v63  }
0x12a: {  	_ =	swait.ge [sflag:s1], $0x1900  }
0x12b: {  	[sflag:s1] =	ssyncset.done $0x0  }
0x12c: {  	s17 =	rddreg [dreg:$0x11];
	[sflag:s1] =	ssyncadd.s32 $0xFFFFE700  }
0x12d: {  	[spmem:s2] =	stream.indirect.scatter.add.f32 [tilespmem:s20], [sflag:$0x6], $0x80, s17, s31, $0xb8;
	[tilespmem:$0x1C080] =	vst v63  }
0x12e: {  	_ =	swait.ge [sflag:s9], $0x1900  }
0x12f: {  	[sflag:s9] =	ssyncset.done $0x0  }
0x130: {  	s3 =	simm.s32 @p1 $0x880;
	[sflag:s9] =	ssyncadd.s32 $0xFFFFE700  }
0x131: {  	[tilespmem:s19], [sflag:$0x2] =	stream.indirect.gather @p1 [hbm4b:s4+s16], $0x80, s3, s16, $0xb8;
	[tilespmem:$0x1C080] =	vst v63  }
0x132: {  	s3 =	simm.s32 @!p1 $0x880  }
0x133: {  	[tilespmem:s22], [sflag:$0x2] =	stream.indirect.gather @!p1 [hbm4b:s5+s21], $0x80, s3, s21, $0xb8;
	[tilespmem:$0x1C080] =	vst v63  }
0x134: {  	_ =	swait.ge [sflag:s10], $0x1900  }
0x135: {  	[sflag:s10] =	ssyncset.done $0x0  }
0x136: {  	s20 =	rddreg [dreg:$0x12];
	[sflag:s10] =	ssyncadd.s32 $0xFFFFE700  }
0x137: {  	[spmem:s2] =	stream.indirect.scatter.add.f32 [tilespmem:s11], [sflag:$0x7], $0x80, s20, s31, $0xb8;
	[tilespmem:$0x1C080] =	vst v63  }
0x138: {  	_ =	swait.ge [sflag:s12], $0x1900  }
0x139: {  	[sflag:s12] =	ssyncset.done $0x0  }
0x13a: {  	s3 =	simm.s32 @p1 $0x900;
	[sflag:s12] =	ssyncadd.s32 $0xFFFFE700  }
0x13b: {  	[tilespmem:s23], [sflag:$0x3] =	stream.indirect.gather @p1 [hbm4b:s4+s16], $0x80, s3, s16, $0xb8;
	[tilespmem:$0x1C080] =	vst v63  }
0x13c: {  	s3 =	simm.s32 @!p1 $0x900  }
0x13d: {  	[tilespmem:s7], [sflag:$0x3] =	stream.indirect.gather @!p1 [hbm4b:s5+s21], $0x80, s3, s21, $0xb8;
	[tilespmem:$0x1C080] =	vst v63  }
0x13e: {  	_ =	swait.ge [sflag:s13], $0x1900  }
0x13f: {  	[sflag:s13] =	ssyncset.done $0x0  }
0x140: {  	s22 =	rddreg [dreg:$0x13];
	[sflag:s13] =	ssyncadd.s32 $0xFFFFE700  }
0x141: {  	[spmem:s2] =	stream.indirect.scatter.add.f32 [tilespmem:s8], [sflag:$0x8], $0x80, s22, s31, $0xb8;
	[tilespmem:$0x1C080] =	vst v63  }
0x142: {  	_ =	swait.ge [sflag:s15], $0x1900  }
0x143: {  	[sflag:s15] =	ssyncset.done $0x0  }
0x144: {  	s3 =	simm.s32 @p1 $0x980;
	[sflag:s15] =	ssyncadd.s32 $0xFFFFE700  }
0x145: {  	[tilespmem:s6], [sflag:$0x4] =	stream.indirect.gather @p1 [hbm4b:s4+s16], $0x80, s3, s16, $0xb8;
	[tilespmem:$0x1C080] =	vst v63  }
0x146: {  	s3 =	simm.s32 @!p1 $0x980  }
0x147: {  	[tilespmem:s18], [sflag:$0x4] =	stream.indirect.gather @!p1 [hbm4b:s5+s21], $0x80, s3, s21, $0xb8;
	[tilespmem:$0x1C080] =	vst v63  }
0x148: {  	_ =	swait.ge [sflag:s28], $0x1900  }
0x149: {  	[sflag:s28] =	ssyncset.done $0x0  }
0x14a: {  	s23 =	rddreg [dreg:$0x14];
	[sflag:s28] =	ssyncadd.s32 $0xFFFFE700  }
0x14b: {  	[spmem:s2] =	stream.indirect.scatter.add.f32 [tilespmem:s26], [sflag:$0x5], $0x80, s23, s31, $0xb8;
	[tilespmem:$0x1C080] =	vst v63  }
0x14c: {  	_ =	swait.ge [sflag:s1], $0x1900  }
0x14d: {  	[sflag:s1] =	ssyncset.done $0x0  }
0x14e: {  	s7 =	simm.s32 $0x3400;
	s24 =	rddreg [dreg:$0x15];
	[sflag:s1] =	ssyncadd.s32 $0xFFFFE700  }
0x14f: {  	[spmem:s2] =	stream.indirect.scatter.add.f32 [tilespmem:s7], [sflag:$0x6], $0x80, s24, s31, $0xb8;
	[tilespmem:$0x1C080] =	vst v63  }
0x150: {  	_ =	swait.ge [sflag:s10], $0x1900  }
0x151: {  	[sflag:s10] =	ssyncset.done $0x0  }
0x152: {  	s26 =	rddreg [dreg:$0x16];
	[sflag:s10] =	ssyncadd.s32 $0xFFFFE700  }
0x153: {  	[spmem:s2] =	stream.indirect.scatter.add.f32 [tilespmem:s11], [sflag:$0x7], $0x80, s26, s31, $0xb8;
	[tilespmem:$0x1C080] =	vst v63  }
0x154: {  	_ =	swait.ge [sflag:s13], $0x1900  }
0x155: {  	[sflag:s13] =	ssyncset.done $0x0  }
0x156: {  	s30 =	rddreg [dreg:$0x17];
	[sflag:s13] =	ssyncadd.s32 $0xFFFFE700  }
0x157: {  	[spmem:s2] =	stream.indirect.scatter.add.f32 [tilespmem:s8], [sflag:$0x8], $0x80, s30, s31, $0xb8;
	[tilespmem:$0x1C080] =	vst v63  }
0x158: {  	_ =	swait.ge [sflag:s0], $0x1900  }
0x159: {  	[sflag:s0] =	ssyncset.done $0x0  }
0x15a: {  	[sflag:s0] =	ssyncadd.s32 $0xFFFFE700  }
0x15b: {  	_ =	swait.ge [sflag:s9], $0x1900  }
0x15c: {  	[sflag:s9] =	ssyncset.done $0x0  }
0x15d: {  	[sflag:s9] =	ssyncadd.s32 $0xFFFFE700  }
0x15e: {  	_ =	swait.ge [sflag:s12], $0x1900  }
0x15f: {  	[sflag:s12] =	ssyncset.done $0x0  }
0x160: {  	[sflag:s12] =	ssyncadd.s32 $0xFFFFE700  }
0x161: {  	s3 =	simm.s32 $0x300;
	_ =	swait.ge [sflag:s15], $0x1900  }
0x162: {  	s8 =	simm.s32 $0x180;
	[sflag:s15] =	ssyncset.done $0x0;
	s11 =	rddreg [dreg:$0x3]  }
.LBB2_4:
0x163: {  	[sflag:s15] =	ssyncadd.s32 $0xFFFFE700;
	s11 =	sadd.s32 s8, s11;
	s22 =	simm.s32 $0x0  }
0x164: {  	[tilespmem:s22], [sflag:$0x9] =	stream.linear.gather [hbm4b:s11+s22], $0xA00, $0x38;
	[tilespmem:$0x1C080] =	vst v63  }
0x165: {  	_ =	swait.ge [sflag:s29], $0xA00  }
0x166: {  	s19 =	rddreg [dreg:$0x4];
	[sflag:s29] =	ssyncset.done $0x0  }
0x167: {  	s30 =	simm.s32 $0xC00;
	[sflag:s29] =	ssyncadd.s32 $0xFFFFF600;
	s11 =	sadd.s32 s8, s19  }
0x168: {  	[tilespmem:s30], [sflag:$0x9] =	stream.linear.gather [hbm4b:s11+s22], $0xA00, $0x38;
	[tilespmem:$0x1C080] =	vst v63  }
0x169: {  	s14 =	smov.u32 s3;
	_ =	swait.ge [sflag:s29], $0xA00  }
0x16a: {  	s6 =	simm.s32 @p0 $0x32;
	s8 =	smov.u32 s14;
	[sflag:s29] =	ssyncset.done $0x0  }
0x16b: {  	s14 =	simm.s32 @p0 $0x0;
	s11 =	simm.s32 @p0 $0x1800;
	[sflag:s29] =	ssyncadd.s32 $0xFFFFF600  }
0x16c: {  	[tilespmem:s11], [sflag:$0x1] =	stream.indirect.gather @p0 [hbm4b:s5+s6], $0x80, s14, s6, $0xb8;
	[tilespmem:$0x1C080] =	vst v63  }
0x16d: {  	s22 =	simm.s32 @p0 $0x3400;
	s14 =	simm.s32 @p0 $0x80  }
0x16e: {  	[tilespmem:s22], [sflag:$0x2] =	stream.indirect.gather @p0 [hbm4b:s5+s6], $0x80, s14, s6, $0xb8;
	[tilespmem:$0x1C080] =	vst v63  }
0x16f: {  	s24 =	simm.s32 @p0 $0x5000;
	s14 =	simm.s32 @p0 $0x100  }
0x170: {  	[tilespmem:s24], [sflag:$0x3] =	stream.indirect.gather @p0 [hbm4b:s5+s6], $0x80, s14, s6, $0xb8;
	[tilespmem:$0x1C080] =	vst v63  }
0x171: {  	s19 =	simm.s32 @p0 $0x6C00;
	s14 =	simm.s32 @p0 $0x180  }
0x172: {  	[tilespmem:s19], [sflag:$0x4] =	stream.indirect.gather @p0 [hbm4b:s5+s6], $0x80, s14, s6, $0xb8;
	[tilespmem:$0x1C080] =	vst v63  }
0x173: {  	s14 =	simm.s32 @!p0 $0x0;
	s19 =	simm.s32 @!p0 $0x1800  }
0x174: {  	[tilespmem:s19], [sflag:$0x1] =	stream.indirect.gather @!p0 [hbm4b:s4+s25], $0x80, s14, s25, $0xb8;
	[tilespmem:$0x1C080] =	vst v63  }
0x175: {  	s23 =	simm.s32 @!p0 $0x3400;
	s14 =	simm.s32 @!p0 $0x80  }
0x176: {  	[tilespmem:s23], [sflag:$0x2] =	stream.indirect.gather @!p0 [hbm4b:s4+s25], $0x80, s14, s25, $0xb8;
	[tilespmem:$0x1C080] =	vst v63  }
0x177: {  	s17 =	simm.s32 @!p0 $0x5000;
	s14 =	simm.s32 @!p0 $0x100  }
0x178: {  	[tilespmem:s17], [sflag:$0x3] =	stream.indirect.gather @!p0 [hbm4b:s4+s25], $0x80, s14, s25, $0xb8;
	[tilespmem:$0x1C080] =	vst v63  }
0x179: {  	s26 =	simm.s32 @!p0 $0x6C00;
	s14 =	simm.s32 @!p0 $0x180  }
0x17a: {  	[tilespmem:s26], [sflag:$0x4] =	stream.indirect.gather @!p0 [hbm4b:s4+s25], $0x80, s14, s25, $0xb8;
	[tilespmem:$0x1C080] =	vst v63  }
0x17b: {  	_ =	swait.ge [sflag:s28], $0x1900  }
0x17c: {  	[sflag:s28] =	ssyncset.done $0x0  }
0x17d: {  	s26 =	simm.s32 $0x1800;
	[sflag:s28] =	ssyncadd.s32 $0xFFFFE700  }
0x17e: {  	[spmem:s2] =	stream.indirect.scatter.add.f32 [tilespmem:s26], [sflag:$0x5], $0x80, s30, s31, $0xb8;
	[tilespmem:$0x1C080] =	vst v63  }
0x17f: {  	_ =	swait.ge [sflag:s0], $0x1900  }
0x180: {  	[sflag:s0] =	ssyncset.done $0x0  }
0x181: {  	s14 =	simm.s32 @p0 $0x200;
	[sflag:s0] =	ssyncadd.s32 $0xFFFFE700  }
0x182: {  	[tilespmem:s11], [sflag:$0x1] =	stream.indirect.gather @p0 [hbm4b:s5+s6], $0x80, s14, s6, $0xb8;
	[tilespmem:$0x1C080] =	vst v63  }
0x183: {  	s11 =	simm.s32 @!p0 $0x200  }
0x184: {  	[tilespmem:s19], [sflag:$0x1] =	stream.indirect.gather @!p0 [hbm4b:s4+s25], $0x80, s11, s25, $0xb8;
	[tilespmem:$0x1C080] =	vst v63  }
0x185: {  	_ =	swait.ge [sflag:s1], $0x1900  }
0x186: {  	[sflag:s1] =	ssyncset.done $0x0  }
0x187: {  	s20 =	rddreg [dreg:$0x5];
	[sflag:s1] =	ssyncadd.s32 $0xFFFFE700  }
0x188: {  	[spmem:s2] =	stream.indirect.scatter.add.f32 [tilespmem:s7], [sflag:$0x6], $0x80, s20, s31, $0xb8;
	[tilespmem:$0x1C080] =	vst v63  }
0x189: {  	_ =	swait.ge [sflag:s9], $0x1900  }
0x18a: {  	[sflag:s9] =	ssyncset.done $0x0  }
0x18b: {  	s11 =	simm.s32 @p0 $0x280;
	[sflag:s9] =	ssyncadd.s32 $0xFFFFE700  }
0x18c: {  	[tilespmem:s22], [sflag:$0x2] =	stream.indirect.gather @p0 [hbm4b:s5+s6], $0x80, s11, s6, $0xb8;
	[tilespmem:$0x1C080] =	vst v63  }
0x18d: {  	s11 =	simm.s32 @!p0 $0x280  }
0x18e: {  	[tilespmem:s23], [sflag:$0x2] =	stream.indirect.gather @!p0 [hbm4b:s4+s25], $0x80, s11, s25, $0xb8;
	[tilespmem:$0x1C080] =	vst v63  }
0x18f: {  	_ =	swait.ge [sflag:s10], $0x1900  }
0x190: {  	[sflag:s10] =	ssyncset.done $0x0  }
0x191: {  	s19 =	simm.s32 $0x5000;
	s22 =	rddreg [dreg:$0x6];
	[sflag:s10] =	ssyncadd.s32 $0xFFFFE700  }
0x192: {  	[spmem:s2] =	stream.indirect.scatter.add.f32 [tilespmem:s19], [sflag:$0x7], $0x80, s22, s31, $0xb8;
	[tilespmem:$0x1C080] =	vst v63  }
0x193: {  	_ =	swait.ge [sflag:s12], $0x1900  }
0x194: {  	[sflag:s12] =	ssyncset.done $0x0  }
0x195: {  	s11 =	simm.s32 @p0 $0x300;
	[sflag:s12] =	ssyncadd.s32 $0xFFFFE700  }
0x196: {  	[tilespmem:s24], [sflag:$0x3] =	stream.indirect.gather @p0 [hbm4b:s5+s6], $0x80, s11, s6, $0xb8;
	[tilespmem:$0x1C080] =	vst v63  }
0x197: {  	s11 =	simm.s32 @!p0 $0x300  }
0x198: {  	[tilespmem:s17], [sflag:$0x3] =	stream.indirect.gather @!p0 [hbm4b:s4+s25], $0x80, s11, s25, $0xb8;
	[tilespmem:$0x1C080] =	vst v63  }
0x199: {  	_ =	swait.ge [sflag:s13], $0x1900  }
0x19a: {  	[sflag:s13] =	ssyncset.done $0x0  }
0x19b: {  	s14 =	simm.s32 $0x6C00;
	s23 =	rddreg [dreg:$0x7];
	[sflag:s13] =	ssyncadd.s32 $0xFFFFE700  }
0x19c: {  	[spmem:s2] =	stream.indirect.scatter.add.f32 [tilespmem:s14], [sflag:$0x8], $0x80, s23, s31, $0xb8;
	[tilespmem:$0x1C080] =	vst v63  }
0x19d: {  	_ =	swait.ge [sflag:s15], $0x1900  }
0x19e: {  	[sflag:s15] =	ssyncset.done $0x0  }
0x19f: {  	s6 =	simm.s32 @p1 $0x6C00;
	s11 =	simm.s32 @p1 $0x380;
	[sflag:s15] =	ssyncadd.s32 $0xFFFFE700  }
0x1a0: {  	[tilespmem:s6], [sflag:$0x4] =	stream.indirect.gather @p1 [hbm4b:s4+s16], $0x80, s11, s16, $0xb8;
	[tilespmem:$0x1C080] =	vst v63  }
0x1a1: {  	s18 =	simm.s32 @!p1 $0x6C00;
	s11 =	simm.s32 @!p1 $0x380  }
0x1a2: {  	[tilespmem:s18], [sflag:$0x4] =	stream.indirect.gather @!p1 [hbm4b:s5+s21], $0x80, s11, s21, $0xb8;
	[tilespmem:$0x1C080] =	vst v63  }
0x1a3: {  	_ =	swait.ge [sflag:s28], $0x1900  }
0x1a4: {  	[sflag:s28] =	ssyncset.done $0x0  }
0x1a5: {  	s24 =	rddreg [dreg:$0x8];
	[sflag:s28] =	ssyncadd.s32 $0xFFFFE700  }
0x1a6: {  	[spmem:s2] =	stream.indirect.scatter.add.f32 [tilespmem:s26], [sflag:$0x5], $0x80, s24, s31, $0xb8;
	[tilespmem:$0x1C080] =	vst v63  }
0x1a7: {  	_ =	swait.ge [sflag:s0], $0x1900  }
0x1a8: {  	[sflag:s0] =	ssyncset.done $0x0  }
0x1a9: {  	s17 =	simm.s32 @p1 $0x1800;
	s11 =	simm.s32 @p1 $0x400;
	[sflag:s0] =	ssyncadd.s32 $0xFFFFE700  }
0x1aa: {  	[tilespmem:s17], [sflag:$0x1] =	stream.indirect.gather @p1 [hbm4b:s4+s16], $0x80, s11, s16, $0xb8;
	[tilespmem:$0x1C080] =	vst v63  }
0x1ab: {  	s22 =	simm.s32 @!p1 $0x1800;
	s11 =	simm.s32 @!p1 $0x400  }
0x1ac: {  	[tilespmem:s22], [sflag:$0x1] =	stream.indirect.gather @!p1 [hbm4b:s5+s21], $0x80, s11, s21, $0xb8;
	[tilespmem:$0x1C080] =	vst v63  }
0x1ad: {  	_ =	swait.ge [sflag:s1], $0x1900  }
0x1ae: {  	[sflag:s1] =	ssyncset.done $0x0  }
0x1af: {  	s30 =	rddreg [dreg:$0x9];
	[sflag:s1] =	ssyncadd.s32 $0xFFFFE700  }
0x1b0: {  	[spmem:s2] =	stream.indirect.scatter.add.f32 [tilespmem:s7], [sflag:$0x6], $0x80, s30, s31, $0xb8;
	[tilespmem:$0x1C080] =	vst v63  }
0x1b1: {  	_ =	swait.ge [sflag:s9], $0x1900  }
0x1b2: {  	[sflag:s9] =	ssyncset.done $0x0  }
0x1b3: {  	s23 =	simm.s32 @p1 $0x3400;
	s11 =	simm.s32 @p1 $0x480;
	[sflag:s9] =	ssyncadd.s32 $0xFFFFE700  }
0x1b4: {  	[tilespmem:s23], [sflag:$0x2] =	stream.indirect.gather @p1 [hbm4b:s4+s16], $0x80, s11, s16, $0xb8;
	[tilespmem:$0x1C080] =	vst v63  }
0x1b5: {  	s24 =	simm.s32 @!p1 $0x3400;
	s11 =	simm.s32 @!p1 $0x480  }
0x1b6: {  	[tilespmem:s24], [sflag:$0x2] =	stream.indirect.gather @!p1 [hbm4b:s5+s21], $0x80, s11, s21, $0xb8;
	[tilespmem:$0x1C080] =	vst v63  }
0x1b7: {  	_ =	swait.ge [sflag:s10], $0x1900  }
0x1b8: {  	[sflag:s10] =	ssyncset.done $0x0  }
0x1b9: {  	s20 =	rddreg [dreg:$0xa];
	[sflag:s10] =	ssyncadd.s32 $0xFFFFE700  }
0x1ba: {  	[spmem:s2] =	stream.indirect.scatter.add.f32 [tilespmem:s19], [sflag:$0x7], $0x80, s20, s31, $0xb8;
	[tilespmem:$0x1C080] =	vst v63  }
0x1bb: {  	_ =	swait.ge [sflag:s12], $0x1900  }
0x1bc: {  	[sflag:s12] =	ssyncset.done $0x0  }
0x1bd: {  	s30 =	simm.s32 @p1 $0x5000;
	s11 =	simm.s32 @p1 $0x500;
	[sflag:s12] =	ssyncadd.s32 $0xFFFFE700  }
0x1be: {  	[tilespmem:s30], [sflag:$0x3] =	stream.indirect.gather @p1 [hbm4b:s4+s16], $0x80, s11, s16, $0xb8;
	[tilespmem:$0x1C080] =	vst v63  }
0x1bf: {  	s7 =	simm.s32 @!p1 $0x5000;
	s11 =	simm.s32 @!p1 $0x500  }
0x1c0: {  	[tilespmem:s7], [sflag:$0x3] =	stream.indirect.gather @!p1 [hbm4b:s5+s21], $0x80, s11, s21, $0xb8;
	[tilespmem:$0x1C080] =	vst v63  }
0x1c1: {  	_ =	swait.ge [sflag:s13], $0x1900  }
0x1c2: {  	[sflag:s13] =	ssyncset.done $0x0  }
0x1c3: {  	s11 =	rddreg [dreg:$0xb];
	[sflag:s13] =	ssyncadd.s32 $0xFFFFE700  }
0x1c4: {  	[spmem:s2] =	stream.indirect.scatter.add.f32 [tilespmem:s14], [sflag:$0x8], $0x80, s11, s31, $0xb8;
	[tilespmem:$0x1C080] =	vst v63  }
0x1c5: {  	_ =	swait.ge [sflag:s15], $0x1900  }
0x1c6: {  	[sflag:s15] =	ssyncset.done $0x0  }
0x1c7: {  	s11 =	simm.s32 @p1 $0x580;
	[sflag:s15] =	ssyncadd.s32 $0xFFFFE700  }
0x1c8: {  	[tilespmem:s6], [sflag:$0x4] =	stream.indirect.gather @p1 [hbm4b:s4+s16], $0x80, s11, s16, $0xb8;
	[tilespmem:$0x1C080] =	vst v63  }
0x1c9: {  	s11 =	simm.s32 @!p1 $0x580  }
0x1ca: {  	[tilespmem:s18], [sflag:$0x4] =	stream.indirect.gather @!p1 [hbm4b:s5+s21], $0x80, s11, s21, $0xb8;
	[tilespmem:$0x1C080] =	vst v63  }
0x1cb: {  	_ =	swait.ge [sflag:s28], $0x1900  }
0x1cc: {  	[sflag:s28] =	ssyncset.done $0x0  }
0x1cd: {  	s11 =	rddreg [dreg:$0xc];
	[sflag:s28] =	ssyncadd.s32 $0xFFFFE700  }
0x1ce: {  	[spmem:s2] =	stream.indirect.scatter.add.f32 [tilespmem:s26], [sflag:$0x5], $0x80, s11, s31, $0xb8;
	[tilespmem:$0x1C080] =	vst v63  }
0x1cf: {  	_ =	swait.ge [sflag:s0], $0x1900  }
0x1d0: {  	[sflag:s0] =	ssyncset.done $0x0  }
0x1d1: {  	s11 =	simm.s32 @p1 $0x600;
	[sflag:s0] =	ssyncadd.s32 $0xFFFFE700  }
0x1d2: {  	[tilespmem:s17], [sflag:$0x1] =	stream.indirect.gather @p1 [hbm4b:s4+s16], $0x80, s11, s16, $0xb8;
	[tilespmem:$0x1C080] =	vst v63  }
0x1d3: {  	s11 =	simm.s32 @!p1 $0x600  }
0x1d4: {  	[tilespmem:s22], [sflag:$0x1] =	stream.indirect.gather @!p1 [hbm4b:s5+s21], $0x80, s11, s21, $0xb8;
	[tilespmem:$0x1C080] =	vst v63  }
0x1d5: {  	_ =	swait.ge [sflag:s1], $0x1900  }
0x1d6: {  	[sflag:s1] =	ssyncset.done $0x0  }
0x1d7: {  	s20 =	simm.s32 $0x3400;
	s11 =	rddreg [dreg:$0xd];
	[sflag:s1] =	ssyncadd.s32 $0xFFFFE700  }
0x1d8: {  	[spmem:s2] =	stream.indirect.scatter.add.f32 [tilespmem:s20], [sflag:$0x6], $0x80, s11, s31, $0xb8;
	[tilespmem:$0x1C080] =	vst v63  }
0x1d9: {  	_ =	swait.ge [sflag:s9], $0x1900  }
0x1da: {  	[sflag:s9] =	ssyncset.done $0x0  }
0x1db: {  	s11 =	simm.s32 @p1 $0x680;
	[sflag:s9] =	ssyncadd.s32 $0xFFFFE700  }
0x1dc: {  	[tilespmem:s23], [sflag:$0x2] =	stream.indirect.gather @p1 [hbm4b:s4+s16], $0x80, s11, s16, $0xb8;
	[tilespmem:$0x1C080] =	vst v63  }
0x1dd: {  	s11 =	simm.s32 @!p1 $0x680  }
0x1de: {  	[tilespmem:s24], [sflag:$0x2] =	stream.indirect.gather @!p1 [hbm4b:s5+s21], $0x80, s11, s21, $0xb8;
	[tilespmem:$0x1C080] =	vst v63  }
0x1df: {  	_ =	swait.ge [sflag:s10], $0x1900  }
0x1e0: {  	[sflag:s10] =	ssyncset.done $0x0  }
0x1e1: {  	s11 =	rddreg [dreg:$0xe];
	[sflag:s10] =	ssyncadd.s32 $0xFFFFE700  }
0x1e2: {  	[spmem:s2] =	stream.indirect.scatter.add.f32 [tilespmem:s19], [sflag:$0x7], $0x80, s11, s31, $0xb8;
	[tilespmem:$0x1C080] =	vst v63  }
0x1e3: {  	_ =	swait.ge [sflag:s12], $0x1900  }
0x1e4: {  	[sflag:s12] =	ssyncset.done $0x0  }
0x1e5: {  	s11 =	simm.s32 @p1 $0x700;
	[sflag:s12] =	ssyncadd.s32 $0xFFFFE700  }
0x1e6: {  	[tilespmem:s30], [sflag:$0x3] =	stream.indirect.gather @p1 [hbm4b:s4+s16], $0x80, s11, s16, $0xb8;
	[tilespmem:$0x1C080] =	vst v63  }
0x1e7: {  	s11 =	simm.s32 @!p1 $0x700  }
0x1e8: {  	[tilespmem:s7], [sflag:$0x3] =	stream.indirect.gather @!p1 [hbm4b:s5+s21], $0x80, s11, s21, $0xb8;
	[tilespmem:$0x1C080] =	vst v63  }
0x1e9: {  	_ =	swait.ge [sflag:s13], $0x1900  }
0x1ea: {  	[sflag:s13] =	ssyncset.done $0x0  }
0x1eb: {  	s11 =	rddreg [dreg:$0xf];
	[sflag:s13] =	ssyncadd.s32 $0xFFFFE700  }
0x1ec: {  	[spmem:s2] =	stream.indirect.scatter.add.f32 [tilespmem:s14], [sflag:$0x8], $0x80, s11, s31, $0xb8;
	[tilespmem:$0x1C080] =	vst v63  }
0x1ed: {  	_ =	swait.ge [sflag:s15], $0x1900  }
0x1ee: {  	[sflag:s15] =	ssyncset.done $0x0  }
0x1ef: {  	s11 =	simm.s32 @p1 $0x780;
	[sflag:s15] =	ssyncadd.s32 $0xFFFFE700  }
0x1f0: {  	[tilespmem:s6], [sflag:$0x4] =	stream.indirect.gather @p1 [hbm4b:s4+s16], $0x80, s11, s16, $0xb8;
	[tilespmem:$0x1C080] =	vst v63  }
0x1f1: {  	s11 =	simm.s32 @!p1 $0x780  }
0x1f2: {  	[tilespmem:s18], [sflag:$0x4] =	stream.indirect.gather @!p1 [hbm4b:s5+s21], $0x80, s11, s21, $0xb8;
	[tilespmem:$0x1C080] =	vst v63  }
0x1f3: {  	_ =	swait.ge [sflag:s28], $0x1900  }
0x1f4: {  	[sflag:s28] =	ssyncset.done $0x0  }
0x1f5: {  	s11 =	rddreg [dreg:$0x10];
	[sflag:s28] =	ssyncadd.s32 $0xFFFFE700  }
0x1f6: {  	[spmem:s2] =	stream.indirect.scatter.add.f32 [tilespmem:s26], [sflag:$0x5], $0x80, s11, s31, $0xb8;
	[tilespmem:$0x1C080] =	vst v63  }
0x1f7: {  	_ =	swait.ge [sflag:s0], $0x1900  }
0x1f8: {  	[sflag:s0] =	ssyncset.done $0x0  }
0x1f9: {  	s11 =	simm.s32 @p1 $0x800;
	[sflag:s0] =	ssyncadd.s32 $0xFFFFE700  }
0x1fa: {  	[tilespmem:s17], [sflag:$0x1] =	stream.indirect.gather @p1 [hbm4b:s4+s16], $0x80, s11, s16, $0xb8;
	[tilespmem:$0x1C080] =	vst v63  }
0x1fb: {  	s11 =	simm.s32 @!p1 $0x800  }
0x1fc: {  	[tilespmem:s22], [sflag:$0x1] =	stream.indirect.gather @!p1 [hbm4b:s5+s21], $0x80, s11, s21, $0xb8;
	[tilespmem:$0x1C080] =	vst v63  }
0x1fd: {  	_ =	swait.ge [sflag:s1], $0x1900  }
0x1fe: {  	[sflag:s1] =	ssyncset.done $0x0  }
0x1ff: {  	s22 =	rddreg [dreg:$0x11];
	[sflag:s1] =	ssyncadd.s32 $0xFFFFE700  }
0x200: {  	[spmem:s2] =	stream.indirect.scatter.add.f32 [tilespmem:s20], [sflag:$0x6], $0x80, s22, s31, $0xb8;
	[tilespmem:$0x1C080] =	vst v63  }
0x201: {  	_ =	swait.ge [sflag:s9], $0x1900  }
0x202: {  	[sflag:s9] =	ssyncset.done $0x0  }
0x203: {  	s11 =	simm.s32 @p1 $0x880;
	[sflag:s9] =	ssyncadd.s32 $0xFFFFE700  }
0x204: {  	[tilespmem:s23], [sflag:$0x2] =	stream.indirect.gather @p1 [hbm4b:s4+s16], $0x80, s11, s16, $0xb8;
	[tilespmem:$0x1C080] =	vst v63  }
0x205: {  	s11 =	simm.s32 @!p1 $0x880  }
0x206: {  	[tilespmem:s24], [sflag:$0x2] =	stream.indirect.gather @!p1 [hbm4b:s5+s21], $0x80, s11, s21, $0xb8;
	[tilespmem:$0x1C080] =	vst v63  }
0x207: {  	_ =	swait.ge [sflag:s10], $0x1900  }
0x208: {  	[sflag:s10] =	ssyncset.done $0x0  }
0x209: {  	s17 =	rddreg [dreg:$0x12];
	[sflag:s10] =	ssyncadd.s32 $0xFFFFE700  }
0x20a: {  	[spmem:s2] =	stream.indirect.scatter.add.f32 [tilespmem:s19], [sflag:$0x7], $0x80, s17, s31, $0xb8;
	[tilespmem:$0x1C080] =	vst v63  }
0x20b: {  	_ =	swait.ge [sflag:s12], $0x1900  }
0x20c: {  	[sflag:s12] =	ssyncset.done $0x0  }
0x20d: {  	s11 =	simm.s32 @p1 $0x900;
	[sflag:s12] =	ssyncadd.s32 $0xFFFFE700  }
0x20e: {  	[tilespmem:s30], [sflag:$0x3] =	stream.indirect.gather @p1 [hbm4b:s4+s16], $0x80, s11, s16, $0xb8;
	[tilespmem:$0x1C080] =	vst v63  }
0x20f: {  	s11 =	simm.s32 @!p1 $0x900  }
0x210: {  	[tilespmem:s7], [sflag:$0x3] =	stream.indirect.gather @!p1 [hbm4b:s5+s21], $0x80, s11, s21, $0xb8;
	[tilespmem:$0x1C080] =	vst v63  }
0x211: {  	_ =	swait.ge [sflag:s13], $0x1900  }
0x212: {  	[sflag:s13] =	ssyncset.done $0x0  }
0x213: {  	s20 =	rddreg [dreg:$0x13];
	[sflag:s13] =	ssyncadd.s32 $0xFFFFE700  }
0x214: {  	[spmem:s2] =	stream.indirect.scatter.add.f32 [tilespmem:s14], [sflag:$0x8], $0x80, s20, s31, $0xb8;
	[tilespmem:$0x1C080] =	vst v63  }
0x215: {  	_ =	swait.ge [sflag:s15], $0x1900  }
0x216: {  	[sflag:s15] =	ssyncset.done $0x0  }
0x217: {  	s11 =	simm.s32 @p1 $0x980;
	[sflag:s15] =	ssyncadd.s32 $0xFFFFE700  }
0x218: {  	[tilespmem:s6], [sflag:$0x4] =	stream.indirect.gather @p1 [hbm4b:s4+s16], $0x80, s11, s16, $0xb8;
	[tilespmem:$0x1C080] =	vst v63  }
0x219: {  	s6 =	simm.s32 @!p1 $0x980  }
0x21a: {  	[tilespmem:s18], [sflag:$0x4] =	stream.indirect.gather @!p1 [hbm4b:s5+s21], $0x80, s6, s21, $0xb8;
	[tilespmem:$0x1C080] =	vst v63  }
0x21b: {  	_ =	swait.ge [sflag:s28], $0x1900  }
0x21c: {  	[sflag:s28] =	ssyncset.done $0x0  }
0x21d: {  	s22 =	rddreg [dreg:$0x14];
	[sflag:s28] =	ssyncadd.s32 $0xFFFFE700  }
0x21e: {  	[spmem:s2] =	stream.indirect.scatter.add.f32 [tilespmem:s26], [sflag:$0x5], $0x80, s22, s31, $0xb8;
	[tilespmem:$0x1C080] =	vst v63  }
0x21f: {  	_ =	swait.ge [sflag:s1], $0x1900  }
0x220: {  	[sflag:s1] =	ssyncset.done $0x0  }
0x221: {  	s7 =	simm.s32 $0x3400;
	s23 =	rddreg [dreg:$0x15];
	[sflag:s1] =	ssyncadd.s32 $0xFFFFE700  }
0x222: {  	[spmem:s2] =	stream.indirect.scatter.add.f32 [tilespmem:s7], [sflag:$0x6], $0x80, s23, s31, $0xb8;
	[tilespmem:$0x1C080] =	vst v63  }
0x223: {  	_ =	swait.ge [sflag:s10], $0x1900  }
0x224: {  	[sflag:s10] =	ssyncset.done $0x0  }
0x225: {  	s24 =	rddreg [dreg:$0x16];
	[sflag:s10] =	ssyncadd.s32 $0xFFFFE700  }
0x226: {  	[spmem:s2] =	stream.indirect.scatter.add.f32 [tilespmem:s19], [sflag:$0x7], $0x80, s24, s31, $0xb8;
	[tilespmem:$0x1C080] =	vst v63  }
0x227: {  	_ =	swait.ge [sflag:s13], $0x1900  }
0x228: {  	[sflag:s13] =	ssyncset.done $0x0  }
0x229: {  	s30 =	rddreg [dreg:$0x17];
	[sflag:s13] =	ssyncadd.s32 $0xFFFFE700  }
0x22a: {  	[spmem:s2] =	stream.indirect.scatter.add.f32 [tilespmem:s14], [sflag:$0x8], $0x80, s30, s31, $0xb8;
	[tilespmem:$0x1C080] =	vst v63  }
0x22b: {  	_ =	swait.ge [sflag:s0], $0x1900  }
0x22c: {  	[sflag:s0] =	ssyncset.done $0x0  }
0x22d: {  	[sflag:s0] =	ssyncadd.s32 $0xFFFFE700  }
0x22e: {  	_ =	swait.ge [sflag:s9], $0x1900  }
0x22f: {  	s3 =	sadd.s32 $0x180, s3;
	[sflag:s9] =	ssyncset.done $0x0  }
0x230: {  	p2 =	sne.s32 s3, $0xF00;
	[sflag:s9] =	ssyncadd.s32 $0xFFFFE700  }
.Ltmp1:
0x231: {  	_ =	swait.ge [sflag:s12], $0x1900;
	(pc) =	sbr.rel @p2 .LBB2_4-.Ltmp1, $4  }
0x232: {  	[sflag:s12] =	ssyncset.done $0x0  }
0x233: {  	[sflag:s12] =	ssyncadd.s32 $0xFFFFE700  }
0x234: {  	_ =	swait.ge [sflag:s15], $0x1900  }
0x235: {  	s11 =	rddreg [dreg:$0x3];
	[sflag:s15] =	ssyncset.done $0x0  }
0x236: {  	[sflag:s15] =	ssyncadd.s32 $0xFFFFE700;
	s3 =	sadd.s32 s8, s11;
	s23 =	simm.s32 $0x0  }
0x237: {  	[tilespmem:s23], [sflag:$0x9] =	stream.linear.gather [hbm4b:s3+s23], $0xA00, $0x38;
	[tilespmem:$0x1C080] =	vst v63  }
0x238: {  	_ =	swait.ge [sflag:s29], $0xA00  }
0x239: {  	s16 =	rddreg [dreg:$0x4];
	[sflag:s29] =	ssyncset.done $0x0  }
0x23a: {  	s17 =	simm.s32 $0xC00;
	[sflag:s29] =	ssyncadd.s32 $0xFFFFF600;
	s3 =	sadd.s32 s8, s16  }
0x23b: {  	[tilespmem:s17], [sflag:$0x9] =	stream.linear.gather [hbm4b:s3+s23], $0xA00, $0x38;
	[tilespmem:$0x1C080] =	vst v63  }
0x23c: {  	_ =	swait.ge [sflag:s29], $0xA00  }
0x23d: {  	s6 =	simm.s32 @p0 $0x32;
	[sflag:s29] =	ssyncset.done $0x0  }
0x23e: {  	s8 =	simm.s32 @p0 $0x0;
	s3 =	simm.s32 @p0 $0x1800;
	[sflag:s29] =	ssyncadd.s32 $0xFFFFF600  }
0x23f: {  	[tilespmem:s3], [sflag:$0x1] =	stream.indirect.gather @p0 [hbm4b:s5+s6], $0x80, s8, s6, $0xb8;
	[tilespmem:$0x1C080] =	vst v63  }
0x240: {  	s11 =	simm.s32 @p0 $0x3400;
	s8 =	simm.s32 @p0 $0x80  }
0x241: {  	[tilespmem:s11], [sflag:$0x2] =	stream.indirect.gather @p0 [hbm4b:s5+s6], $0x80, s8, s6, $0xb8;
	[tilespmem:$0x1C080] =	vst v63  }
0x242: {  	s14 =	simm.s32 @p0 $0x5000;
	s8 =	simm.s32 @p0 $0x100  }
0x243: {  	[tilespmem:s14], [sflag:$0x3] =	stream.indirect.gather @p0 [hbm4b:s5+s6], $0x80, s8, s6, $0xb8;
	[tilespmem:$0x1C080] =	vst v63  }
0x244: {  	s16 =	simm.s32 @p0 $0x6C00;
	s8 =	simm.s32 @p0 $0x180  }
0x245: {  	[tilespmem:s16], [sflag:$0x4] =	stream.indirect.gather @p0 [hbm4b:s5+s6], $0x80, s8, s6, $0xb8;
	[tilespmem:$0x1C080] =	vst v63  }
0x246: {  	s21 =	simm.s32 @!p0 $0x1800;
	s8 =	simm.s32 @!p0 $0x32;
	s16 =	simm.s32 @!p0 $0x0  }
0x247: {  	[tilespmem:s21], [sflag:$0x1] =	stream.indirect.gather @!p0 [hbm4b:s4+s8], $0x80, s16, s8, $0xb8;
	[tilespmem:$0x1C080] =	vst v63  }
0x248: {  	s18 =	simm.s32 @!p0 $0x3400;
	s16 =	simm.s32 @!p0 $0x80  }
0x249: {  	[tilespmem:s18], [sflag:$0x2] =	stream.indirect.gather @!p0 [hbm4b:s4+s8], $0x80, s16, s8, $0xb8;
	[tilespmem:$0x1C080] =	vst v63  }
0x24a: {  	s19 =	simm.s32 @!p0 $0x5000;
	s16 =	simm.s32 @!p0 $0x100  }
0x24b: {  	[tilespmem:s19], [sflag:$0x3] =	stream.indirect.gather @!p0 [hbm4b:s4+s8], $0x80, s16, s8, $0xb8;
	[tilespmem:$0x1C080] =	vst v63  }
0x24c: {  	s20 =	simm.s32 @!p0 $0x6C00;
	s16 =	simm.s32 @!p0 $0x180  }
0x24d: {  	[tilespmem:s20], [sflag:$0x4] =	stream.indirect.gather @!p0 [hbm4b:s4+s8], $0x80, s16, s8, $0xb8;
	[tilespmem:$0x1C080] =	vst v63  }
0x24e: {  	_ =	swait.ge [sflag:s28], $0x1900  }
0x24f: {  	[sflag:s28] =	ssyncset.done $0x0  }
0x250: {  	[sflag:s28] =	ssyncadd.s32 $0xFFFFE700  }
0x251: {  	[spmem:s2] =	stream.indirect.scatter.add.f32 [tilespmem:s26], [sflag:$0x5], $0x80, s17, s31, $0xb8;
	[tilespmem:$0x1C080] =	vst v63  }
0x252: {  	_ =	swait.ge [sflag:s0], $0x1900  }
0x253: {  	[sflag:s0] =	ssyncset.done $0x0  }
0x254: {  	s16 =	simm.s32 @p0 $0x200;
	[sflag:s0] =	ssyncadd.s32 $0xFFFFE700  }
0x255: {  	[tilespmem:s3], [sflag:$0x1] =	stream.indirect.gather @p0 [hbm4b:s5+s6], $0x80, s16, s6, $0xb8;
	[tilespmem:$0x1C080] =	vst v63  }
0x256: {  	s3 =	simm.s32 @!p0 $0x200  }
0x257: {  	[tilespmem:s21], [sflag:$0x1] =	stream.indirect.gather @!p0 [hbm4b:s4+s8], $0x80, s3, s8, $0xb8;
	[tilespmem:$0x1C080] =	vst v63  }
0x258: {  	_ =	swait.ge [sflag:s1], $0x1900  }
0x259: {  	[sflag:s1] =	ssyncset.done $0x0  }
0x25a: {  	s17 =	rddreg [dreg:$0x5];
	[sflag:s1] =	ssyncadd.s32 $0xFFFFE700  }
0x25b: {  	[spmem:s2] =	stream.indirect.scatter.add.f32 [tilespmem:s7], [sflag:$0x6], $0x80, s17, s31, $0xb8;
	[tilespmem:$0x1C080] =	vst v63  }
0x25c: {  	_ =	swait.ge [sflag:s9], $0x1900  }
0x25d: {  	[sflag:s9] =	ssyncset.done $0x0  }
0x25e: {  	s3 =	simm.s32 @p0 $0x280;
	[sflag:s9] =	ssyncadd.s32 $0xFFFFE700  }
0x25f: {  	[tilespmem:s11], [sflag:$0x2] =	stream.indirect.gather @p0 [hbm4b:s5+s6], $0x80, s3, s6, $0xb8;
	[tilespmem:$0x1C080] =	vst v63  }
0x260: {  	s3 =	simm.s32 @!p0 $0x280  }
0x261: {  	[tilespmem:s18], [sflag:$0x2] =	stream.indirect.gather @!p0 [hbm4b:s4+s8], $0x80, s3, s8, $0xb8;
	[tilespmem:$0x1C080] =	vst v63  }
0x262: {  	_ =	swait.ge [sflag:s10], $0x1900  }
0x263: {  	[sflag:s10] =	ssyncset.done $0x0  }
0x264: {  	s24 =	simm.s32 $0x5000;
	s18 =	rddreg [dreg:$0x6];
	[sflag:s10] =	ssyncadd.s32 $0xFFFFE700  }
0x265: {  	[spmem:s2] =	stream.indirect.scatter.add.f32 [tilespmem:s24], [sflag:$0x7], $0x80, s18, s31, $0xb8;
	[tilespmem:$0x1C080] =	vst v63  }
0x266: {  	_ =	swait.ge [sflag:s12], $0x1900  }
0x267: {  	[sflag:s12] =	ssyncset.done $0x0  }
0x268: {  	s3 =	simm.s32 @p0 $0x300;
	[sflag:s12] =	ssyncadd.s32 $0xFFFFE700  }
0x269: {  	[tilespmem:s14], [sflag:$0x3] =	stream.indirect.gather @p0 [hbm4b:s5+s6], $0x80, s3, s6, $0xb8;
	[tilespmem:$0x1C080] =	vst v63  }
0x26a: {  	s3 =	simm.s32 @!p0 $0x300  }
0x26b: {  	[tilespmem:s19], [sflag:$0x3] =	stream.indirect.gather @!p0 [hbm4b:s4+s8], $0x80, s3, s8, $0xb8;
	[tilespmem:$0x1C080] =	vst v63  }
0x26c: {  	_ =	swait.ge [sflag:s13], $0x1900  }
0x26d: {  	[sflag:s13] =	ssyncset.done $0x0  }
0x26e: {  	s17 =	simm.s32 $0x6C00;
	s19 =	rddreg [dreg:$0x7];
	[sflag:s13] =	ssyncadd.s32 $0xFFFFE700  }
0x26f: {  	[spmem:s2] =	stream.indirect.scatter.add.f32 [tilespmem:s17], [sflag:$0x8], $0x80, s19, s31, $0xb8;
	[tilespmem:$0x1C080] =	vst v63  }
0x270: {  	_ =	swait.ge [sflag:s15], $0x1900  }
0x271: {  	s6 =	simm.s32 @p1 $0x32;
	[sflag:s15] =	ssyncset.done $0x0  }
0x272: {  	s3 =	simm.s32 @p1 $0x6C00;
	s8 =	simm.s32 @p1 $0x380;
	[sflag:s15] =	ssyncadd.s32 $0xFFFFE700  }
0x273: {  	[tilespmem:s3], [sflag:$0x4] =	stream.indirect.gather @p1 [hbm4b:s4+s6], $0x80, s8, s6, $0xb8;
	[tilespmem:$0x1C080] =	vst v63  }
0x274: {  	s16 =	simm.s32 @!p1 $0x6C00;
	s11 =	simm.s32 @!p1 $0x380;
	s8 =	simm.s32 @!p1 $0x32  }
0x275: {  	[tilespmem:s16], [sflag:$0x4] =	stream.indirect.gather @!p1 [hbm4b:s5+s8], $0x80, s11, s8, $0xb8;
	[tilespmem:$0x1C080] =	vst v63  }
0x276: {  	_ =	swait.ge [sflag:s28], $0x1900  }
0x277: {  	[sflag:s28] =	ssyncset.done $0x0  }
0x278: {  	s20 =	rddreg [dreg:$0x8];
	[sflag:s28] =	ssyncadd.s32 $0xFFFFE700  }
0x279: {  	[spmem:s2] =	stream.indirect.scatter.add.f32 [tilespmem:s26], [sflag:$0x5], $0x80, s20, s31, $0xb8;
	[tilespmem:$0x1C080] =	vst v63  }
0x27a: {  	_ =	swait.ge [sflag:s0], $0x1900  }
0x27b: {  	[sflag:s0] =	ssyncset.done $0x0  }
0x27c: {  	s14 =	simm.s32 @p1 $0x1800;
	s11 =	simm.s32 @p1 $0x400;
	[sflag:s0] =	ssyncadd.s32 $0xFFFFE700  }
0x27d: {  	[tilespmem:s14], [sflag:$0x1] =	stream.indirect.gather @p1 [hbm4b:s4+s6], $0x80, s11, s6, $0xb8;
	[tilespmem:$0x1C080] =	vst v63  }
0x27e: {  	s18 =	simm.s32 @!p1 $0x1800;
	s11 =	simm.s32 @!p1 $0x400  }
0x27f: {  	[tilespmem:s18], [sflag:$0x1] =	stream.indirect.gather @!p1 [hbm4b:s5+s8], $0x80, s11, s8, $0xb8;
	[tilespmem:$0x1C080] =	vst v63  }
0x280: {  	_ =	swait.ge [sflag:s1], $0x1900  }
0x281: {  	[sflag:s1] =	ssyncset.done $0x0  }
0x282: {  	s21 =	rddreg [dreg:$0x9];
	[sflag:s1] =	ssyncadd.s32 $0xFFFFE700  }
0x283: {  	[spmem:s2] =	stream.indirect.scatter.add.f32 [tilespmem:s7], [sflag:$0x6], $0x80, s21, s31, $0xb8;
	[tilespmem:$0x1C080] =	vst v63  }
0x284: {  	_ =	swait.ge [sflag:s9], $0x1900  }
0x285: {  	[sflag:s9] =	ssyncset.done $0x0  }
0x286: {  	s19 =	simm.s32 @p1 $0x3400;
	s11 =	simm.s32 @p1 $0x480;
	[sflag:s9] =	ssyncadd.s32 $0xFFFFE700  }
0x287: {  	[tilespmem:s19], [sflag:$0x2] =	stream.indirect.gather @p1 [hbm4b:s4+s6], $0x80, s11, s6, $0xb8;
	[tilespmem:$0x1C080] =	vst v63  }
0x288: {  	s20 =	simm.s32 @!p1 $0x3400;
	s11 =	simm.s32 @!p1 $0x480  }
0x289: {  	[tilespmem:s20], [sflag:$0x2] =	stream.indirect.gather @!p1 [hbm4b:s5+s8], $0x80, s11, s8, $0xb8;
	[tilespmem:$0x1C080] =	vst v63  }
0x28a: {  	_ =	swait.ge [sflag:s10], $0x1900  }
0x28b: {  	[sflag:s10] =	ssyncset.done $0x0  }
0x28c: {  	s22 =	rddreg [dreg:$0xa];
	[sflag:s10] =	ssyncadd.s32 $0xFFFFE700  }
0x28d: {  	[spmem:s2] =	stream.indirect.scatter.add.f32 [tilespmem:s24], [sflag:$0x7], $0x80, s22, s31, $0xb8;
	[tilespmem:$0x1C080] =	vst v63  }
0x28e: {  	_ =	swait.ge [sflag:s12], $0x1900  }
0x28f: {  	[sflag:s12] =	ssyncset.done $0x0  }
0x290: {  	s21 =	simm.s32 @p1 $0x5000;
	s11 =	simm.s32 @p1 $0x500;
	[sflag:s12] =	ssyncadd.s32 $0xFFFFE700  }
0x291: {  	[tilespmem:s21], [sflag:$0x3] =	stream.indirect.gather @p1 [hbm4b:s4+s6], $0x80, s11, s6, $0xb8;
	[tilespmem:$0x1C080] =	vst v63  }
0x292: {  	s22 =	simm.s32 @!p1 $0x5000;
	s11 =	simm.s32 @!p1 $0x500  }
0x293: {  	[tilespmem:s22], [sflag:$0x3] =	stream.indirect.gather @!p1 [hbm4b:s5+s8], $0x80, s11, s8, $0xb8;
	[tilespmem:$0x1C080] =	vst v63  }
0x294: {  	_ =	swait.ge [sflag:s13], $0x1900  }
0x295: {  	[sflag:s13] =	ssyncset.done $0x0  }
0x296: {  	s25 =	rddreg [dreg:$0xb];
	[sflag:s13] =	ssyncadd.s32 $0xFFFFE700  }
0x297: {  	[spmem:s2] =	stream.indirect.scatter.add.f32 [tilespmem:s17], [sflag:$0x8], $0x80, s25, s31, $0xb8;
	[tilespmem:$0x1C080] =	vst v63  }
0x298: {  	_ =	swait.ge [sflag:s15], $0x1900  }
0x299: {  	[sflag:s15] =	ssyncset.done $0x0  }
0x29a: {  	s11 =	simm.s32 @p1 $0x580;
	[sflag:s15] =	ssyncadd.s32 $0xFFFFE700  }
0x29b: {  	[tilespmem:s3], [sflag:$0x4] =	stream.indirect.gather @p1 [hbm4b:s4+s6], $0x80, s11, s6, $0xb8;
	[tilespmem:$0x1C080] =	vst v63  }
0x29c: {  	s11 =	simm.s32 @!p1 $0x580  }
0x29d: {  	[tilespmem:s16], [sflag:$0x4] =	stream.indirect.gather @!p1 [hbm4b:s5+s8], $0x80, s11, s8, $0xb8;
	[tilespmem:$0x1C080] =	vst v63  }
0x29e: {  	_ =	swait.ge [sflag:s28], $0x1900  }
0x29f: {  	[sflag:s28] =	ssyncset.done $0x0  }
0x2a0: {  	s30 =	rddreg [dreg:$0xc];
	[sflag:s28] =	ssyncadd.s32 $0xFFFFE700  }
0x2a1: {  	[spmem:s2] =	stream.indirect.scatter.add.f32 [tilespmem:s26], [sflag:$0x5], $0x80, s30, s31, $0xb8;
	[tilespmem:$0x1C080] =	vst v63  }
0x2a2: {  	_ =	swait.ge [sflag:s0], $0x1900  }
0x2a3: {  	[sflag:s0] =	ssyncset.done $0x0  }
0x2a4: {  	s11 =	simm.s32 @p1 $0x600;
	[sflag:s0] =	ssyncadd.s32 $0xFFFFE700  }
0x2a5: {  	[tilespmem:s14], [sflag:$0x1] =	stream.indirect.gather @p1 [hbm4b:s4+s6], $0x80, s11, s6, $0xb8;
	[tilespmem:$0x1C080] =	vst v63  }
0x2a6: {  	s11 =	simm.s32 @!p1 $0x600  }
0x2a7: {  	[tilespmem:s18], [sflag:$0x1] =	stream.indirect.gather @!p1 [hbm4b:s5+s8], $0x80, s11, s8, $0xb8;
	[tilespmem:$0x1C080] =	vst v63  }
0x2a8: {  	_ =	swait.ge [sflag:s1], $0x1900  }
0x2a9: {  	[sflag:s1] =	ssyncset.done $0x0  }
0x2aa: {  	s25 =	rddreg [dreg:$0xd];
	[sflag:s1] =	ssyncadd.s32 $0xFFFFE700  }
0x2ab: {  	[spmem:s2] =	stream.indirect.scatter.add.f32 [tilespmem:s7], [sflag:$0x6], $0x80, s25, s31, $0xb8;
	[tilespmem:$0x1C080] =	vst v63  }
0x2ac: {  	_ =	swait.ge [sflag:s9], $0x1900  }
0x2ad: {  	[sflag:s9] =	ssyncset.done $0x0  }
0x2ae: {  	s11 =	simm.s32 @p1 $0x680;
	[sflag:s9] =	ssyncadd.s32 $0xFFFFE700  }
0x2af: {  	[tilespmem:s19], [sflag:$0x2] =	stream.indirect.gather @p1 [hbm4b:s4+s6], $0x80, s11, s6, $0xb8;
	[tilespmem:$0x1C080] =	vst v63  }
0x2b0: {  	s11 =	simm.s32 @!p1 $0x680  }
0x2b1: {  	[tilespmem:s20], [sflag:$0x2] =	stream.indirect.gather @!p1 [hbm4b:s5+s8], $0x80, s11, s8, $0xb8;
	[tilespmem:$0x1C080] =	vst v63  }
0x2b2: {  	_ =	swait.ge [sflag:s10], $0x1900  }
0x2b3: {  	[sflag:s10] =	ssyncset.done $0x0  }
0x2b4: {  	s30 =	rddreg [dreg:$0xe];
	[sflag:s10] =	ssyncadd.s32 $0xFFFFE700  }
0x2b5: {  	[spmem:s2] =	stream.indirect.scatter.add.f32 [tilespmem:s24], [sflag:$0x7], $0x80, s30, s31, $0xb8;
	[tilespmem:$0x1C080] =	vst v63  }
0x2b6: {  	_ =	swait.ge [sflag:s12], $0x1900  }
0x2b7: {  	[sflag:s12] =	ssyncset.done $0x0  }
0x2b8: {  	s11 =	simm.s32 @p1 $0x700;
	[sflag:s12] =	ssyncadd.s32 $0xFFFFE700  }
0x2b9: {  	[tilespmem:s21], [sflag:$0x3] =	stream.indirect.gather @p1 [hbm4b:s4+s6], $0x80, s11, s6, $0xb8;
	[tilespmem:$0x1C080] =	vst v63  }
0x2ba: {  	s11 =	simm.s32 @!p1 $0x700  }
0x2bb: {  	[tilespmem:s22], [sflag:$0x3] =	stream.indirect.gather @!p1 [hbm4b:s5+s8], $0x80, s11, s8, $0xb8;
	[tilespmem:$0x1C080] =	vst v63  }
0x2bc: {  	_ =	swait.ge [sflag:s13], $0x1900  }
0x2bd: {  	[sflag:s13] =	ssyncset.done $0x0  }
0x2be: {  	s25 =	rddreg [dreg:$0xf];
	[sflag:s13] =	ssyncadd.s32 $0xFFFFE700  }
0x2bf: {  	[spmem:s2] =	stream.indirect.scatter.add.f32 [tilespmem:s17], [sflag:$0x8], $0x80, s25, s31, $0xb8;
	[tilespmem:$0x1C080] =	vst v63  }
0x2c0: {  	_ =	swait.ge [sflag:s15], $0x1900  }
0x2c1: {  	[sflag:s15] =	ssyncset.done $0x0  }
0x2c2: {  	s11 =	simm.s32 @p1 $0x780;
	[sflag:s15] =	ssyncadd.s32 $0xFFFFE700  }
0x2c3: {  	[tilespmem:s3], [sflag:$0x4] =	stream.indirect.gather @p1 [hbm4b:s4+s6], $0x80, s11, s6, $0xb8;
	[tilespmem:$0x1C080] =	vst v63  }
0x2c4: {  	s11 =	simm.s32 @!p1 $0x780  }
0x2c5: {  	[tilespmem:s16], [sflag:$0x4] =	stream.indirect.gather @!p1 [hbm4b:s5+s8], $0x80, s11, s8, $0xb8;
	[tilespmem:$0x1C080] =	vst v63  }
0x2c6: {  	_ =	swait.ge [sflag:s28], $0x1900  }
0x2c7: {  	[sflag:s28] =	ssyncset.done $0x0  }
0x2c8: {  	s30 =	rddreg [dreg:$0x10];
	[sflag:s28] =	ssyncadd.s32 $0xFFFFE700  }
0x2c9: {  	[spmem:s2] =	stream.indirect.scatter.add.f32 [tilespmem:s26], [sflag:$0x5], $0x80, s30, s31, $0xb8;
	[tilespmem:$0x1C080] =	vst v63  }
0x2ca: {  	_ =	swait.ge [sflag:s0], $0x1900  }
0x2cb: {  	[sflag:s0] =	ssyncset.done $0x0  }
0x2cc: {  	s11 =	simm.s32 @p1 $0x800;
	[sflag:s0] =	ssyncadd.s32 $0xFFFFE700  }
0x2cd: {  	[tilespmem:s14], [sflag:$0x1] =	stream.indirect.gather @p1 [hbm4b:s4+s6], $0x80, s11, s6, $0xb8;
	[tilespmem:$0x1C080] =	vst v63  }
0x2ce: {  	s11 =	simm.s32 @!p1 $0x800  }
0x2cf: {  	[tilespmem:s18], [sflag:$0x1] =	stream.indirect.gather @!p1 [hbm4b:s5+s8], $0x80, s11, s8, $0xb8;
	[tilespmem:$0x1C080] =	vst v63  }
0x2d0: {  	_ =	swait.ge [sflag:s1], $0x1900  }
0x2d1: {  	[sflag:s1] =	ssyncset.done $0x0  }
0x2d2: {  	s18 =	rddreg [dreg:$0x11];
	[sflag:s1] =	ssyncadd.s32 $0xFFFFE700  }
0x2d3: {  	[spmem:s2] =	stream.indirect.scatter.add.f32 [tilespmem:s7], [sflag:$0x6], $0x80, s18, s31, $0xb8;
	[tilespmem:$0x1C080] =	vst v63  }
0x2d4: {  	_ =	swait.ge [sflag:s9], $0x1900  }
0x2d5: {  	[sflag:s9] =	ssyncset.done $0x0  }
0x2d6: {  	s11 =	simm.s32 @p1 $0x880;
	[sflag:s9] =	ssyncadd.s32 $0xFFFFE700  }
0x2d7: {  	[tilespmem:s19], [sflag:$0x2] =	stream.indirect.gather @p1 [hbm4b:s4+s6], $0x80, s11, s6, $0xb8;
	[tilespmem:$0x1C080] =	vst v63  }
0x2d8: {  	s11 =	simm.s32 @!p1 $0x880  }
0x2d9: {  	[tilespmem:s20], [sflag:$0x2] =	stream.indirect.gather @!p1 [hbm4b:s5+s8], $0x80, s11, s8, $0xb8;
	[tilespmem:$0x1C080] =	vst v63  }
0x2da: {  	_ =	swait.ge [sflag:s10], $0x1900  }
0x2db: {  	[sflag:s10] =	ssyncset.done $0x0  }
0x2dc: {  	s25 =	rddreg [dreg:$0x12];
	[sflag:s10] =	ssyncadd.s32 $0xFFFFE700  }
0x2dd: {  	[spmem:s2] =	stream.indirect.scatter.add.f32 [tilespmem:s24], [sflag:$0x7], $0x80, s25, s31, $0xb8;
	[tilespmem:$0x1C080] =	vst v63  }
0x2de: {  	_ =	swait.ge [sflag:s12], $0x1900  }
0x2df: {  	[sflag:s12] =	ssyncset.done $0x0  }
0x2e0: {  	s11 =	simm.s32 @p1 $0x900;
	[sflag:s12] =	ssyncadd.s32 $0xFFFFE700  }
0x2e1: {  	[tilespmem:s21], [sflag:$0x3] =	stream.indirect.gather @p1 [hbm4b:s4+s6], $0x80, s11, s6, $0xb8;
	[tilespmem:$0x1C080] =	vst v63  }
0x2e2: {  	s11 =	simm.s32 @!p1 $0x900  }
0x2e3: {  	[tilespmem:s22], [sflag:$0x3] =	stream.indirect.gather @!p1 [hbm4b:s5+s8], $0x80, s11, s8, $0xb8;
	[tilespmem:$0x1C080] =	vst v63  }
0x2e4: {  	_ =	swait.ge [sflag:s13], $0x1900  }
0x2e5: {  	[sflag:s13] =	ssyncset.done $0x0  }
0x2e6: {  	s30 =	rddreg [dreg:$0x13];
	[sflag:s13] =	ssyncadd.s32 $0xFFFFE700  }
0x2e7: {  	[spmem:s2] =	stream.indirect.scatter.add.f32 [tilespmem:s17], [sflag:$0x8], $0x80, s30, s31, $0xb8;
	[tilespmem:$0x1C080] =	vst v63  }
0x2e8: {  	_ =	swait.ge [sflag:s15], $0x1900  }
0x2e9: {  	[sflag:s15] =	ssyncset.done $0x0  }
0x2ea: {  	s11 =	simm.s32 @p1 $0x980;
	[sflag:s15] =	ssyncadd.s32 $0xFFFFE700  }
0x2eb: {  	[tilespmem:s3], [sflag:$0x4] =	stream.indirect.gather @p1 [hbm4b:s4+s6], $0x80, s11, s6, $0xb8;
	[tilespmem:$0x1C080] =	vst v63  }
0x2ec: {  	s3 =	simm.s32 @!p1 $0x980  }
0x2ed: {  	[tilespmem:s16], [sflag:$0x4] =	stream.indirect.gather @!p1 [hbm4b:s5+s8], $0x80, s3, s8, $0xb8;
	[tilespmem:$0x1C080] =	vst v63  }
0x2ee: {  	_ =	swait.ge [sflag:s28], $0x1900  }
0x2ef: {  	[sflag:s28] =	ssyncset.done $0x0  }
0x2f0: {  	s14 =	rddreg [dreg:$0x14];
	[sflag:s28] =	ssyncadd.s32 $0xFFFFE700  }
0x2f1: {  	[spmem:s2] =	stream.indirect.scatter.add.f32 [tilespmem:s26], [sflag:$0x5], $0x80, s14, s31, $0xb8;
	[tilespmem:$0x1C080] =	vst v63  }
0x2f2: {  	_ =	swait.ge [sflag:s1], $0x1900  }
0x2f3: {  	[sflag:s1] =	ssyncset.done $0x0  }
0x2f4: {  	s16 =	rddreg [dreg:$0x15];
	[sflag:s1] =	ssyncadd.s32 $0xFFFFE700  }
0x2f5: {  	[spmem:s2] =	stream.indirect.scatter.add.f32 [tilespmem:s7], [sflag:$0x6], $0x80, s16, s31, $0xb8;
	[tilespmem:$0x1C080] =	vst v63  }
0x2f6: {  	_ =	swait.ge [sflag:s10], $0x1900  }
0x2f7: {  	[sflag:s10] =	ssyncset.done $0x0  }
0x2f8: {  	s18 =	rddreg [dreg:$0x16];
	[sflag:s10] =	ssyncadd.s32 $0xFFFFE700  }
0x2f9: {  	[spmem:s2] =	stream.indirect.scatter.add.f32 [tilespmem:s24], [sflag:$0x7], $0x80, s18, s31, $0xb8;
	[tilespmem:$0x1C080] =	vst v63  }
0x2fa: {  	_ =	swait.ge [sflag:s13], $0x1900  }
0x2fb: {  	[sflag:s13] =	ssyncset.done $0x0  }
0x2fc: {  	s19 =	rddreg [dreg:$0x17];
	[sflag:s13] =	ssyncadd.s32 $0xFFFFE700  }
0x2fd: {  	[spmem:s2] =	stream.indirect.scatter.add.f32 [tilespmem:s17], [sflag:$0x8], $0x80, s19, s31, $0xb8;
	[tilespmem:$0x1C080] =	vst v63  }
0x2fe: {  	_ =	swait.ge [sflag:s0], $0x1900  }
0x2ff: {  	[sflag:s0] =	ssyncset.done $0x0  }
0x300: {  	[sflag:s0] =	ssyncadd.s32 $0xFFFFE700  }
0x301: {  	_ =	swait.ge [sflag:s9], $0x1900  }
0x302: {  	[sflag:s9] =	ssyncset.done $0x0  }
0x303: {  	[sflag:s9] =	ssyncadd.s32 $0xFFFFE700  }
0x304: {  	_ =	swait.ge [sflag:s12], $0x1900  }
0x305: {  	[sflag:s12] =	ssyncset.done $0x0  }
0x306: {  	[sflag:s12] =	ssyncadd.s32 $0xFFFFE700  }
0x307: {  	_ =	swait.ge [sflag:s15], $0x1900  }
0x308: {  	[sflag:s15] =	ssyncset.done $0x0  }
0x309: {  	[sflag:s15] =	ssyncadd.s32 $0xFFFFE700  }
0x30a: {  	[bflag:$0x0] =	sbarrier.arrive $0xFFFF  }
0x30b: {  	s17 =	rddreg [dreg:$0x18]  }
0x30c: {  	[tilespmem:s26], [sflag:$0x9] =	stream.linear.gather [spmem:s17], $0x1400, $0x38;
	[tilespmem:$0x1C080] =	vst v63  }
0x30d: {  	_ =	swait.ge [sflag:s29], $0x1400  }
0x30e: {  	s21 =	sld [smem:$0x7FB]  }
0x30f: {  	[sflag:s29] =	ssyncset.done $0x0  }
0x310: {  	s20 =	simm.s32 $0x0;
	[sflag:s29] =	ssyncadd.s32 $0xFFFFEC00  }
0x311: {  	[hbm4b:s21+s20] =	stream.linear.scatter [tilespmem:s26], [sflag:$0x1], $0x1400, $0x38;
	[tilespmem:$0x1C080] =	vst v63  }
0x312: {  	s18 =	rddreg [dreg:$0x1a]  }
0x313: {  	[tilespmem:s7], [sflag:$0x9] =	stream.linear.gather [spmem:s18], $0x1400, $0x38;
	[tilespmem:$0x1C080] =	vst v63  }
0x314: {  	_ =	swait.ge [sflag:s29], $0x1400  }
0x315: {  	s22 =	sld [smem:$0x7FC]  }
0x316: {  	[sflag:s29] =	ssyncset.done $0x0  }
0x317: {  	[sflag:s29] =	ssyncadd.s32 $0xFFFFEC00  }
0x318: {  	[hbm4b:s22+s20] =	stream.linear.scatter [tilespmem:s7], [sflag:$0x2], $0x1400, $0x38;
	[tilespmem:$0x1C080] =	vst v63  }
0x319: {  	_ =	swait.ge [sflag:s28], $0x1400  }
0x31a: {  	[sflag:s28] =	ssyncset.done $0x0  }
0x31b: {  	[sflag:s28] =	ssyncadd.s32 $0xFFFFEC00  }
0x31c: {  	_ =	swait.ge [sflag:s1], $0x1400  }
0x31d: {  	s24 =	sadd.s32 $0x0, s17;
	[sflag:s1] =	ssyncset.done $0x0  }
0x31e: {  	s25 =	sadd.s32 $0x2800, s24;
	[sflag:s1] =	ssyncadd.s32 $0xFFFFEC00  }
0x31f: {  	[tilespmem:s26], [sflag:$0x9] =	stream.linear.gather [spmem:s25], $0x1400, $0x38;
	[tilespmem:$0x1C080] =	vst v63  }
0x320: {  	_ =	swait.ge [sflag:s29], $0x1400  }
0x321: {  	s8 =	sld [smem:$0x7FD];
	_ =	sdelay $0x1  }
0x322: {  	[sflag:s29] =	ssyncset.done $0x0  }
0x323: {  	[sflag:s29] =	ssyncadd.s32 $0xFFFFEC00;
	s30 =	sadd.s32 $0xFFFFFD80, s8  }
0x324: {  	[hbm4b:s30+s23] =	stream.linear.scatter [tilespmem:s26], [sflag:$0x1], $0x1400, $0x38;
	[tilespmem:$0x1C080] =	vst v63  }
0x325: {  	s3 =	sadd.s32 $0x3C00, s24  }
0x326: {  	[tilespmem:s7], [sflag:$0x9] =	stream.linear.gather [spmem:s3], $0x1400, $0x38;
	[tilespmem:$0x1C080] =	vst v63  }
0x327: {  	s16 =	simm.s32 $0x0;
	s19 =	simm.s32 $0xC00;
	_ =	swait.ge [sflag:s29], $0x1400  }
0x328: {  	s20 =	simm.s32 $0x6C00;
	s6 =	sadd.s32 $0x500, s8;
	[sflag:s29] =	ssyncset.done $0x0  }
0x329: {  	s23 =	simm.s32 $0x5000;
	s3 =	simm.s32 $0xA000;
	[sflag:s29] =	ssyncadd.s32 $0xFFFFEC00  }
.LBB2_6:
0x32a: {  	[hbm4b:s8+s16] =	stream.linear.scatter [tilespmem:s7], [sflag:$0x2], $0x1400, $0x38;
	[tilespmem:$0x1C080] =	vst v63  }
0x32b: {  	s11 =	smov.u32 s3;
	s8 =	smov.u32 s6  }
0x32c: {  	p2 =	sne.s32 s3, $0x3C000;
	s3 =	sadd.s32 $0xA000, s3;
	_ =	swait.ge [sflag:s28], $0x1400  }
0x32d: {  	[sflag:s28] =	ssyncset.done $0x0  }
0x32e: {  	[sflag:s28] =	ssyncadd.s32 $0xFFFFEC00  }
0x32f: {  	s11 =	sshra.s32 s11, $0x2;
	_ =	swait.ge [sflag:s1], $0x1400  }
0x330: {  	s11 =	sadd.s32 s11, s17;
	[sflag:s1] =	ssyncset.done $0x0  }
0x331: {  	s14 =	sadd.s32 $0x2800, s11;
	[sflag:s1] =	ssyncadd.s32 $0xFFFFEC00  }
0x332: {  	[tilespmem:s26], [sflag:$0x9] =	stream.linear.gather [spmem:s14], $0x1400, $0x38;
	[tilespmem:$0x1C080] =	vst v63  }
0x333: {  	_ =	swait.ge [sflag:s29], $0x1400  }
0x334: {  	[sflag:s29] =	ssyncset.done $0x0  }
0x335: {  	s14 =	sadd.s32 $0xFFFFFD80, s6;
	[sflag:s29] =	ssyncadd.s32 $0xFFFFEC00  }
0x336: {  	[hbm4b:s14+s16] =	stream.linear.scatter [tilespmem:s26], [sflag:$0x1], $0x1400, $0x38;
	[tilespmem:$0x1C080] =	vst v63  }
.Ltmp2:
0x337: {  	s11 =	sadd.s32 $0x3C00, s11;
	(pc) =	sbr.rel @p2 .LBB2_6-.Ltmp2, $4  }
0x338: {  	[tilespmem:s7], [sflag:$0x9] =	stream.linear.gather [spmem:s11], $0x1400, $0x38;
	[tilespmem:$0x1C080] =	vst v63  }
0x339: {  	_ =	swait.ge [sflag:s29], $0x1400  }
0x33a: {  	[sflag:s29] =	ssyncset.done $0x0  }
0x33b: {  	s6 =	sadd.s32 $0x500, s6;
	[sflag:s29] =	ssyncadd.s32 $0xFFFFEC00  }
0x33c: {  	[hbm4b:s8+s16] =	stream.linear.scatter [tilespmem:s7], [sflag:$0x2], $0x1400, $0x38;
	[tilespmem:$0x1C080] =	vst v63  }
0x33d: {  	_ =	swait.ge [sflag:s28], $0x1400  }
0x33e: {  	[sflag:s28] =	ssyncset.done $0x0  }
0x33f: {  	[sflag:s28] =	ssyncadd.s32 $0xFFFFEC00  }
0x340: {  	_ =	swait.ge [sflag:s1], $0x1400  }
0x341: {  	s6 =	sld [smem:$0x7F1];
	_ =	sdelay $0x2  }
0x342: {  	s3 =	rddreg [dreg:$0x19];
	s6 =	sadd.s32 $0x1, s6  }
0x343: {  	p2 =	sne.s32 s6, s3  }
.Ltmp3:
0x344: {  	_ = 	snop;
	(pc) =	sbr.rel @p2 .LBB2_1-.Ltmp3, $3  }
0x345: {  	_ =	sdelay $0x1  }
0x346: {  	[sflag:s1] =	ssyncset.done $0x0  }
0x347: {  	[sflag:s1] =	ssyncadd.s32 $0xFFFFEC00  }
0x348: {  	_ =	sfence.sel $0x180000  }
0x349: {  	[bflag:$0x0] =	sbarrier.arrive $0xFFFF  }
0x34a: {  	_ =	strace $0x9000004A  }
0x34b: {  	s0 =	stileid.u32;
	[bflag:$0x2] =	sbarrier.arrive $0xFFFF  }
0x34c: {  	p0 =	sne.s32 s0, $0x0;
	s0 =	rddreg [dreg:$0x2]  }
0x34d: {  	s0 =	sadd.s32 @!p0 $0x100000, s0  }
0x34e: {  	[sflag:s0] =	ssyncadd.tile.s32 @!p0 $0x1;
	_ =	shalt  }
.Lfunc_end2:
_tile_overlayer_lowered:
.L_overlay_start_2:
0x34f: {  	(tag) =	ssettag $0x2  }
0x350: {  	s0 =	rddreg [dreg:$0x0];
	s2 =	stileid.u32  }
0x351: {  	s1 =	rddreg [dreg:$0x1];
	p0 =	sne.s32 s2, $0x0  }
0x352: {  	s3 =	rddreg [dreg:$0x2];
	[bflag:$0x3] =	sbarrier.arrive $0xFFFF;
	s2 =	simm.s32 @!p0 $0x1C09  }
0x353: {  	[timem:s3], [sflag:s2] =	dma.local @!p0 [hbm:s0], s1  }
0x354: {  	s0 =	simm.s32 @!p0 $0x9  }
0x355: {  	_ =	swait.ge @!p0 [sflag:s0], s1  }
0x356: {  	s1 =	ssub.s32 @!p0 $0x0, s1;
	[sflag:s0] =	ssyncset.done @!p0 $0x0  }
0x357: {  	[sflag:s0] =	ssyncadd.s32 @!p0 s1  }
0x358: {  	[bflag:$0x3] =	sbarrier.arrive $0xFFFF  }
0x359: {  	_ =	shalt  }

// kernel: kernel.14.cloned.1.call-start
scs
__scs_entry_jumppad:
0x0: {  	(pc) =	sbr.rel $0x88, $3  }
0x1: {  	(tag) =	ssettag $0x0;
	lr =	simm.s32 $0x1  }
0x2: {  	[smem:$0x3F99] =	sst lr;
	_ =	strace $0xD0000000  }
0x3: {  	_ = 	snop  }
0x4: {  	_ = 	snop  }
0x5: {  	_ = 	snop  }
0x6: {  	_ = 	snop  }
0x7: {  	_ = 	snop  }
__scs_overlays_trampoline_lowered:
0x8: {  	[smem:$0x3FA8] =	sst s0  }
0x9: {  	[smem:$0x3FA9] =	sst s1  }
0xa: {  	[smem:$0x3FAA] =	sst s2  }
0xb: {  	[smem:$0x3FAB] =	sst s3  }
0xc: {  	[smem:$0x3FAC] =	sst s4  }
0xd: {  	[smem:$0x3FAD] =	sst s5  }
0xe: {  	[smem:$0x3FAE] =	sst s6  }
0xf: {  	[smem:$0x3FAF] =	sst s7  }
0x10: {  	[smem:$0x3FB0] =	sst s8  }
0x11: {  	[smem:$0x3FB1] =	sst s9;
	s0 =	simm.s32 @!p0 $0x0  }
0x12: {  	s1 =	sld [smem:$0x3F97];
	s0 =	simm.s32 @p0 $0x1  }
0x13: {  	[smem:$0x3FB2] =	sst s0;
	s0 =	simm.s32 @!p1 $0x0  }
0x14: {  	s2 =	sld [smem:$0x3F96];
	s0 =	simm.s32 @p1 $0x1  }
0x15: {  	[smem:$0x3FB3] =	sst s0;
	s0 =	simm.s32 @!p2 $0x0  }
0x16: {  	s3 =	sld [smem:$0x3FDB];
	s0 =	simm.s32 @p2 $0x1  }
0x17: {  	s4 =	simm.s32 $0x1BF5;
	[smem:$0x3FB5] =	sst s0  }
0x18: {  	s0 =	sld [smem:$0x3F98];
	_ =	swait.ge [sflag:s4], $0x0  }
0x19: {  	s7 =	sld [smem:$0x3F99]  }
0x1a: {  	s8 =	sadd.s32 $0xFFFFE003, lr  }
0x1b: {  	s9 =	sadd.s32 $0xFFFFFEF7, lr;
	s5 =	simm.s32 $0xFFFFFFFF;
	p2 =	slt.u32 s8, $0xFFFFF086  }
0x1c: {  	p1 =	slt.u32 s9, $0xF7A;
	s5 =	simm.s32 @!p2 $0x0  }
0x1d: {  	s5 =	simm.s32 @p1 $0x1;
	p0 =	seq.s32 s7, s2  }
0x1e: {  	s7 =	smul.u32 @!p0 $0xF7A, s2;
	p2 =	seq.s32 @!p0 s5, $0x0  }
0x1f: {  	s9 =	smul.u32 $0xF7A, s1;
	s8 =	simm.s32 @!p0 $0x1BF5;
	p2 =	por !p2, p0  }
0x20: {  	[sflag:s8] =	ssyncset.s32 @!p0 $0xFFFFF086;
	s6 =	sadd.s32 @!p0 s3, s7;
	s7 =	simm.s32 @!p0 $0x108  }
0x21: {  	s3 =	sadd.s32 s3, s9;
	s6 =	sadd.s32 @!p0 $0x88, s6;
	s7 =	simm.s32 @p2 $0x1082  }
0x22: {  	[simem:s7], [sflag:s8] =	dma.local @!p0 [hbm:s6], $0xF7A  }
0x23: {  	s9 =	sor.u32 $0xD0000000, s2;
	s6 =	simm.s32 $0x108;
	_ =	swait.ge @!p0 [sflag:s8], $0x0  }
0x24: {  	s3 =	sadd.s32 $0x88, s3;
	s6 =	simm.s32 @!p1 $0x1082;
	[sflag:s4] =	ssyncset.s32 $0xFFFFF086  }
0x25: {  	[simem:s6], [sflag:s4] =	dma.local [hbm:s3], $0xF7A  }
0x26: {  	[smem:$0x3F99] =	sst s1;
	(tag) =	ssettag s2;
	_ =	strace s9  }
0x27: {  	s1 =	sld [smem:$0x3FA9]  }
0x28: {  	s2 =	sld [smem:$0x3FAA]  }
0x29: {  	s4 =	sld [smem:$0x3FAC]  }
0x2a: {  	p0 =	seq.s32 s5, $0x0;
	s5 =	sld [smem:$0x3FAD]  }
0x2b: {  	s6 =	sld [smem:$0x3FAE]  }
0x2c: {  	s7 =	sld [smem:$0x3FAF]  }
0x2d: {  	s3 =	simm.s32 $0x108;
	s8 =	sld [smem:$0x3FB0]  }
0x2e: {  	s3 =	simm.s32 @!p0 $0x1082;
	s9 =	sld [smem:$0x3FB1]  }
0x2f: {  	lr =	sadd.s32 s0, s3;
	s0 =	sld [smem:$0x3FA8]  }
0x30: {  	s3 =	sld [smem:$0x3FAB]  }
0x31: {  	[smem:$0x3FB4] =	sst s10  }
0x32: {  	s10 =	sld [smem:$0x3FB2];
	_ =	sdelay $0x3  }
0x33: {  	p0 =	seq.s32 s10, $0x1;
	s10 =	sld [smem:$0x3FB4];
	_ =	sdelay $0x3  }
0x34: {  	[smem:$0x3FB4] =	sst s10  }
0x35: {  	s10 =	sld [smem:$0x3FB3];
	_ =	sdelay $0x3  }
0x36: {  	p1 =	seq.s32 s10, $0x1;
	s10 =	sld [smem:$0x3FB4];
	_ =	sdelay $0x3  }
0x37: {  	[smem:$0x3FB4] =	sst s10  }
0x38: {  	s10 =	sld [smem:$0x3FB5]  }
0x39: {  	_ = 	snop;
	(pc) =	sbr.ind lr, $3  }
0x3a: {  	_ = 	snop  }
0x3b: {  	_ = 	snop  }
0x3c: {  	p2 =	seq.s32 s10, $0x1;
	s10 =	sld [smem:$0x3FB4]  }
0x3d: {  	_ =	shalt  }
0x3e: {  	_ =	shalt  }
0x3f: {  	_ =	shalt  }
0x40: {  	_ =	shalt  }
0x41: {  	_ =	shalt  }
0x42: {  	_ =	shalt  }
0x43: {  	_ =	shalt  }
0x44: {  	_ =	shalt  }
0x45: {  	_ =	shalt  }
0x46: {  	_ =	shalt  }
0x47: {  	_ =	shalt  }
0x48: {  	_ =	shalt  }
0x49: {  	_ =	shalt  }
0x4a: {  	_ =	shalt  }
0x4b: {  	_ =	shalt  }
0x4c: {  	_ =	shalt  }
0x4d: {  	_ =	shalt  }
0x4e: {  	_ =	shalt  }
0x4f: {  	_ =	shalt  }
0x50: {  	_ =	shalt  }
0x51: {  	_ =	shalt  }
0x52: {  	_ =	shalt  }
0x53: {  	_ =	shalt  }
0x54: {  	_ =	shalt  }
0x55: {  	_ =	shalt  }
0x56: {  	_ =	shalt  }
0x57: {  	_ =	shalt  }
0x58: {  	_ =	shalt  }
0x59: {  	_ =	shalt  }
0x5a: {  	_ =	shalt  }
0x5b: {  	_ =	shalt  }
0x5c: {  	_ =	shalt  }
0x5d: {  	_ =	shalt  }
0x5e: {  	_ =	shalt  }
0x5f: {  	_ =	shalt  }
0x60: {  	_ =	shalt  }
0x61: {  	_ =	shalt  }
0x62: {  	_ =	shalt  }
0x63: {  	_ =	shalt  }
0x64: {  	_ =	shalt  }
0x65: {  	_ =	shalt  }
0x66: {  	_ =	shalt  }
0x67: {  	_ =	shalt  }
0x68: {  	_ =	shalt  }
0x69: {  	_ =	shalt  }
0x6a: {  	_ =	shalt  }
0x6b: {  	_ =	shalt  }
0x6c: {  	_ =	shalt  }
0x6d: {  	_ =	shalt  }
0x6e: {  	_ =	shalt  }
0x6f: {  	_ =	shalt  }
0x70: {  	_ =	shalt  }
0x71: {  	_ =	shalt  }
0x72: {  	_ =	shalt  }
0x73: {  	_ =	shalt  }
0x74: {  	_ =	shalt  }
0x75: {  	_ =	shalt  }
0x76: {  	_ =	shalt  }
0x77: {  	_ =	shalt  }
0x78: {  	_ =	shalt  }
0x79: {  	_ =	shalt  }
0x7a: {  	_ =	shalt  }
0x7b: {  	_ =	shalt  }
0x7c: {  	_ =	shalt  }
0x7d: {  	_ =	shalt  }
0x7e: {  	_ =	shalt  }
0x7f: {  	_ =	shalt  }
0x80: {  	_ =	shalt  }
0x81: {  	_ =	shalt  }
0x82: {  	_ =	shalt  }
0x83: {  	_ =	shalt  }
0x84: {  	_ =	shalt  }
0x85: {  	_ =	shalt  }
0x86: {  	_ =	shalt  }
0x87: {  	_ =	shalt  }
.Lfunc_end0:
.L_simem_size_0:
called_computation.2_lowered:
.L_overlay_start_0:
0x88: {  	s2 =	sld [smem:$0x3FD9]  }
0x89: {  	s3 =	sld [smem:$0x3FFE];
	_ =	sdelay $0x1  }
0x8a: {  	s1 =	srdreg.scid  }
0x8b: {  	s0 =	sand.u32 $0x1, s1  }
0x8c: {  	s17 =	sshll.u32 s0, $0xA;
	s2 =	sadd.s32 s3, s2  }
0x8d: {  	s2 =	sadd.s32 s2, s17  }
0x8e: {  	[smem:$0x3FC0] =	sst s2  }
0x8f: {  	_ = 	snop  }
0x90: {  	s2 =	sld [smem:$0x3FD0];
	(tm) =	ssettm $0x1  }
0x91: {  	s18 =	sld [smem:$0x3FFB];
	_ =	sdelay $0x3  }
0x92: {  	_ =	strace s18  }
0x93: {  	s3 =	sld [smem:$0x3FFC];
	_ =	sdelay $0x3  }
0x94: {  	_ =	strace s3  }
0x95: {  	s3 =	sld [smem:$0x3FFD];
	_ =	sdelay $0x3  }
0x96: {  	_ =	strace s3  }
0x97: {  	_ =	strace $0x8FFFFFFF  }
0x98: {  	s19 =	sld [smem:$0x3FDB];
	_ =	sdelay $0x1  }
0x99: {  	s4 =	simm.s32 $_scs_section_size  }
0x9a: {  	s5 =	simm.s32 $_size__tile_overlayer_lowered;
	s6 =	simm.s32 $_tile_overlayer_lowered  }
0x9b: {  	s22 =	simm.s32 $0x1BFF;
	s21 =	sshll.u32 s6, $0x1;
	s3 =	sadd.s32 s4, s19  }
0x9c: {  	s7 =	simm.s32 $0x0;
	s20 =	sshll.u32 s5, $0x1;
	s5 =	sadd.s32 s21, s3  }
0x9d: {  	[timem:s7], [sflag:s22] =	dma.local [hbm:s5], s20  }
0x9e: {  	_ =	swait.ge [sflag:s22], s20  }
0x9f: {  	s4 =	ssub.s32 $0x0, s20;
	[sflag:s22] =	ssyncset.done $0x0  }
0xa0: {  	[sflag:s22] =	ssyncadd.s32 s4;
	_ =	sdelay $0x1  }
0xa1: {  	s23 =	simm.s32 $0x1B8B  }
0xa2: {  	_ =	swait.ge [sflag:s23], $0x1  }
0xa3: {  	[sflag:s23] =	ssyncset.done $0x0  }
0xa4: {  	s25 =	simm.s32 $0x1B8E;
	s24 =	sld [smem:$0x3FFE];
	[sflag:s23] =	ssyncadd.s32 $0xFFFFFFFF  }
0xa5: {  	s26 =	simm.s32 $execute0_lowered;
	[smem:$0x3FD2] =	sst s25  }
0xa6: {  	s5 =	sshll.u32 s26, $0x1;
	_ =	strace $0x8000004C;
	[dreg:$0x1] =	wrdreg $0xFFFFFFFF  }
0xa7: {  	s28 =	simm.s32 $_size_execute0_lowered;
	s3 =	sadd.s32 s3, s5;
	[dreg:$0x0] =	wrdreg $0x0  }
0xa8: {  	s5 =	sshll.u32 s28, $0x1;
	[dreg:$0x2] =	wrdreg s3  }
0xa9: {  	[dreg:$0x3] =	wrdreg s5  }
0xaa: {  	[dreg:$0x4] =	wrdreg $0xC0  }
0xab: {  	_ =	task [dreg:s7], $0x5FFFF  }
0xac: {  	[dreg:$0x1] =	wrdreg $0xFFFFFFFF  }
0xad: {  	[dreg:$0x0] =	wrdreg $0x60  }
0xae: {  	[dreg:$0x2] =	wrdreg s24  }
0xaf: {  	[dreg:$0x3] =	wrdreg s2  }
0xb0: {  	[dreg:$0x4] =	wrdreg $0x88000  }
0xb1: {  	[dreg:$0x5] =	wrdreg $0x9  }
0xb2: {  	_ =	task.clear_ibuf [dreg:s7], $0x6FFFF;
	_ =	strace $0x9000004C  }
0xb3: {  	s29 =	simm.s32 $0x9;
	_ =	strace $0x8000004E  }
0xb4: {  	_ =	swait.ge [sflag:s29], $0x1  }
0xb5: {  	[sflag:s29] =	ssyncadd.s32 $0xFFFFFFFF  }
0xb6: {  	_ =	strace $0x9000004E  }
0xb7: {  	_ =	sfence  }
0xb8: {  	s30 =	sld [smem:$0x0];
	_ =	sdelay $0x2  }
0xb9: {  	s31 =	sshll.u32 s1, $0xD;
	s1 =	sshrl.u32 s1, $0x2  }
0xba: {  	s3 =	sand.u32 $0x4000, s31;
	s1 =	sadd.s32 s1, s30  }
0xbb: {  	s0 =	sor.u32 s3, s0;
	s1 =	sshll.u32 s1, $0x11  }
0xbc: {  	s0 =	sor.u32 s1, s0  }
0xbd: {  	s0 =	sadd.s32 $0x8F2B, s0  }
0xbe: {  	[sflag:s0] =	ssyncadd.remote.s32 $0x1  }
0xbf: {  	_ =	sfence.sel $0xFFFF  }
0xc0: {  	[dreg:$0x0] =	wrdreg $0xFFFFFFFF;
	(pc) =	sbr.abs _section_cstart, $3  }
0xc1: {  	[dreg:$0x1] =	wrdreg $0xFFFFFFFF  }
0xc2: {  	_ =	task.clear_ibuf [dreg:s7], $0x2FFFF;
	_ =	strace $0x9FFFFFFF  }
0xc3: {  	(tm) =	ssettm $0x7FFFFFFF  }
tec
execute0_lowered:
.L_overlay_start_1:
0x0: {  	(tag) =	ssettag $0x1  }
0x1: {  	s3 =	rddreg [dreg:$0x0]  }
0x2: {  	s1 =	rddreg [dreg:$0x1]  }
0x3: {  	s2 =	rddreg [dreg:$0x2];
	s16 =	simm.s32 $0x0;
	s11 =	stileid.u32  }
0x4: {  	s0 =	srdreg.scid;
	s24 =	simm.s32 $0xC80;
	[smem:$0x7FF] =	sst s16  }
0x5: {  	s26 =	simm.s32 $0xD00;
	_ =	strace $0x8000004D;
	[dreg:$0x6] =	wrdreg s24  }
0x6: {  	s13 =	simm.s32 $0xE80;
	s15 =	simm.s32 $0xF00;
	[dreg:$0x7] =	wrdreg s26  }
0x7: {  	s20 =	simm.s32 $0xF80;
	s6 =	smul.u32 $0xF00, s11;
	[dreg:$0xa] =	wrdreg s13  }
0x8: {  	s7 =	smul.u32 $0x270, s11;
	s4 =	sadd.s32 $0x9A000, s3;
	[dreg:$0xb] =	wrdreg s15  }
0x9: {  	s0 =	sand.u32 $0x1, s0;
	[dreg:$0xc] =	wrdreg s20;
	s24 =	simm.s32 $0x1080  }
0xa: {  	s8 =	smul.u32 $0x4E000, s11;
	s26 =	simm.s32 $0x1100;
	[dreg:$0xe] =	wrdreg s24  }
0xb: {  	s5 =	sadd.s32 $0x72E00, s3;
	s13 =	simm.s32 $0x1300;
	[dreg:$0xf] =	wrdreg s26  }
0xc: {  	s9 =	ssub.s32 $0x2, s0;
	s15 =	simm.s32 $0x1380;
	[dreg:$0x13] =	wrdreg s13  }
0xd: {  	s10 =	smul.u32 $0x2710, s0;
	s20 =	simm.s32 $0x1400;
	[dreg:$0x14] =	wrdreg s15  }
0xe: {  	s3 =	sadd.s32 s6, s3;
	[dreg:$0x15] =	wrdreg s20;
	s24 =	simm.s32 $0x1580  }
0xf: {  	s21 =	sshrl.u32 s9, $0x1;
	s22 =	sadd.s32 $0x63E00, s3;
	[dreg:$0x18] =	wrdreg s24  }
0x10: {  	s8 =	sshrl.u32 s8, $0x2;
	s3 =	sadd.s32 $0x54E00, s3;
	[dreg:$0x4] =	wrdreg s22  }
0x11: {  	s7 =	sadd.s32 s7, s10;
	s10 =	simm.s32 $0xE00;
	[dreg:$0x5] =	wrdreg s3  }
0x12: {  	s6 =	ssub.s32 s9, s21;
	s17 =	sadd.s32 s8, s2;
	[dreg:$0x9] =	wrdreg s10  }
0x13: {  	s6 =	smax.u32 s6, $0x1;
	[dreg:$0x19] =	wrdreg s17  }
0x14: {  	s8 =	sadd.s32 $0x2800, s17;
	[dreg:$0x1a] =	wrdreg s6  }
0x15: {  	s23 =	sadd.s32 $0x3C00, s17;
	[dreg:$0x1c] =	wrdreg s8  }
0x16: {  	s25 =	sadd.s32 $0x5000, s17;
	[dreg:$0x1d] =	wrdreg s23  }
0x17: {  	s30 =	sadd.s32 $0x6400, s17;
	[dreg:$0x1e] =	wrdreg s25  }
0x18: {  	s9 =	sadd.s32 $0x7800, s17;
	[dreg:$0x1f] =	wrdreg s30  }
0x19: {  	s12 =	sadd.s32 $0x8C00, s17;
	[smem:$0x7F1] =	sst s9  }
0x1a: {  	s14 =	sadd.s32 $0xA000, s17;
	[smem:$0x7F2] =	sst s12  }
0x1b: {  	s28 =	simm.s32 $0x1;
	s19 =	sadd.s32 $0xB400, s17;
	[smem:$0x7F3] =	sst s14  }
0x1c: {  	s29 =	simm.s32 $0x9;
	s21 =	sadd.s32 $0xC800, s17;
	[smem:$0x7F4] =	sst s19  }
0x1d: {  	s31 =	simm.s32 $0x32;
	s22 =	simm.s32 $0x1000;
	[smem:$0x7F5] =	sst s21  }
0x1e: {  	p0 =	sne.s32 s0, $0x0;
	s18 =	sadd.s32 $0x1400, s17;
	[dreg:$0xd] =	wrdreg s22  }
0x1f: {  	p1 =	seq.s32 s0, $0x0;
	s8 =	simm.s32 $0xD80;
	[dreg:$0x1b] =	wrdreg s18  }
0x20: {  	s13 =	simm.s32 $0x4;
	s23 =	sadd.s32 $0xDC00, s17;
	[dreg:$0x8] =	wrdreg s8  }
0x21: {  	s20 =	simm.s32 $0x6C00;
	s25 =	sadd.s32 $0xF000, s17;
	[smem:$0x7F6] =	sst s23  }
0x22: {  	s30 =	sshll.u32 s7, $0x4;
	s7 =	simm.s32 $0x1180;
	[smem:$0x7F7] =	sst s25  }
0x23: {  	s15 =	simm.s32 $0x8;
	s9 =	simm.s32 $0x1200;
	[dreg:$0x10] =	wrdreg s7  }
0x24: {  	s12 =	simm.s32 $0x1280;
	s14 =	smul.u32 $0x2700, s11;
	[dreg:$0x11] =	wrdreg s9  }
0x25: {  	s19 =	sadd.s32 $0x10400, s17;
	s21 =	simm.s32 $0x1480;
	[dreg:$0x12] =	wrdreg s12  }
0x26: {  	s22 =	sadd.s32 $0x11800, s17;
	s6 =	simm.s32 $0x0;
	[smem:$0x7F8] =	sst s19  }
0x27: {  	s8 =	smul.u32 $0x27100, s0;
	s10 =	sadd.s32 s1, s30;
	[smem:$0x7F9] =	sst s22  }
0x28: {  	[dreg:$0x16] =	wrdreg s21;
	s23 =	simm.s32 $0x1500;
	s25 =	sadd.s32 $0x12C00, s17  }
0x29: {  	s19 =	simm.s32 $0xC00;
	s0 =	simm.s32 $0x5;
	[dreg:$0x17] =	wrdreg s23  }
0x2a: {  	s7 =	simm.s32 $0x3400;
	s9 =	simm.s32 $0x6;
	[smem:$0x7FA] =	sst s25  }
0x2b: {  	s12 =	simm.s32 $0x7;
	[smem:$0x7FB] =	sst s10;
	s1 =	sadd.s32 s8, s1  }
0x2c: {  	s26 =	sadd.s32 $0x280, s10;
	s10 =	simm.s32 $0x3;
	s1 =	sadd.s32 s14, s1  }
0x2d: {  	s23 =	simm.s32 $0x5000;
	[smem:$0x7FC] =	sst s26;
	s30 =	sadd.s32 $0x780, s1  }
0x2e: {  	v0 =	vimm.f32 $0.0e+00;
	s26 =	simm.s32 $0x1800;
	s1 =	simm.s32 $0x2;
	[smem:$0x7FD] =	sst s30  }
.LBB2_1:
0x2f: {  	[smem:$0x7F0] =	sst s6;
	s3 =	simm.s32 $0x0;
	s6 =	simm.s32 $0x200  }
.LBB2_2:
0x30: {  	p2 =	sne.s32 s6, $0x4E00;
	[tilespmem:s3+$0x1870] =	vst v0  }
0x31: {  	[tilespmem:s3+$0x1800] =	vst v0  }
0x32: {  	[tilespmem:s3+$0x1810] =	vst v0  }
.Ltmp0:
0x33: {  	[tilespmem:s3+$0x1820] =	vst v0;
	(pc) =	sbr.rel @p2 .LBB2_2-.Ltmp0, $4  }
0x34: {  	[tilespmem:s3+$0x1830] =	vst v0  }
0x35: {  	[tilespmem:s3+$0x1840] =	vst v0  }
0x36: {  	[tilespmem:s3+$0x1850] =	vst v0  }
0x37: {  	[tilespmem:s3+$0x1860] =	vst v0;
	s3 =	sshra.s32 s6, $0x2;
	s6 =	sadd.s32 $0x200, s6  }
0x38: {  	[tilespmem:s3+$0x1870] =	vst v0  }
0x39: {  	[tilespmem:s3+$0x1800] =	vst v0  }
0x3a: {  	[tilespmem:s3+$0x1810] =	vst v0  }
0x3b: {  	[tilespmem:s3+$0x1820] =	vst v0  }
0x3c: {  	[tilespmem:s3+$0x1830] =	vst v0  }
0x3d: {  	[tilespmem:s3+$0x1840] =	vst v0  }
0x3e: {  	[tilespmem:s3+$0x1850] =	vst v0  }
0x3f: {  	[tilespmem:s3+$0x1860] =	vst v0  }
0x40: {  	[spmem:s17] =	stream.linear.scatter [tilespmem:s26], [sflag:$0x1], $0x1400, $0x38;
	[tilespmem:$0x1C080] =	vst v63  }
0x41: {  	s21 =	rddreg [dreg:$0x1c]  }
0x42: {  	[spmem:s18] =	stream.linear.scatter [tilespmem:s26], [sflag:$0x1], $0x1400, $0x38;
	[tilespmem:$0x1C080] =	vst v63  }
0x43: {  	s22 =	rddreg [dreg:$0x1d]  }
0x44: {  	[spmem:s21] =	stream.linear.scatter [tilespmem:s26], [sflag:$0x1], $0x1400, $0x38;
	[tilespmem:$0x1C080] =	vst v63  }
0x45: {  	s24 =	rddreg [dreg:$0x1e]  }
0x46: {  	[spmem:s22] =	stream.linear.scatter [tilespmem:s26], [sflag:$0x1], $0x1400, $0x38;
	[tilespmem:$0x1C080] =	vst v63  }
0x47: {  	s25 =	rddreg [dreg:$0x1f]  }
0x48: {  	[spmem:s24] =	stream.linear.scatter [tilespmem:s26], [sflag:$0x1], $0x1400, $0x38;
	[tilespmem:$0x1C080] =	vst v63  }
0x49: {  	s30 =	sld [smem:$0x7F1]  }
0x4a: {  	[spmem:s25] =	stream.linear.scatter [tilespmem:s26], [sflag:$0x1], $0x1400, $0x38;
	[tilespmem:$0x1C080] =	vst v63  }
0x4b: {  	s6 =	sld [smem:$0x7F2]  }
0x4c: {  	[spmem:s30] =	stream.linear.scatter [tilespmem:s26], [sflag:$0x1], $0x1400, $0x38;
	[tilespmem:$0x1C080] =	vst v63  }
0x4d: {  	s8 =	sld [smem:$0x7F3]  }
0x4e: {  	[spmem:s6] =	stream.linear.scatter [tilespmem:s26], [sflag:$0x1], $0x1400, $0x38;
	[tilespmem:$0x1C080] =	vst v63  }
0x4f: {  	s11 =	sld [smem:$0x7F4]  }
0x50: {  	[spmem:s8] =	stream.linear.scatter [tilespmem:s26], [sflag:$0x1], $0x1400, $0x38;
	[tilespmem:$0x1C080] =	vst v63  }
0x51: {  	s14 =	sld [smem:$0x7F5]  }
0x52: {  	[spmem:s11] =	stream.linear.scatter [tilespmem:s26], [sflag:$0x1], $0x1400, $0x38;
	[tilespmem:$0x1C080] =	vst v63  }
0x53: {  	s17 =	sld [smem:$0x7F6]  }
0x54: {  	[spmem:s14] =	stream.linear.scatter [tilespmem:s26], [sflag:$0x1], $0x1400, $0x38;
	[tilespmem:$0x1C080] =	vst v63  }
0x55: {  	s18 =	sld [smem:$0x7F7]  }
0x56: {  	[spmem:s17] =	stream.linear.scatter [tilespmem:s26], [sflag:$0x1], $0x1400, $0x38;
	[tilespmem:$0x1C080] =	vst v63  }
0x57: {  	s21 =	sld [smem:$0x7F8]  }
0x58: {  	[spmem:s18] =	stream.linear.scatter [tilespmem:s26], [sflag:$0x1], $0x1400, $0x38;
	[tilespmem:$0x1C080] =	vst v63  }
0x59: {  	s22 =	sld [smem:$0x7F9]  }
0x5a: {  	[spmem:s21] =	stream.linear.scatter [tilespmem:s26], [sflag:$0x1], $0x1400, $0x38;
	[tilespmem:$0x1C080] =	vst v63  }
0x5b: {  	s24 =	sld [smem:$0x7FA]  }
0x5c: {  	[spmem:s22] =	stream.linear.scatter [tilespmem:s26], [sflag:$0x1], $0x1400, $0x38;
	[tilespmem:$0x1C080] =	vst v63  }
0x5d: {  	_ = 	snop  }
0x5e: {  	[spmem:s24] =	stream.linear.scatter [tilespmem:s26], [sflag:$0x1], $0x1400, $0x38;
	[tilespmem:$0x1C080] =	vst v63  }
0x5f: {  	_ =	swait.ge [sflag:s28], $0x1400  }
0x60: {  	[sflag:s28] =	ssyncset.done $0x0  }
0x61: {  	[sflag:s28] =	ssyncadd.s32 $0xFFFFEC00  }
0x62: {  	_ =	swait.ge [sflag:s28], $0x1400  }
0x63: {  	[sflag:s28] =	ssyncset.done $0x0  }
0x64: {  	[sflag:s28] =	ssyncadd.s32 $0xFFFFEC00  }
0x65: {  	_ =	swait.ge [sflag:s28], $0x1400  }
0x66: {  	[sflag:s28] =	ssyncset.done $0x0  }
0x67: {  	[sflag:s28] =	ssyncadd.s32 $0xFFFFEC00  }
0x68: {  	_ =	swait.ge [sflag:s28], $0x1400  }
0x69: {  	[sflag:s28] =	ssyncset.done $0x0  }
0x6a: {  	[sflag:s28] =	ssyncadd.s32 $0xFFFFEC00  }
0x6b: {  	_ =	swait.ge [sflag:s28], $0x1400  }
0x6c: {  	[sflag:s28] =	ssyncset.done $0x0  }
0x6d: {  	[sflag:s28] =	ssyncadd.s32 $0xFFFFEC00  }
0x6e: {  	_ =	swait.ge [sflag:s28], $0x1400  }
0x6f: {  	[sflag:s28] =	ssyncset.done $0x0  }
0x70: {  	[sflag:s28] =	ssyncadd.s32 $0xFFFFEC00  }
0x71: {  	_ =	swait.ge [sflag:s28], $0x1400  }
0x72: {  	[sflag:s28] =	ssyncset.done $0x0  }
0x73: {  	[sflag:s28] =	ssyncadd.s32 $0xFFFFEC00  }
0x74: {  	_ =	swait.ge [sflag:s28], $0x1400  }
0x75: {  	[sflag:s28] =	ssyncset.done $0x0  }
0x76: {  	[sflag:s28] =	ssyncadd.s32 $0xFFFFEC00  }
0x77: {  	_ =	swait.ge [sflag:s28], $0x1400  }
0x78: {  	[sflag:s28] =	ssyncset.done $0x0  }
0x79: {  	[sflag:s28] =	ssyncadd.s32 $0xFFFFEC00  }
0x7a: {  	_ =	swait.ge [sflag:s28], $0x1400  }
0x7b: {  	[sflag:s28] =	ssyncset.done $0x0  }
0x7c: {  	[sflag:s28] =	ssyncadd.s32 $0xFFFFEC00  }
0x7d: {  	_ =	swait.ge [sflag:s28], $0x1400  }
0x7e: {  	[sflag:s28] =	ssyncset.done $0x0  }
0x7f: {  	[sflag:s28] =	ssyncadd.s32 $0xFFFFEC00  }
0x80: {  	_ =	swait.ge [sflag:s28], $0x1400  }
0x81: {  	[sflag:s28] =	ssyncset.done $0x0  }
0x82: {  	[sflag:s28] =	ssyncadd.s32 $0xFFFFEC00  }
0x83: {  	_ =	swait.ge [sflag:s28], $0x1400  }
0x84: {  	[sflag:s28] =	ssyncset.done $0x0  }
0x85: {  	[sflag:s28] =	ssyncadd.s32 $0xFFFFEC00  }
0x86: {  	_ =	swait.ge [sflag:s28], $0x1400  }
0x87: {  	[sflag:s28] =	ssyncset.done $0x0  }
0x88: {  	[sflag:s28] =	ssyncadd.s32 $0xFFFFEC00  }
0x89: {  	_ =	swait.ge [sflag:s28], $0x1400  }
0x8a: {  	[sflag:s28] =	ssyncset.done $0x0  }
0x8b: {  	[sflag:s28] =	ssyncadd.s32 $0xFFFFEC00  }
0x8c: {  	_ =	swait.ge [sflag:s28], $0x1400  }
0x8d: {  	[sflag:s28] =	ssyncset.done $0x0  }
0x8e: {  	[sflag:s28] =	ssyncadd.s32 $0xFFFFEC00  }
0x8f: {  	[bflag:$0x0] =	sbarrier.arrive $0xFFFF  }
0x90: {  	s25 =	rddreg [dreg:$0x4]  }
0x91: {  	s3 =	sadd.s32 $0x0, s25  }
0x92: {  	[tilespmem:s16], [sflag:$0x9] =	stream.linear.gather [hbm4b:s3+s16], $0xA00, $0x38;
	[tilespmem:$0x1C080] =	vst v63  }
0x93: {  	_ =	swait.ge [sflag:s29], $0xA00  }
0x94: {  	s30 =	rddreg [dreg:$0x5];
	[sflag:s29] =	ssyncset.done $0x0  }
0x95: {  	[sflag:s29] =	ssyncadd.s32 $0xFFFFF600;
	s3 =	sadd.s32 $0x0, s30  }
0x96: {  	[tilespmem:s19], [sflag:$0x9] =	stream.linear.gather [hbm4b:s3+s16], $0xA00, $0x38;
	[tilespmem:$0x1C080] =	vst v63  }
0x97: {  	_ =	swait.ge [sflag:s29], $0xA00  }
0x98: {  	s6 =	simm.s32 @p0 $0x0;
	[sflag:s29] =	ssyncset.done $0x0  }
0x99: {  	s18 =	simm.s32 @p0 $0x32;
	s3 =	simm.s32 @p0 $0x1800;
	[sflag:s29] =	ssyncadd.s32 $0xFFFFF600  }
0x9a: {  	[tilespmem:s3], [sflag:$0x1] =	stream.indirect.gather @p0 [hbm4b:s5+s18], $0x80, s6, s18, $0xb8;
	[tilespmem:$0x1C080] =	vst v63  }
0x9b: {  	s8 =	simm.s32 @p0 $0x3400;
	s6 =	simm.s32 @p0 $0x80  }
0x9c: {  	[tilespmem:s8], [sflag:$0x2] =	stream.indirect.gather @p0 [hbm4b:s5+s18], $0x80, s6, s18, $0xb8;
	[tilespmem:$0x1C080] =	vst v63  }
0x9d: {  	s11 =	simm.s32 @p0 $0x5000;
	s6 =	simm.s32 @p0 $0x100  }
0x9e: {  	[tilespmem:s11], [sflag:$0x3] =	stream.indirect.gather @p0 [hbm4b:s5+s18], $0x80, s6, s18, $0xb8;
	[tilespmem:$0x1C080] =	vst v63  }
0x9f: {  	s14 =	simm.s32 @p0 $0x6C00;
	s6 =	simm.s32 @p0 $0x180  }
0xa0: {  	[tilespmem:s14], [sflag:$0x4] =	stream.indirect.gather @p0 [hbm4b:s5+s18], $0x80, s6, s18, $0xb8;
	[tilespmem:$0x1C080] =	vst v63  }
0xa1: {  	s25 =	simm.s32 @!p0 $0x32;
	s6 =	simm.s32 @!p0 $0x0;
	s14 =	simm.s32 @!p0 $0x1800  }
0xa2: {  	[tilespmem:s14], [sflag:$0x1] =	stream.indirect.gather @!p0 [hbm4b:s4+s25], $0x80, s6, s25, $0xb8;
	[tilespmem:$0x1C080] =	vst v63  }
0xa3: {  	s16 =	simm.s32 @!p0 $0x3400;
	s6 =	simm.s32 @!p0 $0x80  }
0xa4: {  	[tilespmem:s16], [sflag:$0x2] =	stream.indirect.gather @!p0 [hbm4b:s4+s25], $0x80, s6, s25, $0xb8;
	[tilespmem:$0x1C080] =	vst v63  }
0xa5: {  	s17 =	simm.s32 @!p0 $0x5000;
	s6 =	simm.s32 @!p0 $0x100  }
0xa6: {  	[tilespmem:s17], [sflag:$0x3] =	stream.indirect.gather @!p0 [hbm4b:s4+s25], $0x80, s6, s25, $0xb8;
	[tilespmem:$0x1C080] =	vst v63  }
0xa7: {  	s21 =	simm.s32 @!p0 $0x6C00;
	s6 =	simm.s32 @!p0 $0x180  }
0xa8: {  	[tilespmem:s21], [sflag:$0x4] =	stream.indirect.gather @!p0 [hbm4b:s4+s25], $0x80, s6, s25, $0xb8;
	[tilespmem:$0x1C080] =	vst v63  }
0xa9: {  	_ =	swait.ge [sflag:s28], $0x1900  }
0xaa: {  	[sflag:s28] =	ssyncset.done $0x0  }
0xab: {  	[sflag:s28] =	ssyncadd.s32 $0xFFFFE700  }
0xac: {  	[spmem:s2] =	stream.indirect.scatter.add.f32 [tilespmem:s26], [sflag:$0x5], $0x80, s19, s31, $0xb8;
	[tilespmem:$0x1C080] =	vst v63  }
0xad: {  	_ =	swait.ge [sflag:s0], $0x1900  }
0xae: {  	[sflag:s0] =	ssyncset.done $0x0  }
0xaf: {  	s6 =	simm.s32 @p0 $0x200;
	[sflag:s0] =	ssyncadd.s32 $0xFFFFE700  }
0xb0: {  	[tilespmem:s3], [sflag:$0x1] =	stream.indirect.gather @p0 [hbm4b:s5+s18], $0x80, s6, s18, $0xb8;
	[tilespmem:$0x1C080] =	vst v63  }
0xb1: {  	s3 =	simm.s32 @!p0 $0x200  }
0xb2: {  	[tilespmem:s14], [sflag:$0x1] =	stream.indirect.gather @!p0 [hbm4b:s4+s25], $0x80, s3, s25, $0xb8;
	[tilespmem:$0x1C080] =	vst v63  }
0xb3: {  	_ =	swait.ge [sflag:s1], $0x1900  }
0xb4: {  	[sflag:s1] =	ssyncset.done $0x0  }
0xb5: {  	s6 =	rddreg [dreg:$0x6];
	[sflag:s1] =	ssyncadd.s32 $0xFFFFE700  }
0xb6: {  	[spmem:s2] =	stream.indirect.scatter.add.f32 [tilespmem:s7], [sflag:$0x6], $0x80, s6, s31, $0xb8;
	[tilespmem:$0x1C080] =	vst v63  }
0xb7: {  	_ =	swait.ge [sflag:s9], $0x1900  }
0xb8: {  	[sflag:s9] =	ssyncset.done $0x0  }
0xb9: {  	s3 =	simm.s32 @p0 $0x280;
	[sflag:s9] =	ssyncadd.s32 $0xFFFFE700  }
0xba: {  	[tilespmem:s8], [sflag:$0x2] =	stream.indirect.gather @p0 [hbm4b:s5+s18], $0x80, s3, s18, $0xb8;
	[tilespmem:$0x1C080] =	vst v63  }
0xbb: {  	s3 =	simm.s32 @!p0 $0x280  }
0xbc: {  	[tilespmem:s16], [sflag:$0x2] =	stream.indirect.gather @!p0 [hbm4b:s4+s25], $0x80, s3, s25, $0xb8;
	[tilespmem:$0x1C080] =	vst v63  }
0xbd: {  	_ =	swait.ge [sflag:s10], $0x1900  }
0xbe: {  	[sflag:s10] =	ssyncset.done $0x0  }
0xbf: {  	s14 =	rddreg [dreg:$0x7];
	[sflag:s10] =	ssyncadd.s32 $0xFFFFE700  }
0xc0: {  	[spmem:s2] =	stream.indirect.scatter.add.f32 [tilespmem:s23], [sflag:$0x7], $0x80, s14, s31, $0xb8;
	[tilespmem:$0x1C080] =	vst v63  }
0xc1: {  	_ =	swait.ge [sflag:s12], $0x1900  }
0xc2: {  	[sflag:s12] =	ssyncset.done $0x0  }
0xc3: {  	s3 =	simm.s32 @p0 $0x300;
	[sflag:s12] =	ssyncadd.s32 $0xFFFFE700  }
0xc4: {  	[tilespmem:s11], [sflag:$0x3] =	stream.indirect.gather @p0 [hbm4b:s5+s18], $0x80, s3, s18, $0xb8;
	[tilespmem:$0x1C080] =	vst v63  }
0xc5: {  	s3 =	simm.s32 @!p0 $0x300  }
0xc6: {  	[tilespmem:s17], [sflag:$0x3] =	stream.indirect.gather @!p0 [hbm4b:s4+s25], $0x80, s3, s25, $0xb8;
	[tilespmem:$0x1C080] =	vst v63  }
0xc7: {  	_ =	swait.ge [sflag:s13], $0x1900  }
0xc8: {  	[sflag:s13] =	ssyncset.done $0x0  }
0xc9: {  	s16 =	rddreg [dreg:$0x8];
	[sflag:s13] =	ssyncadd.s32 $0xFFFFE700  }
0xca: {  	[spmem:s2] =	stream.indirect.scatter.add.f32 [tilespmem:s20], [sflag:$0x8], $0x80, s16, s31, $0xb8;
	[tilespmem:$0x1C080] =	vst v63  }
0xcb: {  	_ =	swait.ge [sflag:s15], $0x1900  }
0xcc: {  	s6 =	simm.s32 @p1 $0x6C00;
	[sflag:s15] =	ssyncset.done $0x0  }
0xcd: {  	s3 =	simm.s32 @p1 $0x380;
	s16 =	simm.s32 @p1 $0x32;
	[sflag:s15] =	ssyncadd.s32 $0xFFFFE700  }
0xce: {  	[tilespmem:s6], [sflag:$0x4] =	stream.indirect.gather @p1 [hbm4b:s4+s16], $0x80, s3, s16, $0xb8;
	[tilespmem:$0x1C080] =	vst v63  }
0xcf: {  	s21 =	simm.s32 @!p1 $0x32;
	s18 =	simm.s32 @!p1 $0x6C00;
	s3 =	simm.s32 @!p1 $0x380  }
0xd0: {  	[tilespmem:s18], [sflag:$0x4] =	stream.indirect.gather @!p1 [hbm4b:s5+s21], $0x80, s3, s21, $0xb8;
	[tilespmem:$0x1C080] =	vst v63  }
0xd1: {  	_ =	swait.ge [sflag:s28], $0x1900  }
0xd2: {  	[sflag:s28] =	ssyncset.done $0x0  }
0xd3: {  	s17 =	rddreg [dreg:$0x9];
	[sflag:s28] =	ssyncadd.s32 $0xFFFFE700  }
0xd4: {  	[spmem:s2] =	stream.indirect.scatter.add.f32 [tilespmem:s26], [sflag:$0x5], $0x80, s17, s31, $0xb8;
	[tilespmem:$0x1C080] =	vst v63  }
0xd5: {  	_ =	swait.ge [sflag:s0], $0x1900  }
0xd6: {  	[sflag:s0] =	ssyncset.done $0x0  }
0xd7: {  	s14 =	simm.s32 @p1 $0x1800;
	s3 =	simm.s32 @p1 $0x400;
	[sflag:s0] =	ssyncadd.s32 $0xFFFFE700  }
0xd8: {  	[tilespmem:s14], [sflag:$0x1] =	stream.indirect.gather @p1 [hbm4b:s4+s16], $0x80, s3, s16, $0xb8;
	[tilespmem:$0x1C080] =	vst v63  }
0xd9: {  	s17 =	simm.s32 @!p1 $0x1800;
	s3 =	simm.s32 @!p1 $0x400  }
0xda: {  	[tilespmem:s17], [sflag:$0x1] =	stream.indirect.gather @!p1 [hbm4b:s5+s21], $0x80, s3, s21, $0xb8;
	[tilespmem:$0x1C080] =	vst v63  }
0xdb: {  	_ =	swait.ge [sflag:s1], $0x1900  }
0xdc: {  	[sflag:s1] =	ssyncset.done $0x0  }
0xdd: {  	s19 =	rddreg [dreg:$0xa];
	[sflag:s1] =	ssyncadd.s32 $0xFFFFE700  }
0xde: {  	[spmem:s2] =	stream.indirect.scatter.add.f32 [tilespmem:s7], [sflag:$0x6], $0x80, s19, s31, $0xb8;
	[tilespmem:$0x1C080] =	vst v63  }
0xdf: {  	_ =	swait.ge [sflag:s9], $0x1900  }
0xe0: {  	[sflag:s9] =	ssyncset.done $0x0  }
0xe1: {  	s3 =	simm.s32 @p1 $0x480;
	s19 =	simm.s32 @p1 $0x3400;
	[sflag:s9] =	ssyncadd.s32 $0xFFFFE700  }
0xe2: {  	[tilespmem:s19], [sflag:$0x2] =	stream.indirect.gather @p1 [hbm4b:s4+s16], $0x80, s3, s16, $0xb8;
	[tilespmem:$0x1C080] =	vst v63  }
0xe3: {  	s22 =	simm.s32 @!p1 $0x3400;
	s3 =	simm.s32 @!p1 $0x480  }
0xe4: {  	[tilespmem:s22], [sflag:$0x2] =	stream.indirect.gather @!p1 [hbm4b:s5+s21], $0x80, s3, s21, $0xb8;
	[tilespmem:$0x1C080] =	vst v63  }
0xe5: {  	_ =	swait.ge [sflag:s10], $0x1900  }
0xe6: {  	[sflag:s10] =	ssyncset.done $0x0  }
0xe7: {  	s20 =	rddreg [dreg:$0xb];
	[sflag:s10] =	ssyncadd.s32 $0xFFFFE700  }
0xe8: {  	[spmem:s2] =	stream.indirect.scatter.add.f32 [tilespmem:s23], [sflag:$0x7], $0x80, s20, s31, $0xb8;
	[tilespmem:$0x1C080] =	vst v63  }
0xe9: {  	_ =	swait.ge [sflag:s12], $0x1900  }
0xea: {  	[sflag:s12] =	ssyncset.done $0x0  }
0xeb: {  	s3 =	simm.s32 @p1 $0x500;
	s23 =	simm.s32 @p1 $0x5000;
	[sflag:s12] =	ssyncadd.s32 $0xFFFFE700  }
0xec: {  	[tilespmem:s23], [sflag:$0x3] =	stream.indirect.gather @p1 [hbm4b:s4+s16], $0x80, s3, s16, $0xb8;
	[tilespmem:$0x1C080] =	vst v63  }
0xed: {  	s7 =	simm.s32 @!p1 $0x5000;
	s3 =	simm.s32 @!p1 $0x500  }
0xee: {  	[tilespmem:s7], [sflag:$0x3] =	stream.indirect.gather @!p1 [hbm4b:s5+s21], $0x80, s3, s21, $0xb8;
	[tilespmem:$0x1C080] =	vst v63  }
0xef: {  	_ =	swait.ge [sflag:s13], $0x1900  }
0xf0: {  	[sflag:s13] =	ssyncset.done $0x0  }
0xf1: {  	s8 =	simm.s32 $0x6C00;
	s24 =	rddreg [dreg:$0xc];
	[sflag:s13] =	ssyncadd.s32 $0xFFFFE700  }
0xf2: {  	[spmem:s2] =	stream.indirect.scatter.add.f32 [tilespmem:s8], [sflag:$0x8], $0x80, s24, s31, $0xb8;
	[tilespmem:$0x1C080] =	vst v63  }
0xf3: {  	_ =	swait.ge [sflag:s15], $0x1900  }
0xf4: {  	[sflag:s15] =	ssyncset.done $0x0  }
0xf5: {  	s3 =	simm.s32 @p1 $0x580;
	[sflag:s15] =	ssyncadd.s32 $0xFFFFE700  }
0xf6: {  	[tilespmem:s6], [sflag:$0x4] =	stream.indirect.gather @p1 [hbm4b:s4+s16], $0x80, s3, s16, $0xb8;
	[tilespmem:$0x1C080] =	vst v63  }
0xf7: {  	s3 =	simm.s32 @!p1 $0x580  }
0xf8: {  	[tilespmem:s18], [sflag:$0x4] =	stream.indirect.gather @!p1 [hbm4b:s5+s21], $0x80, s3, s21, $0xb8;
	[tilespmem:$0x1C080] =	vst v63  }
0xf9: {  	_ =	swait.ge [sflag:s28], $0x1900  }
0xfa: {  	[sflag:s28] =	ssyncset.done $0x0  }
0xfb: {  	s30 =	rddreg [dreg:$0xd];
	[sflag:s28] =	ssyncadd.s32 $0xFFFFE700  }
0xfc: {  	[spmem:s2] =	stream.indirect.scatter.add.f32 [tilespmem:s26], [sflag:$0x5], $0x80, s30, s31, $0xb8;
	[tilespmem:$0x1C080] =	vst v63  }
0xfd: {  	_ =	swait.ge [sflag:s0], $0x1900  }
0xfe: {  	[sflag:s0] =	ssyncset.done $0x0  }
0xff: {  	s3 =	simm.s32 @p1 $0x600;
	[sflag:s0] =	ssyncadd.s32 $0xFFFFE700  }
0x100: {  	[tilespmem:s14], [sflag:$0x1] =	stream.indirect.gather @p1 [hbm4b:s4+s16], $0x80, s3, s16, $0xb8;
	[tilespmem:$0x1C080] =	vst v63  }
0x101: {  	s3 =	simm.s32 @!p1 $0x600  }
0x102: {  	[tilespmem:s17], [sflag:$0x1] =	stream.indirect.gather @!p1 [hbm4b:s5+s21], $0x80, s3, s21, $0xb8;
	[tilespmem:$0x1C080] =	vst v63  }
0x103: {  	_ =	swait.ge [sflag:s1], $0x1900  }
0x104: {  	[sflag:s1] =	ssyncset.done $0x0  }
0x105: {  	s20 =	simm.s32 $0x3400;
	s24 =	rddreg [dreg:$0xe];
	[sflag:s1] =	ssyncadd.s32 $0xFFFFE700  }
0x106: {  	[spmem:s2] =	stream.indirect.scatter.add.f32 [tilespmem:s20], [sflag:$0x6], $0x80, s24, s31, $0xb8;
	[tilespmem:$0x1C080] =	vst v63  }
0x107: {  	_ =	swait.ge [sflag:s9], $0x1900  }
0x108: {  	[sflag:s9] =	ssyncset.done $0x0  }
0x109: {  	s3 =	simm.s32 @p1 $0x680;
	[sflag:s9] =	ssyncadd.s32 $0xFFFFE700  }
0x10a: {  	[tilespmem:s19], [sflag:$0x2] =	stream.indirect.gather @p1 [hbm4b:s4+s16], $0x80, s3, s16, $0xb8;
	[tilespmem:$0x1C080] =	vst v63  }
0x10b: {  	s3 =	simm.s32 @!p1 $0x680  }
0x10c: {  	[tilespmem:s22], [sflag:$0x2] =	stream.indirect.gather @!p1 [hbm4b:s5+s21], $0x80, s3, s21, $0xb8;
	[tilespmem:$0x1C080] =	vst v63  }
0x10d: {  	_ =	swait.ge [sflag:s10], $0x1900  }
0x10e: {  	[sflag:s10] =	ssyncset.done $0x0  }
0x10f: {  	s11 =	simm.s32 $0x5000;
	s30 =	rddreg [dreg:$0xf];
	[sflag:s10] =	ssyncadd.s32 $0xFFFFE700  }
0x110: {  	[spmem:s2] =	stream.indirect.scatter.add.f32 [tilespmem:s11], [sflag:$0x7], $0x80, s30, s31, $0xb8;
	[tilespmem:$0x1C080] =	vst v63  }
0x111: {  	_ =	swait.ge [sflag:s12], $0x1900  }
0x112: {  	[sflag:s12] =	ssyncset.done $0x0  }
0x113: {  	s3 =	simm.s32 @p1 $0x700;
	[sflag:s12] =	ssyncadd.s32 $0xFFFFE700  }
0x114: {  	[tilespmem:s23], [sflag:$0x3] =	stream.indirect.gather @p1 [hbm4b:s4+s16], $0x80, s3, s16, $0xb8;
	[tilespmem:$0x1C080] =	vst v63  }
0x115: {  	s3 =	simm.s32 @!p1 $0x700  }
0x116: {  	[tilespmem:s7], [sflag:$0x3] =	stream.indirect.gather @!p1 [hbm4b:s5+s21], $0x80, s3, s21, $0xb8;
	[tilespmem:$0x1C080] =	vst v63  }
0x117: {  	_ =	swait.ge [sflag:s13], $0x1900  }
0x118: {  	[sflag:s13] =	ssyncset.done $0x0  }
0x119: {  	s24 =	rddreg [dreg:$0x10];
	[sflag:s13] =	ssyncadd.s32 $0xFFFFE700  }
0x11a: {  	[spmem:s2] =	stream.indirect.scatter.add.f32 [tilespmem:s8], [sflag:$0x8], $0x80, s24, s31, $0xb8;
	[tilespmem:$0x1C080] =	vst v63  }
0x11b: {  	_ =	swait.ge [sflag:s15], $0x1900  }
0x11c: {  	[sflag:s15] =	ssyncset.done $0x0  }
0x11d: {  	s3 =	simm.s32 @p1 $0x780;
	[sflag:s15] =	ssyncadd.s32 $0xFFFFE700  }
0x11e: {  	[tilespmem:s6], [sflag:$0x4] =	stream.indirect.gather @p1 [hbm4b:s4+s16], $0x80, s3, s16, $0xb8;
	[tilespmem:$0x1C080] =	vst v63  }
0x11f: {  	s3 =	simm.s32 @!p1 $0x780  }
0x120: {  	[tilespmem:s18], [sflag:$0x4] =	stream.indirect.gather @!p1 [hbm4b:s5+s21], $0x80, s3, s21, $0xb8;
	[tilespmem:$0x1C080] =	vst v63  }
0x121: {  	_ =	swait.ge [sflag:s28], $0x1900  }
0x122: {  	[sflag:s28] =	ssyncset.done $0x0  }
0x123: {  	s30 =	rddreg [dreg:$0x11];
	[sflag:s28] =	ssyncadd.s32 $0xFFFFE700  }
0x124: {  	[spmem:s2] =	stream.indirect.scatter.add.f32 [tilespmem:s26], [sflag:$0x5], $0x80, s30, s31, $0xb8;
	[tilespmem:$0x1C080] =	vst v63  }
0x125: {  	_ =	swait.ge [sflag:s0], $0x1900  }
0x126: {  	[sflag:s0] =	ssyncset.done $0x0  }
0x127: {  	s3 =	simm.s32 @p1 $0x800;
	[sflag:s0] =	ssyncadd.s32 $0xFFFFE700  }
0x128: {  	[tilespmem:s14], [sflag:$0x1] =	stream.indirect.gather @p1 [hbm4b:s4+s16], $0x80, s3, s16, $0xb8;
	[tilespmem:$0x1C080] =	vst v63  }
0x129: {  	s3 =	simm.s32 @!p1 $0x800  }
0x12a: {  	[tilespmem:s17], [sflag:$0x1] =	stream.indirect.gather @!p1 [hbm4b:s5+s21], $0x80, s3, s21, $0xb8;
	[tilespmem:$0x1C080] =	vst v63  }
0x12b: {  	_ =	swait.ge [sflag:s1], $0x1900  }
0x12c: {  	[sflag:s1] =	ssyncset.done $0x0  }
0x12d: {  	s17 =	rddreg [dreg:$0x12];
	[sflag:s1] =	ssyncadd.s32 $0xFFFFE700  }
0x12e: {  	[spmem:s2] =	stream.indirect.scatter.add.f32 [tilespmem:s20], [sflag:$0x6], $0x80, s17, s31, $0xb8;
	[tilespmem:$0x1C080] =	vst v63  }
0x12f: {  	_ =	swait.ge [sflag:s9], $0x1900  }
0x130: {  	[sflag:s9] =	ssyncset.done $0x0  }
0x131: {  	s3 =	simm.s32 @p1 $0x880;
	[sflag:s9] =	ssyncadd.s32 $0xFFFFE700  }
0x132: {  	[tilespmem:s19], [sflag:$0x2] =	stream.indirect.gather @p1 [hbm4b:s4+s16], $0x80, s3, s16, $0xb8;
	[tilespmem:$0x1C080] =	vst v63  }
0x133: {  	s3 =	simm.s32 @!p1 $0x880  }
0x134: {  	[tilespmem:s22], [sflag:$0x2] =	stream.indirect.gather @!p1 [hbm4b:s5+s21], $0x80, s3, s21, $0xb8;
	[tilespmem:$0x1C080] =	vst v63  }
0x135: {  	_ =	swait.ge [sflag:s10], $0x1900  }
0x136: {  	[sflag:s10] =	ssyncset.done $0x0  }
0x137: {  	s20 =	rddreg [dreg:$0x13];
	[sflag:s10] =	ssyncadd.s32 $0xFFFFE700  }
0x138: {  	[spmem:s2] =	stream.indirect.scatter.add.f32 [tilespmem:s11], [sflag:$0x7], $0x80, s20, s31, $0xb8;
	[tilespmem:$0x1C080] =	vst v63  }
0x139: {  	_ =	swait.ge [sflag:s12], $0x1900  }
0x13a: {  	[sflag:s12] =	ssyncset.done $0x0  }
0x13b: {  	s3 =	simm.s32 @p1 $0x900;
	[sflag:s12] =	ssyncadd.s32 $0xFFFFE700  }
0x13c: {  	[tilespmem:s23], [sflag:$0x3] =	stream.indirect.gather @p1 [hbm4b:s4+s16], $0x80, s3, s16, $0xb8;
	[tilespmem:$0x1C080] =	vst v63  }
0x13d: {  	s3 =	simm.s32 @!p1 $0x900  }
0x13e: {  	[tilespmem:s7], [sflag:$0x3] =	stream.indirect.gather @!p1 [hbm4b:s5+s21], $0x80, s3, s21, $0xb8;
	[tilespmem:$0x1C080] =	vst v63  }
0x13f: {  	_ =	swait.ge [sflag:s13], $0x1900  }
0x140: {  	[sflag:s13] =	ssyncset.done $0x0  }
0x141: {  	s22 =	rddreg [dreg:$0x14];
	[sflag:s13] =	ssyncadd.s32 $0xFFFFE700  }
0x142: {  	[spmem:s2] =	stream.indirect.scatter.add.f32 [tilespmem:s8], [sflag:$0x8], $0x80, s22, s31, $0xb8;
	[tilespmem:$0x1C080] =	vst v63  }
0x143: {  	_ =	swait.ge [sflag:s15], $0x1900  }
0x144: {  	[sflag:s15] =	ssyncset.done $0x0  }
0x145: {  	s3 =	simm.s32 @p1 $0x980;
	[sflag:s15] =	ssyncadd.s32 $0xFFFFE700  }
0x146: {  	[tilespmem:s6], [sflag:$0x4] =	stream.indirect.gather @p1 [hbm4b:s4+s16], $0x80, s3, s16, $0xb8;
	[tilespmem:$0x1C080] =	vst v63  }
0x147: {  	s3 =	simm.s32 @!p1 $0x980  }
0x148: {  	[tilespmem:s18], [sflag:$0x4] =	stream.indirect.gather @!p1 [hbm4b:s5+s21], $0x80, s3, s21, $0xb8;
	[tilespmem:$0x1C080] =	vst v63  }
0x149: {  	_ =	swait.ge [sflag:s28], $0x1900  }
0x14a: {  	[sflag:s28] =	ssyncset.done $0x0  }
0x14b: {  	s23 =	rddreg [dreg:$0x15];
	[sflag:s28] =	ssyncadd.s32 $0xFFFFE700  }
0x14c: {  	[spmem:s2] =	stream.indirect.scatter.add.f32 [tilespmem:s26], [sflag:$0x5], $0x80, s23, s31, $0xb8;
	[tilespmem:$0x1C080] =	vst v63  }
0x14d: {  	_ =	swait.ge [sflag:s1], $0x1900  }
0x14e: {  	[sflag:s1] =	ssyncset.done $0x0  }
0x14f: {  	s7 =	simm.s32 $0x3400;
	s24 =	rddreg [dreg:$0x16];
	[sflag:s1] =	ssyncadd.s32 $0xFFFFE700  }
0x150: {  	[spmem:s2] =	stream.indirect.scatter.add.f32 [tilespmem:s7], [sflag:$0x6], $0x80, s24, s31, $0xb8;
	[tilespmem:$0x1C080] =	vst v63  }
0x151: {  	_ =	swait.ge [sflag:s10], $0x1900  }
0x152: {  	[sflag:s10] =	ssyncset.done $0x0  }
0x153: {  	s26 =	rddreg [dreg:$0x17];
	[sflag:s10] =	ssyncadd.s32 $0xFFFFE700  }
0x154: {  	[spmem:s2] =	stream.indirect.scatter.add.f32 [tilespmem:s11], [sflag:$0x7], $0x80, s26, s31, $0xb8;
	[tilespmem:$0x1C080] =	vst v63  }
0x155: {  	_ =	swait.ge [sflag:s13], $0x1900  }
0x156: {  	[sflag:s13] =	ssyncset.done $0x0  }
0x157: {  	s30 =	rddreg [dreg:$0x18];
	[sflag:s13] =	ssyncadd.s32 $0xFFFFE700  }
0x158: {  	[spmem:s2] =	stream.indirect.scatter.add.f32 [tilespmem:s8], [sflag:$0x8], $0x80, s30, s31, $0xb8;
	[tilespmem:$0x1C080] =	vst v63  }
0x159: {  	_ =	swait.ge [sflag:s0], $0x1900  }
0x15a: {  	[sflag:s0] =	ssyncset.done $0x0  }
0x15b: {  	[sflag:s0] =	ssyncadd.s32 $0xFFFFE700  }
0x15c: {  	_ =	swait.ge [sflag:s9], $0x1900  }
0x15d: {  	[sflag:s9] =	ssyncset.done $0x0  }
0x15e: {  	[sflag:s9] =	ssyncadd.s32 $0xFFFFE700  }
0x15f: {  	_ =	swait.ge [sflag:s12], $0x1900  }
0x160: {  	[sflag:s12] =	ssyncset.done $0x0  }
0x161: {  	[sflag:s12] =	ssyncadd.s32 $0xFFFFE700  }
0x162: {  	s3 =	simm.s32 $0x300;
	_ =	swait.ge [sflag:s15], $0x1900  }
0x163: {  	s8 =	simm.s32 $0x180;
	[sflag:s15] =	ssyncset.done $0x0;
	s11 =	rddreg [dreg:$0x4]  }
.LBB2_4:
0x164: {  	[sflag:s15] =	ssyncadd.s32 $0xFFFFE700;
	s11 =	sadd.s32 s8, s11;
	s22 =	simm.s32 $0x0  }
0x165: {  	[tilespmem:s22], [sflag:$0x9] =	stream.linear.gather [hbm4b:s11+s22], $0xA00, $0x38;
	[tilespmem:$0x1C080] =	vst v63  }
0x166: {  	_ =	swait.ge [sflag:s29], $0xA00  }
0x167: {  	s19 =	rddreg [dreg:$0x5];
	[sflag:s29] =	ssyncset.done $0x0  }
0x168: {  	s30 =	simm.s32 $0xC00;
	[sflag:s29] =	ssyncadd.s32 $0xFFFFF600;
	s11 =	sadd.s32 s8, s19  }
0x169: {  	[tilespmem:s30], [sflag:$0x9] =	stream.linear.gather [hbm4b:s11+s22], $0xA00, $0x38;
	[tilespmem:$0x1C080] =	vst v63  }
0x16a: {  	s14 =	smov.u32 s3;
	_ =	swait.ge [sflag:s29], $0xA00  }
0x16b: {  	s6 =	simm.s32 @p0 $0x32;
	s8 =	smov.u32 s14;
	[sflag:s29] =	ssyncset.done $0x0  }
0x16c: {  	s14 =	simm.s32 @p0 $0x0;
	s11 =	simm.s32 @p0 $0x1800;
	[sflag:s29] =	ssyncadd.s32 $0xFFFFF600  }
0x16d: {  	[tilespmem:s11], [sflag:$0x1] =	stream.indirect.gather @p0 [hbm4b:s5+s6], $0x80, s14, s6, $0xb8;
	[tilespmem:$0x1C080] =	vst v63  }
0x16e: {  	s22 =	simm.s32 @p0 $0x3400;
	s14 =	simm.s32 @p0 $0x80  }
0x16f: {  	[tilespmem:s22], [sflag:$0x2] =	stream.indirect.gather @p0 [hbm4b:s5+s6], $0x80, s14, s6, $0xb8;
	[tilespmem:$0x1C080] =	vst v63  }
0x170: {  	s24 =	simm.s32 @p0 $0x5000;
	s14 =	simm.s32 @p0 $0x100  }
0x171: {  	[tilespmem:s24], [sflag:$0x3] =	stream.indirect.gather @p0 [hbm4b:s5+s6], $0x80, s14, s6, $0xb8;
	[tilespmem:$0x1C080] =	vst v63  }
0x172: {  	s19 =	simm.s32 @p0 $0x6C00;
	s14 =	simm.s32 @p0 $0x180  }
0x173: {  	[tilespmem:s19], [sflag:$0x4] =	stream.indirect.gather @p0 [hbm4b:s5+s6], $0x80, s14, s6, $0xb8;
	[tilespmem:$0x1C080] =	vst v63  }
0x174: {  	s14 =	simm.s32 @!p0 $0x0;
	s19 =	simm.s32 @!p0 $0x1800  }
0x175: {  	[tilespmem:s19], [sflag:$0x1] =	stream.indirect.gather @!p0 [hbm4b:s4+s25], $0x80, s14, s25, $0xb8;
	[tilespmem:$0x1C080] =	vst v63  }
0x176: {  	s23 =	simm.s32 @!p0 $0x3400;
	s14 =	simm.s32 @!p0 $0x80  }
0x177: {  	[tilespmem:s23], [sflag:$0x2] =	stream.indirect.gather @!p0 [hbm4b:s4+s25], $0x80, s14, s25, $0xb8;
	[tilespmem:$0x1C080] =	vst v63  }
0x178: {  	s17 =	simm.s32 @!p0 $0x5000;
	s14 =	simm.s32 @!p0 $0x100  }
0x179: {  	[tilespmem:s17], [sflag:$0x3] =	stream.indirect.gather @!p0 [hbm4b:s4+s25], $0x80, s14, s25, $0xb8;
	[tilespmem:$0x1C080] =	vst v63  }
0x17a: {  	s26 =	simm.s32 @!p0 $0x6C00;
	s14 =	simm.s32 @!p0 $0x180  }
0x17b: {  	[tilespmem:s26], [sflag:$0x4] =	stream.indirect.gather @!p0 [hbm4b:s4+s25], $0x80, s14, s25, $0xb8;
	[tilespmem:$0x1C080] =	vst v63  }
0x17c: {  	_ =	swait.ge [sflag:s28], $0x1900  }
0x17d: {  	[sflag:s28] =	ssyncset.done $0x0  }
0x17e: {  	s26 =	simm.s32 $0x1800;
	[sflag:s28] =	ssyncadd.s32 $0xFFFFE700  }
0x17f: {  	[spmem:s2] =	stream.indirect.scatter.add.f32 [tilespmem:s26], [sflag:$0x5], $0x80, s30, s31, $0xb8;
	[tilespmem:$0x1C080] =	vst v63  }
0x180: {  	_ =	swait.ge [sflag:s0], $0x1900  }
0x181: {  	[sflag:s0] =	ssyncset.done $0x0  }
0x182: {  	s14 =	simm.s32 @p0 $0x200;
	[sflag:s0] =	ssyncadd.s32 $0xFFFFE700  }
0x183: {  	[tilespmem:s11], [sflag:$0x1] =	stream.indirect.gather @p0 [hbm4b:s5+s6], $0x80, s14, s6, $0xb8;
	[tilespmem:$0x1C080] =	vst v63  }
0x184: {  	s11 =	simm.s32 @!p0 $0x200  }
0x185: {  	[tilespmem:s19], [sflag:$0x1] =	stream.indirect.gather @!p0 [hbm4b:s4+s25], $0x80, s11, s25, $0xb8;
	[tilespmem:$0x1C080] =	vst v63  }
0x186: {  	_ =	swait.ge [sflag:s1], $0x1900  }
0x187: {  	[sflag:s1] =	ssyncset.done $0x0  }
0x188: {  	s20 =	rddreg [dreg:$0x6];
	[sflag:s1] =	ssyncadd.s32 $0xFFFFE700  }
0x189: {  	[spmem:s2] =	stream.indirect.scatter.add.f32 [tilespmem:s7], [sflag:$0x6], $0x80, s20, s31, $0xb8;
	[tilespmem:$0x1C080] =	vst v63  }
0x18a: {  	_ =	swait.ge [sflag:s9], $0x1900  }
0x18b: {  	[sflag:s9] =	ssyncset.done $0x0  }
0x18c: {  	s11 =	simm.s32 @p0 $0x280;
	[sflag:s9] =	ssyncadd.s32 $0xFFFFE700  }
0x18d: {  	[tilespmem:s22], [sflag:$0x2] =	stream.indirect.gather @p0 [hbm4b:s5+s6], $0x80, s11, s6, $0xb8;
	[tilespmem:$0x1C080] =	vst v63  }
0x18e: {  	s11 =	simm.s32 @!p0 $0x280  }
0x18f: {  	[tilespmem:s23], [sflag:$0x2] =	stream.indirect.gather @!p0 [hbm4b:s4+s25], $0x80, s11, s25, $0xb8;
	[tilespmem:$0x1C080] =	vst v63  }
0x190: {  	_ =	swait.ge [sflag:s10], $0x1900  }
0x191: {  	[sflag:s10] =	ssyncset.done $0x0  }
0x192: {  	s19 =	simm.s32 $0x5000;
	s22 =	rddreg [dreg:$0x7];
	[sflag:s10] =	ssyncadd.s32 $0xFFFFE700  }
0x193: {  	[spmem:s2] =	stream.indirect.scatter.add.f32 [tilespmem:s19], [sflag:$0x7], $0x80, s22, s31, $0xb8;
	[tilespmem:$0x1C080] =	vst v63  }
0x194: {  	_ =	swait.ge [sflag:s12], $0x1900  }
0x195: {  	[sflag:s12] =	ssyncset.done $0x0  }
0x196: {  	s11 =	simm.s32 @p0 $0x300;
	[sflag:s12] =	ssyncadd.s32 $0xFFFFE700  }
0x197: {  	[tilespmem:s24], [sflag:$0x3] =	stream.indirect.gather @p0 [hbm4b:s5+s6], $0x80, s11, s6, $0xb8;
	[tilespmem:$0x1C080] =	vst v63  }
0x198: {  	s11 =	simm.s32 @!p0 $0x300  }
0x199: {  	[tilespmem:s17], [sflag:$0x3] =	stream.indirect.gather @!p0 [hbm4b:s4+s25], $0x80, s11, s25, $0xb8;
	[tilespmem:$0x1C080] =	vst v63  }
0x19a: {  	_ =	swait.ge [sflag:s13], $0x1900  }
0x19b: {  	[sflag:s13] =	ssyncset.done $0x0  }
0x19c: {  	s14 =	simm.s32 $0x6C00;
	s23 =	rddreg [dreg:$0x8];
	[sflag:s13] =	ssyncadd.s32 $0xFFFFE700  }
0x19d: {  	[spmem:s2] =	stream.indirect.scatter.add.f32 [tilespmem:s14], [sflag:$0x8], $0x80, s23, s31, $0xb8;
	[tilespmem:$0x1C080] =	vst v63  }
0x19e: {  	_ =	swait.ge [sflag:s15], $0x1900  }
0x19f: {  	[sflag:s15] =	ssyncset.done $0x0  }
0x1a0: {  	s6 =	simm.s32 @p1 $0x6C00;
	s11 =	simm.s32 @p1 $0x380;
	[sflag:s15] =	ssyncadd.s32 $0xFFFFE700  }
0x1a1: {  	[tilespmem:s6], [sflag:$0x4] =	stream.indirect.gather @p1 [hbm4b:s4+s16], $0x80, s11, s16, $0xb8;
	[tilespmem:$0x1C080] =	vst v63  }
0x1a2: {  	s18 =	simm.s32 @!p1 $0x6C00;
	s11 =	simm.s32 @!p1 $0x380  }
0x1a3: {  	[tilespmem:s18], [sflag:$0x4] =	stream.indirect.gather @!p1 [hbm4b:s5+s21], $0x80, s11, s21, $0xb8;
	[tilespmem:$0x1C080] =	vst v63  }
0x1a4: {  	_ =	swait.ge [sflag:s28], $0x1900  }
0x1a5: {  	[sflag:s28] =	ssyncset.done $0x0  }
0x1a6: {  	s24 =	rddreg [dreg:$0x9];
	[sflag:s28] =	ssyncadd.s32 $0xFFFFE700  }
0x1a7: {  	[spmem:s2] =	stream.indirect.scatter.add.f32 [tilespmem:s26], [sflag:$0x5], $0x80, s24, s31, $0xb8;
	[tilespmem:$0x1C080] =	vst v63  }
0x1a8: {  	_ =	swait.ge [sflag:s0], $0x1900  }
0x1a9: {  	[sflag:s0] =	ssyncset.done $0x0  }
0x1aa: {  	s17 =	simm.s32 @p1 $0x1800;
	s11 =	simm.s32 @p1 $0x400;
	[sflag:s0] =	ssyncadd.s32 $0xFFFFE700  }
0x1ab: {  	[tilespmem:s17], [sflag:$0x1] =	stream.indirect.gather @p1 [hbm4b:s4+s16], $0x80, s11, s16, $0xb8;
	[tilespmem:$0x1C080] =	vst v63  }
0x1ac: {  	s22 =	simm.s32 @!p1 $0x1800;
	s11 =	simm.s32 @!p1 $0x400  }
0x1ad: {  	[tilespmem:s22], [sflag:$0x1] =	stream.indirect.gather @!p1 [hbm4b:s5+s21], $0x80, s11, s21, $0xb8;
	[tilespmem:$0x1C080] =	vst v63  }
0x1ae: {  	_ =	swait.ge [sflag:s1], $0x1900  }
0x1af: {  	[sflag:s1] =	ssyncset.done $0x0  }
0x1b0: {  	s30 =	rddreg [dreg:$0xa];
	[sflag:s1] =	ssyncadd.s32 $0xFFFFE700  }
0x1b1: {  	[spmem:s2] =	stream.indirect.scatter.add.f32 [tilespmem:s7], [sflag:$0x6], $0x80, s30, s31, $0xb8;
	[tilespmem:$0x1C080] =	vst v63  }
0x1b2: {  	_ =	swait.ge [sflag:s9], $0x1900  }
0x1b3: {  	[sflag:s9] =	ssyncset.done $0x0  }
0x1b4: {  	s23 =	simm.s32 @p1 $0x3400;
	s11 =	simm.s32 @p1 $0x480;
	[sflag:s9] =	ssyncadd.s32 $0xFFFFE700  }
0x1b5: {  	[tilespmem:s23], [sflag:$0x2] =	stream.indirect.gather @p1 [hbm4b:s4+s16], $0x80, s11, s16, $0xb8;
	[tilespmem:$0x1C080] =	vst v63  }
0x1b6: {  	s24 =	simm.s32 @!p1 $0x3400;
	s11 =	simm.s32 @!p1 $0x480  }
0x1b7: {  	[tilespmem:s24], [sflag:$0x2] =	stream.indirect.gather @!p1 [hbm4b:s5+s21], $0x80, s11, s21, $0xb8;
	[tilespmem:$0x1C080] =	vst v63  }
0x1b8: {  	_ =	swait.ge [sflag:s10], $0x1900  }
0x1b9: {  	[sflag:s10] =	ssyncset.done $0x0  }
0x1ba: {  	s20 =	rddreg [dreg:$0xb];
	[sflag:s10] =	ssyncadd.s32 $0xFFFFE700  }
0x1bb: {  	[spmem:s2] =	stream.indirect.scatter.add.f32 [tilespmem:s19], [sflag:$0x7], $0x80, s20, s31, $0xb8;
	[tilespmem:$0x1C080] =	vst v63  }
0x1bc: {  	_ =	swait.ge [sflag:s12], $0x1900  }
0x1bd: {  	[sflag:s12] =	ssyncset.done $0x0  }
0x1be: {  	s30 =	simm.s32 @p1 $0x5000;
	s11 =	simm.s32 @p1 $0x500;
	[sflag:s12] =	ssyncadd.s32 $0xFFFFE700  }
0x1bf: {  	[tilespmem:s30], [sflag:$0x3] =	stream.indirect.gather @p1 [hbm4b:s4+s16], $0x80, s11, s16, $0xb8;
	[tilespmem:$0x1C080] =	vst v63  }
0x1c0: {  	s7 =	simm.s32 @!p1 $0x5000;
	s11 =	simm.s32 @!p1 $0x500  }
0x1c1: {  	[tilespmem:s7], [sflag:$0x3] =	stream.indirect.gather @!p1 [hbm4b:s5+s21], $0x80, s11, s21, $0xb8;
	[tilespmem:$0x1C080] =	vst v63  }
0x1c2: {  	_ =	swait.ge [sflag:s13], $0x1900  }
0x1c3: {  	[sflag:s13] =	ssyncset.done $0x0  }
0x1c4: {  	s11 =	rddreg [dreg:$0xc];
	[sflag:s13] =	ssyncadd.s32 $0xFFFFE700  }
0x1c5: {  	[spmem:s2] =	stream.indirect.scatter.add.f32 [tilespmem:s14], [sflag:$0x8], $0x80, s11, s31, $0xb8;
	[tilespmem:$0x1C080] =	vst v63  }
0x1c6: {  	_ =	swait.ge [sflag:s15], $0x1900  }
0x1c7: {  	[sflag:s15] =	ssyncset.done $0x0  }
0x1c8: {  	s11 =	simm.s32 @p1 $0x580;
	[sflag:s15] =	ssyncadd.s32 $0xFFFFE700  }
0x1c9: {  	[tilespmem:s6], [sflag:$0x4] =	stream.indirect.gather @p1 [hbm4b:s4+s16], $0x80, s11, s16, $0xb8;
	[tilespmem:$0x1C080] =	vst v63  }
0x1ca: {  	s11 =	simm.s32 @!p1 $0x580  }
0x1cb: {  	[tilespmem:s18], [sflag:$0x4] =	stream.indirect.gather @!p1 [hbm4b:s5+s21], $0x80, s11, s21, $0xb8;
	[tilespmem:$0x1C080] =	vst v63  }
0x1cc: {  	_ =	swait.ge [sflag:s28], $0x1900  }
0x1cd: {  	[sflag:s28] =	ssyncset.done $0x0  }
0x1ce: {  	s11 =	rddreg [dreg:$0xd];
	[sflag:s28] =	ssyncadd.s32 $0xFFFFE700  }
0x1cf: {  	[spmem:s2] =	stream.indirect.scatter.add.f32 [tilespmem:s26], [sflag:$0x5], $0x80, s11, s31, $0xb8;
	[tilespmem:$0x1C080] =	vst v63  }
0x1d0: {  	_ =	swait.ge [sflag:s0], $0x1900  }
0x1d1: {  	[sflag:s0] =	ssyncset.done $0x0  }
0x1d2: {  	s11 =	simm.s32 @p1 $0x600;
	[sflag:s0] =	ssyncadd.s32 $0xFFFFE700  }
0x1d3: {  	[tilespmem:s17], [sflag:$0x1] =	stream.indirect.gather @p1 [hbm4b:s4+s16], $0x80, s11, s16, $0xb8;
	[tilespmem:$0x1C080] =	vst v63  }
0x1d4: {  	s11 =	simm.s32 @!p1 $0x600  }
0x1d5: {  	[tilespmem:s22], [sflag:$0x1] =	stream.indirect.gather @!p1 [hbm4b:s5+s21], $0x80, s11, s21, $0xb8;
	[tilespmem:$0x1C080] =	vst v63  }
0x1d6: {  	_ =	swait.ge [sflag:s1], $0x1900  }
0x1d7: {  	[sflag:s1] =	ssyncset.done $0x0  }
0x1d8: {  	s20 =	simm.s32 $0x3400;
	s11 =	rddreg [dreg:$0xe];
	[sflag:s1] =	ssyncadd.s32 $0xFFFFE700  }
0x1d9: {  	[spmem:s2] =	stream.indirect.scatter.add.f32 [tilespmem:s20], [sflag:$0x6], $0x80, s11, s31, $0xb8;
	[tilespmem:$0x1C080] =	vst v63  }
0x1da: {  	_ =	swait.ge [sflag:s9], $0x1900  }
0x1db: {  	[sflag:s9] =	ssyncset.done $0x0  }
0x1dc: {  	s11 =	simm.s32 @p1 $0x680;
	[sflag:s9] =	ssyncadd.s32 $0xFFFFE700  }
0x1dd: {  	[tilespmem:s23], [sflag:$0x2] =	stream.indirect.gather @p1 [hbm4b:s4+s16], $0x80, s11, s16, $0xb8;
	[tilespmem:$0x1C080] =	vst v63  }
0x1de: {  	s11 =	simm.s32 @!p1 $0x680  }
0x1df: {  	[tilespmem:s24], [sflag:$0x2] =	stream.indirect.gather @!p1 [hbm4b:s5+s21], $0x80, s11, s21, $0xb8;
	[tilespmem:$0x1C080] =	vst v63  }
0x1e0: {  	_ =	swait.ge [sflag:s10], $0x1900  }
0x1e1: {  	[sflag:s10] =	ssyncset.done $0x0  }
0x1e2: {  	s11 =	rddreg [dreg:$0xf];
	[sflag:s10] =	ssyncadd.s32 $0xFFFFE700  }
0x1e3: {  	[spmem:s2] =	stream.indirect.scatter.add.f32 [tilespmem:s19], [sflag:$0x7], $0x80, s11, s31, $0xb8;
	[tilespmem:$0x1C080] =	vst v63  }
0x1e4: {  	_ =	swait.ge [sflag:s12], $0x1900  }
0x1e5: {  	[sflag:s12] =	ssyncset.done $0x0  }
0x1e6: {  	s11 =	simm.s32 @p1 $0x700;
	[sflag:s12] =	ssyncadd.s32 $0xFFFFE700  }
0x1e7: {  	[tilespmem:s30], [sflag:$0x3] =	stream.indirect.gather @p1 [hbm4b:s4+s16], $0x80, s11, s16, $0xb8;
	[tilespmem:$0x1C080] =	vst v63  }
0x1e8: {  	s11 =	simm.s32 @!p1 $0x700  }
0x1e9: {  	[tilespmem:s7], [sflag:$0x3] =	stream.indirect.gather @!p1 [hbm4b:s5+s21], $0x80, s11, s21, $0xb8;
	[tilespmem:$0x1C080] =	vst v63  }
0x1ea: {  	_ =	swait.ge [sflag:s13], $0x1900  }
0x1eb: {  	[sflag:s13] =	ssyncset.done $0x0  }
0x1ec: {  	s11 =	rddreg [dreg:$0x10];
	[sflag:s13] =	ssyncadd.s32 $0xFFFFE700  }
0x1ed: {  	[spmem:s2] =	stream.indirect.scatter.add.f32 [tilespmem:s14], [sflag:$0x8], $0x80, s11, s31, $0xb8;
	[tilespmem:$0x1C080] =	vst v63  }
0x1ee: {  	_ =	swait.ge [sflag:s15], $0x1900  }
0x1ef: {  	[sflag:s15] =	ssyncset.done $0x0  }
0x1f0: {  	s11 =	simm.s32 @p1 $0x780;
	[sflag:s15] =	ssyncadd.s32 $0xFFFFE700  }
0x1f1: {  	[tilespmem:s6], [sflag:$0x4] =	stream.indirect.gather @p1 [hbm4b:s4+s16], $0x80, s11, s16, $0xb8;
	[tilespmem:$0x1C080] =	vst v63  }
0x1f2: {  	s11 =	simm.s32 @!p1 $0x780  }
0x1f3: {  	[tilespmem:s18], [sflag:$0x4] =	stream.indirect.gather @!p1 [hbm4b:s5+s21], $0x80, s11, s21, $0xb8;
	[tilespmem:$0x1C080] =	vst v63  }
0x1f4: {  	_ =	swait.ge [sflag:s28], $0x1900  }
0x1f5: {  	[sflag:s28] =	ssyncset.done $0x0  }
0x1f6: {  	s11 =	rddreg [dreg:$0x11];
	[sflag:s28] =	ssyncadd.s32 $0xFFFFE700  }
0x1f7: {  	[spmem:s2] =	stream.indirect.scatter.add.f32 [tilespmem:s26], [sflag:$0x5], $0x80, s11, s31, $0xb8;
	[tilespmem:$0x1C080] =	vst v63  }
0x1f8: {  	_ =	swait.ge [sflag:s0], $0x1900  }
0x1f9: {  	[sflag:s0] =	ssyncset.done $0x0  }
0x1fa: {  	s11 =	simm.s32 @p1 $0x800;
	[sflag:s0] =	ssyncadd.s32 $0xFFFFE700  }
0x1fb: {  	[tilespmem:s17], [sflag:$0x1] =	stream.indirect.gather @p1 [hbm4b:s4+s16], $0x80, s11, s16, $0xb8;
	[tilespmem:$0x1C080] =	vst v63  }
0x1fc: {  	s11 =	simm.s32 @!p1 $0x800  }
0x1fd: {  	[tilespmem:s22], [sflag:$0x1] =	stream.indirect.gather @!p1 [hbm4b:s5+s21], $0x80, s11, s21, $0xb8;
	[tilespmem:$0x1C080] =	vst v63  }
0x1fe: {  	_ =	swait.ge [sflag:s1], $0x1900  }
0x1ff: {  	[sflag:s1] =	ssyncset.done $0x0  }
0x200: {  	s22 =	rddreg [dreg:$0x12];
	[sflag:s1] =	ssyncadd.s32 $0xFFFFE700  }
0x201: {  	[spmem:s2] =	stream.indirect.scatter.add.f32 [tilespmem:s20], [sflag:$0x6], $0x80, s22, s31, $0xb8;
	[tilespmem:$0x1C080] =	vst v63  }
0x202: {  	_ =	swait.ge [sflag:s9], $0x1900  }
0x203: {  	[sflag:s9] =	ssyncset.done $0x0  }
0x204: {  	s11 =	simm.s32 @p1 $0x880;
	[sflag:s9] =	ssyncadd.s32 $0xFFFFE700  }
0x205: {  	[tilespmem:s23], [sflag:$0x2] =	stream.indirect.gather @p1 [hbm4b:s4+s16], $0x80, s11, s16, $0xb8;
	[tilespmem:$0x1C080] =	vst v63  }
0x206: {  	s11 =	simm.s32 @!p1 $0x880  }
0x207: {  	[tilespmem:s24], [sflag:$0x2] =	stream.indirect.gather @!p1 [hbm4b:s5+s21], $0x80, s11, s21, $0xb8;
	[tilespmem:$0x1C080] =	vst v63  }
0x208: {  	_ =	swait.ge [sflag:s10], $0x1900  }
0x209: {  	[sflag:s10] =	ssyncset.done $0x0  }
0x20a: {  	s17 =	rddreg [dreg:$0x13];
	[sflag:s10] =	ssyncadd.s32 $0xFFFFE700  }
0x20b: {  	[spmem:s2] =	stream.indirect.scatter.add.f32 [tilespmem:s19], [sflag:$0x7], $0x80, s17, s31, $0xb8;
	[tilespmem:$0x1C080] =	vst v63  }
0x20c: {  	_ =	swait.ge [sflag:s12], $0x1900  }
0x20d: {  	[sflag:s12] =	ssyncset.done $0x0  }
0x20e: {  	s11 =	simm.s32 @p1 $0x900;
	[sflag:s12] =	ssyncadd.s32 $0xFFFFE700  }
0x20f: {  	[tilespmem:s30], [sflag:$0x3] =	stream.indirect.gather @p1 [hbm4b:s4+s16], $0x80, s11, s16, $0xb8;
	[tilespmem:$0x1C080] =	vst v63  }
0x210: {  	s11 =	simm.s32 @!p1 $0x900  }
0x211: {  	[tilespmem:s7], [sflag:$0x3] =	stream.indirect.gather @!p1 [hbm4b:s5+s21], $0x80, s11, s21, $0xb8;
	[tilespmem:$0x1C080] =	vst v63  }
0x212: {  	_ =	swait.ge [sflag:s13], $0x1900  }
0x213: {  	[sflag:s13] =	ssyncset.done $0x0  }
0x214: {  	s20 =	rddreg [dreg:$0x14];
	[sflag:s13] =	ssyncadd.s32 $0xFFFFE700  }
0x215: {  	[spmem:s2] =	stream.indirect.scatter.add.f32 [tilespmem:s14], [sflag:$0x8], $0x80, s20, s31, $0xb8;
	[tilespmem:$0x1C080] =	vst v63  }
0x216: {  	_ =	swait.ge [sflag:s15], $0x1900  }
0x217: {  	[sflag:s15] =	ssyncset.done $0x0  }
0x218: {  	s11 =	simm.s32 @p1 $0x980;
	[sflag:s15] =	ssyncadd.s32 $0xFFFFE700  }
0x219: {  	[tilespmem:s6], [sflag:$0x4] =	stream.indirect.gather @p1 [hbm4b:s4+s16], $0x80, s11, s16, $0xb8;
	[tilespmem:$0x1C080] =	vst v63  }
0x21a: {  	s6 =	simm.s32 @!p1 $0x980  }
0x21b: {  	[tilespmem:s18], [sflag:$0x4] =	stream.indirect.gather @!p1 [hbm4b:s5+s21], $0x80, s6, s21, $0xb8;
	[tilespmem:$0x1C080] =	vst v63  }
0x21c: {  	_ =	swait.ge [sflag:s28], $0x1900  }
0x21d: {  	[sflag:s28] =	ssyncset.done $0x0  }
0x21e: {  	s22 =	rddreg [dreg:$0x15];
	[sflag:s28] =	ssyncadd.s32 $0xFFFFE700  }
0x21f: {  	[spmem:s2] =	stream.indirect.scatter.add.f32 [tilespmem:s26], [sflag:$0x5], $0x80, s22, s31, $0xb8;
	[tilespmem:$0x1C080] =	vst v63  }
0x220: {  	_ =	swait.ge [sflag:s1], $0x1900  }
0x221: {  	[sflag:s1] =	ssyncset.done $0x0  }
0x222: {  	s7 =	simm.s32 $0x3400;
	s23 =	rddreg [dreg:$0x16];
	[sflag:s1] =	ssyncadd.s32 $0xFFFFE700  }
0x223: {  	[spmem:s2] =	stream.indirect.scatter.add.f32 [tilespmem:s7], [sflag:$0x6], $0x80, s23, s31, $0xb8;
	[tilespmem:$0x1C080] =	vst v63  }
0x224: {  	_ =	swait.ge [sflag:s10], $0x1900  }
0x225: {  	[sflag:s10] =	ssyncset.done $0x0  }
0x226: {  	s24 =	rddreg [dreg:$0x17];
	[sflag:s10] =	ssyncadd.s32 $0xFFFFE700  }
0x227: {  	[spmem:s2] =	stream.indirect.scatter.add.f32 [tilespmem:s19], [sflag:$0x7], $0x80, s24, s31, $0xb8;
	[tilespmem:$0x1C080] =	vst v63  }
0x228: {  	_ =	swait.ge [sflag:s13], $0x1900  }
0x229: {  	[sflag:s13] =	ssyncset.done $0x0  }
0x22a: {  	s30 =	rddreg [dreg:$0x18];
	[sflag:s13] =	ssyncadd.s32 $0xFFFFE700  }
0x22b: {  	[spmem:s2] =	stream.indirect.scatter.add.f32 [tilespmem:s14], [sflag:$0x8], $0x80, s30, s31, $0xb8;
	[tilespmem:$0x1C080] =	vst v63  }
0x22c: {  	_ =	swait.ge [sflag:s0], $0x1900  }
0x22d: {  	[sflag:s0] =	ssyncset.done $0x0  }
0x22e: {  	[sflag:s0] =	ssyncadd.s32 $0xFFFFE700  }
0x22f: {  	_ =	swait.ge [sflag:s9], $0x1900  }
0x230: {  	s3 =	sadd.s32 $0x180, s3;
	[sflag:s9] =	ssyncset.done $0x0  }
0x231: {  	p2 =	sne.s32 s3, $0xF00;
	[sflag:s9] =	ssyncadd.s32 $0xFFFFE700  }
.Ltmp1:
0x232: {  	_ =	swait.ge [sflag:s12], $0x1900;
	(pc) =	sbr.rel @p2 .LBB2_4-.Ltmp1, $4  }
0x233: {  	[sflag:s12] =	ssyncset.done $0x0  }
0x234: {  	[sflag:s12] =	ssyncadd.s32 $0xFFFFE700  }
0x235: {  	_ =	swait.ge [sflag:s15], $0x1900  }
0x236: {  	s11 =	rddreg [dreg:$0x4];
	[sflag:s15] =	ssyncset.done $0x0  }
0x237: {  	[sflag:s15] =	ssyncadd.s32 $0xFFFFE700;
	s3 =	sadd.s32 s8, s11;
	s23 =	simm.s32 $0x0  }
0x238: {  	[tilespmem:s23], [sflag:$0x9] =	stream.linear.gather [hbm4b:s3+s23], $0xA00, $0x38;
	[tilespmem:$0x1C080] =	vst v63  }
0x239: {  	_ =	swait.ge [sflag:s29], $0xA00  }
0x23a: {  	s16 =	rddreg [dreg:$0x5];
	[sflag:s29] =	ssyncset.done $0x0  }
0x23b: {  	s17 =	simm.s32 $0xC00;
	[sflag:s29] =	ssyncadd.s32 $0xFFFFF600;
	s3 =	sadd.s32 s8, s16  }
0x23c: {  	[tilespmem:s17], [sflag:$0x9] =	stream.linear.gather [hbm4b:s3+s23], $0xA00, $0x38;
	[tilespmem:$0x1C080] =	vst v63  }
0x23d: {  	_ =	swait.ge [sflag:s29], $0xA00  }
0x23e: {  	s6 =	simm.s32 @p0 $0x32;
	[sflag:s29] =	ssyncset.done $0x0  }
0x23f: {  	s8 =	simm.s32 @p0 $0x0;
	s3 =	simm.s32 @p0 $0x1800;
	[sflag:s29] =	ssyncadd.s32 $0xFFFFF600  }
0x240: {  	[tilespmem:s3], [sflag:$0x1] =	stream.indirect.gather @p0 [hbm4b:s5+s6], $0x80, s8, s6, $0xb8;
	[tilespmem:$0x1C080] =	vst v63  }
0x241: {  	s11 =	simm.s32 @p0 $0x3400;
	s8 =	simm.s32 @p0 $0x80  }
0x242: {  	[tilespmem:s11], [sflag:$0x2] =	stream.indirect.gather @p0 [hbm4b:s5+s6], $0x80, s8, s6, $0xb8;
	[tilespmem:$0x1C080] =	vst v63  }
0x243: {  	s14 =	simm.s32 @p0 $0x5000;
	s8 =	simm.s32 @p0 $0x100  }
0x244: {  	[tilespmem:s14], [sflag:$0x3] =	stream.indirect.gather @p0 [hbm4b:s5+s6], $0x80, s8, s6, $0xb8;
	[tilespmem:$0x1C080] =	vst v63  }
0x245: {  	s16 =	simm.s32 @p0 $0x6C00;
	s8 =	simm.s32 @p0 $0x180  }
0x246: {  	[tilespmem:s16], [sflag:$0x4] =	stream.indirect.gather @p0 [hbm4b:s5+s6], $0x80, s8, s6, $0xb8;
	[tilespmem:$0x1C080] =	vst v63  }
0x247: {  	s21 =	simm.s32 @!p0 $0x1800;
	s8 =	simm.s32 @!p0 $0x32;
	s16 =	simm.s32 @!p0 $0x0  }
0x248: {  	[tilespmem:s21], [sflag:$0x1] =	stream.indirect.gather @!p0 [hbm4b:s4+s8], $0x80, s16, s8, $0xb8;
	[tilespmem:$0x1C080] =	vst v63  }
0x249: {  	s18 =	simm.s32 @!p0 $0x3400;
	s16 =	simm.s32 @!p0 $0x80  }
0x24a: {  	[tilespmem:s18], [sflag:$0x2] =	stream.indirect.gather @!p0 [hbm4b:s4+s8], $0x80, s16, s8, $0xb8;
	[tilespmem:$0x1C080] =	vst v63  }
0x24b: {  	s19 =	simm.s32 @!p0 $0x5000;
	s16 =	simm.s32 @!p0 $0x100  }
0x24c: {  	[tilespmem:s19], [sflag:$0x3] =	stream.indirect.gather @!p0 [hbm4b:s4+s8], $0x80, s16, s8, $0xb8;
	[tilespmem:$0x1C080] =	vst v63  }
0x24d: {  	s20 =	simm.s32 @!p0 $0x6C00;
	s16 =	simm.s32 @!p0 $0x180  }
0x24e: {  	[tilespmem:s20], [sflag:$0x4] =	stream.indirect.gather @!p0 [hbm4b:s4+s8], $0x80, s16, s8, $0xb8;
	[tilespmem:$0x1C080] =	vst v63  }
0x24f: {  	_ =	swait.ge [sflag:s28], $0x1900  }
0x250: {  	[sflag:s28] =	ssyncset.done $0x0  }
0x251: {  	[sflag:s28] =	ssyncadd.s32 $0xFFFFE700  }
0x252: {  	[spmem:s2] =	stream.indirect.scatter.add.f32 [tilespmem:s26], [sflag:$0x5], $0x80, s17, s31, $0xb8;
	[tilespmem:$0x1C080] =	vst v63  }
0x253: {  	_ =	swait.ge [sflag:s0], $0x1900  }
0x254: {  	[sflag:s0] =	ssyncset.done $0x0  }
0x255: {  	s16 =	simm.s32 @p0 $0x200;
	[sflag:s0] =	ssyncadd.s32 $0xFFFFE700  }
0x256: {  	[tilespmem:s3], [sflag:$0x1] =	stream.indirect.gather @p0 [hbm4b:s5+s6], $0x80, s16, s6, $0xb8;
	[tilespmem:$0x1C080] =	vst v63  }
0x257: {  	s3 =	simm.s32 @!p0 $0x200  }
0x258: {  	[tilespmem:s21], [sflag:$0x1] =	stream.indirect.gather @!p0 [hbm4b:s4+s8], $0x80, s3, s8, $0xb8;
	[tilespmem:$0x1C080] =	vst v63  }
0x259: {  	_ =	swait.ge [sflag:s1], $0x1900  }
0x25a: {  	[sflag:s1] =	ssyncset.done $0x0  }
0x25b: {  	s17 =	rddreg [dreg:$0x6];
	[sflag:s1] =	ssyncadd.s32 $0xFFFFE700  }
0x25c: {  	[spmem:s2] =	stream.indirect.scatter.add.f32 [tilespmem:s7], [sflag:$0x6], $0x80, s17, s31, $0xb8;
	[tilespmem:$0x1C080] =	vst v63  }
0x25d: {  	_ =	swait.ge [sflag:s9], $0x1900  }
0x25e: {  	[sflag:s9] =	ssyncset.done $0x0  }
0x25f: {  	s3 =	simm.s32 @p0 $0x280;
	[sflag:s9] =	ssyncadd.s32 $0xFFFFE700  }
0x260: {  	[tilespmem:s11], [sflag:$0x2] =	stream.indirect.gather @p0 [hbm4b:s5+s6], $0x80, s3, s6, $0xb8;
	[tilespmem:$0x1C080] =	vst v63  }
0x261: {  	s3 =	simm.s32 @!p0 $0x280  }
0x262: {  	[tilespmem:s18], [sflag:$0x2] =	stream.indirect.gather @!p0 [hbm4b:s4+s8], $0x80, s3, s8, $0xb8;
	[tilespmem:$0x1C080] =	vst v63  }
0x263: {  	_ =	swait.ge [sflag:s10], $0x1900  }
0x264: {  	[sflag:s10] =	ssyncset.done $0x0  }
0x265: {  	s24 =	simm.s32 $0x5000;
	s18 =	rddreg [dreg:$0x7];
	[sflag:s10] =	ssyncadd.s32 $0xFFFFE700  }
0x266: {  	[spmem:s2] =	stream.indirect.scatter.add.f32 [tilespmem:s24], [sflag:$0x7], $0x80, s18, s31, $0xb8;
	[tilespmem:$0x1C080] =	vst v63  }
0x267: {  	_ =	swait.ge [sflag:s12], $0x1900  }
0x268: {  	[sflag:s12] =	ssyncset.done $0x0  }
0x269: {  	s3 =	simm.s32 @p0 $0x300;
	[sflag:s12] =	ssyncadd.s32 $0xFFFFE700  }
0x26a: {  	[tilespmem:s14], [sflag:$0x3] =	stream.indirect.gather @p0 [hbm4b:s5+s6], $0x80, s3, s6, $0xb8;
	[tilespmem:$0x1C080] =	vst v63  }
0x26b: {  	s3 =	simm.s32 @!p0 $0x300  }
0x26c: {  	[tilespmem:s19], [sflag:$0x3] =	stream.indirect.gather @!p0 [hbm4b:s4+s8], $0x80, s3, s8, $0xb8;
	[tilespmem:$0x1C080] =	vst v63  }
0x26d: {  	_ =	swait.ge [sflag:s13], $0x1900  }
0x26e: {  	[sflag:s13] =	ssyncset.done $0x0  }
0x26f: {  	s17 =	simm.s32 $0x6C00;
	s19 =	rddreg [dreg:$0x8];
	[sflag:s13] =	ssyncadd.s32 $0xFFFFE700  }
0x270: {  	[spmem:s2] =	stream.indirect.scatter.add.f32 [tilespmem:s17], [sflag:$0x8], $0x80, s19, s31, $0xb8;
	[tilespmem:$0x1C080] =	vst v63  }
0x271: {  	_ =	swait.ge [sflag:s15], $0x1900  }
0x272: {  	s6 =	simm.s32 @p1 $0x32;
	[sflag:s15] =	ssyncset.done $0x0  }
0x273: {  	s3 =	simm.s32 @p1 $0x6C00;
	s8 =	simm.s32 @p1 $0x380;
	[sflag:s15] =	ssyncadd.s32 $0xFFFFE700  }
0x274: {  	[tilespmem:s3], [sflag:$0x4] =	stream.indirect.gather @p1 [hbm4b:s4+s6], $0x80, s8, s6, $0xb8;
	[tilespmem:$0x1C080] =	vst v63  }
0x275: {  	s16 =	simm.s32 @!p1 $0x6C00;
	s11 =	simm.s32 @!p1 $0x380;
	s8 =	simm.s32 @!p1 $0x32  }
0x276: {  	[tilespmem:s16], [sflag:$0x4] =	stream.indirect.gather @!p1 [hbm4b:s5+s8], $0x80, s11, s8, $0xb8;
	[tilespmem:$0x1C080] =	vst v63  }
0x277: {  	_ =	swait.ge [sflag:s28], $0x1900  }
0x278: {  	[sflag:s28] =	ssyncset.done $0x0  }
0x279: {  	s20 =	rddreg [dreg:$0x9];
	[sflag:s28] =	ssyncadd.s32 $0xFFFFE700  }
0x27a: {  	[spmem:s2] =	stream.indirect.scatter.add.f32 [tilespmem:s26], [sflag:$0x5], $0x80, s20, s31, $0xb8;
	[tilespmem:$0x1C080] =	vst v63  }
0x27b: {  	_ =	swait.ge [sflag:s0], $0x1900  }
0x27c: {  	[sflag:s0] =	ssyncset.done $0x0  }
0x27d: {  	s14 =	simm.s32 @p1 $0x1800;
	s11 =	simm.s32 @p1 $0x400;
	[sflag:s0] =	ssyncadd.s32 $0xFFFFE700  }
0x27e: {  	[tilespmem:s14], [sflag:$0x1] =	stream.indirect.gather @p1 [hbm4b:s4+s6], $0x80, s11, s6, $0xb8;
	[tilespmem:$0x1C080] =	vst v63  }
0x27f: {  	s18 =	simm.s32 @!p1 $0x1800;
	s11 =	simm.s32 @!p1 $0x400  }
0x280: {  	[tilespmem:s18], [sflag:$0x1] =	stream.indirect.gather @!p1 [hbm4b:s5+s8], $0x80, s11, s8, $0xb8;
	[tilespmem:$0x1C080] =	vst v63  }
0x281: {  	_ =	swait.ge [sflag:s1], $0x1900  }
0x282: {  	[sflag:s1] =	ssyncset.done $0x0  }
0x283: {  	s21 =	rddreg [dreg:$0xa];
	[sflag:s1] =	ssyncadd.s32 $0xFFFFE700  }
0x284: {  	[spmem:s2] =	stream.indirect.scatter.add.f32 [tilespmem:s7], [sflag:$0x6], $0x80, s21, s31, $0xb8;
	[tilespmem:$0x1C080] =	vst v63  }
0x285: {  	_ =	swait.ge [sflag:s9], $0x1900  }
0x286: {  	[sflag:s9] =	ssyncset.done $0x0  }
0x287: {  	s19 =	simm.s32 @p1 $0x3400;
	s11 =	simm.s32 @p1 $0x480;
	[sflag:s9] =	ssyncadd.s32 $0xFFFFE700  }
0x288: {  	[tilespmem:s19], [sflag:$0x2] =	stream.indirect.gather @p1 [hbm4b:s4+s6], $0x80, s11, s6, $0xb8;
	[tilespmem:$0x1C080] =	vst v63  }
0x289: {  	s20 =	simm.s32 @!p1 $0x3400;
	s11 =	simm.s32 @!p1 $0x480  }
0x28a: {  	[tilespmem:s20], [sflag:$0x2] =	stream.indirect.gather @!p1 [hbm4b:s5+s8], $0x80, s11, s8, $0xb8;
	[tilespmem:$0x1C080] =	vst v63  }
0x28b: {  	_ =	swait.ge [sflag:s10], $0x1900  }
0x28c: {  	[sflag:s10] =	ssyncset.done $0x0  }
0x28d: {  	s22 =	rddreg [dreg:$0xb];
	[sflag:s10] =	ssyncadd.s32 $0xFFFFE700  }
0x28e: {  	[spmem:s2] =	stream.indirect.scatter.add.f32 [tilespmem:s24], [sflag:$0x7], $0x80, s22, s31, $0xb8;
	[tilespmem:$0x1C080] =	vst v63  }
0x28f: {  	_ =	swait.ge [sflag:s12], $0x1900  }
0x290: {  	[sflag:s12] =	ssyncset.done $0x0  }
0x291: {  	s21 =	simm.s32 @p1 $0x5000;
	s11 =	simm.s32 @p1 $0x500;
	[sflag:s12] =	ssyncadd.s32 $0xFFFFE700  }
0x292: {  	[tilespmem:s21], [sflag:$0x3] =	stream.indirect.gather @p1 [hbm4b:s4+s6], $0x80, s11, s6, $0xb8;
	[tilespmem:$0x1C080] =	vst v63  }
0x293: {  	s22 =	simm.s32 @!p1 $0x5000;
	s11 =	simm.s32 @!p1 $0x500  }
0x294: {  	[tilespmem:s22], [sflag:$0x3] =	stream.indirect.gather @!p1 [hbm4b:s5+s8], $0x80, s11, s8, $0xb8;
	[tilespmem:$0x1C080] =	vst v63  }
0x295: {  	_ =	swait.ge [sflag:s13], $0x1900  }
0x296: {  	[sflag:s13] =	ssyncset.done $0x0  }
0x297: {  	s25 =	rddreg [dreg:$0xc];
	[sflag:s13] =	ssyncadd.s32 $0xFFFFE700  }
0x298: {  	[spmem:s2] =	stream.indirect.scatter.add.f32 [tilespmem:s17], [sflag:$0x8], $0x80, s25, s31, $0xb8;
	[tilespmem:$0x1C080] =	vst v63  }
0x299: {  	_ =	swait.ge [sflag:s15], $0x1900  }
0x29a: {  	[sflag:s15] =	ssyncset.done $0x0  }
0x29b: {  	s11 =	simm.s32 @p1 $0x580;
	[sflag:s15] =	ssyncadd.s32 $0xFFFFE700  }
0x29c: {  	[tilespmem:s3], [sflag:$0x4] =	stream.indirect.gather @p1 [hbm4b:s4+s6], $0x80, s11, s6, $0xb8;
	[tilespmem:$0x1C080] =	vst v63  }
0x29d: {  	s11 =	simm.s32 @!p1 $0x580  }
0x29e: {  	[tilespmem:s16], [sflag:$0x4] =	stream.indirect.gather @!p1 [hbm4b:s5+s8], $0x80, s11, s8, $0xb8;
	[tilespmem:$0x1C080] =	vst v63  }
0x29f: {  	_ =	swait.ge [sflag:s28], $0x1900  }
0x2a0: {  	[sflag:s28] =	ssyncset.done $0x0  }
0x2a1: {  	s30 =	rddreg [dreg:$0xd];
	[sflag:s28] =	ssyncadd.s32 $0xFFFFE700  }
0x2a2: {  	[spmem:s2] =	stream.indirect.scatter.add.f32 [tilespmem:s26], [sflag:$0x5], $0x80, s30, s31, $0xb8;
	[tilespmem:$0x1C080] =	vst v63  }
0x2a3: {  	_ =	swait.ge [sflag:s0], $0x1900  }
0x2a4: {  	[sflag:s0] =	ssyncset.done $0x0  }
0x2a5: {  	s11 =	simm.s32 @p1 $0x600;
	[sflag:s0] =	ssyncadd.s32 $0xFFFFE700  }
0x2a6: {  	[tilespmem:s14], [sflag:$0x1] =	stream.indirect.gather @p1 [hbm4b:s4+s6], $0x80, s11, s6, $0xb8;
	[tilespmem:$0x1C080] =	vst v63  }
0x2a7: {  	s11 =	simm.s32 @!p1 $0x600  }
0x2a8: {  	[tilespmem:s18], [sflag:$0x1] =	stream.indirect.gather @!p1 [hbm4b:s5+s8], $0x80, s11, s8, $0xb8;
	[tilespmem:$0x1C080] =	vst v63  }
0x2a9: {  	_ =	swait.ge [sflag:s1], $0x1900  }
0x2aa: {  	[sflag:s1] =	ssyncset.done $0x0  }
0x2ab: {  	s25 =	rddreg [dreg:$0xe];
	[sflag:s1] =	ssyncadd.s32 $0xFFFFE700  }
0x2ac: {  	[spmem:s2] =	stream.indirect.scatter.add.f32 [tilespmem:s7], [sflag:$0x6], $0x80, s25, s31, $0xb8;
	[tilespmem:$0x1C080] =	vst v63  }
0x2ad: {  	_ =	swait.ge [sflag:s9], $0x1900  }
0x2ae: {  	[sflag:s9] =	ssyncset.done $0x0  }
0x2af: {  	s11 =	simm.s32 @p1 $0x680;
	[sflag:s9] =	ssyncadd.s32 $0xFFFFE700  }
0x2b0: {  	[tilespmem:s19], [sflag:$0x2] =	stream.indirect.gather @p1 [hbm4b:s4+s6], $0x80, s11, s6, $0xb8;
	[tilespmem:$0x1C080] =	vst v63  }
0x2b1: {  	s11 =	simm.s32 @!p1 $0x680  }
0x2b2: {  	[tilespmem:s20], [sflag:$0x2] =	stream.indirect.gather @!p1 [hbm4b:s5+s8], $0x80, s11, s8, $0xb8;
	[tilespmem:$0x1C080] =	vst v63  }
0x2b3: {  	_ =	swait.ge [sflag:s10], $0x1900  }
0x2b4: {  	[sflag:s10] =	ssyncset.done $0x0  }
0x2b5: {  	s30 =	rddreg [dreg:$0xf];
	[sflag:s10] =	ssyncadd.s32 $0xFFFFE700  }
0x2b6: {  	[spmem:s2] =	stream.indirect.scatter.add.f32 [tilespmem:s24], [sflag:$0x7], $0x80, s30, s31, $0xb8;
	[tilespmem:$0x1C080] =	vst v63  }
0x2b7: {  	_ =	swait.ge [sflag:s12], $0x1900  }
0x2b8: {  	[sflag:s12] =	ssyncset.done $0x0  }
0x2b9: {  	s11 =	simm.s32 @p1 $0x700;
	[sflag:s12] =	ssyncadd.s32 $0xFFFFE700  }
0x2ba: {  	[tilespmem:s21], [sflag:$0x3] =	stream.indirect.gather @p1 [hbm4b:s4+s6], $0x80, s11, s6, $0xb8;
	[tilespmem:$0x1C080] =	vst v63  }
0x2bb: {  	s11 =	simm.s32 @!p1 $0x700  }
0x2bc: {  	[tilespmem:s22], [sflag:$0x3] =	stream.indirect.gather @!p1 [hbm4b:s5+s8], $0x80, s11, s8, $0xb8;
	[tilespmem:$0x1C080] =	vst v63  }
0x2bd: {  	_ =	swait.ge [sflag:s13], $0x1900  }
0x2be: {  	[sflag:s13] =	ssyncset.done $0x0  }
0x2bf: {  	s25 =	rddreg [dreg:$0x10];
	[sflag:s13] =	ssyncadd.s32 $0xFFFFE700  }
0x2c0: {  	[spmem:s2] =	stream.indirect.scatter.add.f32 [tilespmem:s17], [sflag:$0x8], $0x80, s25, s31, $0xb8;
	[tilespmem:$0x1C080] =	vst v63  }
0x2c1: {  	_ =	swait.ge [sflag:s15], $0x1900  }
0x2c2: {  	[sflag:s15] =	ssyncset.done $0x0  }
0x2c3: {  	s11 =	simm.s32 @p1 $0x780;
	[sflag:s15] =	ssyncadd.s32 $0xFFFFE700  }
0x2c4: {  	[tilespmem:s3], [sflag:$0x4] =	stream.indirect.gather @p1 [hbm4b:s4+s6], $0x80, s11, s6, $0xb8;
	[tilespmem:$0x1C080] =	vst v63  }
0x2c5: {  	s11 =	simm.s32 @!p1 $0x780  }
0x2c6: {  	[tilespmem:s16], [sflag:$0x4] =	stream.indirect.gather @!p1 [hbm4b:s5+s8], $0x80, s11, s8, $0xb8;
	[tilespmem:$0x1C080] =	vst v63  }
0x2c7: {  	_ =	swait.ge [sflag:s28], $0x1900  }
0x2c8: {  	[sflag:s28] =	ssyncset.done $0x0  }
0x2c9: {  	s30 =	rddreg [dreg:$0x11];
	[sflag:s28] =	ssyncadd.s32 $0xFFFFE700  }
0x2ca: {  	[spmem:s2] =	stream.indirect.scatter.add.f32 [tilespmem:s26], [sflag:$0x5], $0x80, s30, s31, $0xb8;
	[tilespmem:$0x1C080] =	vst v63  }
0x2cb: {  	_ =	swait.ge [sflag:s0], $0x1900  }
0x2cc: {  	[sflag:s0] =	ssyncset.done $0x0  }
0x2cd: {  	s11 =	simm.s32 @p1 $0x800;
	[sflag:s0] =	ssyncadd.s32 $0xFFFFE700  }
0x2ce: {  	[tilespmem:s14], [sflag:$0x1] =	stream.indirect.gather @p1 [hbm4b:s4+s6], $0x80, s11, s6, $0xb8;
	[tilespmem:$0x1C080] =	vst v63  }
0x2cf: {  	s11 =	simm.s32 @!p1 $0x800  }
0x2d0: {  	[tilespmem:s18], [sflag:$0x1] =	stream.indirect.gather @!p1 [hbm4b:s5+s8], $0x80, s11, s8, $0xb8;
	[tilespmem:$0x1C080] =	vst v63  }
0x2d1: {  	_ =	swait.ge [sflag:s1], $0x1900  }
0x2d2: {  	[sflag:s1] =	ssyncset.done $0x0  }
0x2d3: {  	s18 =	rddreg [dreg:$0x12];
	[sflag:s1] =	ssyncadd.s32 $0xFFFFE700  }
0x2d4: {  	[spmem:s2] =	stream.indirect.scatter.add.f32 [tilespmem:s7], [sflag:$0x6], $0x80, s18, s31, $0xb8;
	[tilespmem:$0x1C080] =	vst v63  }
0x2d5: {  	_ =	swait.ge [sflag:s9], $0x1900  }
0x2d6: {  	[sflag:s9] =	ssyncset.done $0x0  }
0x2d7: {  	s11 =	simm.s32 @p1 $0x880;
	[sflag:s9] =	ssyncadd.s32 $0xFFFFE700  }
0x2d8: {  	[tilespmem:s19], [sflag:$0x2] =	stream.indirect.gather @p1 [hbm4b:s4+s6], $0x80, s11, s6, $0xb8;
	[tilespmem:$0x1C080] =	vst v63  }
0x2d9: {  	s11 =	simm.s32 @!p1 $0x880  }
0x2da: {  	[tilespmem:s20], [sflag:$0x2] =	stream.indirect.gather @!p1 [hbm4b:s5+s8], $0x80, s11, s8, $0xb8;
	[tilespmem:$0x1C080] =	vst v63  }
0x2db: {  	_ =	swait.ge [sflag:s10], $0x1900  }
0x2dc: {  	[sflag:s10] =	ssyncset.done $0x0  }
0x2dd: {  	s25 =	rddreg [dreg:$0x13];
	[sflag:s10] =	ssyncadd.s32 $0xFFFFE700  }
0x2de: {  	[spmem:s2] =	stream.indirect.scatter.add.f32 [tilespmem:s24], [sflag:$0x7], $0x80, s25, s31, $0xb8;
	[tilespmem:$0x1C080] =	vst v63  }
0x2df: {  	_ =	swait.ge [sflag:s12], $0x1900  }
0x2e0: {  	[sflag:s12] =	ssyncset.done $0x0  }
0x2e1: {  	s11 =	simm.s32 @p1 $0x900;
	[sflag:s12] =	ssyncadd.s32 $0xFFFFE700  }
0x2e2: {  	[tilespmem:s21], [sflag:$0x3] =	stream.indirect.gather @p1 [hbm4b:s4+s6], $0x80, s11, s6, $0xb8;
	[tilespmem:$0x1C080] =	vst v63  }
0x2e3: {  	s11 =	simm.s32 @!p1 $0x900  }
0x2e4: {  	[tilespmem:s22], [sflag:$0x3] =	stream.indirect.gather @!p1 [hbm4b:s5+s8], $0x80, s11, s8, $0xb8;
	[tilespmem:$0x1C080] =	vst v63  }
0x2e5: {  	_ =	swait.ge [sflag:s13], $0x1900  }
0x2e6: {  	[sflag:s13] =	ssyncset.done $0x0  }
0x2e7: {  	s30 =	rddreg [dreg:$0x14];
	[sflag:s13] =	ssyncadd.s32 $0xFFFFE700  }
0x2e8: {  	[spmem:s2] =	stream.indirect.scatter.add.f32 [tilespmem:s17], [sflag:$0x8], $0x80, s30, s31, $0xb8;
	[tilespmem:$0x1C080] =	vst v63  }
0x2e9: {  	_ =	swait.ge [sflag:s15], $0x1900  }
0x2ea: {  	[sflag:s15] =	ssyncset.done $0x0  }
0x2eb: {  	s11 =	simm.s32 @p1 $0x980;
	[sflag:s15] =	ssyncadd.s32 $0xFFFFE700  }
0x2ec: {  	[tilespmem:s3], [sflag:$0x4] =	stream.indirect.gather @p1 [hbm4b:s4+s6], $0x80, s11, s6, $0xb8;
	[tilespmem:$0x1C080] =	vst v63  }
0x2ed: {  	s3 =	simm.s32 @!p1 $0x980  }
0x2ee: {  	[tilespmem:s16], [sflag:$0x4] =	stream.indirect.gather @!p1 [hbm4b:s5+s8], $0x80, s3, s8, $0xb8;
	[tilespmem:$0x1C080] =	vst v63  }
0x2ef: {  	_ =	swait.ge [sflag:s28], $0x1900  }
0x2f0: {  	[sflag:s28] =	ssyncset.done $0x0  }
0x2f1: {  	s14 =	rddreg [dreg:$0x15];
	[sflag:s28] =	ssyncadd.s32 $0xFFFFE700  }
0x2f2: {  	[spmem:s2] =	stream.indirect.scatter.add.f32 [tilespmem:s26], [sflag:$0x5], $0x80, s14, s31, $0xb8;
	[tilespmem:$0x1C080] =	vst v63  }
0x2f3: {  	_ =	swait.ge [sflag:s1], $0x1900  }
0x2f4: {  	[sflag:s1] =	ssyncset.done $0x0  }
0x2f5: {  	s16 =	rddreg [dreg:$0x16];
	[sflag:s1] =	ssyncadd.s32 $0xFFFFE700  }
0x2f6: {  	[spmem:s2] =	stream.indirect.scatter.add.f32 [tilespmem:s7], [sflag:$0x6], $0x80, s16, s31, $0xb8;
	[tilespmem:$0x1C080] =	vst v63  }
0x2f7: {  	_ =	swait.ge [sflag:s10], $0x1900  }
0x2f8: {  	[sflag:s10] =	ssyncset.done $0x0  }
0x2f9: {  	s18 =	rddreg [dreg:$0x17];
	[sflag:s10] =	ssyncadd.s32 $0xFFFFE700  }
0x2fa: {  	[spmem:s2] =	stream.indirect.scatter.add.f32 [tilespmem:s24], [sflag:$0x7], $0x80, s18, s31, $0xb8;
	[tilespmem:$0x1C080] =	vst v63  }
0x2fb: {  	_ =	swait.ge [sflag:s13], $0x1900  }
0x2fc: {  	[sflag:s13] =	ssyncset.done $0x0  }
0x2fd: {  	s19 =	rddreg [dreg:$0x18];
	[sflag:s13] =	ssyncadd.s32 $0xFFFFE700  }
0x2fe: {  	[spmem:s2] =	stream.indirect.scatter.add.f32 [tilespmem:s17], [sflag:$0x8], $0x80, s19, s31, $0xb8;
	[tilespmem:$0x1C080] =	vst v63  }
0x2ff: {  	_ =	swait.ge [sflag:s0], $0x1900  }
0x300: {  	[sflag:s0] =	ssyncset.done $0x0  }
0x301: {  	[sflag:s0] =	ssyncadd.s32 $0xFFFFE700  }
0x302: {  	_ =	swait.ge [sflag:s9], $0x1900  }
0x303: {  	[sflag:s9] =	ssyncset.done $0x0  }
0x304: {  	[sflag:s9] =	ssyncadd.s32 $0xFFFFE700  }
0x305: {  	_ =	swait.ge [sflag:s12], $0x1900  }
0x306: {  	[sflag:s12] =	ssyncset.done $0x0  }
0x307: {  	[sflag:s12] =	ssyncadd.s32 $0xFFFFE700  }
0x308: {  	_ =	swait.ge [sflag:s15], $0x1900  }
0x309: {  	[sflag:s15] =	ssyncset.done $0x0  }
0x30a: {  	[sflag:s15] =	ssyncadd.s32 $0xFFFFE700  }
0x30b: {  	[bflag:$0x0] =	sbarrier.arrive $0xFFFF  }
0x30c: {  	s17 =	rddreg [dreg:$0x19]  }
0x30d: {  	[tilespmem:s26], [sflag:$0x9] =	stream.linear.gather [spmem:s17], $0x1400, $0x38;
	[tilespmem:$0x1C080] =	vst v63  }
0x30e: {  	_ =	swait.ge [sflag:s29], $0x1400  }
0x30f: {  	s21 =	sld [smem:$0x7FB]  }
0x310: {  	[sflag:s29] =	ssyncset.done $0x0  }
0x311: {  	s20 =	simm.s32 $0x0;
	[sflag:s29] =	ssyncadd.s32 $0xFFFFEC00  }
0x312: {  	[hbm4b:s21+s20] =	stream.linear.scatter [tilespmem:s26], [sflag:$0x1], $0x1400, $0x38;
	[tilespmem:$0x1C080] =	vst v63  }
0x313: {  	s18 =	rddreg [dreg:$0x1b]  }
0x314: {  	[tilespmem:s7], [sflag:$0x9] =	stream.linear.gather [spmem:s18], $0x1400, $0x38;
	[tilespmem:$0x1C080] =	vst v63  }
0x315: {  	_ =	swait.ge [sflag:s29], $0x1400  }
0x316: {  	s22 =	sld [smem:$0x7FC]  }
0x317: {  	[sflag:s29] =	ssyncset.done $0x0  }
0x318: {  	[sflag:s29] =	ssyncadd.s32 $0xFFFFEC00  }
0x319: {  	[hbm4b:s22+s20] =	stream.linear.scatter [tilespmem:s7], [sflag:$0x2], $0x1400, $0x38;
	[tilespmem:$0x1C080] =	vst v63  }
0x31a: {  	_ =	swait.ge [sflag:s28], $0x1400  }
0x31b: {  	[sflag:s28] =	ssyncset.done $0x0  }
0x31c: {  	[sflag:s28] =	ssyncadd.s32 $0xFFFFEC00  }
0x31d: {  	_ =	swait.ge [sflag:s1], $0x1400  }
0x31e: {  	s24 =	sadd.s32 $0x0, s17;
	[sflag:s1] =	ssyncset.done $0x0  }
0x31f: {  	s25 =	sadd.s32 $0x2800, s24;
	[sflag:s1] =	ssyncadd.s32 $0xFFFFEC00  }
0x320: {  	[tilespmem:s26], [sflag:$0x9] =	stream.linear.gather [spmem:s25], $0x1400, $0x38;
	[tilespmem:$0x1C080] =	vst v63  }
0x321: {  	_ =	swait.ge [sflag:s29], $0x1400  }
0x322: {  	s8 =	sld [smem:$0x7FD];
	_ =	sdelay $0x1  }
0x323: {  	[sflag:s29] =	ssyncset.done $0x0  }
0x324: {  	[sflag:s29] =	ssyncadd.s32 $0xFFFFEC00;
	s30 =	sadd.s32 $0xFFFFFD80, s8  }
0x325: {  	[hbm4b:s30+s23] =	stream.linear.scatter [tilespmem:s26], [sflag:$0x1], $0x1400, $0x38;
	[tilespmem:$0x1C080] =	vst v63  }
0x326: {  	s3 =	sadd.s32 $0x3C00, s24  }
0x327: {  	[tilespmem:s7], [sflag:$0x9] =	stream.linear.gather [spmem:s3], $0x1400, $0x38;
	[tilespmem:$0x1C080] =	vst v63  }
0x328: {  	s16 =	simm.s32 $0x0;
	s19 =	simm.s32 $0xC00;
	_ =	swait.ge [sflag:s29], $0x1400  }
0x329: {  	s20 =	simm.s32 $0x6C00;
	s6 =	sadd.s32 $0x500, s8;
	[sflag:s29] =	ssyncset.done $0x0  }
0x32a: {  	s23 =	simm.s32 $0x5000;
	s3 =	simm.s32 $0xA000;
	[sflag:s29] =	ssyncadd.s32 $0xFFFFEC00  }
.LBB2_6:
0x32b: {  	[hbm4b:s8+s16] =	stream.linear.scatter [tilespmem:s7], [sflag:$0x2], $0x1400, $0x38;
	[tilespmem:$0x1C080] =	vst v63  }
0x32c: {  	s11 =	smov.u32 s3;
	s8 =	smov.u32 s6  }
0x32d: {  	p2 =	sne.s32 s3, $0x3C000;
	s3 =	sadd.s32 $0xA000, s3;
	_ =	swait.ge [sflag:s28], $0x1400  }
0x32e: {  	[sflag:s28] =	ssyncset.done $0x0  }
0x32f: {  	[sflag:s28] =	ssyncadd.s32 $0xFFFFEC00  }
0x330: {  	s11 =	sshra.s32 s11, $0x2;
	_ =	swait.ge [sflag:s1], $0x1400  }
0x331: {  	s11 =	sadd.s32 s11, s17;
	[sflag:s1] =	ssyncset.done $0x0  }
0x332: {  	s14 =	sadd.s32 $0x2800, s11;
	[sflag:s1] =	ssyncadd.s32 $0xFFFFEC00  }
0x333: {  	[tilespmem:s26], [sflag:$0x9] =	stream.linear.gather [spmem:s14], $0x1400, $0x38;
	[tilespmem:$0x1C080] =	vst v63  }
0x334: {  	_ =	swait.ge [sflag:s29], $0x1400  }
0x335: {  	[sflag:s29] =	ssyncset.done $0x0  }
0x336: {  	s14 =	sadd.s32 $0xFFFFFD80, s6;
	[sflag:s29] =	ssyncadd.s32 $0xFFFFEC00  }
0x337: {  	[hbm4b:s14+s16] =	stream.linear.scatter [tilespmem:s26], [sflag:$0x1], $0x1400, $0x38;
	[tilespmem:$0x1C080] =	vst v63  }
.Ltmp2:
0x338: {  	s11 =	sadd.s32 $0x3C00, s11;
	(pc) =	sbr.rel @p2 .LBB2_6-.Ltmp2, $4  }
0x339: {  	[tilespmem:s7], [sflag:$0x9] =	stream.linear.gather [spmem:s11], $0x1400, $0x38;
	[tilespmem:$0x1C080] =	vst v63  }
0x33a: {  	_ =	swait.ge [sflag:s29], $0x1400  }
0x33b: {  	[sflag:s29] =	ssyncset.done $0x0  }
0x33c: {  	s6 =	sadd.s32 $0x500, s6;
	[sflag:s29] =	ssyncadd.s32 $0xFFFFEC00  }
0x33d: {  	[hbm4b:s8+s16] =	stream.linear.scatter [tilespmem:s7], [sflag:$0x2], $0x1400, $0x38;
	[tilespmem:$0x1C080] =	vst v63  }
0x33e: {  	_ =	swait.ge [sflag:s28], $0x1400  }
0x33f: {  	[sflag:s28] =	ssyncset.done $0x0  }
0x340: {  	[sflag:s28] =	ssyncadd.s32 $0xFFFFEC00  }
0x341: {  	_ =	swait.ge [sflag:s1], $0x1400  }
0x342: {  	s6 =	sld [smem:$0x7F0];
	_ =	sdelay $0x2  }
0x343: {  	s3 =	rddreg [dreg:$0x1a];
	s6 =	sadd.s32 $0x1, s6  }
0x344: {  	p2 =	sne.s32 s6, s3  }
.Ltmp3:
0x345: {  	_ = 	snop;
	(pc) =	sbr.rel @p2 .LBB2_1-.Ltmp3, $3  }
0x346: {  	_ =	sdelay $0x1  }
0x347: {  	[sflag:s1] =	ssyncset.done $0x0  }
0x348: {  	[sflag:s1] =	ssyncadd.s32 $0xFFFFEC00  }
0x349: {  	_ =	sfence.sel $0x180000  }
0x34a: {  	[bflag:$0x0] =	sbarrier.arrive $0xFFFF  }
0x34b: {  	_ =	strace $0x9000004D  }
0x34c: {  	s0 =	stileid.u32;
	[bflag:$0x2] =	sbarrier.arrive $0xFFFF  }
0x34d: {  	p0 =	sne.s32 s0, $0x0;
	s0 =	rddreg [dreg:$0x3]  }
0x34e: {  	s0 =	sadd.s32 @!p0 $0x100000, s0  }
0x34f: {  	[sflag:s0] =	ssyncadd.tile.s32 @!p0 $0x1;
	_ =	shalt  }
.Lfunc_end2:
_tile_overlayer_lowered:
.L_overlay_start_2:
0x350: {  	(tag) =	ssettag $0x2  }
0x351: {  	s0 =	rddreg [dreg:$0x0];
	s2 =	stileid.u32  }
0x352: {  	s1 =	rddreg [dreg:$0x1];
	p0 =	sne.s32 s2, $0x0  }
0x353: {  	s3 =	rddreg [dreg:$0x2];
	[bflag:$0x3] =	sbarrier.arrive $0xFFFF;
	s2 =	simm.s32 @!p0 $0x1C09  }
0x354: {  	[timem:s3], [sflag:s2] =	dma.local @!p0 [hbm:s0], s1  }
0x355: {  	s0 =	simm.s32 @!p0 $0x9  }
0x356: {  	_ =	swait.ge @!p0 [sflag:s0], s1  }
0x357: {  	s1 =	ssub.s32 @!p0 $0x0, s1;
	[sflag:s0] =	ssyncset.done @!p0 $0x0  }
0x358: {  	[sflag:s0] =	ssyncadd.s32 @!p0 s1  }
0x359: {  	[bflag:$0x3] =	sbarrier.arrive $0xFFFF  }
0x35a: {  	_ =	shalt  }

// kernel: kernel.8.cloned.1.call-start
scs
__scs_entry_jumppad:
0x0: {  	(pc) =	sbr.rel $0x88, $3  }
0x1: {  	(tag) =	ssettag $0x0;
	lr =	simm.s32 $0x1  }
0x2: {  	[smem:$0x3F99] =	sst lr;
	_ =	strace $0xD0000000  }
0x3: {  	_ = 	snop  }
0x4: {  	_ = 	snop  }
0x5: {  	_ = 	snop  }
0x6: {  	_ = 	snop  }
0x7: {  	_ = 	snop  }
__scs_overlays_trampoline_lowered:
0x8: {  	[smem:$0x3FA8] =	sst s0  }
0x9: {  	[smem:$0x3FA9] =	sst s1  }
0xa: {  	[smem:$0x3FAA] =	sst s2  }
0xb: {  	[smem:$0x3FAB] =	sst s3  }
0xc: {  	[smem:$0x3FAC] =	sst s4  }
0xd: {  	[smem:$0x3FAD] =	sst s5  }
0xe: {  	[smem:$0x3FAE] =	sst s6  }
0xf: {  	[smem:$0x3FAF] =	sst s7  }
0x10: {  	[smem:$0x3FB0] =	sst s8  }
0x11: {  	[smem:$0x3FB1] =	sst s9;
	s0 =	simm.s32 @!p0 $0x0  }
0x12: {  	s1 =	sld [smem:$0x3F97];
	s0 =	simm.s32 @p0 $0x1  }
0x13: {  	[smem:$0x3FB2] =	sst s0;
	s0 =	simm.s32 @!p1 $0x0  }
0x14: {  	s2 =	sld [smem:$0x3F96];
	s0 =	simm.s32 @p1 $0x1  }
0x15: {  	[smem:$0x3FB3] =	sst s0;
	s0 =	simm.s32 @!p2 $0x0  }
0x16: {  	s3 =	sld [smem:$0x3FDB];
	s0 =	simm.s32 @p2 $0x1  }
0x17: {  	s4 =	simm.s32 $0x1BF5;
	[smem:$0x3FB5] =	sst s0  }
0x18: {  	s0 =	sld [smem:$0x3F98];
	_ =	swait.ge [sflag:s4], $0x0  }
0x19: {  	s7 =	sld [smem:$0x3F99]  }
0x1a: {  	s8 =	sadd.s32 $0xFFFFE003, lr  }
0x1b: {  	s9 =	sadd.s32 $0xFFFFFEF7, lr;
	s5 =	simm.s32 $0xFFFFFFFF;
	p2 =	slt.u32 s8, $0xFFFFF086  }
0x1c: {  	p1 =	slt.u32 s9, $0xF7A;
	s5 =	simm.s32 @!p2 $0x0  }
0x1d: {  	s5 =	simm.s32 @p1 $0x1;
	p0 =	seq.s32 s7, s2  }
0x1e: {  	s7 =	smul.u32 @!p0 $0xF7A, s2;
	p2 =	seq.s32 @!p0 s5, $0x0  }
0x1f: {  	s9 =	smul.u32 $0xF7A, s1;
	s8 =	simm.s32 @!p0 $0x1BF5;
	p2 =	por !p2, p0  }
0x20: {  	[sflag:s8] =	ssyncset.s32 @!p0 $0xFFFFF086;
	s6 =	sadd.s32 @!p0 s3, s7;
	s7 =	simm.s32 @!p0 $0x108  }
0x21: {  	s3 =	sadd.s32 s3, s9;
	s6 =	sadd.s32 @!p0 $0x88, s6;
	s7 =	simm.s32 @p2 $0x1082  }
0x22: {  	[simem:s7], [sflag:s8] =	dma.local @!p0 [hbm:s6], $0xF7A  }
0x23: {  	s9 =	sor.u32 $0xD0000000, s2;
	s6 =	simm.s32 $0x108;
	_ =	swait.ge @!p0 [sflag:s8], $0x0  }
0x24: {  	s3 =	sadd.s32 $0x88, s3;
	s6 =	simm.s32 @!p1 $0x1082;
	[sflag:s4] =	ssyncset.s32 $0xFFFFF086  }
0x25: {  	[simem:s6], [sflag:s4] =	dma.local [hbm:s3], $0xF7A  }
0x26: {  	[smem:$0x3F99] =	sst s1;
	(tag) =	ssettag s2;
	_ =	strace s9  }
0x27: {  	s1 =	sld [smem:$0x3FA9]  }
0x28: {  	s2 =	sld [smem:$0x3FAA]  }
0x29: {  	s4 =	sld [smem:$0x3FAC]  }
0x2a: {  	p0 =	seq.s32 s5, $0x0;
	s5 =	sld [smem:$0x3FAD]  }
0x2b: {  	s6 =	sld [smem:$0x3FAE]  }
0x2c: {  	s7 =	sld [smem:$0x3FAF]  }
0x2d: {  	s3 =	simm.s32 $0x108;
	s8 =	sld [smem:$0x3FB0]  }
0x2e: {  	s3 =	simm.s32 @!p0 $0x1082;
	s9 =	sld [smem:$0x3FB1]  }
0x2f: {  	lr =	sadd.s32 s0, s3;
	s0 =	sld [smem:$0x3FA8]  }
0x30: {  	s3 =	sld [smem:$0x3FAB]  }
0x31: {  	[smem:$0x3FB4] =	sst s10  }
0x32: {  	s10 =	sld [smem:$0x3FB2];
	_ =	sdelay $0x3  }
0x33: {  	p0 =	seq.s32 s10, $0x1;
	s10 =	sld [smem:$0x3FB4];
	_ =	sdelay $0x3  }
0x34: {  	[smem:$0x3FB4] =	sst s10  }
0x35: {  	s10 =	sld [smem:$0x3FB3];
	_ =	sdelay $0x3  }
0x36: {  	p1 =	seq.s32 s10, $0x1;
	s10 =	sld [smem:$0x3FB4];
	_ =	sdelay $0x3  }
0x37: {  	[smem:$0x3FB4] =	sst s10  }
0x38: {  	s10 =	sld [smem:$0x3FB5]  }
0x39: {  	_ = 	snop;
	(pc) =	sbr.ind lr, $3  }
0x3a: {  	_ = 	snop  }
0x3b: {  	_ = 	snop  }
0x3c: {  	p2 =	seq.s32 s10, $0x1;
	s10 =	sld [smem:$0x3FB4]  }
0x3d: {  	_ =	shalt  }
0x3e: {  	_ =	shalt  }
0x3f: {  	_ =	shalt  }
0x40: {  	_ =	shalt  }
0x41: {  	_ =	shalt  }
0x42: {  	_ =	shalt  }
0x43: {  	_ =	shalt  }
0x44: {  	_ =	shalt  }
0x45: {  	_ =	shalt  }
0x46: {  	_ =	shalt  }
0x47: {  	_ =	shalt  }
0x48: {  	_ =	shalt  }
0x49: {  	_ =	shalt  }
0x4a: {  	_ =	shalt  }
0x4b: {  	_ =	shalt  }
0x4c: {  	_ =	shalt  }
0x4d: {  	_ =	shalt  }
0x4e: {  	_ =	shalt  }
0x4f: {  	_ =	shalt  }
0x50: {  	_ =	shalt  }
0x51: {  	_ =	shalt  }
0x52: {  	_ =	shalt  }
0x53: {  	_ =	shalt  }
0x54: {  	_ =	shalt  }
0x55: {  	_ =	shalt  }
0x56: {  	_ =	shalt  }
0x57: {  	_ =	shalt  }
0x58: {  	_ =	shalt  }
0x59: {  	_ =	shalt  }
0x5a: {  	_ =	shalt  }
0x5b: {  	_ =	shalt  }
0x5c: {  	_ =	shalt  }
0x5d: {  	_ =	shalt  }
0x5e: {  	_ =	shalt  }
0x5f: {  	_ =	shalt  }
0x60: {  	_ =	shalt  }
0x61: {  	_ =	shalt  }
0x62: {  	_ =	shalt  }
0x63: {  	_ =	shalt  }
0x64: {  	_ =	shalt  }
0x65: {  	_ =	shalt  }
0x66: {  	_ =	shalt  }
0x67: {  	_ =	shalt  }
0x68: {  	_ =	shalt  }
0x69: {  	_ =	shalt  }
0x6a: {  	_ =	shalt  }
0x6b: {  	_ =	shalt  }
0x6c: {  	_ =	shalt  }
0x6d: {  	_ =	shalt  }
0x6e: {  	_ =	shalt  }
0x6f: {  	_ =	shalt  }
0x70: {  	_ =	shalt  }
0x71: {  	_ =	shalt  }
0x72: {  	_ =	shalt  }
0x73: {  	_ =	shalt  }
0x74: {  	_ =	shalt  }
0x75: {  	_ =	shalt  }
0x76: {  	_ =	shalt  }
0x77: {  	_ =	shalt  }
0x78: {  	_ =	shalt  }
0x79: {  	_ =	shalt  }
0x7a: {  	_ =	shalt  }
0x7b: {  	_ =	shalt  }
0x7c: {  	_ =	shalt  }
0x7d: {  	_ =	shalt  }
0x7e: {  	_ =	shalt  }
0x7f: {  	_ =	shalt  }
0x80: {  	_ =	shalt  }
0x81: {  	_ =	shalt  }
0x82: {  	_ =	shalt  }
0x83: {  	_ =	shalt  }
0x84: {  	_ =	shalt  }
0x85: {  	_ =	shalt  }
0x86: {  	_ =	shalt  }
0x87: {  	_ =	shalt  }
.Lfunc_end0:
.L_simem_size_0:
called_computation_lowered:
.L_overlay_start_0:
0x88: {  	s2 =	sld [smem:$0x3FD9]  }
0x89: {  	s3 =	sld [smem:$0x3FFE];
	_ =	sdelay $0x1  }
0x8a: {  	s1 =	srdreg.scid  }
0x8b: {  	s0 =	sand.u32 $0x1, s1  }
0x8c: {  	s16 =	sshll.u32 s0, $0xA;
	s2 =	sadd.s32 s3, s2  }
0x8d: {  	s2 =	sadd.s32 s2, s16  }
0x8e: {  	[smem:$0x3FC0] =	sst s2  }
0x8f: {  	_ = 	snop  }
0x90: {  	(tm) =	ssettm $0x1  }
0x91: {  	s17 =	sld [smem:$0x3FFB];
	_ =	sdelay $0x3  }
0x92: {  	_ =	strace s17  }
0x93: {  	s2 =	sld [smem:$0x3FFC];
	_ =	sdelay $0x3  }
0x94: {  	_ =	strace s2  }
0x95: {  	s2 =	sld [smem:$0x3FFD];
	_ =	sdelay $0x3  }
0x96: {  	_ =	strace s2  }
0x97: {  	_ =	strace $0x8FFFFFFF  }
0x98: {  	s18 =	sld [smem:$0x3FDB];
	_ =	sdelay $0x1  }
0x99: {  	s19 =	simm.s32 $_scs_section_size  }
0x9a: {  	s4 =	simm.s32 $_size__tile_overlayer_lowered;
	s5 =	simm.s32 $_tile_overlayer_lowered  }
0x9b: {  	s22 =	simm.s32 $0x1BFF;
	s21 =	sshll.u32 s5, $0x1;
	s2 =	sadd.s32 s19, s18  }
0x9c: {  	s6 =	simm.s32 $0x0;
	s20 =	sshll.u32 s4, $0x1;
	s4 =	sadd.s32 s21, s2  }
0x9d: {  	[timem:s6], [sflag:s22] =	dma.local [hbm:s4], s20  }
0x9e: {  	_ =	swait.ge [sflag:s22], s20  }
0x9f: {  	s3 =	ssub.s32 $0x0, s20;
	[sflag:s22] =	ssyncset.done $0x0  }
0xa0: {  	[sflag:s22] =	ssyncadd.s32 s3;
	_ =	sdelay $0x1  }
0xa1: {  	s23 =	simm.s32 $0x1B8B  }
0xa2: {  	_ =	swait.ge [sflag:s23], $0x1  }
0xa3: {  	[sflag:s23] =	ssyncset.done $0x0  }
0xa4: {  	s25 =	simm.s32 $0x1B8E;
	s24 =	sld [smem:$0x3FFE];
	[sflag:s23] =	ssyncadd.s32 $0xFFFFFFFF  }
0xa5: {  	s26 =	simm.s32 $execute0_lowered;
	[smem:$0x3FD2] =	sst s25  }
0xa6: {  	s4 =	sshll.u32 s26, $0x1;
	_ =	strace $0x80000046;
	[dreg:$0x1] =	wrdreg $0xFFFFFFFF  }
0xa7: {  	s28 =	simm.s32 $_size_execute0_lowered;
	s2 =	sadd.s32 s2, s4;
	[dreg:$0x0] =	wrdreg $0x0  }
0xa8: {  	s4 =	sshll.u32 s28, $0x1;
	[dreg:$0x2] =	wrdreg s2  }
0xa9: {  	[dreg:$0x3] =	wrdreg s4  }
0xaa: {  	[dreg:$0x4] =	wrdreg $0xC0  }
0xab: {  	_ =	task [dreg:s6], $0x5FFFF  }
0xac: {  	[dreg:$0x1] =	wrdreg $0xFFFFFFFF  }
0xad: {  	[dreg:$0x0] =	wrdreg $0x60  }
0xae: {  	[dreg:$0x2] =	wrdreg s24  }
0xaf: {  	[dreg:$0x3] =	wrdreg $0x64000  }
0xb0: {  	[dreg:$0x4] =	wrdreg $0x9  }
0xb1: {  	_ =	task.clear_ibuf [dreg:s6], $0x5FFFF;
	_ =	strace $0x90000046  }
0xb2: {  	s29 =	simm.s32 $0x9;
	_ =	strace $0x80000048  }
0xb3: {  	_ =	swait.ge [sflag:s29], $0x1  }
0xb4: {  	[sflag:s29] =	ssyncadd.s32 $0xFFFFFFFF  }
0xb5: {  	_ =	strace $0x90000048  }
0xb6: {  	_ =	sfence  }
0xb7: {  	s30 =	sld [smem:$0x0];
	_ =	sdelay $0x2  }
0xb8: {  	s31 =	sshll.u32 s1, $0xD;
	s1 =	sshrl.u32 s1, $0x2  }
0xb9: {  	s3 =	sand.u32 $0x4000, s31;
	s1 =	sadd.s32 s1, s30  }
0xba: {  	s0 =	sor.u32 s3, s0;
	s1 =	sshll.u32 s1, $0x11  }
0xbb: {  	s0 =	sor.u32 s1, s0  }
0xbc: {  	s0 =	sadd.s32 $0x8F2B, s0  }
0xbd: {  	[sflag:s0] =	ssyncadd.remote.s32 $0x1  }
0xbe: {  	_ =	sfence.sel $0xFFFF  }
0xbf: {  	[dreg:$0x0] =	wrdreg $0xFFFFFFFF;
	(pc) =	sbr.abs _section_cstart, $3  }
0xc0: {  	[dreg:$0x1] =	wrdreg $0xFFFFFFFF  }
0xc1: {  	_ =	task.clear_ibuf [dreg:s6], $0x2FFFF;
	_ =	strace $0x9FFFFFFF  }
0xc2: {  	(tm) =	ssettm $0x7FFFFFFF  }
0xc3: {  	_ =	shalt  }
tec
execute0_lowered:
.L_overlay_start_1:
0x0: {  	(tag) =	ssettag $0x1  }
0x1: {  	s0 =	rddreg [dreg:$0x0];
	s1 =	srdreg.scid  }
0x2: {  	s2 =	rddreg [dreg:$0x1];
	s16 =	stileid.u32  }
0x3: {  	s3 =	simm.s32 $0x0;
	s28 =	simm.s32 $0x1;
	s5 =	smul.u32 $0x270, s16  }
0x4: {  	s29 =	simm.s32 $0x2;
	s30 =	simm.s32 $0x7D;
	s7 =	smul.u32 $0x4E000, s16  }
0x5: {  	s31 =	simm.s32 $0x400;
	s1 =	sand.u32 $0x1, s1;
	s21 =	smul.u32 $0x280, s16  }
0x6: {  	[smem:$0x7FF] =	sst s3;
	s16 =	simm.s32 $0x280;
	s6 =	smul.u32 $0x2710, s1  }
0x7: {  	s4 =	smul.u32 $0x2800, s1;
	_ =	strace $0x80000047;
	s1 =	ssub.s32 $0x2, s1  }
0x8: {  	s13 =	sshrl.u32 s1, $0x1;
	s14 =	sshrl.u32 s7, $0x2;
	s12 =	sadd.s32 s5, s6  }
0x9: {  	s15 =	sadd.s32 s4, s0;
	s1 =	ssub.s32 s1, s13;
	s4 =	sshll.u32 s12, $0x4  }
0xa: {  	s5 =	simm.s32 $0x180;
	s1 =	smax.u32 s1, $0x1;
	s0 =	sadd.s32 s4, s0  }
0xb: {  	s4 =	sadd.s32 s14, s2;
	[dreg:$0x3] =	wrdreg s1;
	s1 =	sadd.s32 s21, s15  }
0xc: {  	s15 =	simm.s32 $0x200;
	s6 =	sadd.s32 $0x2000, s4;
	s17 =	sadd.s32 $0x6C00, s0  }
0xd: {  	s7 =	sadd.s32 $0x4000, s4;
	s18 =	sadd.s32 $0x7000, s0;
	[dreg:$0x4] =	wrdreg s17  }
0xe: {  	s8 =	sadd.s32 $0x6000, s4;
	s19 =	sadd.s32 $0x7400, s0;
	[dreg:$0x5] =	wrdreg s18  }
0xf: {  	s9 =	sadd.s32 $0x8000, s4;
	s20 =	sadd.s32 $0x7800, s0;
	[dreg:$0x6] =	wrdreg s19  }
0x10: {  	s10 =	sadd.s32 $0xA000, s4;
	s22 =	sadd.s32 $0x7C00, s0;
	[dreg:$0x7] =	wrdreg s20  }
0x11: {  	s11 =	sadd.s32 $0xC000, s4;
	s23 =	sadd.s32 $0x8000, s0;
	[dreg:$0x8] =	wrdreg s22  }
0x12: {  	s12 =	sadd.s32 $0xE000, s4;
	s24 =	sadd.s32 $0x8400, s0;
	[dreg:$0x9] =	wrdreg s23  }
0x13: {  	s13 =	sadd.s32 $0x10000, s4;
	s25 =	sadd.s32 $0x8800, s0;
	[dreg:$0xa] =	wrdreg s24  }
0x14: {  	s14 =	sadd.s32 $0x12000, s4;
	s26 =	sadd.s32 $0x8C00, s0;
	[dreg:$0xb] =	wrdreg s25  }
0x15: {  	[dreg:$0xc] =	wrdreg s26;
	s24 =	sadd.s32 $0x9000, s0;
	s25 =	sadd.s32 $0x1C00, s1  }
0x16: {  	s26 =	simm.s32 $0x4400;
	s0 =	simm.s32 $0x80;
	s1 =	simm.s32 $0x100  }
0x17: {  	v0 =	vimm.f32 $1.000000000e+00;
	v1 =	vimm.f32 $0.0e+00;
	s17 =	simm.s32 $0x300;
	s18 =	simm.s32 $0x380;
	s19 =	simm.s32 $0x0  }
.LBB2_1:
0x18: {  	s20 =	simm.s32 $0x0;
	s21 =	simm.s32 $0x200  }
.LBB2_2:
0x19: {  	p0 =	sne.s32 s21, $0xF800;
	[tilespmem:s20+$0x470] =	vst v0  }
0x1a: {  	[tilespmem:s20+$0x400] =	vst v0  }
0x1b: {  	[tilespmem:s20+$0x410] =	vst v0  }
.Ltmp0:
0x1c: {  	[tilespmem:s20+$0x420] =	vst v0;
	(pc) =	sbr.rel @p0 .LBB2_2-.Ltmp0, $4  }
0x1d: {  	[tilespmem:s20+$0x430] =	vst v0  }
0x1e: {  	[tilespmem:s20+$0x440] =	vst v0  }
0x1f: {  	[tilespmem:s20+$0x450] =	vst v0  }
0x20: {  	[tilespmem:s20+$0x460] =	vst v0;
	s20 =	sshra.s32 s21, $0x2;
	s21 =	sadd.s32 $0x200, s21  }
0x21: {  	[tilespmem:s20+$0x470] =	vst v0  }
0x22: {  	[tilespmem:s20+$0x400] =	vst v0  }
0x23: {  	[tilespmem:s20+$0x410] =	vst v0  }
0x24: {  	[tilespmem:s20+$0x420] =	vst v0  }
0x25: {  	[tilespmem:s20+$0x430] =	vst v0  }
0x26: {  	[tilespmem:s20+$0x440] =	vst v0  }
0x27: {  	[tilespmem:s20+$0x450] =	vst v0  }
0x28: {  	[tilespmem:s20+$0x460] =	vst v0;
	s20 =	simm.s32 $0x0;
	s21 =	simm.s32 $0x200  }
.LBB2_4:
0x29: {  	p0 =	sne.s32 s21, $0x7E00;
	[tilespmem:s20+$0x4470] =	vst v1  }
0x2a: {  	[tilespmem:s20+$0x4400] =	vst v1  }
0x2b: {  	[tilespmem:s20+$0x4410] =	vst v1  }
.Ltmp1:
0x2c: {  	[tilespmem:s20+$0x4420] =	vst v1;
	(pc) =	sbr.rel @p0 .LBB2_4-.Ltmp1, $4  }
0x2d: {  	[tilespmem:s20+$0x4430] =	vst v1  }
0x2e: {  	[tilespmem:s20+$0x4440] =	vst v1  }
0x2f: {  	[tilespmem:s20+$0x4450] =	vst v1  }
0x30: {  	[tilespmem:s20+$0x4460] =	vst v1;
	s20 =	sshra.s32 s21, $0x2;
	s21 =	sadd.s32 $0x200, s21  }
0x31: {  	[tilespmem:s20+$0x4470] =	vst v1  }
0x32: {  	[tilespmem:s20+$0x4400] =	vst v1  }
0x33: {  	[tilespmem:s20+$0x4410] =	vst v1  }
0x34: {  	[tilespmem:s20+$0x4420] =	vst v1  }
0x35: {  	[tilespmem:s20+$0x4430] =	vst v1  }
0x36: {  	[tilespmem:s20+$0x4440] =	vst v1  }
0x37: {  	[tilespmem:s20+$0x4450] =	vst v1  }
0x38: {  	[tilespmem:s20+$0x4460] =	vst v1  }
0x39: {  	[spmem:s4] =	stream.linear.scatter [tilespmem:s26], [sflag:$0x1], $0x2000, $0x38;
	[tilespmem:$0x19C80] =	vst v63  }
0x3a: {  	_ = 	snop  }
0x3b: {  	[spmem:s6] =	stream.linear.scatter [tilespmem:s26], [sflag:$0x1], $0x2000, $0x38;
	[tilespmem:$0x19C80] =	vst v63  }
0x3c: {  	_ = 	snop  }
0x3d: {  	[spmem:s7] =	stream.linear.scatter [tilespmem:s26], [sflag:$0x1], $0x2000, $0x38;
	[tilespmem:$0x19C80] =	vst v63  }
0x3e: {  	_ = 	snop  }
0x3f: {  	[spmem:s8] =	stream.linear.scatter [tilespmem:s26], [sflag:$0x1], $0x2000, $0x38;
	[tilespmem:$0x19C80] =	vst v63  }
0x40: {  	_ = 	snop  }
0x41: {  	[spmem:s9] =	stream.linear.scatter [tilespmem:s26], [sflag:$0x1], $0x2000, $0x38;
	[tilespmem:$0x19C80] =	vst v63  }
0x42: {  	_ = 	snop  }
0x43: {  	[spmem:s10] =	stream.linear.scatter [tilespmem:s26], [sflag:$0x1], $0x2000, $0x38;
	[tilespmem:$0x19C80] =	vst v63  }
0x44: {  	_ = 	snop  }
0x45: {  	[spmem:s11] =	stream.linear.scatter [tilespmem:s26], [sflag:$0x1], $0x2000, $0x38;
	[tilespmem:$0x19C80] =	vst v63  }
0x46: {  	_ = 	snop  }
0x47: {  	[spmem:s12] =	stream.linear.scatter [tilespmem:s26], [sflag:$0x1], $0x2000, $0x38;
	[tilespmem:$0x19C80] =	vst v63  }
0x48: {  	_ = 	snop  }
0x49: {  	[spmem:s13] =	stream.linear.scatter [tilespmem:s26], [sflag:$0x1], $0x2000, $0x38;
	[tilespmem:$0x19C80] =	vst v63  }
0x4a: {  	_ = 	snop  }
0x4b: {  	[spmem:s14] =	stream.linear.scatter [tilespmem:s26], [sflag:$0x1], $0x2000, $0x38;
	[tilespmem:$0x19C80] =	vst v63  }
0x4c: {  	_ =	swait.ge [sflag:s28], $0x2000  }
0x4d: {  	[sflag:s28] =	ssyncset.done $0x0  }
0x4e: {  	[sflag:s28] =	ssyncadd.s32 $0xFFFFE000  }
0x4f: {  	_ =	swait.ge [sflag:s28], $0x2000  }
0x50: {  	[sflag:s28] =	ssyncset.done $0x0  }
0x51: {  	[sflag:s28] =	ssyncadd.s32 $0xFFFFE000  }
0x52: {  	_ =	swait.ge [sflag:s28], $0x2000  }
0x53: {  	[sflag:s28] =	ssyncset.done $0x0  }
0x54: {  	[sflag:s28] =	ssyncadd.s32 $0xFFFFE000  }
0x55: {  	_ =	swait.ge [sflag:s28], $0x2000  }
0x56: {  	[sflag:s28] =	ssyncset.done $0x0  }
0x57: {  	[sflag:s28] =	ssyncadd.s32 $0xFFFFE000  }
0x58: {  	_ =	swait.ge [sflag:s28], $0x2000  }
0x59: {  	[sflag:s28] =	ssyncset.done $0x0  }
0x5a: {  	[sflag:s28] =	ssyncadd.s32 $0xFFFFE000  }
0x5b: {  	_ =	swait.ge [sflag:s28], $0x2000  }
0x5c: {  	[sflag:s28] =	ssyncset.done $0x0  }
0x5d: {  	[sflag:s28] =	ssyncadd.s32 $0xFFFFE000  }
0x5e: {  	_ =	swait.ge [sflag:s28], $0x2000  }
0x5f: {  	[sflag:s28] =	ssyncset.done $0x0  }
0x60: {  	[sflag:s28] =	ssyncadd.s32 $0xFFFFE000  }
0x61: {  	_ =	swait.ge [sflag:s28], $0x2000  }
0x62: {  	[sflag:s28] =	ssyncset.done $0x0  }
0x63: {  	[sflag:s28] =	ssyncadd.s32 $0xFFFFE000  }
0x64: {  	_ =	swait.ge [sflag:s28], $0x2000  }
0x65: {  	[sflag:s28] =	ssyncset.done $0x0  }
0x66: {  	[sflag:s28] =	ssyncadd.s32 $0xFFFFE000  }
0x67: {  	_ =	swait.ge [sflag:s28], $0x2000  }
0x68: {  	[sflag:s28] =	ssyncset.done $0x0  }
0x69: {  	[sflag:s28] =	ssyncadd.s32 $0xFFFFE000  }
0x6a: {  	s23 =	sadd.s32 $0x0, s25;
	[bflag:$0x0] =	sbarrier.arrive $0xFFFF  }
0x6b: {  	[tilespmem:s3], [sflag:$0x2] =	stream.linear.gather [hbm4b:s23+s3], $0x400, $0x38;
	[tilespmem:$0x19C80] =	vst v63  }
0x6c: {  	_ =	swait.ge [sflag:s29], $0x400  }
0x6d: {  	[sflag:s29] =	ssyncset.done $0x0  }
0x6e: {  	[sflag:s29] =	ssyncadd.s32 $0xFFFFFC00  }
0x6f: {  	[spmem:s2] =	stream.indirect.scatter.add.f32 [tilespmem:s31], [sflag:$0x1], $0x80, s3, s30, $0xb8;
	[tilespmem:$0x19C80] =	vst v63  }
0x70: {  	_ = 	snop  }
0x71: {  	[spmem:s2] =	stream.indirect.scatter.add.f32 [tilespmem:s31], [sflag:$0x1], $0x80, s0, s30, $0xb8;
	[tilespmem:$0x19C80] =	vst v63  }
0x72: {  	_ = 	snop  }
0x73: {  	[spmem:s2] =	stream.indirect.scatter.add.f32 [tilespmem:s31], [sflag:$0x1], $0x80, s1, s30, $0xb8;
	[tilespmem:$0x19C80] =	vst v63  }
0x74: {  	_ = 	snop  }
0x75: {  	[spmem:s2] =	stream.indirect.scatter.add.f32 [tilespmem:s31], [sflag:$0x1], $0x80, s5, s30, $0xb8;
	[tilespmem:$0x19C80] =	vst v63  }
0x76: {  	_ = 	snop  }
0x77: {  	[spmem:s2] =	stream.indirect.scatter.add.f32 [tilespmem:s31], [sflag:$0x1], $0x80, s15, s30, $0xb8;
	[tilespmem:$0x19C80] =	vst v63  }
0x78: {  	_ = 	snop  }
0x79: {  	[spmem:s2] =	stream.indirect.scatter.add.f32 [tilespmem:s31], [sflag:$0x1], $0x80, s16, s30, $0xb8;
	[tilespmem:$0x19C80] =	vst v63  }
0x7a: {  	_ = 	snop  }
0x7b: {  	[spmem:s2] =	stream.indirect.scatter.add.f32 [tilespmem:s31], [sflag:$0x1], $0x80, s17, s30, $0xb8;
	[tilespmem:$0x19C80] =	vst v63  }
0x7c: {  	_ = 	snop  }
0x7d: {  	[spmem:s2] =	stream.indirect.scatter.add.f32 [tilespmem:s31], [sflag:$0x1], $0x80, s18, s30, $0xb8;
	[tilespmem:$0x19C80] =	vst v63  }
0x7e: {  	_ =	swait.ge [sflag:s28], $0x3E80  }
0x7f: {  	[sflag:s28] =	ssyncset.done $0x0  }
0x80: {  	[sflag:s28] =	ssyncadd.s32 $0xFFFFC180  }
0x81: {  	_ =	swait.ge [sflag:s28], $0x3E80  }
0x82: {  	[sflag:s28] =	ssyncset.done $0x0  }
0x83: {  	[sflag:s28] =	ssyncadd.s32 $0xFFFFC180  }
0x84: {  	_ =	swait.ge [sflag:s28], $0x3E80  }
0x85: {  	[sflag:s28] =	ssyncset.done $0x0  }
0x86: {  	[sflag:s28] =	ssyncadd.s32 $0xFFFFC180  }
0x87: {  	_ =	swait.ge [sflag:s28], $0x3E80  }
0x88: {  	[sflag:s28] =	ssyncset.done $0x0  }
0x89: {  	[sflag:s28] =	ssyncadd.s32 $0xFFFFC180  }
0x8a: {  	_ =	swait.ge [sflag:s28], $0x3E80  }
0x8b: {  	[sflag:s28] =	ssyncset.done $0x0  }
0x8c: {  	[sflag:s28] =	ssyncadd.s32 $0xFFFFC180  }
0x8d: {  	_ =	swait.ge [sflag:s28], $0x3E80  }
0x8e: {  	[sflag:s28] =	ssyncset.done $0x0  }
0x8f: {  	[sflag:s28] =	ssyncadd.s32 $0xFFFFC180  }
0x90: {  	_ =	swait.ge [sflag:s28], $0x3E80  }
0x91: {  	[sflag:s28] =	ssyncset.done $0x0  }
0x92: {  	[sflag:s28] =	ssyncadd.s32 $0xFFFFC180  }
0x93: {  	_ =	swait.ge [sflag:s28], $0x3E80  }
0x94: {  	s20 =	simm.s32 $0x80;
	s21 =	simm.s32 $0x100;
	[sflag:s28] =	ssyncset.done $0x0  }
.LBB2_6:
0x95: {  	s23 =	sadd.s32 s20, s25  }
0x96: {  	[sflag:s28] =	ssyncadd.s32 $0xFFFFC180;
	s20 =	smov.u32 s21;
	s22 =	sadd.s32 $0x80, s21  }
0x97: {  	[tilespmem:s3], [sflag:$0x2] =	stream.linear.gather [hbm4b:s23+s3], $0x400, $0x38;
	[tilespmem:$0x19C80] =	vst v63  }
0x98: {  	p0 =	sne.s32 s21, $0x200;
	_ =	swait.ge [sflag:s29], $0x400  }
0x99: {  	[sflag:s29] =	ssyncset.done $0x0  }
0x9a: {  	[sflag:s29] =	ssyncadd.s32 $0xFFFFFC00  }
0x9b: {  	[spmem:s2] =	stream.indirect.scatter.add.f32 [tilespmem:s31], [sflag:$0x1], $0x80, s3, s30, $0xb8;
	[tilespmem:$0x19C80] =	vst v63  }
0x9c: {  	_ = 	snop  }
0x9d: {  	[spmem:s2] =	stream.indirect.scatter.add.f32 [tilespmem:s31], [sflag:$0x1], $0x80, s0, s30, $0xb8;
	[tilespmem:$0x19C80] =	vst v63  }
0x9e: {  	_ = 	snop  }
0x9f: {  	[spmem:s2] =	stream.indirect.scatter.add.f32 [tilespmem:s31], [sflag:$0x1], $0x80, s1, s30, $0xb8;
	[tilespmem:$0x19C80] =	vst v63  }
0xa0: {  	_ = 	snop  }
0xa1: {  	[spmem:s2] =	stream.indirect.scatter.add.f32 [tilespmem:s31], [sflag:$0x1], $0x80, s5, s30, $0xb8;
	[tilespmem:$0x19C80] =	vst v63  }
0xa2: {  	_ = 	snop  }
0xa3: {  	[spmem:s2] =	stream.indirect.scatter.add.f32 [tilespmem:s31], [sflag:$0x1], $0x80, s15, s30, $0xb8;
	[tilespmem:$0x19C80] =	vst v63  }
0xa4: {  	_ = 	snop  }
0xa5: {  	[spmem:s2] =	stream.indirect.scatter.add.f32 [tilespmem:s31], [sflag:$0x1], $0x80, s16, s30, $0xb8;
	[tilespmem:$0x19C80] =	vst v63  }
0xa6: {  	_ = 	snop  }
0xa7: {  	[spmem:s2] =	stream.indirect.scatter.add.f32 [tilespmem:s31], [sflag:$0x1], $0x80, s17, s30, $0xb8;
	[tilespmem:$0x19C80] =	vst v63  }
0xa8: {  	_ = 	snop  }
0xa9: {  	[spmem:s2] =	stream.indirect.scatter.add.f32 [tilespmem:s31], [sflag:$0x1], $0x80, s18, s30, $0xb8;
	[tilespmem:$0x19C80] =	vst v63  }
0xaa: {  	_ =	swait.ge [sflag:s28], $0x3E80  }
0xab: {  	[sflag:s28] =	ssyncset.done $0x0  }
0xac: {  	[sflag:s28] =	ssyncadd.s32 $0xFFFFC180  }
0xad: {  	_ =	swait.ge [sflag:s28], $0x3E80  }
0xae: {  	[sflag:s28] =	ssyncset.done $0x0  }
0xaf: {  	[sflag:s28] =	ssyncadd.s32 $0xFFFFC180  }
0xb0: {  	_ =	swait.ge [sflag:s28], $0x3E80  }
0xb1: {  	[sflag:s28] =	ssyncset.done $0x0  }
0xb2: {  	[sflag:s28] =	ssyncadd.s32 $0xFFFFC180  }
0xb3: {  	_ =	swait.ge [sflag:s28], $0x3E80  }
0xb4: {  	[sflag:s28] =	ssyncset.done $0x0  }
0xb5: {  	[sflag:s28] =	ssyncadd.s32 $0xFFFFC180  }
0xb6: {  	_ =	swait.ge [sflag:s28], $0x3E80  }
0xb7: {  	[sflag:s28] =	ssyncset.done $0x0  }
0xb8: {  	[sflag:s28] =	ssyncadd.s32 $0xFFFFC180  }
0xb9: {  	_ =	swait.ge [sflag:s28], $0x3E80  }
0xba: {  	[sflag:s28] =	ssyncset.done $0x0  }
0xbb: {  	[sflag:s28] =	ssyncadd.s32 $0xFFFFC180  }
.Ltmp2:
0xbc: {  	_ =	swait.ge [sflag:s28], $0x3E80;
	(pc) =	sbr.rel @p0 .LBB2_6-.Ltmp2, $4  }
0xbd: {  	[sflag:s28] =	ssyncset.done $0x0  }
0xbe: {  	[sflag:s28] =	ssyncadd.s32 $0xFFFFC180  }
0xbf: {  	_ =	swait.ge [sflag:s28], $0x3E80  }
0xc0: {  	s21 =	smov.u32 s22;
	[sflag:s28] =	ssyncset.done $0x0  }
0xc1: {  	s20 =	sadd.s32 s20, s25;
	[sflag:s28] =	ssyncadd.s32 $0xFFFFC180  }
0xc2: {  	[tilespmem:s3], [sflag:$0x2] =	stream.linear.gather [hbm4b:s20+s3], $0x400, $0x38;
	[tilespmem:$0x19C80] =	vst v63  }
0xc3: {  	_ =	swait.ge [sflag:s29], $0x400  }
0xc4: {  	[sflag:s29] =	ssyncset.done $0x0  }
0xc5: {  	[sflag:s29] =	ssyncadd.s32 $0xFFFFFC00  }
0xc6: {  	[spmem:s2] =	stream.indirect.scatter.add.f32 [tilespmem:s31], [sflag:$0x1], $0x80, s3, s30, $0xb8;
	[tilespmem:$0x19C80] =	vst v63  }
0xc7: {  	_ = 	snop  }
0xc8: {  	[spmem:s2] =	stream.indirect.scatter.add.f32 [tilespmem:s31], [sflag:$0x1], $0x80, s0, s30, $0xb8;
	[tilespmem:$0x19C80] =	vst v63  }
0xc9: {  	_ = 	snop  }
0xca: {  	[spmem:s2] =	stream.indirect.scatter.add.f32 [tilespmem:s31], [sflag:$0x1], $0x80, s1, s30, $0xb8;
	[tilespmem:$0x19C80] =	vst v63  }
0xcb: {  	_ = 	snop  }
0xcc: {  	[spmem:s2] =	stream.indirect.scatter.add.f32 [tilespmem:s31], [sflag:$0x1], $0x80, s5, s30, $0xb8;
	[tilespmem:$0x19C80] =	vst v63  }
0xcd: {  	_ = 	snop  }
0xce: {  	[spmem:s2] =	stream.indirect.scatter.add.f32 [tilespmem:s31], [sflag:$0x1], $0x80, s15, s30, $0xb8;
	[tilespmem:$0x19C80] =	vst v63  }
0xcf: {  	_ = 	snop  }
0xd0: {  	[spmem:s2] =	stream.indirect.scatter.add.f32 [tilespmem:s31], [sflag:$0x1], $0x80, s16, s30, $0xb8;
	[tilespmem:$0x19C80] =	vst v63  }
0xd1: {  	_ = 	snop  }
0xd2: {  	[spmem:s2] =	stream.indirect.scatter.add.f32 [tilespmem:s31], [sflag:$0x1], $0x80, s17, s30, $0xb8;
	[tilespmem:$0x19C80] =	vst v63  }
0xd3: {  	_ = 	snop  }
0xd4: {  	[spmem:s2] =	stream.indirect.scatter.add.f32 [tilespmem:s31], [sflag:$0x1], $0x80, s18, s30, $0xb8;
	[tilespmem:$0x19C80] =	vst v63  }
0xd5: {  	_ =	swait.ge [sflag:s28], $0x3E80  }
0xd6: {  	[sflag:s28] =	ssyncset.done $0x0  }
0xd7: {  	[sflag:s28] =	ssyncadd.s32 $0xFFFFC180  }
0xd8: {  	_ =	swait.ge [sflag:s28], $0x3E80  }
0xd9: {  	[sflag:s28] =	ssyncset.done $0x0  }
0xda: {  	[sflag:s28] =	ssyncadd.s32 $0xFFFFC180  }
0xdb: {  	_ =	swait.ge [sflag:s28], $0x3E80  }
0xdc: {  	[sflag:s28] =	ssyncset.done $0x0  }
0xdd: {  	[sflag:s28] =	ssyncadd.s32 $0xFFFFC180  }
0xde: {  	_ =	swait.ge [sflag:s28], $0x3E80  }
0xdf: {  	[sflag:s28] =	ssyncset.done $0x0  }
0xe0: {  	[sflag:s28] =	ssyncadd.s32 $0xFFFFC180  }
0xe1: {  	_ =	swait.ge [sflag:s28], $0x3E80  }
0xe2: {  	[sflag:s28] =	ssyncset.done $0x0  }
0xe3: {  	[sflag:s28] =	ssyncadd.s32 $0xFFFFC180  }
0xe4: {  	_ =	swait.ge [sflag:s28], $0x3E80  }
0xe5: {  	[sflag:s28] =	ssyncset.done $0x0  }
0xe6: {  	[sflag:s28] =	ssyncadd.s32 $0xFFFFC180  }
0xe7: {  	_ =	swait.ge [sflag:s28], $0x3E80  }
0xe8: {  	[sflag:s28] =	ssyncset.done $0x0  }
0xe9: {  	[sflag:s28] =	ssyncadd.s32 $0xFFFFC180  }
0xea: {  	_ =	swait.ge [sflag:s28], $0x3E80  }
0xeb: {  	[sflag:s28] =	ssyncset.done $0x0  }
0xec: {  	[sflag:s28] =	ssyncadd.s32 $0xFFFFC180  }
0xed: {  	[bflag:$0x0] =	sbarrier.arrive $0xFFFF  }
0xee: {  	[tilespmem:s26], [sflag:$0x2] =	stream.linear.gather [spmem:s4], $0x2000, $0x38;
	[tilespmem:$0x19C80] =	vst v63  }
0xef: {  	_ =	swait.ge [sflag:s29], $0x2000  }
0xf0: {  	[sflag:s29] =	ssyncset.done $0x0  }
0xf1: {  	s23 =	rddreg [dreg:$0x4];
	[sflag:s29] =	ssyncadd.s32 $0xFFFFE000  }
0xf2: {  	[hbm4b:s23+s3] =	stream.linear.scatter [tilespmem:s26], [sflag:$0x1], $0x2000, $0x38;
	[tilespmem:$0x19C80] =	vst v63  }
0xf3: {  	_ = 	snop  }
0xf4: {  	[tilespmem:s31], [sflag:$0x2] =	stream.linear.gather [spmem:s6], $0x2000, $0x38;
	[tilespmem:$0x19C80] =	vst v63  }
0xf5: {  	_ =	swait.ge [sflag:s29], $0x2000  }
0xf6: {  	[sflag:s29] =	ssyncset.done $0x0  }
0xf7: {  	s21 =	rddreg [dreg:$0x5];
	[sflag:s29] =	ssyncadd.s32 $0xFFFFE000  }
0xf8: {  	[hbm4b:s21+s3] =	stream.linear.scatter [tilespmem:s31], [sflag:$0x1], $0x2000, $0x38;
	[tilespmem:$0x19C80] =	vst v63  }
0xf9: {  	_ =	swait.ge [sflag:s28], $0x2000  }
0xfa: {  	[sflag:s28] =	ssyncset.done $0x0  }
0xfb: {  	[sflag:s28] =	ssyncadd.s32 $0xFFFFE000  }
0xfc: {  	_ =	swait.ge [sflag:s28], $0x2000  }
0xfd: {  	[sflag:s28] =	ssyncset.done $0x0  }
0xfe: {  	[sflag:s28] =	ssyncadd.s32 $0xFFFFE000  }
0xff: {  	[tilespmem:s26], [sflag:$0x2] =	stream.linear.gather [spmem:s7], $0x2000, $0x38;
	[tilespmem:$0x19C80] =	vst v63  }
0x100: {  	_ =	swait.ge [sflag:s29], $0x2000  }
0x101: {  	[sflag:s29] =	ssyncset.done $0x0  }
0x102: {  	s22 =	rddreg [dreg:$0x6];
	[sflag:s29] =	ssyncadd.s32 $0xFFFFE000  }
0x103: {  	[hbm4b:s22+s3] =	stream.linear.scatter [tilespmem:s26], [sflag:$0x1], $0x2000, $0x38;
	[tilespmem:$0x19C80] =	vst v63  }
0x104: {  	_ = 	snop  }
0x105: {  	[tilespmem:s31], [sflag:$0x2] =	stream.linear.gather [spmem:s8], $0x2000, $0x38;
	[tilespmem:$0x19C80] =	vst v63  }
0x106: {  	_ =	swait.ge [sflag:s29], $0x2000  }
0x107: {  	[sflag:s29] =	ssyncset.done $0x0  }
0x108: {  	s23 =	rddreg [dreg:$0x7];
	[sflag:s29] =	ssyncadd.s32 $0xFFFFE000  }
0x109: {  	[hbm4b:s23+s3] =	stream.linear.scatter [tilespmem:s31], [sflag:$0x1], $0x2000, $0x38;
	[tilespmem:$0x19C80] =	vst v63  }
0x10a: {  	_ =	swait.ge [sflag:s28], $0x2000  }
0x10b: {  	[sflag:s28] =	ssyncset.done $0x0  }
0x10c: {  	[sflag:s28] =	ssyncadd.s32 $0xFFFFE000  }
0x10d: {  	_ =	swait.ge [sflag:s28], $0x2000  }
0x10e: {  	[sflag:s28] =	ssyncset.done $0x0  }
0x10f: {  	[sflag:s28] =	ssyncadd.s32 $0xFFFFE000  }
0x110: {  	[tilespmem:s26], [sflag:$0x2] =	stream.linear.gather [spmem:s9], $0x2000, $0x38;
	[tilespmem:$0x19C80] =	vst v63  }
0x111: {  	_ =	swait.ge [sflag:s29], $0x2000  }
0x112: {  	[sflag:s29] =	ssyncset.done $0x0  }
0x113: {  	s21 =	rddreg [dreg:$0x8];
	[sflag:s29] =	ssyncadd.s32 $0xFFFFE000  }
0x114: {  	[hbm4b:s21+s3] =	stream.linear.scatter [tilespmem:s26], [sflag:$0x1], $0x2000, $0x38;
	[tilespmem:$0x19C80] =	vst v63  }
0x115: {  	_ = 	snop  }
0x116: {  	[tilespmem:s31], [sflag:$0x2] =	stream.linear.gather [spmem:s10], $0x2000, $0x38;
	[tilespmem:$0x19C80] =	vst v63  }
0x117: {  	_ =	swait.ge [sflag:s29], $0x2000  }
0x118: {  	[sflag:s29] =	ssyncset.done $0x0  }
0x119: {  	s22 =	rddreg [dreg:$0x9];
	[sflag:s29] =	ssyncadd.s32 $0xFFFFE000  }
0x11a: {  	[hbm4b:s22+s3] =	stream.linear.scatter [tilespmem:s31], [sflag:$0x1], $0x2000, $0x38;
	[tilespmem:$0x19C80] =	vst v63  }
0x11b: {  	_ =	swait.ge [sflag:s28], $0x2000  }
0x11c: {  	[sflag:s28] =	ssyncset.done $0x0  }
0x11d: {  	[sflag:s28] =	ssyncadd.s32 $0xFFFFE000  }
0x11e: {  	_ =	swait.ge [sflag:s28], $0x2000  }
0x11f: {  	[sflag:s28] =	ssyncset.done $0x0  }
0x120: {  	[sflag:s28] =	ssyncadd.s32 $0xFFFFE000  }
0x121: {  	[tilespmem:s26], [sflag:$0x2] =	stream.linear.gather [spmem:s11], $0x2000, $0x38;
	[tilespmem:$0x19C80] =	vst v63  }
0x122: {  	_ =	swait.ge [sflag:s29], $0x2000  }
0x123: {  	[sflag:s29] =	ssyncset.done $0x0  }
0x124: {  	s23 =	rddreg [dreg:$0xa];
	[sflag:s29] =	ssyncadd.s32 $0xFFFFE000  }
0x125: {  	[hbm4b:s23+s3] =	stream.linear.scatter [tilespmem:s26], [sflag:$0x1], $0x2000, $0x38;
	[tilespmem:$0x19C80] =	vst v63  }
0x126: {  	_ = 	snop  }
0x127: {  	[tilespmem:s31], [sflag:$0x2] =	stream.linear.gather [spmem:s12], $0x2000, $0x38;
	[tilespmem:$0x19C80] =	vst v63  }
0x128: {  	_ =	swait.ge [sflag:s29], $0x2000  }
0x129: {  	[sflag:s29] =	ssyncset.done $0x0  }
0x12a: {  	s21 =	rddreg [dreg:$0xb];
	[sflag:s29] =	ssyncadd.s32 $0xFFFFE000  }
0x12b: {  	[hbm4b:s21+s3] =	stream.linear.scatter [tilespmem:s31], [sflag:$0x1], $0x2000, $0x38;
	[tilespmem:$0x19C80] =	vst v63  }
0x12c: {  	_ =	swait.ge [sflag:s28], $0x2000  }
0x12d: {  	[sflag:s28] =	ssyncset.done $0x0  }
0x12e: {  	[sflag:s28] =	ssyncadd.s32 $0xFFFFE000  }
0x12f: {  	_ =	swait.ge [sflag:s28], $0x2000  }
0x130: {  	[sflag:s28] =	ssyncset.done $0x0  }
0x131: {  	[sflag:s28] =	ssyncadd.s32 $0xFFFFE000  }
0x132: {  	[tilespmem:s26], [sflag:$0x2] =	stream.linear.gather [spmem:s13], $0x2000, $0x38;
	[tilespmem:$0x19C80] =	vst v63  }
0x133: {  	_ =	swait.ge [sflag:s29], $0x2000  }
0x134: {  	[sflag:s29] =	ssyncset.done $0x0  }
0x135: {  	s22 =	rddreg [dreg:$0xc];
	[sflag:s29] =	ssyncadd.s32 $0xFFFFE000  }
0x136: {  	[hbm4b:s22+s3] =	stream.linear.scatter [tilespmem:s26], [sflag:$0x1], $0x2000, $0x38;
	[tilespmem:$0x19C80] =	vst v63  }
0x137: {  	_ = 	snop  }
0x138: {  	[tilespmem:s31], [sflag:$0x2] =	stream.linear.gather [spmem:s14], $0x2000, $0x38;
	[tilespmem:$0x19C80] =	vst v63  }
0x139: {  	_ =	swait.ge [sflag:s29], $0x2000  }
0x13a: {  	[sflag:s29] =	ssyncset.done $0x0  }
0x13b: {  	[sflag:s29] =	ssyncadd.s32 $0xFFFFE000  }
0x13c: {  	[hbm4b:s24+s3] =	stream.linear.scatter [tilespmem:s31], [sflag:$0x1], $0x2000, $0x38;
	[tilespmem:$0x19C80] =	vst v63  }
0x13d: {  	_ =	swait.ge [sflag:s28], $0x2000  }
0x13e: {  	[sflag:s28] =	ssyncset.done $0x0  }
0x13f: {  	[sflag:s28] =	ssyncadd.s32 $0xFFFFE000  }
0x140: {  	_ =	swait.ge [sflag:s28], $0x2000  }
0x141: {  	s19 =	sadd.s32 $0x1, s19;
	s23 =	rddreg [dreg:$0x3]  }
0x142: {  	p0 =	sne.s32 s19, s23  }
.Ltmp3:
0x143: {  	_ = 	snop;
	(pc) =	sbr.rel @p0 .LBB2_1-.Ltmp3, $3  }
0x144: {  	_ =	sdelay $0x1  }
0x145: {  	[sflag:s28] =	ssyncset.done $0x0  }
0x146: {  	[sflag:s28] =	ssyncadd.s32 $0xFFFFE000  }
0x147: {  	_ =	sfence.sel $0x180000  }
0x148: {  	[bflag:$0x0] =	sbarrier.arrive $0xFFFF  }
0x149: {  	_ =	strace $0x90000047  }
0x14a: {  	s0 =	stileid.u32;
	[bflag:$0x2] =	sbarrier.arrive $0xFFFF  }
0x14b: {  	p0 =	sne.s32 s0, $0x0;
	s0 =	rddreg [dreg:$0x2]  }
0x14c: {  	s0 =	sadd.s32 @!p0 $0x100000, s0  }
0x14d: {  	[sflag:s0] =	ssyncadd.tile.s32 @!p0 $0x1;
	_ =	shalt  }
.Lfunc_end2:
_tile_overlayer_lowered:
.L_overlay_start_2:
0x14e: {  	(tag) =	ssettag $0x2  }
0x14f: {  	s0 =	rddreg [dreg:$0x0];
	s2 =	stileid.u32  }
0x150: {  	s1 =	rddreg [dreg:$0x1];
	p0 =	sne.s32 s2, $0x0  }
0x151: {  	s3 =	rddreg [dreg:$0x2];
	[bflag:$0x3] =	sbarrier.arrive $0xFFFF;
	s2 =	simm.s32 @!p0 $0x1C02  }
0x152: {  	[timem:s3], [sflag:s2] =	dma.local @!p0 [hbm:s0], s1  }
0x153: {  	s0 =	simm.s32 @!p0 $0x2  }
0x154: {  	_ =	swait.ge @!p0 [sflag:s0], s1  }
0x155: {  	s1 =	ssub.s32 @!p0 $0x0, s1;
	[sflag:s0] =	ssyncset.done @!p0 $0x0  }
0x156: {  	[sflag:s0] =	ssyncadd.s32 @!p0 s1  }
0x157: {  	[bflag:$0x3] =	sbarrier.arrive $0xFFFF  }
0x158: {  	_ =	shalt  }

</sc_bundles>
